<compile_context>
chip_gen: v7x
topology: tpu7x:2x2x1
jax: 0.10.2.dev20260603
libtpu: 0.0.44.dev20260713+nightly
codegen_flags: <defaults>
</compile_context>

<pallas_src>
import functools

import jax
import jax.numpy as jnp
from jax import lax
from jax.experimental import pallas as pl
from jax.experimental.pallas import tpu as pltpu
from jax.experimental.pallas import tpu_sc as plsc

_N = 4194304
_BINS = 512
_NC = 2
_NS = 16
_NW = _NC * _NS
_PER_W = _N // _NW
_CHUNK = 8192
_NBUF = 3
_NCHUNK = _PER_W // _CHUNK
_VECS = _CHUNK // 16
_LANES = 16
_NHIST = 2

_mesh = plsc.VectorSubcoreMesh(core_axis_name="c", subcore_axis_name="s")


@functools.partial(
    pl.kernel,
    out_type=jax.ShapeDtypeStruct((_NW, _BINS), jnp.float32),
    mesh=_mesh,
    compiler_params=pltpu.CompilerParams(needs_layout_passes=False,
                                         use_tc_tiling_on_sc=False),
    scratch_types=[
        pltpu.VMEM((_NBUF, _CHUNK), jnp.float32),
        pltpu.VMEM((_NBUF, _CHUNK), jnp.float32),
        pltpu.VMEM((_NBUF, _CHUNK), jnp.float32),
        pltpu.VMEM((_NBUF, _CHUNK), jnp.int32),
        pltpu.VMEM((_BINS * _LANES,), jnp.float32),
        pltpu.VMEM((_BINS * _LANES,), jnp.float32),
        pltpu.VMEM((_BINS,), jnp.float32),
        pltpu.SemaphoreType.DMA,
        pltpu.SemaphoreType.DMA,
        pltpu.SemaphoreType.DMA,
    ],
)
def _sc_hist(in_hbm, tg_hbm, wt_hbm, dt_hbm, out_hbm,
             ibuf, tbuf, wbuf, dbuf, hist0, hist1, pibuf,
             sem0, sem1, sem2):
    hists = (hist0, hist1)
    wid = lax.axis_index("s") * _NC + lax.axis_index("c")
    base = wid * _PER_W
    sems = (sem0, sem1, sem2)

    zero16 = jnp.zeros((16,), jnp.float32)

    _hwords = _LANES * _BINS // 16

    @plsc.parallel_loop(0, _hwords)
    def _zero(j):
        c = j * 16
        for h in hists:
            h[pl.ds(c, 16)] = zero16

    lane = lax.broadcasted_iota(jnp.int32, (16,), 0)

    def issue(k, slot):
        off = base + k * _CHUNK
        sem = sems[slot]
        return [
            pltpu.async_copy(in_hbm.at[pl.ds(off, _CHUNK)], ibuf.at[slot], sem),
            pltpu.async_copy(tg_hbm.at[pl.ds(off, _CHUNK)], tbuf.at[slot], sem),
            pltpu.async_copy(wt_hbm.at[pl.ds(off, _CHUNK)], wbuf.at[slot], sem),
            pltpu.async_copy(dt_hbm.at[pl.ds(off, _CHUNK)], dbuf.at[slot], sem),
        ]

    def compute(slot):
        @plsc.parallel_loop(0, _VECS // _NHIST, unroll=4)
        def _body(j):
            base_off = j * (16 * _NHIST)
            for u in range(_NHIST):
                off = base_off + u * 16
                iv = ibuf[slot, pl.ds(off, 16)]
                tv = tbuf[slot, pl.ds(off, 16)]
                wv = wbuf[slot, pl.ds(off, 16)]
                dv = dbuf[slot, pl.ds(off, 16)]
                plsc.addupdate_scatter(hists[u], [dv * _LANES + lane],
                                       iv * tv * wv)

    inflight = [issue(k, k) for k in range(_NBUF - 1)]
    for k in range(_NCHUNK):
        slot = k % _NBUF
        for c in inflight.pop(0):
            c.wait()
        if k + _NBUF - 1 < _NCHUNK:
            inflight.append(issue(k + _NBUF - 1, (k + _NBUF - 1) % _NBUF))
        compute(slot)

    @plsc.parallel_loop(0, _BINS // 16)
    def _reduce(g):
        acc = zero16
        for k in range(16):
            off = (g * 16 + k) * _LANES
            v = hist0[pl.ds(off, 16)] + hist1[pl.ds(off, 16)]
            acc = jnp.where(lane == k, jnp.sum(v), acc)
        pibuf[pl.ds(g * 16, 16)] = acc

    pltpu.sync_copy(pibuf, out_hbm.at[wid])


def _tc_reduce_body(p_ref, o_ref):
    x = p_ref[...]
    pi = jnp.sum(x, axis=0, keepdims=True)
    s = jnp.sum(pi)
    ss = jnp.sum(pi * pi)
    o_ref[0, 0] = -(s * s) / ss


_tc_reduce = pl.pallas_call(
    _tc_reduce_body,
    out_shape=jax.ShapeDtypeStruct((1, 1), jnp.float32),
    out_specs=pl.BlockSpec(memory_space=pltpu.SMEM),
)


def kernel(inputs, targets, weight, date, scaling):
    partials = _sc_hist(inputs.reshape(-1), targets.reshape(-1),
                        weight.reshape(-1), date)
    return _tc_reduce(partials)[0, 0]

# --- scband reference (transcript-rebuilt; emitter-appended) ---
"""Pipeline reference for scband-utility-loss-88613765251143 (READ-ONLY COPY).

The authoritative reference and input builder live on the scoring server;
editing this copy changes nothing except your own understanding.
"""

import jax, jax.numpy as jnp
import numpy as np

N = 4194304
NUM_DATES = 500

def setup_inputs(seed: int = 0) -> dict:
    key = jax.random.key(seed)
    k1, k2, k3, k4 = jax.random.split(key, 4)
    inputs = jax.random.uniform(k1, (N,), dtype=jnp.float32)
    targets = jax.random.normal(k2, (N,), dtype=jnp.float32)
    weight = jax.random.uniform(k3, (N,), dtype=jnp.float32)
    date = jnp.sort(jax.random.randint(k4, (N,), 0, NUM_DATES, dtype=jnp.int32))
    return {"inputs": inputs, "targets": targets, "weight": weight, "date": date, "scaling": 10}

def reference(inputs, targets, weight, date, scaling):
    inputs = inputs.reshape(-1)
    targets = targets.reshape(-1)
    # torch.bincount(date, weights) == scatter-add of weights into date bins
    vals = weight * targets * inputs
    Pi = jnp.zeros((NUM_DATES,), dtype=jnp.float32).at[date].add(vals)
    u = jnp.square(Pi.sum()) / jnp.square(Pi).sum()
    return -u

if __name__ == "__main__":
    import jax
    _d = setup_inputs()
    print(jax.jit(kernel)(*tuple(_d.values())))

</pallas_src>

<mosaic_0001>
#map = affine_map<(d0, d1) -> (0)>
#map1 = affine_map<(d0, d1) -> (0, 0)>
module attributes {stable_mosaic.version = 14 : i64} {
  func.func @_sc_hist(%arg0: i32, %arg1: i32, %arg2: memref<4194304xf32, #tpu.memory_space<hbm>>, %arg3: memref<4194304xf32, #tpu.memory_space<hbm>>, %arg4: memref<4194304xf32, #tpu.memory_space<hbm>>, %arg5: memref<4194304xi32, #tpu.memory_space<hbm>>, %arg6: memref<32x512xf32, #tpu.memory_space<hbm>>, %arg7: memref<3x8192xf32, #tpu.memory_space<vmem>>, %arg8: memref<3x8192xf32, #tpu.memory_space<vmem>>, %arg9: memref<3x8192xf32, #tpu.memory_space<vmem>>, %arg10: memref<3x8192xi32, #tpu.memory_space<vmem>>, %arg11: memref<8192xf32, #tpu.memory_space<vmem>>, %arg12: memref<8192xf32, #tpu.memory_space<vmem>>, %arg13: memref<512xf32, #tpu.memory_space<vmem>>, %arg14: memref<!tpu.dma_semaphore, #tpu.memory_space<semaphore_mem>>, %arg15: memref<!tpu.dma_semaphore, #tpu.memory_space<semaphore_mem>>, %arg16: memref<!tpu.dma_semaphore, #tpu.memory_space<semaphore_mem>>) attributes {dimension_semantics = [#tpu.dimension_semantics<core_parallel>, #tpu.dimension_semantics<subcore_parallel>], iteration_bounds = array<i64: 2, 16>, scalar_prefetch = 0 : i64, scratch_operands = 10 : i64, tpu.core_type = #tpu.core_type<sc_vector_subcore>, window_params = [{transform_indices = #map}, {transform_indices = #map}, {transform_indices = #map}, {transform_indices = #map}, {transform_indices = #map1}]} {
    %mul3A = arith.constant 2 : i32
    %mul3A_0 = arith.muli %arg1, %mul3A : i32
    %add3A = arith.addi %mul3A_0, %arg0 : i32
    %mul3A_1 = arith.constant 131072 : i32
    %mul3A_2 = arith.muli %add3A, %mul3A_1 : i32
    %broadcast_in_dim3A = arith.constant 0.000000e+00 : f32
    %broadcast_in_dim3A_3 = vector.broadcast %broadcast_in_dim3A : f32 to vector<16xf32>
    %parallel_loop3A = arith.constant 0 : i32
    %parallel_loop3A_4 = arith.constant 512 : i32
    %parallel_loop3A_5 = arith.constant 1 : i32
    scf.for %parallel_loop3A_1239 = %parallel_loop3A to %parallel_loop3A_4 step %parallel_loop3A_5  : i32 {
      %parallel_loop3A_1240 = arith.constant 16 : i32
      %parallel_loop3A_1241 = arith.muli %parallel_loop3A_1239, %parallel_loop3A_1240 : i32
      %parallel_loop3A_1242 = arith.index_cast %parallel_loop3A_1241 : i32 to index
      %parallel_loop3A_1243 = tpu.vector_load %arg11[%parallel_loop3A_1242] {strides = array<i32>} : memref<8192xf32, #tpu.memory_space<vmem>>, vector<16xf32>,
      tpu.vector_store %arg11[%parallel_loop3A_1242], %broadcast_in_dim3A_3 {strides = array<i32>} : memref<8192xf32, #tpu.memory_space<vmem>>, vector<16xf32>,
      %parallel_loop3A_1244 = arith.index_cast %parallel_loop3A_1241 : i32 to index
      %parallel_loop3A_1245 = tpu.vector_load %arg12[%parallel_loop3A_1244] {strides = array<i32>} : memref<8192xf32, #tpu.memory_space<vmem>>, vector<16xf32>,
      tpu.vector_store %arg12[%parallel_loop3A_1244], %broadcast_in_dim3A_3 {strides = array<i32>} : memref<8192xf32, #tpu.memory_space<vmem>>, vector<16xf32>,
    } {sc.loop_unroll_factor = 1 : i64, sc.parallel_access}
    %iota3A = tpu.iota {dimensions = array<i32: 0>} : vector<16xi32>
    %add3A_6 = arith.constant 0 : i32
    %add3A_7 = arith.addi %mul3A_2, %add3A_6 : i32
    %dma_start3A = arith.constant 0 : i32
    %dma_start3A_8 = arith.constant 0 : i32
    %dma_start3A_9 = tpu.memref_slice %arg7[%dma_start3A, %dma_start3A_8] : memref<3x8192xf32, #tpu.memory_space<vmem>> -> memref<1x8192xf32, #tpu.memory_space<vmem>>
    %dma_start3A_10 = tpu.memref_squeeze %dma_start3A_9 : memref<1x8192xf32, #tpu.memory_space<vmem>> -> memref<8192xf32, #tpu.memory_space<vmem>>
    %dma_start3A_11 = tpu.memref_slice %arg2[%add3A_7] : memref<4194304xf32, #tpu.memory_space<hbm>> -> memref<8192xf32, #tpu.memory_space<hbm>>
    %dma_start3A_12 = arith.constant 0 : i32
    %dma_start3A_13 = tpu.memref_slice %arg7[%dma_start3A, %dma_start3A_12] : memref<3x8192xf32, #tpu.memory_space<vmem>> -> memref<1x8192xf32, #tpu.memory_space<vmem>>
    %dma_start3A_14 = tpu.memref_squeeze %dma_start3A_13 : memref<1x8192xf32, #tpu.memory_space<vmem>> -> memref<8192xf32, #tpu.memory_space<vmem>>
    %dma_start3A_15 = tpu.memref_slice %arg2[%add3A_7] : memref<4194304xf32, #tpu.memory_space<hbm>> -> memref<8192xf32, #tpu.memory_space<hbm>>
    tpu.enqueue_dma source(%dma_start3A_15 : memref<8192xf32, #tpu.memory_space<hbm>>) target(%dma_start3A_14 : memref<8192xf32, #tpu.memory_space<vmem>>) target_semaphore(%arg14 : memref<!tpu.dma_semaphore, #tpu.memory_space<semaphore_mem>>)
    %dma_start3A_16 = arith.constant 0 : i32
    %dma_start3A_17 = arith.constant 0 : i32
    %dma_start3A_18 = tpu.memref_slice %arg8[%dma_start3A_16, %dma_start3A_17] : memref<3x8192xf32, #tpu.memory_space<vmem>> -> memref<1x8192xf32, #tpu.memory_space<vmem>>
    %dma_start3A_19 = tpu.memref_squeeze %dma_start3A_18 : memref<1x8192xf32, #tpu.memory_space<vmem>> -> memref<8192xf32, #tpu.memory_space<vmem>>
    %dma_start3A_20 = tpu.memref_slice %arg3[%add3A_7] : memref<4194304xf32, #tpu.memory_space<hbm>> -> memref<8192xf32, #tpu.memory_space<hbm>>
    %dma_start3A_21 = arith.constant 0 : i32
    %dma_start3A_22 = tpu.memref_slice %arg8[%dma_start3A_16, %dma_start3A_21] : memref<3x8192xf32, #tpu.memory_space<vmem>> -> memref<1x8192xf32, #tpu.memory_space<vmem>>
    %dma_start3A_23 = tpu.memref_squeeze %dma_start3A_22 : memref<1x8192xf32, #tpu.memory_space<vmem>> -> memref<8192xf32, #tpu.memory_space<vmem>>
    %dma_start3A_24 = tpu.memref_slice %arg3[%add3A_7] : memref<4194304xf32, #tpu.memory_space<hbm>> -> memref<8192xf32, #tpu.memory_space<hbm>>
    tpu.enqueue_dma source(%dma_start3A_24 : memref<8192xf32, #tpu.memory_space<hbm>>) target(%dma_start3A_23 : memref<8192xf32, #tpu.memory_space<vmem>>) target_semaphore(%arg14 : memref<!tpu.dma_semaphore, #tpu.memory_space<semaphore_mem>>)
    %dma_start3A_25 = arith.constant 0 : i32
    %dma_start3A_26 = arith.constant 0 : i32
    %dma_start3A_27 = tpu.memref_slice %arg9[%dma_start3A_25, %dma_start3A_26] : memref<3x8192xf32, #tpu.memory_space<vmem>> -> memref<1x8192xf32, #tpu.memory_space<vmem>>
    %dma_start3A_28 = tpu.memref_squeeze %dma_start3A_27 : memref<1x8192xf32, #tpu.memory_space<vmem>> -> memref<8192xf32, #tpu.memory_space<vmem>>
    %dma_start3A_29 = tpu.memref_slice %arg4[%add3A_7] : memref<4194304xf32, #tpu.memory_space<hbm>> -> memref<8192xf32, #tpu.memory_space<hbm>>
    %dma_start3A_30 = arith.constant 0 : i32
    %dma_start3A_31 = tpu.memref_slice %arg9[%dma_start3A_25, %dma_start3A_30] : memref<3x8192xf32, #tpu.memory_space<vmem>> -> memref<1x8192xf32, #tpu.memory_space<vmem>>
    %dma_start3A_32 = tpu.memref_squeeze %dma_start3A_31 : memref<1x8192xf32, #tpu.memory_space<vmem>> -> memref<8192xf32, #tpu.memory_space<vmem>>
    %dma_start3A_33 = tpu.memref_slice %arg4[%add3A_7] : memref<4194304xf32, #tpu.memory_space<hbm>> -> memref<8192xf32, #tpu.memory_space<hbm>>
    tpu.enqueue_dma source(%dma_start3A_33 : memref<8192xf32, #tpu.memory_space<hbm>>) target(%dma_start3A_32 : memref<8192xf32, #tpu.memory_space<vmem>>) target_semaphore(%arg14 : memref<!tpu.dma_semaphore, #tpu.memory_space<semaphore_mem>>)
    %dma_start3A_34 = arith.constant 0 : i32
    %dma_start3A_35 = arith.constant 0 : i32
    %dma_start3A_36 = tpu.memref_slice %arg10[%dma_start3A_34, %dma_start3A_35] : memref<3x8192xi32, #tpu.memory_space<vmem>> -> memref<1x8192xi32, #tpu.memory_space<vmem>>
    %dma_start3A_37 = tpu.memref_squeeze %dma_start3A_36 : memref<1x8192xi32, #tpu.memory_space<vmem>> -> memref<8192xi32, #tpu.memory_space<vmem>>
    %dma_start3A_38 = tpu.memref_slice %arg5[%add3A_7] : memref<4194304xi32, #tpu.memory_space<hbm>> -> memref<8192xi32, #tpu.memory_space<hbm>>
    %dma_start3A_39 = arith.constant 0 : i32
    %dma_start3A_40 = tpu.memref_slice %arg10[%dma_start3A_34, %dma_start3A_39] : memref<3x8192xi32, #tpu.memory_space<vmem>> -> memref<1x8192xi32, #tpu.memory_space<vmem>>
    %dma_start3A_41 = tpu.memref_squeeze %dma_start3A_40 : memref<1x8192xi32, #tpu.memory_space<vmem>> -> memref<8192xi32, #tpu.memory_space<vmem>>
    %dma_start3A_42 = tpu.memref_slice %arg5[%add3A_7] : memref<4194304xi32, #tpu.memory_space<hbm>> -> memref<8192xi32, #tpu.memory_space<hbm>>
    tpu.enqueue_dma source(%dma_start3A_42 : memref<8192xi32, #tpu.memory_space<hbm>>) target(%dma_start3A_41 : memref<8192xi32, #tpu.memory_space<vmem>>) target_semaphore(%arg14 : memref<!tpu.dma_semaphore, #tpu.memory_space<semaphore_mem>>)
    %add3A_43 = arith.constant 8192 : i32
    %add3A_44 = arith.addi %mul3A_2, %add3A_43 : i32
    %dma_start3A_45 = arith.constant 1 : i32
    %dma_start3A_46 = arith.constant 0 : i32
    %dma_start3A_47 = tpu.memref_slice %arg7[%dma_start3A_45, %dma_start3A_46] : memref<3x8192xf32, #tpu.memory_space<vmem>> -> memref<1x8192xf32, #tpu.memory_space<vmem>>
    %dma_start3A_48 = tpu.memref_squeeze %dma_start3A_47 : memref<1x8192xf32, #tpu.memory_space<vmem>> -> memref<8192xf32, #tpu.memory_space<vmem>>
    %dma_start3A_49 = tpu.memref_slice %arg2[%add3A_44] : memref<4194304xf32, #tpu.memory_space<hbm>> -> memref<8192xf32, #tpu.memory_space<hbm>>
    %dma_start3A_50 = arith.constant 0 : i32
    %dma_start3A_51 = tpu.memref_slice %arg7[%dma_start3A_45, %dma_start3A_50] : memref<3x8192xf32, #tpu.memory_space<vmem>> -> memref<1x8192xf32, #tpu.memory_space<vmem>>
    %dma_start3A_52 = tpu.memref_squeeze %dma_start3A_51 : memref<1x8192xf32, #tpu.memory_space<vmem>> -> memref<8192xf32, #tpu.memory_space<vmem>>
    %dma_start3A_53 = tpu.memref_slice %arg2[%add3A_44] : memref<4194304xf32, #tpu.memory_space<hbm>> -> memref<8192xf32, #tpu.memory_space<hbm>>
    tpu.enqueue_dma source(%dma_start3A_53 : memref<8192xf32, #tpu.memory_space<hbm>>) target(%dma_start3A_52 : memref<8192xf32, #tpu.memory_space<vmem>>) target_semaphore(%arg15 : memref<!tpu.dma_semaphore, #tpu.memory_space<semaphore_mem>>)
    %dma_start3A_54 = arith.constant 1 : i32
    %dma_start3A_55 = arith.constant 0 : i32
    %dma_start3A_56 = tpu.memref_slice %arg8[%dma_start3A_54, %dma_start3A_55] : memref<3x8192xf32, #tpu.memory_space<vmem>> -> memref<1x8192xf32, #tpu.memory_space<vmem>>
    %dma_start3A_57 = tpu.memref_squeeze %dma_start3A_56 : memref<1x8192xf32, #tpu.memory_space<vmem>> -> memref<8192xf32, #tpu.memory_space<vmem>>
    %dma_start3A_58 = tpu.memref_slice %arg3[%add3A_44] : memref<4194304xf32, #tpu.memory_space<hbm>> -> memref<8192xf32, #tpu.memory_space<hbm>>
    %dma_start3A_59 = arith.constant 0 : i32
    %dma_start3A_60 = tpu.memref_slice %arg8[%dma_start3A_54, %dma_start3A_59] : memref<3x8192xf32, #tpu.memory_space<vmem>> -> memref<1x8192xf32, #tpu.memory_space<vmem>>
    %dma_start3A_61 = tpu.memref_squeeze %dma_start3A_60 : memref<1x8192xf32, #tpu.memory_space<vmem>> -> memref<8192xf32, #tpu.memory_space<vmem>>
    %dma_start3A_62 = tpu.memref_slice %arg3[%add3A_44] : memref<4194304xf32, #tpu.memory_space<hbm>> -> memref<8192xf32, #tpu.memory_space<hbm>>
    tpu.enqueue_dma source(%dma_start3A_62 : memref<8192xf32, #tpu.memory_space<hbm>>) target(%dma_start3A_61 : memref<8192xf32, #tpu.memory_space<vmem>>) target_semaphore(%arg15 : memref<!tpu.dma_semaphore, #tpu.memory_space<semaphore_mem>>)
    %dma_start3A_63 = arith.constant 1 : i32
    %dma_start3A_64 = arith.constant 0 : i32
    %dma_start3A_65 = tpu.memref_slice %arg9[%dma_start3A_63, %dma_start3A_64] : memref<3x8192xf32, #tpu.memory_space<vmem>> -> memref<1x8192xf32, #tpu.memory_space<vmem>>
    %dma_start3A_66 = tpu.memref_squeeze %dma_start3A_65 : memref<1x8192xf32, #tpu.memory_space<vmem>> -> memref<8192xf32, #tpu.memory_space<vmem>>
    %dma_start3A_67 = tpu.memref_slice %arg4[%add3A_44] : memref<4194304xf32, #tpu.memory_space<hbm>> -> memref<8192xf32, #tpu.memory_space<hbm>>
    %dma_start3A_68 = arith.constant 0 : i32
    %dma_start3A_69 = tpu.memref_slice %arg9[%dma_start3A_63, %dma_start3A_68] : memref<3x8192xf32, #tpu.memory_space<vmem>> -> memref<1x8192xf32, #tpu.memory_space<vmem>>
    %dma_start3A_70 = tpu.memref_squeeze %dma_start3A_69 : memref<1x8192xf32, #tpu.memory_space<vmem>> -> memref<8192xf32, #tpu.memory_space<vmem>>
    %dma_start3A_71 = tpu.memref_slice %arg4[%add3A_44] : memref<4194304xf32, #tpu.memory_space<hbm>> -> memref<8192xf32, #tpu.memory_space<hbm>>
    tpu.enqueue_dma source(%dma_start3A_71 : memref<8192xf32, #tpu.memory_space<hbm>>) target(%dma_start3A_70 : memref<8192xf32, #tpu.memory_space<vmem>>) target_semaphore(%arg15 : memref<!tpu.dma_semaphore, #tpu.memory_space<semaphore_mem>>)
    %dma_start3A_72 = arith.constant 1 : i32
    %dma_start3A_73 = arith.constant 0 : i32
    %dma_start3A_74 = tpu.memref_slice %arg10[%dma_start3A_72, %dma_start3A_73] : memref<3x8192xi32, #tpu.memory_space<vmem>> -> memref<1x8192xi32, #tpu.memory_space<vmem>>
    %dma_start3A_75 = tpu.memref_squeeze %dma_start3A_74 : memref<1x8192xi32, #tpu.memory_space<vmem>> -> memref<8192xi32, #tpu.memory_space<vmem>>
    %dma_start3A_76 = tpu.memref_slice %arg5[%add3A_44] : memref<4194304xi32, #tpu.memory_space<hbm>> -> memref<8192xi32, #tpu.memory_space<hbm>>
    %dma_start3A_77 = arith.constant 0 : i32
    %dma_start3A_78 = tpu.memref_slice %arg10[%dma_start3A_72, %dma_start3A_77] : memref<3x8192xi32, #tpu.memory_space<vmem>> -> memref<1x8192xi32, #tpu.memory_space<vmem>>
    %dma_start3A_79 = tpu.memref_squeeze %dma_start3A_78 : memref<1x8192xi32, #tpu.memory_space<vmem>> -> memref<8192xi32, #tpu.memory_space<vmem>>
    %dma_start3A_80 = tpu.memref_slice %arg5[%add3A_44] : memref<4194304xi32, #tpu.memory_space<hbm>> -> memref<8192xi32, #tpu.memory_space<hbm>>
    tpu.enqueue_dma source(%dma_start3A_80 : memref<8192xi32, #tpu.memory_space<hbm>>) target(%dma_start3A_79 : memref<8192xi32, #tpu.memory_space<vmem>>) target_semaphore(%arg15 : memref<!tpu.dma_semaphore, #tpu.memory_space<semaphore_mem>>)
    %dma_wait3A = arith.constant 0 : i32
    %dma_wait3A_81 = arith.constant 0 : i32
    %dma_wait3A_82 = tpu.memref_slice %arg7[%dma_wait3A, %dma_wait3A_81] : memref<3x8192xf32, #tpu.memory_space<vmem>> -> memref<1x8192xf32, #tpu.memory_space<vmem>>
    %dma_wait3A_83 = tpu.memref_squeeze %dma_wait3A_82 : memref<1x8192xf32, #tpu.memory_space<vmem>> -> memref<8192xf32, #tpu.memory_space<vmem>>
    %dma_wait3A_84 = tpu.memref_slice %arg2[%add3A_7] : memref<4194304xf32, #tpu.memory_space<hbm>> -> memref<8192xf32, #tpu.memory_space<hbm>>
    %dma_wait3A_85 = arith.constant 0 : i32
    %dma_wait3A_86 = tpu.memref_slice %arg7[%dma_wait3A, %dma_wait3A_85] : memref<3x8192xf32, #tpu.memory_space<vmem>> -> memref<1x8192xf32, #tpu.memory_space<vmem>>
    %dma_wait3A_87 = tpu.memref_squeeze %dma_wait3A_86 : memref<1x8192xf32, #tpu.memory_space<vmem>> -> memref<8192xf32, #tpu.memory_space<vmem>>
    %dma_wait3A_88 = tpu.memref_slice %arg2[%add3A_7] : memref<4194304xf32, #tpu.memory_space<hbm>> -> memref<8192xf32, #tpu.memory_space<hbm>>
    tpu.wait_dma2 semaphore(%arg14 : memref<!tpu.dma_semaphore, #tpu.memory_space<semaphore_mem>>) src(%dma_wait3A_88 : memref<8192xf32, #tpu.memory_space<hbm>>) dst(%dma_wait3A_87 : memref<8192xf32, #tpu.memory_space<vmem>>)
    %dma_wait3A_89 = arith.constant 0 : i32
    %dma_wait3A_90 = arith.constant 0 : i32
    %dma_wait3A_91 = tpu.memref_slice %arg8[%dma_wait3A_89, %dma_wait3A_90] : memref<3x8192xf32, #tpu.memory_space<vmem>> -> memref<1x8192xf32, #tpu.memory_space<vmem>>
    %dma_wait3A_92 = tpu.memref_squeeze %dma_wait3A_91 : memref<1x8192xf32, #tpu.memory_space<vmem>> -> memref<8192xf32, #tpu.memory_space<vmem>>
    %dma_wait3A_93 = tpu.memref_slice %arg3[%add3A_7] : memref<4194304xf32, #tpu.memory_space<hbm>> -> memref<8192xf32, #tpu.memory_space<hbm>>
    %dma_wait3A_94 = arith.constant 0 : i32
    %dma_wait3A_95 = tpu.memref_slice %arg8[%dma_wait3A_89, %dma_wait3A_94] : memref<3x8192xf32, #tpu.memory_space<vmem>> -> memref<1x8192xf32, #tpu.memory_space<vmem>>
    %dma_wait3A_96 = tpu.memref_squeeze %dma_wait3A_95 : memref<1x8192xf32, #tpu.memory_space<vmem>> -> memref<8192xf32, #tpu.memory_space<vmem>>
    %dma_wait3A_97 = tpu.memref_slice %arg3[%add3A_7] : memref<4194304xf32, #tpu.memory_space<hbm>> -> memref<8192xf32, #tpu.memory_space<hbm>>
    tpu.wait_dma2 semaphore(%arg14 : memref<!tpu.dma_semaphore, #tpu.memory_space<semaphore_mem>>) src(%dma_wait3A_97 : memref<8192xf32, #tpu.memory_space<hbm>>) dst(%dma_wait3A_96 : memref<8192xf32, #tpu.memory_space<vmem>>)
    %dma_wait3A_98 = arith.constant 0 : i32
    %dma_wait3A_99 = arith.constant 0 : i32
    %dma_wait3A_100 = tpu.memref_slice %arg9[%dma_wait3A_98, %dma_wait3A_99] : memref<3x8192xf32, #tpu.memory_space<vmem>> -> memref<1x8192xf32, #tpu.memory_space<vmem>>
    %dma_wait3A_101 = tpu.memref_squeeze %dma_wait3A_100 : memref<1x8192xf32, #tpu.memory_space<vmem>> -> memref<8192xf32, #tpu.memory_space<vmem>>
    %dma_wait3A_102 = tpu.memref_slice %arg4[%add3A_7] : memref<4194304xf32, #tpu.memory_space<hbm>> -> memref<8192xf32, #tpu.memory_space<hbm>>
    %dma_wait3A_103 = arith.constant 0 : i32
    %dma_wait3A_104 = tpu.memref_slice %arg9[%dma_wait3A_98, %dma_wait3A_103] : memref<3x8192xf32, #tpu.memory_space<vmem>> -> memref<1x8192xf32, #tpu.memory_space<vmem>>
    %dma_wait3A_105 = tpu.memref_squeeze %dma_wait3A_104 : memref<1x8192xf32, #tpu.memory_space<vmem>> -> memref<8192xf32, #tpu.memory_space<vmem>>
    %dma_wait3A_106 = tpu.memref_slice %arg4[%add3A_7] : memref<4194304xf32, #tpu.memory_space<hbm>> -> memref<8192xf32, #tpu.memory_space<hbm>>
    tpu.wait_dma2 semaphore(%arg14 : memref<!tpu.dma_semaphore, #tpu.memory_space<semaphore_mem>>) src(%dma_wait3A_106 : memref<8192xf32, #tpu.memory_space<hbm>>) dst(%dma_wait3A_105 : memref<8192xf32, #tpu.memory_space<vmem>>)
    %dma_wait3A_107 = arith.constant 0 : i32
    %dma_wait3A_108 = arith.constant 0 : i32
    %dma_wait3A_109 = tpu.memref_slice %arg10[%dma_wait3A_107, %dma_wait3A_108] : memref<3x8192xi32, #tpu.memory_space<vmem>> -> memref<1x8192xi32, #tpu.memory_space<vmem>>
    %dma_wait3A_110 = tpu.memref_squeeze %dma_wait3A_109 : memref<1x8192xi32, #tpu.memory_space<vmem>> -> memref<8192xi32, #tpu.memory_space<vmem>>
    %dma_wait3A_111 = tpu.memref_slice %arg5[%add3A_7] : memref<4194304xi32, #tpu.memory_space<hbm>> -> memref<8192xi32, #tpu.memory_space<hbm>>
    %dma_wait3A_112 = arith.constant 0 : i32
    %dma_wait3A_113 = tpu.memref_slice %arg10[%dma_wait3A_107, %dma_wait3A_112] : memref<3x8192xi32, #tpu.memory_space<vmem>> -> memref<1x8192xi32, #tpu.memory_space<vmem>>
    %dma_wait3A_114 = tpu.memref_squeeze %dma_wait3A_113 : memref<1x8192xi32, #tpu.memory_space<vmem>> -> memref<8192xi32, #tpu.memory_space<vmem>>
    %dma_wait3A_115 = tpu.memref_slice %arg5[%add3A_7] : memref<4194304xi32, #tpu.memory_space<hbm>> -> memref<8192xi32, #tpu.memory_space<hbm>>
    tpu.wait_dma2 semaphore(%arg14 : memref<!tpu.dma_semaphore, #tpu.memory_space<semaphore_mem>>) src(%dma_wait3A_115 : memref<8192xi32, #tpu.memory_space<hbm>>) dst(%dma_wait3A_114 : memref<8192xi32, #tpu.memory_space<vmem>>)
    %add3A_116 = arith.constant 16384 : i32
    %add3A_117 = arith.addi %mul3A_2, %add3A_116 : i32
    %dma_start3A_118 = arith.constant 2 : i32
    %dma_start3A_119 = arith.constant 0 : i32
    %dma_start3A_120 = tpu.memref_slice %arg7[%dma_start3A_118, %dma_start3A_119] : memref<3x8192xf32, #tpu.memory_space<vmem>> -> memref<1x8192xf32, #tpu.memory_space<vmem>>
    %dma_start3A_121 = tpu.memref_squeeze %dma_start3A_120 : memref<1x8192xf32, #tpu.memory_space<vmem>> -> memref<8192xf32, #tpu.memory_space<vmem>>
    %dma_start3A_122 = tpu.memref_slice %arg2[%add3A_117] : memref<4194304xf32, #tpu.memory_space<hbm>> -> memref<8192xf32, #tpu.memory_space<hbm>>
    %dma_start3A_123 = arith.constant 0 : i32
    %dma_start3A_124 = tpu.memref_slice %arg7[%dma_start3A_118, %dma_start3A_123] : memref<3x8192xf32, #tpu.memory_space<vmem>> -> memref<1x8192xf32, #tpu.memory_space<vmem>>
    %dma_start3A_125 = tpu.memref_squeeze %dma_start3A_124 : memref<1x8192xf32, #tpu.memory_space<vmem>> -> memref<8192xf32, #tpu.memory_space<vmem>>
    %dma_start3A_126 = tpu.memref_slice %arg2[%add3A_117] : memref<4194304xf32, #tpu.memory_space<hbm>> -> memref<8192xf32, #tpu.memory_space<hbm>>
    tpu.enqueue_dma source(%dma_start3A_126 : memref<8192xf32, #tpu.memory_space<hbm>>) target(%dma_start3A_125 : memref<8192xf32, #tpu.memory_space<vmem>>) target_semaphore(%arg16 : memref<!tpu.dma_semaphore, #tpu.memory_space<semaphore_mem>>)
    %dma_start3A_127 = arith.constant 2 : i32
    %dma_start3A_128 = arith.constant 0 : i32
    %dma_start3A_129 = tpu.memref_slice %arg8[%dma_start3A_127, %dma_start3A_128] : memref<3x8192xf32, #tpu.memory_space<vmem>> -> memref<1x8192xf32, #tpu.memory_space<vmem>>
    %dma_start3A_130 = tpu.memref_squeeze %dma_start3A_129 : memref<1x8192xf32, #tpu.memory_space<vmem>> -> memref<8192xf32, #tpu.memory_space<vmem>>
    %dma_start3A_131 = tpu.memref_slice %arg3[%add3A_117] : memref<4194304xf32, #tpu.memory_space<hbm>> -> memref<8192xf32, #tpu.memory_space<hbm>>
    %dma_start3A_132 = arith.constant 0 : i32
    %dma_start3A_133 = tpu.memref_slice %arg8[%dma_start3A_127, %dma_start3A_132] : memref<3x8192xf32, #tpu.memory_space<vmem>> -> memref<1x8192xf32, #tpu.memory_space<vmem>>
    %dma_start3A_134 = tpu.memref_squeeze %dma_start3A_133 : memref<1x8192xf32, #tpu.memory_space<vmem>> -> memref<8192xf32, #tpu.memory_space<vmem>>
    %dma_start3A_135 = tpu.memref_slice %arg3[%add3A_117] : memref<4194304xf32, #tpu.memory_space<hbm>> -> memref<8192xf32, #tpu.memory_space<hbm>>
    tpu.enqueue_dma source(%dma_start3A_135 : memref<8192xf32, #tpu.memory_space<hbm>>) target(%dma_start3A_134 : memref<8192xf32, #tpu.memory_space<vmem>>) target_semaphore(%arg16 : memref<!tpu.dma_semaphore, #tpu.memory_space<semaphore_mem>>)
    %dma_start3A_136 = arith.constant 2 : i32
    %dma_start3A_137 = arith.constant 0 : i32
    %dma_start3A_138 = tpu.memref_slice %arg9[%dma_start3A_136, %dma_start3A_137] : memref<3x8192xf32, #tpu.memory_space<vmem>> -> memref<1x8192xf32, #tpu.memory_space<vmem>>
    %dma_start3A_139 = tpu.memref_squeeze %dma_start3A_138 : memref<1x8192xf32, #tpu.memory_space<vmem>> -> memref<8192xf32, #tpu.memory_space<vmem>>
    %dma_start3A_140 = tpu.memref_slice %arg4[%add3A_117] : memref<4194304xf32, #tpu.memory_space<hbm>> -> memref<8192xf32, #tpu.memory_space<hbm>>
    %dma_start3A_141 = arith.constant 0 : i32
    %dma_start3A_142 = tpu.memref_slice %arg9[%dma_start3A_136, %dma_start3A_141] : memref<3x8192xf32, #tpu.memory_space<vmem>> -> memref<1x8192xf32, #tpu.memory_space<vmem>>
    %dma_start3A_143 = tpu.memref_squeeze %dma_start3A_142 : memref<1x8192xf32, #tpu.memory_space<vmem>> -> memref<8192xf32, #tpu.memory_space<vmem>>
    %dma_start3A_144 = tpu.memref_slice %arg4[%add3A_117] : memref<4194304xf32, #tpu.memory_space<hbm>> -> memref<8192xf32, #tpu.memory_space<hbm>>
    tpu.enqueue_dma source(%dma_start3A_144 : memref<8192xf32, #tpu.memory_space<hbm>>) target(%dma_start3A_143 : memref<8192xf32, #tpu.memory_space<vmem>>) target_semaphore(%arg16 : memref<!tpu.dma_semaphore, #tpu.memory_space<semaphore_mem>>)
    %dma_start3A_145 = arith.constant 2 : i32
    %dma_start3A_146 = arith.constant 0 : i32
    %dma_start3A_147 = tpu.memref_slice %arg10[%dma_start3A_145, %dma_start3A_146] : memref<3x8192xi32, #tpu.memory_space<vmem>> -> memref<1x8192xi32, #tpu.memory_space<vmem>>
    %dma_start3A_148 = tpu.memref_squeeze %dma_start3A_147 : memref<1x8192xi32, #tpu.memory_space<vmem>> -> memref<8192xi32, #tpu.memory_space<vmem>>
    %dma_start3A_149 = tpu.memref_slice %arg5[%add3A_117] : memref<4194304xi32, #tpu.memory_space<hbm>> -> memref<8192xi32, #tpu.memory_space<hbm>>
    %dma_start3A_150 = arith.constant 0 : i32
    %dma_start3A_151 = tpu.memref_slice %arg10[%dma_start3A_145, %dma_start3A_150] : memref<3x8192xi32, #tpu.memory_space<vmem>> -> memref<1x8192xi32, #tpu.memory_space<vmem>>
    %dma_start3A_152 = tpu.memref_squeeze %dma_start3A_151 : memref<1x8192xi32, #tpu.memory_space<vmem>> -> memref<8192xi32, #tpu.memory_space<vmem>>
    %dma_start3A_153 = tpu.memref_slice %arg5[%add3A_117] : memref<4194304xi32, #tpu.memory_space<hbm>> -> memref<8192xi32, #tpu.memory_space<hbm>>
    tpu.enqueue_dma source(%dma_start3A_153 : memref<8192xi32, #tpu.memory_space<hbm>>) target(%dma_start3A_152 : memref<8192xi32, #tpu.memory_space<vmem>>) target_semaphore(%arg16 : memref<!tpu.dma_semaphore, #tpu.memory_space<semaphore_mem>>)
    %parallel_loop3A_154 = arith.constant 0 : i32
    %parallel_loop3A_155 = arith.constant 256 : i32
    %parallel_loop3A_156 = arith.constant 1 : i32
    scf.for %parallel_loop3A_1239 = %parallel_loop3A_154 to %parallel_loop3A_155 step %parallel_loop3A_156  : i32 {
      %parallel_loop3A_1240 = arith.constant 32 : i32
      %parallel_loop3A_1241 = arith.muli %parallel_loop3A_1239, %parallel_loop3A_1240 : i32
      %parallel_loop3A_1242 = arith.constant 0 : i32
      %parallel_loop3A_1243 = arith.addi %parallel_loop3A_1241, %parallel_loop3A_1242 : i32
      %parallel_loop3A_1244 = arith.constant 0 : i32
      %parallel_loop3A_1245 = arith.index_cast %parallel_loop3A_1244 : i32 to index
      %parallel_loop3A_1246 = arith.index_cast %parallel_loop3A_1243 : i32 to index
      %parallel_loop3A_1247 = tpu.vector_load %arg7[%parallel_loop3A_1245, %parallel_loop3A_1246] {strides = array<i32>} : memref<3x8192xf32, #tpu.memory_space<vmem>>, vector<16xf32>,
      %parallel_loop3A_1248 = arith.constant 0 : i32
      %parallel_loop3A_1249 = arith.index_cast %parallel_loop3A_1248 : i32 to index
      %parallel_loop3A_1250 = arith.index_cast %parallel_loop3A_1243 : i32 to index
      %parallel_loop3A_1251 = tpu.vector_load %arg8[%parallel_loop3A_1249, %parallel_loop3A_1250] {strides = array<i32>} : memref<3x8192xf32, #tpu.memory_space<vmem>>, vector<16xf32>,
      %parallel_loop3A_1252 = arith.constant 0 : i32
      %parallel_loop3A_1253 = arith.index_cast %parallel_loop3A_1252 : i32 to index
      %parallel_loop3A_1254 = arith.index_cast %parallel_loop3A_1243 : i32 to index
      %parallel_loop3A_1255 = tpu.vector_load %arg9[%parallel_loop3A_1253, %parallel_loop3A_1254] {strides = array<i32>} : memref<3x8192xf32, #tpu.memory_space<vmem>>, vector<16xf32>,
      %parallel_loop3A_1256 = arith.constant 0 : i32
      %parallel_loop3A_1257 = arith.index_cast %parallel_loop3A_1256 : i32 to index
      %parallel_loop3A_1258 = arith.index_cast %parallel_loop3A_1243 : i32 to index
      %parallel_loop3A_1259 = tpu.vector_load %arg10[%parallel_loop3A_1257, %parallel_loop3A_1258] {strides = array<i32>} : memref<3x8192xi32, #tpu.memory_space<vmem>>, vector<16xi32>,
      %parallel_loop3A_1260 = arith.constant 16 : i32
      %parallel_loop3A_1261 = vector.broadcast %parallel_loop3A_1260 : i32 to vector<16xi32>
      %parallel_loop3A_1262 = arith.muli %parallel_loop3A_1259, %parallel_loop3A_1261 : vector<16xi32>
      %parallel_loop3A_1263 = arith.addi %parallel_loop3A_1262, %iota3A : vector<16xi32>
      %parallel_loop3A_1264 = arith.mulf %parallel_loop3A_1247, %parallel_loop3A_1251 : vector<16xf32>
      %parallel_loop3A_1265 = arith.mulf %parallel_loop3A_1264, %parallel_loop3A_1255 : vector<16xf32>
      tpu.vector_store_idx %arg11[%parallel_loop3A_1263], %parallel_loop3A_1265 {add = true} : memref<8192xf32, #tpu.memory_space<vmem>>[vector<16xi32>], vector<16xf32>,
      %parallel_loop3A_1266 = arith.constant 16 : i32
      %parallel_loop3A_1267 = arith.addi %parallel_loop3A_1241, %parallel_loop3A_1266 : i32
      %parallel_loop3A_1268 = arith.constant 0 : i32
      %parallel_loop3A_1269 = arith.index_cast %parallel_loop3A_1268 : i32 to index
      %parallel_loop3A_1270 = arith.index_cast %parallel_loop3A_1267 : i32 to index
      %parallel_loop3A_1271 = tpu.vector_load %arg7[%parallel_loop3A_1269, %parallel_loop3A_1270] {strides = array<i32>} : memref<3x8192xf32, #tpu.memory_space<vmem>>, vector<16xf32>,
      %parallel_loop3A_1272 = arith.constant 0 : i32
      %parallel_loop3A_1273 = arith.index_cast %parallel_loop3A_1272 : i32 to index
      %parallel_loop3A_1274 = arith.index_cast %parallel_loop3A_1267 : i32 to index
      %parallel_loop3A_1275 = tpu.vector_load %arg8[%parallel_loop3A_1273, %parallel_loop3A_1274] {strides = array<i32>} : memref<3x8192xf32, #tpu.memory_space<vmem>>, vector<16xf32>,
      %parallel_loop3A_1276 = arith.constant 0 : i32
      %parallel_loop3A_1277 = arith.index_cast %parallel_loop3A_1276 : i32 to index
      %parallel_loop3A_1278 = arith.index_cast %parallel_loop3A_1267 : i32 to index
      %parallel_loop3A_1279 = tpu.vector_load %arg9[%parallel_loop3A_1277, %parallel_loop3A_1278] {strides = array<i32>} : memref<3x8192xf32, #tpu.memory_space<vmem>>, vector<16xf32>,
      %parallel_loop3A_1280 = arith.constant 0 : i32
      %parallel_loop3A_1281 = arith.index_cast %parallel_loop3A_1280 : i32 to index
      %parallel_loop3A_1282 = arith.index_cast %parallel_loop3A_1267 : i32 to index
      %parallel_loop3A_1283 = tpu.vector_load %arg10[%parallel_loop3A_1281, %parallel_loop3A_1282] {strides = array<i32>} : memref<3x8192xi32, #tpu.memory_space<vmem>>, vector<16xi32>,
      %parallel_loop3A_1284 = arith.constant 16 : i32
      %parallel_loop3A_1285 = vector.broadcast %parallel_loop3A_1284 : i32 to vector<16xi32>
      %parallel_loop3A_1286 = arith.muli %parallel_loop3A_1283, %parallel_loop3A_1285 : vector<16xi32>
      %parallel_loop3A_1287 = arith.addi %parallel_loop3A_1286, %iota3A : vector<16xi32>
      %parallel_loop3A_1288 = arith.mulf %parallel_loop3A_1271, %parallel_loop3A_1275 : vector<16xf32>
      %parallel_loop3A_1289 = arith.mulf %parallel_loop3A_1288, %parallel_loop3A_1279 : vector<16xf32>
      tpu.vector_store_idx %arg12[%parallel_loop3A_1287], %parallel_loop3A_1289 {add = true} : memref<8192xf32, #tpu.memory_space<vmem>>[vector<16xi32>], vector<16xf32>,
    } {sc.loop_unroll_factor = 4 : i64, sc.parallel_access}
    %dma_wait3A_157 = arith.constant 1 : i32
    %dma_wait3A_158 = arith.constant 0 : i32
    %dma_wait3A_159 = tpu.memref_slice %arg7[%dma_wait3A_157, %dma_wait3A_158] : memref<3x8192xf32, #tpu.memory_space<vmem>> -> memref<1x8192xf32, #tpu.memory_space<vmem>>
    %dma_wait3A_160 = tpu.memref_squeeze %dma_wait3A_159 : memref<1x8192xf32, #tpu.memory_space<vmem>> -> memref<8192xf32, #tpu.memory_space<vmem>>
    %dma_wait3A_161 = tpu.memref_slice %arg2[%add3A_44] : memref<4194304xf32, #tpu.memory_space<hbm>> -> memref<8192xf32, #tpu.memory_space<hbm>>
    %dma_wait3A_162 = arith.constant 0 : i32
    %dma_wait3A_163 = tpu.memref_slice %arg7[%dma_wait3A_157, %dma_wait3A_162] : memref<3x8192xf32, #tpu.memory_space<vmem>> -> memref<1x8192xf32, #tpu.memory_space<vmem>>
    %dma_wait3A_164 = tpu.memref_squeeze %dma_wait3A_163 : memref<1x8192xf32, #tpu.memory_space<vmem>> -> memref<8192xf32, #tpu.memory_space<vmem>>
    %dma_wait3A_165 = tpu.memref_slice %arg2[%add3A_44] : memref<4194304xf32, #tpu.memory_space<hbm>> -> memref<8192xf32, #tpu.memory_space<hbm>>
    tpu.wait_dma2 semaphore(%arg15 : memref<!tpu.dma_semaphore, #tpu.memory_space<semaphore_mem>>) src(%dma_wait3A_165 : memref<8192xf32, #tpu.memory_space<hbm>>) dst(%dma_wait3A_164 : memref<8192xf32, #tpu.memory_space<vmem>>)
    %dma_wait3A_166 = arith.constant 1 : i32
    %dma_wait3A_167 = arith.constant 0 : i32
    %dma_wait3A_168 = tpu.memref_slice %arg8[%dma_wait3A_166, %dma_wait3A_167] : memref<3x8192xf32, #tpu.memory_space<vmem>> -> memref<1x8192xf32, #tpu.memory_space<vmem>>
    %dma_wait3A_169 = tpu.memref_squeeze %dma_wait3A_168 : memref<1x8192xf32, #tpu.memory_space<vmem>> -> memref<8192xf32, #tpu.memory_space<vmem>>
    %dma_wait3A_170 = tpu.memref_slice %arg3[%add3A_44] : memref<4194304xf32, #tpu.memory_space<hbm>> -> memref<8192xf32, #tpu.memory_space<hbm>>
    %dma_wait3A_171 = arith.constant 0 : i32
    %dma_wait3A_172 = tpu.memref_slice %arg8[%dma_wait3A_166, %dma_wait3A_171] : memref<3x8192xf32, #tpu.memory_space<vmem>> -> memref<1x8192xf32, #tpu.memory_space<vmem>>
    %dma_wait3A_173 = tpu.memref_squeeze %dma_wait3A_172 : memref<1x8192xf32, #tpu.memory_space<vmem>> -> memref<8192xf32, #tpu.memory_space<vmem>>
    %dma_wait3A_174 = tpu.memref_slice %arg3[%add3A_44] : memref<4194304xf32, #tpu.memory_space<hbm>> -> memref<8192xf32, #tpu.memory_space<hbm>>
    tpu.wait_dma2 semaphore(%arg15 : memref<!tpu.dma_semaphore, #tpu.memory_space<semaphore_mem>>) src(%dma_wait3A_174 : memref<8192xf32, #tpu.memory_space<hbm>>) dst(%dma_wait3A_173 : memref<8192xf32, #tpu.memory_space<vmem>>)
    %dma_wait3A_175 = arith.constant 1 : i32
    %dma_wait3A_176 = arith.constant 0 : i32
    %dma_wait3A_177 = tpu.memref_slice %arg9[%dma_wait3A_175, %dma_wait3A_176] : memref<3x8192xf32, #tpu.memory_space<vmem>> -> memref<1x8192xf32, #tpu.memory_space<vmem>>
    %dma_wait3A_178 = tpu.memref_squeeze %dma_wait3A_177 : memref<1x8192xf32, #tpu.memory_space<vmem>> -> memref<8192xf32, #tpu.memory_space<vmem>>
    %dma_wait3A_179 = tpu.memref_slice %arg4[%add3A_44] : memref<4194304xf32, #tpu.memory_space<hbm>> -> memref<8192xf32, #tpu.memory_space<hbm>>
    %dma_wait3A_180 = arith.constant 0 : i32
    %dma_wait3A_181 = tpu.memref_slice %arg9[%dma_wait3A_175, %dma_wait3A_180] : memref<3x8192xf32, #tpu.memory_space<vmem>> -> memref<1x8192xf32, #tpu.memory_space<vmem>>
    %dma_wait3A_182 = tpu.memref_squeeze %dma_wait3A_181 : memref<1x8192xf32, #tpu.memory_space<vmem>> -> memref<8192xf32, #tpu.memory_space<vmem>>
    %dma_wait3A_183 = tpu.memref_slice %arg4[%add3A_44] : memref<4194304xf32, #tpu.memory_space<hbm>> -> memref<8192xf32, #tpu.memory_space<hbm>>
    tpu.wait_dma2 semaphore(%arg15 : memref<!tpu.dma_semaphore, #tpu.memory_space<semaphore_mem>>) src(%dma_wait3A_183 : memref<8192xf32, #tpu.memory_space<hbm>>) dst(%dma_wait3A_182 : memref<8192xf32, #tpu.memory_space<vmem>>)
    %dma_wait3A_184 = arith.constant 1 : i32
    %dma_wait3A_185 = arith.constant 0 : i32
    %dma_wait3A_186 = tpu.memref_slice %arg10[%dma_wait3A_184, %dma_wait3A_185] : memref<3x8192xi32, #tpu.memory_space<vmem>> -> memref<1x8192xi32, #tpu.memory_space<vmem>>
    %dma_wait3A_187 = tpu.memref_squeeze %dma_wait3A_186 : memref<1x8192xi32, #tpu.memory_space<vmem>> -> memref<8192xi32, #tpu.memory_space<vmem>>
    %dma_wait3A_188 = tpu.memref_slice %arg5[%add3A_44] : memref<4194304xi32, #tpu.memory_space<hbm>> -> memref<8192xi32, #tpu.memory_space<hbm>>
    %dma_wait3A_189 = arith.constant 0 : i32
    %dma_wait3A_190 = tpu.memref_slice %arg10[%dma_wait3A_184, %dma_wait3A_189] : memref<3x8192xi32, #tpu.memory_space<vmem>> -> memref<1x8192xi32, #tpu.memory_space<vmem>>
    %dma_wait3A_191 = tpu.memref_squeeze %dma_wait3A_190 : memref<1x8192xi32, #tpu.memory_space<vmem>> -> memref<8192xi32, #tpu.memory_space<vmem>>
    %dma_wait3A_192 = tpu.memref_slice %arg5[%add3A_44] : memref<4194304xi32, #tpu.memory_space<hbm>> -> memref<8192xi32, #tpu.memory_space<hbm>>
    tpu.wait_dma2 semaphore(%arg15 : memref<!tpu.dma_semaphore, #tpu.memory_space<semaphore_mem>>) src(%dma_wait3A_192 : memref<8192xi32, #tpu.memory_space<hbm>>) dst(%dma_wait3A_191 : memref<8192xi32, #tpu.memory_space<vmem>>)
    %add3A_193 = arith.constant 24576 : i32
    %add3A_194 = arith.addi %mul3A_2, %add3A_193 : i32
    %dma_start3A_195 = arith.constant 0 : i32
    %dma_start3A_196 = arith.constant 0 : i32
    %dma_start3A_197 = tpu.memref_slice %arg7[%dma_start3A_195, %dma_start3A_196] : memref<3x8192xf32, #tpu.memory_space<vmem>> -> memref<1x8192xf32, #tpu.memory_space<vmem>>
    %dma_start3A_198 = tpu.memref_squeeze %dma_start3A_197 : memref<1x8192xf32, #tpu.memory_space<vmem>> -> memref<8192xf32, #tpu.memory_space<vmem>>
    %dma_start3A_199 = tpu.memref_slice %arg2[%add3A_194] : memref<4194304xf32, #tpu.memory_space<hbm>> -> memref<8192xf32, #tpu.memory_space<hbm>>
    %dma_start3A_200 = arith.constant 0 : i32
    %dma_start3A_201 = tpu.memref_slice %arg7[%dma_start3A_195, %dma_start3A_200] : memref<3x8192xf32, #tpu.memory_space<vmem>> -> memref<1x8192xf32, #tpu.memory_space<vmem>>
    %dma_start3A_202 = tpu.memref_squeeze %dma_start3A_201 : memref<1x8192xf32, #tpu.memory_space<vmem>> -> memref<8192xf32, #tpu.memory_space<vmem>>
    %dma_start3A_203 = tpu.memref_slice %arg2[%add3A_194] : memref<4194304xf32, #tpu.memory_space<hbm>> -> memref<8192xf32, #tpu.memory_space<hbm>>
    tpu.enqueue_dma source(%dma_start3A_203 : memref<8192xf32, #tpu.memory_space<hbm>>) target(%dma_start3A_202 : memref<8192xf32, #tpu.memory_space<vmem>>) target_semaphore(%arg14 : memref<!tpu.dma_semaphore, #tpu.memory_space<semaphore_mem>>)
    %dma_start3A_204 = arith.constant 0 : i32
    %dma_start3A_205 = arith.constant 0 : i32
    %dma_start3A_206 = tpu.memref_slice %arg8[%dma_start3A_204, %dma_start3A_205] : memref<3x8192xf32, #tpu.memory_space<vmem>> -> memref<1x8192xf32, #tpu.memory_space<vmem>>
    %dma_start3A_207 = tpu.memref_squeeze %dma_start3A_206 : memref<1x8192xf32, #tpu.memory_space<vmem>> -> memref<8192xf32, #tpu.memory_space<vmem>>
    %dma_start3A_208 = tpu.memref_slice %arg3[%add3A_194] : memref<4194304xf32, #tpu.memory_space<hbm>> -> memref<8192xf32, #tpu.memory_space<hbm>>
    %dma_start3A_209 = arith.constant 0 : i32
    %dma_start3A_210 = tpu.memref_slice %arg8[%dma_start3A_204, %dma_start3A_209] : memref<3x8192xf32, #tpu.memory_space<vmem>> -> memref<1x8192xf32, #tpu.memory_space<vmem>>
    %dma_start3A_211 = tpu.memref_squeeze %dma_start3A_210 : memref<1x8192xf32, #tpu.memory_space<vmem>> -> memref<8192xf32, #tpu.memory_space<vmem>>
    %dma_start3A_212 = tpu.memref_slice %arg3[%add3A_194] : memref<4194304xf32, #tpu.memory_space<hbm>> -> memref<8192xf32, #tpu.memory_space<hbm>>
    tpu.enqueue_dma source(%dma_start3A_212 : memref<8192xf32, #tpu.memory_space<hbm>>) target(%dma_start3A_211 : memref<8192xf32, #tpu.memory_space<vmem>>) target_semaphore(%arg14 : memref<!tpu.dma_semaphore, #tpu.memory_space<semaphore_mem>>)
    %dma_start3A_213 = arith.constant 0 : i32
    %dma_start3A_214 = arith.constant 0 : i32
    %dma_start3A_215 = tpu.memref_slice %arg9[%dma_start3A_213, %dma_start3A_214] : memref<3x8192xf32, #tpu.memory_space<vmem>> -> memref<1x8192xf32, #tpu.memory_space<vmem>>
    %dma_start3A_216 = tpu.memref_squeeze %dma_start3A_215 : memref<1x8192xf32, #tpu.memory_space<vmem>> -> memref<8192xf32, #tpu.memory_space<vmem>>
    %dma_start3A_217 = tpu.memref_slice %arg4[%add3A_194] : memref<4194304xf32, #tpu.memory_space<hbm>> -> memref<8192xf32, #tpu.memory_space<hbm>>
    %dma_start3A_218 = arith.constant 0 : i32
    %dma_start3A_219 = tpu.memref_slice %arg9[%dma_start3A_213, %dma_start3A_218] : memref<3x8192xf32, #tpu.memory_space<vmem>> -> memref<1x8192xf32, #tpu.memory_space<vmem>>
    %dma_start3A_220 = tpu.memref_squeeze %dma_start3A_219 : memref<1x8192xf32, #tpu.memory_space<vmem>> -> memref<8192xf32, #tpu.memory_space<vmem>>
    %dma_start3A_221 = tpu.memref_slice %arg4[%add3A_194] : memref<4194304xf32, #tpu.memory_space<hbm>> -> memref<8192xf32, #tpu.memory_space<hbm>>
    tpu.enqueue_dma source(%dma_start3A_221 : memref<8192xf32, #tpu.memory_space<hbm>>) target(%dma_start3A_220 : memref<8192xf32, #tpu.memory_space<vmem>>) target_semaphore(%arg14 : memref<!tpu.dma_semaphore, #tpu.memory_space<semaphore_mem>>)
    %dma_start3A_222 = arith.constant 0 : i32
    %dma_start3A_223 = arith.constant 0 : i32
    %dma_start3A_224 = tpu.memref_slice %arg10[%dma_start3A_222, %dma_start3A_223] : memref<3x8192xi32, #tpu.memory_space<vmem>> -> memref<1x8192xi32, #tpu.memory_space<vmem>>
    %dma_start3A_225 = tpu.memref_squeeze %dma_start3A_224 : memref<1x8192xi32, #tpu.memory_space<vmem>> -> memref<8192xi32, #tpu.memory_space<vmem>>
    %dma_start3A_226 = tpu.memref_slice %arg5[%add3A_194] : memref<4194304xi32, #tpu.memory_space<hbm>> -> memref<8192xi32, #tpu.memory_space<hbm>>
    %dma_start3A_227 = arith.constant 0 : i32
    %dma_start3A_228 = tpu.memref_slice %arg10[%dma_start3A_222, %dma_start3A_227] : memref<3x8192xi32, #tpu.memory_space<vmem>> -> memref<1x8192xi32, #tpu.memory_space<vmem>>
    %dma_start3A_229 = tpu.memref_squeeze %dma_start3A_228 : memref<1x8192xi32, #tpu.memory_space<vmem>> -> memref<8192xi32, #tpu.memory_space<vmem>>
    %dma_start3A_230 = tpu.memref_slice %arg5[%add3A_194] : memref<4194304xi32, #tpu.memory_space<hbm>> -> memref<8192xi32, #tpu.memory_space<hbm>>
    tpu.enqueue_dma source(%dma_start3A_230 : memref<8192xi32, #tpu.memory_space<hbm>>) target(%dma_start3A_229 : memref<8192xi32, #tpu.memory_space<vmem>>) target_semaphore(%arg14 : memref<!tpu.dma_semaphore, #tpu.memory_space<semaphore_mem>>)
    %parallel_loop3A_231 = arith.constant 0 : i32
    %parallel_loop3A_232 = arith.constant 256 : i32
    %parallel_loop3A_233 = arith.constant 1 : i32
    scf.for %parallel_loop3A_1239 = %parallel_loop3A_231 to %parallel_loop3A_232 step %parallel_loop3A_233  : i32 {
      %parallel_loop3A_1240 = arith.constant 32 : i32
      %parallel_loop3A_1241 = arith.muli %parallel_loop3A_1239, %parallel_loop3A_1240 : i32
      %parallel_loop3A_1242 = arith.constant 0 : i32
      %parallel_loop3A_1243 = arith.addi %parallel_loop3A_1241, %parallel_loop3A_1242 : i32
      %parallel_loop3A_1244 = arith.constant 1 : i32
      %parallel_loop3A_1245 = arith.index_cast %parallel_loop3A_1244 : i32 to index
      %parallel_loop3A_1246 = arith.index_cast %parallel_loop3A_1243 : i32 to index
      %parallel_loop3A_1247 = tpu.vector_load %arg7[%parallel_loop3A_1245, %parallel_loop3A_1246] {strides = array<i32>} : memref<3x8192xf32, #tpu.memory_space<vmem>>, vector<16xf32>,
      %parallel_loop3A_1248 = arith.constant 1 : i32
      %parallel_loop3A_1249 = arith.index_cast %parallel_loop3A_1248 : i32 to index
      %parallel_loop3A_1250 = arith.index_cast %parallel_loop3A_1243 : i32 to index
      %parallel_loop3A_1251 = tpu.vector_load %arg8[%parallel_loop3A_1249, %parallel_loop3A_1250] {strides = array<i32>} : memref<3x8192xf32, #tpu.memory_space<vmem>>, vector<16xf32>,
      %parallel_loop3A_1252 = arith.constant 1 : i32
      %parallel_loop3A_1253 = arith.index_cast %parallel_loop3A_1252 : i32 to index
      %parallel_loop3A_1254 = arith.index_cast %parallel_loop3A_1243 : i32 to index
      %parallel_loop3A_1255 = tpu.vector_load %arg9[%parallel_loop3A_1253, %parallel_loop3A_1254] {strides = array<i32>} : memref<3x8192xf32, #tpu.memory_space<vmem>>, vector<16xf32>,
      %parallel_loop3A_1256 = arith.constant 1 : i32
      %parallel_loop3A_1257 = arith.index_cast %parallel_loop3A_1256 : i32 to index
      %parallel_loop3A_1258 = arith.index_cast %parallel_loop3A_1243 : i32 to index
      %parallel_loop3A_1259 = tpu.vector_load %arg10[%parallel_loop3A_1257, %parallel_loop3A_1258] {strides = array<i32>} : memref<3x8192xi32, #tpu.memory_space<vmem>>, vector<16xi32>,
      %parallel_loop3A_1260 = arith.constant 16 : i32
      %parallel_loop3A_1261 = vector.broadcast %parallel_loop3A_1260 : i32 to vector<16xi32>
      %parallel_loop3A_1262 = arith.muli %parallel_loop3A_1259, %parallel_loop3A_1261 : vector<16xi32>
      %parallel_loop3A_1263 = arith.addi %parallel_loop3A_1262, %iota3A : vector<16xi32>
      %parallel_loop3A_1264 = arith.mulf %parallel_loop3A_1247, %parallel_loop3A_1251 : vector<16xf32>
      %parallel_loop3A_1265 = arith.mulf %parallel_loop3A_1264, %parallel_loop3A_1255 : vector<16xf32>
      tpu.vector_store_idx %arg11[%parallel_loop3A_1263], %parallel_loop3A_1265 {add = true} : memref<8192xf32, #tpu.memory_space<vmem>>[vector<16xi32>], vector<16xf32>,
      %parallel_loop3A_1266 = arith.constant 16 : i32
      %parallel_loop3A_1267 = arith.addi %parallel_loop3A_1241, %parallel_loop3A_1266 : i32
      %parallel_loop3A_1268 = arith.constant 1 : i32
      %parallel_loop3A_1269 = arith.index_cast %parallel_loop3A_1268 : i32 to index
      %parallel_loop3A_1270 = arith.index_cast %parallel_loop3A_1267 : i32 to index
      %parallel_loop3A_1271 = tpu.vector_load %arg7[%parallel_loop3A_1269, %parallel_loop3A_1270] {strides = array<i32>} : memref<3x8192xf32, #tpu.memory_space<vmem>>, vector<16xf32>,
      %parallel_loop3A_1272 = arith.constant 1 : i32
      %parallel_loop3A_1273 = arith.index_cast %parallel_loop3A_1272 : i32 to index
      %parallel_loop3A_1274 = arith.index_cast %parallel_loop3A_1267 : i32 to index
      %parallel_loop3A_1275 = tpu.vector_load %arg8[%parallel_loop3A_1273, %parallel_loop3A_1274] {strides = array<i32>} : memref<3x8192xf32, #tpu.memory_space<vmem>>, vector<16xf32>,
      %parallel_loop3A_1276 = arith.constant 1 : i32
      %parallel_loop3A_1277 = arith.index_cast %parallel_loop3A_1276 : i32 to index
      %parallel_loop3A_1278 = arith.index_cast %parallel_loop3A_1267 : i32 to index
      %parallel_loop3A_1279 = tpu.vector_load %arg9[%parallel_loop3A_1277, %parallel_loop3A_1278] {strides = array<i32>} : memref<3x8192xf32, #tpu.memory_space<vmem>>, vector<16xf32>,
      %parallel_loop3A_1280 = arith.constant 1 : i32
      %parallel_loop3A_1281 = arith.index_cast %parallel_loop3A_1280 : i32 to index
      %parallel_loop3A_1282 = arith.index_cast %parallel_loop3A_1267 : i32 to index
      %parallel_loop3A_1283 = tpu.vector_load %arg10[%parallel_loop3A_1281, %parallel_loop3A_1282] {strides = array<i32>} : memref<3x8192xi32, #tpu.memory_space<vmem>>, vector<16xi32>,
      %parallel_loop3A_1284 = arith.constant 16 : i32
      %parallel_loop3A_1285 = vector.broadcast %parallel_loop3A_1284 : i32 to vector<16xi32>
      %parallel_loop3A_1286 = arith.muli %parallel_loop3A_1283, %parallel_loop3A_1285 : vector<16xi32>
      %parallel_loop3A_1287 = arith.addi %parallel_loop3A_1286, %iota3A : vector<16xi32>
      %parallel_loop3A_1288 = arith.mulf %parallel_loop3A_1271, %parallel_loop3A_1275 : vector<16xf32>
      %parallel_loop3A_1289 = arith.mulf %parallel_loop3A_1288, %parallel_loop3A_1279 : vector<16xf32>
      tpu.vector_store_idx %arg12[%parallel_loop3A_1287], %parallel_loop3A_1289 {add = true} : memref<8192xf32, #tpu.memory_space<vmem>>[vector<16xi32>], vector<16xf32>,
    } {sc.loop_unroll_factor = 4 : i64, sc.parallel_access}
    %dma_wait3A_234 = arith.constant 2 : i32
    %dma_wait3A_235 = arith.constant 0 : i32
    %dma_wait3A_236 = tpu.memref_slice %arg7[%dma_wait3A_234, %dma_wait3A_235] : memref<3x8192xf32, #tpu.memory_space<vmem>> -> memref<1x8192xf32, #tpu.memory_space<vmem>>
    %dma_wait3A_237 = tpu.memref_squeeze %dma_wait3A_236 : memref<1x8192xf32, #tpu.memory_space<vmem>> -> memref<8192xf32, #tpu.memory_space<vmem>>
    %dma_wait3A_238 = tpu.memref_slice %arg2[%add3A_117] : memref<4194304xf32, #tpu.memory_space<hbm>> -> memref<8192xf32, #tpu.memory_space<hbm>>
    %dma_wait3A_239 = arith.constant 0 : i32
    %dma_wait3A_240 = tpu.memref_slice %arg7[%dma_wait3A_234, %dma_wait3A_239] : memref<3x8192xf32, #tpu.memory_space<vmem>> -> memref<1x8192xf32, #tpu.memory_space<vmem>>
    %dma_wait3A_241 = tpu.memref_squeeze %dma_wait3A_240 : memref<1x8192xf32, #tpu.memory_space<vmem>> -> memref<8192xf32, #tpu.memory_space<vmem>>
    %dma_wait3A_242 = tpu.memref_slice %arg2[%add3A_117] : memref<4194304xf32, #tpu.memory_space<hbm>> -> memref<8192xf32, #tpu.memory_space<hbm>>
    tpu.wait_dma2 semaphore(%arg16 : memref<!tpu.dma_semaphore, #tpu.memory_space<semaphore_mem>>) src(%dma_wait3A_242 : memref<8192xf32, #tpu.memory_space<hbm>>) dst(%dma_wait3A_241 : memref<8192xf32, #tpu.memory_space<vmem>>)
    %dma_wait3A_243 = arith.constant 2 : i32
    %dma_wait3A_244 = arith.constant 0 : i32
    %dma_wait3A_245 = tpu.memref_slice %arg8[%dma_wait3A_243, %dma_wait3A_244] : memref<3x8192xf32, #tpu.memory_space<vmem>> -> memref<1x8192xf32, #tpu.memory_space<vmem>>
    %dma_wait3A_246 = tpu.memref_squeeze %dma_wait3A_245 : memref<1x8192xf32, #tpu.memory_space<vmem>> -> memref<8192xf32, #tpu.memory_space<vmem>>
    %dma_wait3A_247 = tpu.memref_slice %arg3[%add3A_117] : memref<4194304xf32, #tpu.memory_space<hbm>> -> memref<8192xf32, #tpu.memory_space<hbm>>
    %dma_wait3A_248 = arith.constant 0 : i32
    %dma_wait3A_249 = tpu.memref_slice %arg8[%dma_wait3A_243, %dma_wait3A_248] : memref<3x8192xf32, #tpu.memory_space<vmem>> -> memref<1x8192xf32, #tpu.memory_space<vmem>>
    %dma_wait3A_250 = tpu.memref_squeeze %dma_wait3A_249 : memref<1x8192xf32, #tpu.memory_space<vmem>> -> memref<8192xf32, #tpu.memory_space<vmem>>
    %dma_wait3A_251 = tpu.memref_slice %arg3[%add3A_117] : memref<4194304xf32, #tpu.memory_space<hbm>> -> memref<8192xf32, #tpu.memory_space<hbm>>
    tpu.wait_dma2 semaphore(%arg16 : memref<!tpu.dma_semaphore, #tpu.memory_space<semaphore_mem>>) src(%dma_wait3A_251 : memref<8192xf32, #tpu.memory_space<hbm>>) dst(%dma_wait3A_250 : memref<8192xf32, #tpu.memory_space<vmem>>)
    %dma_wait3A_252 = arith.constant 2 : i32
    %dma_wait3A_253 = arith.constant 0 : i32
    %dma_wait3A_254 = tpu.memref_slice %arg9[%dma_wait3A_252, %dma_wait3A_253] : memref<3x8192xf32, #tpu.memory_space<vmem>> -> memref<1x8192xf32, #tpu.memory_space<vmem>>
    %dma_wait3A_255 = tpu.memref_squeeze %dma_wait3A_254 : memref<1x8192xf32, #tpu.memory_space<vmem>> -> memref<8192xf32, #tpu.memory_space<vmem>>
    %dma_wait3A_256 = tpu.memref_slice %arg4[%add3A_117] : memref<4194304xf32, #tpu.memory_space<hbm>> -> memref<8192xf32, #tpu.memory_space<hbm>>
    %dma_wait3A_257 = arith.constant 0 : i32
    %dma_wait3A_258 = tpu.memref_slice %arg9[%dma_wait3A_252, %dma_wait3A_257] : memref<3x8192xf32, #tpu.memory_space<vmem>> -> memref<1x8192xf32, #tpu.memory_space<vmem>>
    %dma_wait3A_259 = tpu.memref_squeeze %dma_wait3A_258 : memref<1x8192xf32, #tpu.memory_space<vmem>> -> memref<8192xf32, #tpu.memory_space<vmem>>
    %dma_wait3A_260 = tpu.memref_slice %arg4[%add3A_117] : memref<4194304xf32, #tpu.memory_space<hbm>> -> memref<8192xf32, #tpu.memory_space<hbm>>
    tpu.wait_dma2 semaphore(%arg16 : memref<!tpu.dma_semaphore, #tpu.memory_space<semaphore_mem>>) src(%dma_wait3A_260 : memref<8192xf32, #tpu.memory_space<hbm>>) dst(%dma_wait3A_259 : memref<8192xf32, #tpu.memory_space<vmem>>)
    %dma_wait3A_261 = arith.constant 2 : i32
    %dma_wait3A_262 = arith.constant 0 : i32
    %dma_wait3A_263 = tpu.memref_slice %arg10[%dma_wait3A_261, %dma_wait3A_262] : memref<3x8192xi32, #tpu.memory_space<vmem>> -> memref<1x8192xi32, #tpu.memory_space<vmem>>
    %dma_wait3A_264 = tpu.memref_squeeze %dma_wait3A_263 : memref<1x8192xi32, #tpu.memory_space<vmem>> -> memref<8192xi32, #tpu.memory_space<vmem>>
    %dma_wait3A_265 = tpu.memref_slice %arg5[%add3A_117] : memref<4194304xi32, #tpu.memory_space<hbm>> -> memref<8192xi32, #tpu.memory_space<hbm>>
    %dma_wait3A_266 = arith.constant 0 : i32
    %dma_wait3A_267 = tpu.memref_slice %arg10[%dma_wait3A_261, %dma_wait3A_266] : memref<3x8192xi32, #tpu.memory_space<vmem>> -> memref<1x8192xi32, #tpu.memory_space<vmem>>
    %dma_wait3A_268 = tpu.memref_squeeze %dma_wait3A_267 : memref<1x8192xi32, #tpu.memory_space<vmem>> -> memref<8192xi32, #tpu.memory_space<vmem>>
    %dma_wait3A_269 = tpu.memref_slice %arg5[%add3A_117] : memref<4194304xi32, #tpu.memory_space<hbm>> -> memref<8192xi32, #tpu.memory_space<hbm>>
    tpu.wait_dma2 semaphore(%arg16 : memref<!tpu.dma_semaphore, #tpu.memory_space<semaphore_mem>>) src(%dma_wait3A_269 : memref<8192xi32, #tpu.memory_space<hbm>>) dst(%dma_wait3A_268 : memref<8192xi32, #tpu.memory_space<vmem>>)
    %add3A_270 = arith.constant 32768 : i32
    %add3A_271 = arith.addi %mul3A_2, %add3A_270 : i32
    %dma_start3A_272 = arith.constant 1 : i32
    %dma_start3A_273 = arith.constant 0 : i32
    %dma_start3A_274 = tpu.memref_slice %arg7[%dma_start3A_272, %dma_start3A_273] : memref<3x8192xf32, #tpu.memory_space<vmem>> -> memref<1x8192xf32, #tpu.memory_space<vmem>>
    %dma_start3A_275 = tpu.memref_squeeze %dma_start3A_274 : memref<1x8192xf32, #tpu.memory_space<vmem>> -> memref<8192xf32, #tpu.memory_space<vmem>>
    %dma_start3A_276 = tpu.memref_slice %arg2[%add3A_271] : memref<4194304xf32, #tpu.memory_space<hbm>> -> memref<8192xf32, #tpu.memory_space<hbm>>
    %dma_start3A_277 = arith.constant 0 : i32
    %dma_start3A_278 = tpu.memref_slice %arg7[%dma_start3A_272, %dma_start3A_277] : memref<3x8192xf32, #tpu.memory_space<vmem>> -> memref<1x8192xf32, #tpu.memory_space<vmem>>
    %dma_start3A_279 = tpu.memref_squeeze %dma_start3A_278 : memref<1x8192xf32, #tpu.memory_space<vmem>> -> memref<8192xf32, #tpu.memory_space<vmem>>
    %dma_start3A_280 = tpu.memref_slice %arg2[%add3A_271] : memref<4194304xf32, #tpu.memory_space<hbm>> -> memref<8192xf32, #tpu.memory_space<hbm>>
    tpu.enqueue_dma source(%dma_start3A_280 : memref<8192xf32, #tpu.memory_space<hbm>>) target(%dma_start3A_279 : memref<8192xf32, #tpu.memory_space<vmem>>) target_semaphore(%arg15 : memref<!tpu.dma_semaphore, #tpu.memory_space<semaphore_mem>>)
    %dma_start3A_281 = arith.constant 1 : i32
    %dma_start3A_282 = arith.constant 0 : i32
    %dma_start3A_283 = tpu.memref_slice %arg8[%dma_start3A_281, %dma_start3A_282] : memref<3x8192xf32, #tpu.memory_space<vmem>> -> memref<1x8192xf32, #tpu.memory_space<vmem>>
    %dma_start3A_284 = tpu.memref_squeeze %dma_start3A_283 : memref<1x8192xf32, #tpu.memory_space<vmem>> -> memref<8192xf32, #tpu.memory_space<vmem>>
    %dma_start3A_285 = tpu.memref_slice %arg3[%add3A_271] : memref<4194304xf32, #tpu.memory_space<hbm>> -> memref<8192xf32, #tpu.memory_space<hbm>>
    %dma_start3A_286 = arith.constant 0 : i32
    %dma_start3A_287 = tpu.memref_slice %arg8[%dma_start3A_281, %dma_start3A_286] : memref<3x8192xf32, #tpu.memory_space<vmem>> -> memref<1x8192xf32, #tpu.memory_space<vmem>>
    %dma_start3A_288 = tpu.memref_squeeze %dma_start3A_287 : memref<1x8192xf32, #tpu.memory_space<vmem>> -> memref<8192xf32, #tpu.memory_space<vmem>>
    %dma_start3A_289 = tpu.memref_slice %arg3[%add3A_271] : memref<4194304xf32, #tpu.memory_space<hbm>> -> memref<8192xf32, #tpu.memory_space<hbm>>
    tpu.enqueue_dma source(%dma_start3A_289 : memref<8192xf32, #tpu.memory_space<hbm>>) target(%dma_start3A_288 : memref<8192xf32, #tpu.memory_space<vmem>>) target_semaphore(%arg15 : memref<!tpu.dma_semaphore, #tpu.memory_space<semaphore_mem>>)
    %dma_start3A_290 = arith.constant 1 : i32
    %dma_start3A_291 = arith.constant 0 : i32
    %dma_start3A_292 = tpu.memref_slice %arg9[%dma_start3A_290, %dma_start3A_291] : memref<3x8192xf32, #tpu.memory_space<vmem>> -> memref<1x8192xf32, #tpu.memory_space<vmem>>
    %dma_start3A_293 = tpu.memref_squeeze %dma_start3A_292 : memref<1x8192xf32, #tpu.memory_space<vmem>> -> memref<8192xf32, #tpu.memory_space<vmem>>
    %dma_start3A_294 = tpu.memref_slice %arg4[%add3A_271] : memref<4194304xf32, #tpu.memory_space<hbm>> -> memref<8192xf32, #tpu.memory_space<hbm>>
    %dma_start3A_295 = arith.constant 0 : i32
    %dma_start3A_296 = tpu.memref_slice %arg9[%dma_start3A_290, %dma_start3A_295] : memref<3x8192xf32, #tpu.memory_space<vmem>> -> memref<1x8192xf32, #tpu.memory_space<vmem>>
    %dma_start3A_297 = tpu.memref_squeeze %dma_start3A_296 : memref<1x8192xf32, #tpu.memory_space<vmem>> -> memref<8192xf32, #tpu.memory_space<vmem>>
    %dma_start3A_298 = tpu.memref_slice %arg4[%add3A_271] : memref<4194304xf32, #tpu.memory_space<hbm>> -> memref<8192xf32, #tpu.memory_space<hbm>>
    tpu.enqueue_dma source(%dma_start3A_298 : memref<8192xf32, #tpu.memory_space<hbm>>) target(%dma_start3A_297 : memref<8192xf32, #tpu.memory_space<vmem>>) target_semaphore(%arg15 : memref<!tpu.dma_semaphore, #tpu.memory_space<semaphore_mem>>)
    %dma_start3A_299 = arith.constant 1 : i32
    %dma_start3A_300 = arith.constant 0 : i32
    %dma_start3A_301 = tpu.memref_slice %arg10[%dma_start3A_299, %dma_start3A_300] : memref<3x8192xi32, #tpu.memory_space<vmem>> -> memref<1x8192xi32, #tpu.memory_space<vmem>>
    %dma_start3A_302 = tpu.memref_squeeze %dma_start3A_301 : memref<1x8192xi32, #tpu.memory_space<vmem>> -> memref<8192xi32, #tpu.memory_space<vmem>>
    %dma_start3A_303 = tpu.memref_slice %arg5[%add3A_271] : memref<4194304xi32, #tpu.memory_space<hbm>> -> memref<8192xi32, #tpu.memory_space<hbm>>
    %dma_start3A_304 = arith.constant 0 : i32
    %dma_start3A_305 = tpu.memref_slice %arg10[%dma_start3A_299, %dma_start3A_304] : memref<3x8192xi32, #tpu.memory_space<vmem>> -> memref<1x8192xi32, #tpu.memory_space<vmem>>
    %dma_start3A_306 = tpu.memref_squeeze %dma_start3A_305 : memref<1x8192xi32, #tpu.memory_space<vmem>> -> memref<8192xi32, #tpu.memory_space<vmem>>
    %dma_start3A_307 = tpu.memref_slice %arg5[%add3A_271] : memref<4194304xi32, #tpu.memory_space<hbm>> -> memref<8192xi32, #tpu.memory_space<hbm>>
    tpu.enqueue_dma source(%dma_start3A_307 : memref<8192xi32, #tpu.memory_space<hbm>>) target(%dma_start3A_306 : memref<8192xi32, #tpu.memory_space<vmem>>) target_semaphore(%arg15 : memref<!tpu.dma_semaphore, #tpu.memory_space<semaphore_mem>>)
    %parallel_loop3A_308 = arith.constant 0 : i32
    %parallel_loop3A_309 = arith.constant 256 : i32
    %parallel_loop3A_310 = arith.constant 1 : i32
    scf.for %parallel_loop3A_1239 = %parallel_loop3A_308 to %parallel_loop3A_309 step %parallel_loop3A_310  : i32 {
      %parallel_loop3A_1240 = arith.constant 32 : i32
      %parallel_loop3A_1241 = arith.muli %parallel_loop3A_1239, %parallel_loop3A_1240 : i32
      %parallel_loop3A_1242 = arith.constant 0 : i32
      %parallel_loop3A_1243 = arith.addi %parallel_loop3A_1241, %parallel_loop3A_1242 : i32
      %parallel_loop3A_1244 = arith.constant 2 : i32
      %parallel_loop3A_1245 = arith.index_cast %parallel_loop3A_1244 : i32 to index
      %parallel_loop3A_1246 = arith.index_cast %parallel_loop3A_1243 : i32 to index
      %parallel_loop3A_1247 = tpu.vector_load %arg7[%parallel_loop3A_1245, %parallel_loop3A_1246] {strides = array<i32>} : memref<3x8192xf32, #tpu.memory_space<vmem>>, vector<16xf32>,
      %parallel_loop3A_1248 = arith.constant 2 : i32
      %parallel_loop3A_1249 = arith.index_cast %parallel_loop3A_1248 : i32 to index
      %parallel_loop3A_1250 = arith.index_cast %parallel_loop3A_1243 : i32 to index
      %parallel_loop3A_1251 = tpu.vector_load %arg8[%parallel_loop3A_1249, %parallel_loop3A_1250] {strides = array<i32>} : memref<3x8192xf32, #tpu.memory_space<vmem>>, vector<16xf32>,
      %parallel_loop3A_1252 = arith.constant 2 : i32
      %parallel_loop3A_1253 = arith.index_cast %parallel_loop3A_1252 : i32 to index
      %parallel_loop3A_1254 = arith.index_cast %parallel_loop3A_1243 : i32 to index
      %parallel_loop3A_1255 = tpu.vector_load %arg9[%parallel_loop3A_1253, %parallel_loop3A_1254] {strides = array<i32>} : memref<3x8192xf32, #tpu.memory_space<vmem>>, vector<16xf32>,
      %parallel_loop3A_1256 = arith.constant 2 : i32
      %parallel_loop3A_1257 = arith.index_cast %parallel_loop3A_1256 : i32 to index
      %parallel_loop3A_1258 = arith.index_cast %parallel_loop3A_1243 : i32 to index
      %parallel_loop3A_1259 = tpu.vector_load %arg10[%parallel_loop3A_1257, %parallel_loop3A_1258] {strides = array<i32>} : memref<3x8192xi32, #tpu.memory_space<vmem>>, vector<16xi32>,
      %parallel_loop3A_1260 = arith.constant 16 : i32
      %parallel_loop3A_1261 = vector.broadcast %parallel_loop3A_1260 : i32 to vector<16xi32>
      %parallel_loop3A_1262 = arith.muli %parallel_loop3A_1259, %parallel_loop3A_1261 : vector<16xi32>
      %parallel_loop3A_1263 = arith.addi %parallel_loop3A_1262, %iota3A : vector<16xi32>
      %parallel_loop3A_1264 = arith.mulf %parallel_loop3A_1247, %parallel_loop3A_1251 : vector<16xf32>
      %parallel_loop3A_1265 = arith.mulf %parallel_loop3A_1264, %parallel_loop3A_1255 : vector<16xf32>
      tpu.vector_store_idx %arg11[%parallel_loop3A_1263], %parallel_loop3A_1265 {add = true} : memref<8192xf32, #tpu.memory_space<vmem>>[vector<16xi32>], vector<16xf32>,
      %parallel_loop3A_1266 = arith.constant 16 : i32
      %parallel_loop3A_1267 = arith.addi %parallel_loop3A_1241, %parallel_loop3A_1266 : i32
      %parallel_loop3A_1268 = arith.constant 2 : i32
      %parallel_loop3A_1269 = arith.index_cast %parallel_loop3A_1268 : i32 to index
      %parallel_loop3A_1270 = arith.index_cast %parallel_loop3A_1267 : i32 to index
      %parallel_loop3A_1271 = tpu.vector_load %arg7[%parallel_loop3A_1269, %parallel_loop3A_1270] {strides = array<i32>} : memref<3x8192xf32, #tpu.memory_space<vmem>>, vector<16xf32>,
      %parallel_loop3A_1272 = arith.constant 2 : i32
      %parallel_loop3A_1273 = arith.index_cast %parallel_loop3A_1272 : i32 to index
      %parallel_loop3A_1274 = arith.index_cast %parallel_loop3A_1267 : i32 to index
      %parallel_loop3A_1275 = tpu.vector_load %arg8[%parallel_loop3A_1273, %parallel_loop3A_1274] {strides = array<i32>} : memref<3x8192xf32, #tpu.memory_space<vmem>>, vector<16xf32>,
      %parallel_loop3A_1276 = arith.constant 2 : i32
      %parallel_loop3A_1277 = arith.index_cast %parallel_loop3A_1276 : i32 to index
      %parallel_loop3A_1278 = arith.index_cast %parallel_loop3A_1267 : i32 to index
      %parallel_loop3A_1279 = tpu.vector_load %arg9[%parallel_loop3A_1277, %parallel_loop3A_1278] {strides = array<i32>} : memref<3x8192xf32, #tpu.memory_space<vmem>>, vector<16xf32>,
      %parallel_loop3A_1280 = arith.constant 2 : i32
      %parallel_loop3A_1281 = arith.index_cast %parallel_loop3A_1280 : i32 to index
      %parallel_loop3A_1282 = arith.index_cast %parallel_loop3A_1267 : i32 to index
      %parallel_loop3A_1283 = tpu.vector_load %arg10[%parallel_loop3A_1281, %parallel_loop3A_1282] {strides = array<i32>} : memref<3x8192xi32, #tpu.memory_space<vmem>>, vector<16xi32>,
      %parallel_loop3A_1284 = arith.constant 16 : i32
      %parallel_loop3A_1285 = vector.broadcast %parallel_loop3A_1284 : i32 to vector<16xi32>
      %parallel_loop3A_1286 = arith.muli %parallel_loop3A_1283, %parallel_loop3A_1285 : vector<16xi32>
      %parallel_loop3A_1287 = arith.addi %parallel_loop3A_1286, %iota3A : vector<16xi32>
      %parallel_loop3A_1288 = arith.mulf %parallel_loop3A_1271, %parallel_loop3A_1275 : vector<16xf32>
      %parallel_loop3A_1289 = arith.mulf %parallel_loop3A_1288, %parallel_loop3A_1279 : vector<16xf32>
      tpu.vector_store_idx %arg12[%parallel_loop3A_1287], %parallel_loop3A_1289 {add = true} : memref<8192xf32, #tpu.memory_space<vmem>>[vector<16xi32>], vector<16xf32>,
    } {sc.loop_unroll_factor = 4 : i64, sc.parallel_access}
    %dma_wait3A_311 = arith.constant 0 : i32
    %dma_wait3A_312 = arith.constant 0 : i32
    %dma_wait3A_313 = tpu.memref_slice %arg7[%dma_wait3A_311, %dma_wait3A_312] : memref<3x8192xf32, #tpu.memory_space<vmem>> -> memref<1x8192xf32, #tpu.memory_space<vmem>>
    %dma_wait3A_314 = tpu.memref_squeeze %dma_wait3A_313 : memref<1x8192xf32, #tpu.memory_space<vmem>> -> memref<8192xf32, #tpu.memory_space<vmem>>
    %dma_wait3A_315 = tpu.memref_slice %arg2[%add3A_194] : memref<4194304xf32, #tpu.memory_space<hbm>> -> memref<8192xf32, #tpu.memory_space<hbm>>
    %dma_wait3A_316 = arith.constant 0 : i32
    %dma_wait3A_317 = tpu.memref_slice %arg7[%dma_wait3A_311, %dma_wait3A_316] : memref<3x8192xf32, #tpu.memory_space<vmem>> -> memref<1x8192xf32, #tpu.memory_space<vmem>>
    %dma_wait3A_318 = tpu.memref_squeeze %dma_wait3A_317 : memref<1x8192xf32, #tpu.memory_space<vmem>> -> memref<8192xf32, #tpu.memory_space<vmem>>
    %dma_wait3A_319 = tpu.memref_slice %arg2[%add3A_194] : memref<4194304xf32, #tpu.memory_space<hbm>> -> memref<8192xf32, #tpu.memory_space<hbm>>
    tpu.wait_dma2 semaphore(%arg14 : memref<!tpu.dma_semaphore, #tpu.memory_space<semaphore_mem>>) src(%dma_wait3A_319 : memref<8192xf32, #tpu.memory_space<hbm>>) dst(%dma_wait3A_318 : memref<8192xf32, #tpu.memory_space<vmem>>)
    %dma_wait3A_320 = arith.constant 0 : i32
    %dma_wait3A_321 = arith.constant 0 : i32
    %dma_wait3A_322 = tpu.memref_slice %arg8[%dma_wait3A_320, %dma_wait3A_321] : memref<3x8192xf32, #tpu.memory_space<vmem>> -> memref<1x8192xf32, #tpu.memory_space<vmem>>
    %dma_wait3A_323 = tpu.memref_squeeze %dma_wait3A_322 : memref<1x8192xf32, #tpu.memory_space<vmem>> -> memref<8192xf32, #tpu.memory_space<vmem>>
    %dma_wait3A_324 = tpu.memref_slice %arg3[%add3A_194] : memref<4194304xf32, #tpu.memory_space<hbm>> -> memref<8192xf32, #tpu.memory_space<hbm>>
    %dma_wait3A_325 = arith.constant 0 : i32
    %dma_wait3A_326 = tpu.memref_slice %arg8[%dma_wait3A_320, %dma_wait3A_325] : memref<3x8192xf32, #tpu.memory_space<vmem>> -> memref<1x8192xf32, #tpu.memory_space<vmem>>
    %dma_wait3A_327 = tpu.memref_squeeze %dma_wait3A_326 : memref<1x8192xf32, #tpu.memory_space<vmem>> -> memref<8192xf32, #tpu.memory_space<vmem>>
    %dma_wait3A_328 = tpu.memref_slice %arg3[%add3A_194] : memref<4194304xf32, #tpu.memory_space<hbm>> -> memref<8192xf32, #tpu.memory_space<hbm>>
    tpu.wait_dma2 semaphore(%arg14 : memref<!tpu.dma_semaphore, #tpu.memory_space<semaphore_mem>>) src(%dma_wait3A_328 : memref<8192xf32, #tpu.memory_space<hbm>>) dst(%dma_wait3A_327 : memref<8192xf32, #tpu.memory_space<vmem>>)
    %dma_wait3A_329 = arith.constant 0 : i32
    %dma_wait3A_330 = arith.constant 0 : i32
    %dma_wait3A_331 = tpu.memref_slice %arg9[%dma_wait3A_329, %dma_wait3A_330] : memref<3x8192xf32, #tpu.memory_space<vmem>> -> memref<1x8192xf32, #tpu.memory_space<vmem>>
    %dma_wait3A_332 = tpu.memref_squeeze %dma_wait3A_331 : memref<1x8192xf32, #tpu.memory_space<vmem>> -> memref<8192xf32, #tpu.memory_space<vmem>>
    %dma_wait3A_333 = tpu.memref_slice %arg4[%add3A_194] : memref<4194304xf32, #tpu.memory_space<hbm>> -> memref<8192xf32, #tpu.memory_space<hbm>>
    %dma_wait3A_334 = arith.constant 0 : i32
    %dma_wait3A_335 = tpu.memref_slice %arg9[%dma_wait3A_329, %dma_wait3A_334] : memref<3x8192xf32, #tpu.memory_space<vmem>> -> memref<1x8192xf32, #tpu.memory_space<vmem>>
    %dma_wait3A_336 = tpu.memref_squeeze %dma_wait3A_335 : memref<1x8192xf32, #tpu.memory_space<vmem>> -> memref<8192xf32, #tpu.memory_space<vmem>>
    %dma_wait3A_337 = tpu.memref_slice %arg4[%add3A_194] : memref<4194304xf32, #tpu.memory_space<hbm>> -> memref<8192xf32, #tpu.memory_space<hbm>>
    tpu.wait_dma2 semaphore(%arg14 : memref<!tpu.dma_semaphore, #tpu.memory_space<semaphore_mem>>) src(%dma_wait3A_337 : memref<8192xf32, #tpu.memory_space<hbm>>) dst(%dma_wait3A_336 : memref<8192xf32, #tpu.memory_space<vmem>>)
    %dma_wait3A_338 = arith.constant 0 : i32
    %dma_wait3A_339 = arith.constant 0 : i32
    %dma_wait3A_340 = tpu.memref_slice %arg10[%dma_wait3A_338, %dma_wait3A_339] : memref<3x8192xi32, #tpu.memory_space<vmem>> -> memref<1x8192xi32, #tpu.memory_space<vmem>>
    %dma_wait3A_341 = tpu.memref_squeeze %dma_wait3A_340 : memref<1x8192xi32, #tpu.memory_space<vmem>> -> memref<8192xi32, #tpu.memory_space<vmem>>
    %dma_wait3A_342 = tpu.memref_slice %arg5[%add3A_194] : memref<4194304xi32, #tpu.memory_space<hbm>> -> memref<8192xi32, #tpu.memory_space<hbm>>
    %dma_wait3A_343 = arith.constant 0 : i32
    %dma_wait3A_344 = tpu.memref_slice %arg10[%dma_wait3A_338, %dma_wait3A_343] : memref<3x8192xi32, #tpu.memory_space<vmem>> -> memref<1x8192xi32, #tpu.memory_space<vmem>>
    %dma_wait3A_345 = tpu.memref_squeeze %dma_wait3A_344 : memref<1x8192xi32, #tpu.memory_space<vmem>> -> memref<8192xi32, #tpu.memory_space<vmem>>
    %dma_wait3A_346 = tpu.memref_slice %arg5[%add3A_194] : memref<4194304xi32, #tpu.memory_space<hbm>> -> memref<8192xi32, #tpu.memory_space<hbm>>
    tpu.wait_dma2 semaphore(%arg14 : memref<!tpu.dma_semaphore, #tpu.memory_space<semaphore_mem>>) src(%dma_wait3A_346 : memref<8192xi32, #tpu.memory_space<hbm>>) dst(%dma_wait3A_345 : memref<8192xi32, #tpu.memory_space<vmem>>)
    %add3A_347 = arith.constant 40960 : i32
    %add3A_348 = arith.addi %mul3A_2, %add3A_347 : i32
    %dma_start3A_349 = arith.constant 2 : i32
    %dma_start3A_350 = arith.constant 0 : i32
    %dma_start3A_351 = tpu.memref_slice %arg7[%dma_start3A_349, %dma_start3A_350] : memref<3x8192xf32, #tpu.memory_space<vmem>> -> memref<1x8192xf32, #tpu.memory_space<vmem>>
    %dma_start3A_352 = tpu.memref_squeeze %dma_start3A_351 : memref<1x8192xf32, #tpu.memory_space<vmem>> -> memref<8192xf32, #tpu.memory_space<vmem>>
    %dma_start3A_353 = tpu.memref_slice %arg2[%add3A_348] : memref<4194304xf32, #tpu.memory_space<hbm>> -> memref<8192xf32, #tpu.memory_space<hbm>>
    %dma_start3A_354 = arith.constant 0 : i32
    %dma_start3A_355 = tpu.memref_slice %arg7[%dma_start3A_349, %dma_start3A_354] : memref<3x8192xf32, #tpu.memory_space<vmem>> -> memref<1x8192xf32, #tpu.memory_space<vmem>>
    %dma_start3A_356 = tpu.memref_squeeze %dma_start3A_355 : memref<1x8192xf32, #tpu.memory_space<vmem>> -> memref<8192xf32, #tpu.memory_space<vmem>>
    %dma_start3A_357 = tpu.memref_slice %arg2[%add3A_348] : memref<4194304xf32, #tpu.memory_space<hbm>> -> memref<8192xf32, #tpu.memory_space<hbm>>
    tpu.enqueue_dma source(%dma_start3A_357 : memref<8192xf32, #tpu.memory_space<hbm>>) target(%dma_start3A_356 : memref<8192xf32, #tpu.memory_space<vmem>>) target_semaphore(%arg16 : memref<!tpu.dma_semaphore, #tpu.memory_space<semaphore_mem>>)
    %dma_start3A_358 = arith.constant 2 : i32
    %dma_start3A_359 = arith.constant 0 : i32
    %dma_start3A_360 = tpu.memref_slice %arg8[%dma_start3A_358, %dma_start3A_359] : memref<3x8192xf32, #tpu.memory_space<vmem>> -> memref<1x8192xf32, #tpu.memory_space<vmem>>
    %dma_start3A_361 = tpu.memref_squeeze %dma_start3A_360 : memref<1x8192xf32, #tpu.memory_space<vmem>> -> memref<8192xf32, #tpu.memory_space<vmem>>
    %dma_start3A_362 = tpu.memref_slice %arg3[%add3A_348] : memref<4194304xf32, #tpu.memory_space<hbm>> -> memref<8192xf32, #tpu.memory_space<hbm>>
    %dma_start3A_363 = arith.constant 0 : i32
    %dma_start3A_364 = tpu.memref_slice %arg8[%dma_start3A_358, %dma_start3A_363] : memref<3x8192xf32, #tpu.memory_space<vmem>> -> memref<1x8192xf32, #tpu.memory_space<vmem>>
    %dma_start3A_365 = tpu.memref_squeeze %dma_start3A_364 : memref<1x8192xf32, #tpu.memory_space<vmem>> -> memref<8192xf32, #tpu.memory_space<vmem>>
    %dma_start3A_366 = tpu.memref_slice %arg3[%add3A_348] : memref<4194304xf32, #tpu.memory_space<hbm>> -> memref<8192xf32, #tpu.memory_space<hbm>>
    tpu.enqueue_dma source(%dma_start3A_366 : memref<8192xf32, #tpu.memory_space<hbm>>) target(%dma_start3A_365 : memref<8192xf32, #tpu.memory_space<vmem>>) target_semaphore(%arg16 : memref<!tpu.dma_semaphore, #tpu.memory_space<semaphore_mem>>)
    %dma_start3A_367 = arith.constant 2 : i32
    %dma_start3A_368 = arith.constant 0 : i32
    %dma_start3A_369 = tpu.memref_slice %arg9[%dma_start3A_367, %dma_start3A_368] : memref<3x8192xf32, #tpu.memory_space<vmem>> -> memref<1x8192xf32, #tpu.memory_space<vmem>>
    %dma_start3A_370 = tpu.memref_squeeze %dma_start3A_369 : memref<1x8192xf32, #tpu.memory_space<vmem>> -> memref<8192xf32, #tpu.memory_space<vmem>>
    %dma_start3A_371 = tpu.memref_slice %arg4[%add3A_348] : memref<4194304xf32, #tpu.memory_space<hbm>> -> memref<8192xf32, #tpu.memory_space<hbm>>
    %dma_start3A_372 = arith.constant 0 : i32
    %dma_start3A_373 = tpu.memref_slice %arg9[%dma_start3A_367, %dma_start3A_372] : memref<3x8192xf32, #tpu.memory_space<vmem>> -> memref<1x8192xf32, #tpu.memory_space<vmem>>
    %dma_start3A_374 = tpu.memref_squeeze %dma_start3A_373 : memref<1x8192xf32, #tpu.memory_space<vmem>> -> memref<8192xf32, #tpu.memory_space<vmem>>
    %dma_start3A_375 = tpu.memref_slice %arg4[%add3A_348] : memref<4194304xf32, #tpu.memory_space<hbm>> -> memref<8192xf32, #tpu.memory_space<hbm>>
    tpu.enqueue_dma source(%dma_start3A_375 : memref<8192xf32, #tpu.memory_space<hbm>>) target(%dma_start3A_374 : memref<8192xf32, #tpu.memory_space<vmem>>) target_semaphore(%arg16 : memref<!tpu.dma_semaphore, #tpu.memory_space<semaphore_mem>>)
    %dma_start3A_376 = arith.constant 2 : i32
    %dma_start3A_377 = arith.constant 0 : i32
    %dma_start3A_378 = tpu.memref_slice %arg10[%dma_start3A_376, %dma_start3A_377] : memref<3x8192xi32, #tpu.memory_space<vmem>> -> memref<1x8192xi32, #tpu.memory_space<vmem>>
    %dma_start3A_379 = tpu.memref_squeeze %dma_start3A_378 : memref<1x8192xi32, #tpu.memory_space<vmem>> -> memref<8192xi32, #tpu.memory_space<vmem>>
    %dma_start3A_380 = tpu.memref_slice %arg5[%add3A_348] : memref<4194304xi32, #tpu.memory_space<hbm>> -> memref<8192xi32, #tpu.memory_space<hbm>>
    %dma_start3A_381 = arith.constant 0 : i32
    %dma_start3A_382 = tpu.memref_slice %arg10[%dma_start3A_376, %dma_start3A_381] : memref<3x8192xi32, #tpu.memory_space<vmem>> -> memref<1x8192xi32, #tpu.memory_space<vmem>>
    %dma_start3A_383 = tpu.memref_squeeze %dma_start3A_382 : memref<1x8192xi32, #tpu.memory_space<vmem>> -> memref<8192xi32, #tpu.memory_space<vmem>>
    %dma_start3A_384 = tpu.memref_slice %arg5[%add3A_348] : memref<4194304xi32, #tpu.memory_space<hbm>> -> memref<8192xi32, #tpu.memory_space<hbm>>
    tpu.enqueue_dma source(%dma_start3A_384 : memref<8192xi32, #tpu.memory_space<hbm>>) target(%dma_start3A_383 : memref<8192xi32, #tpu.memory_space<vmem>>) target_semaphore(%arg16 : memref<!tpu.dma_semaphore, #tpu.memory_space<semaphore_mem>>)
    %parallel_loop3A_385 = arith.constant 0 : i32
    %parallel_loop3A_386 = arith.constant 256 : i32
    %parallel_loop3A_387 = arith.constant 1 : i32
    scf.for %parallel_loop3A_1239 = %parallel_loop3A_385 to %parallel_loop3A_386 step %parallel_loop3A_387  : i32 {
      %parallel_loop3A_1240 = arith.constant 32 : i32
      %parallel_loop3A_1241 = arith.muli %parallel_loop3A_1239, %parallel_loop3A_1240 : i32
      %parallel_loop3A_1242 = arith.constant 0 : i32
      %parallel_loop3A_1243 = arith.addi %parallel_loop3A_1241, %parallel_loop3A_1242 : i32
      %parallel_loop3A_1244 = arith.constant 0 : i32
      %parallel_loop3A_1245 = arith.index_cast %parallel_loop3A_1244 : i32 to index
      %parallel_loop3A_1246 = arith.index_cast %parallel_loop3A_1243 : i32 to index
      %parallel_loop3A_1247 = tpu.vector_load %arg7[%parallel_loop3A_1245, %parallel_loop3A_1246] {strides = array<i32>} : memref<3x8192xf32, #tpu.memory_space<vmem>>, vector<16xf32>,
      %parallel_loop3A_1248 = arith.constant 0 : i32
      %parallel_loop3A_1249 = arith.index_cast %parallel_loop3A_1248 : i32 to index
      %parallel_loop3A_1250 = arith.index_cast %parallel_loop3A_1243 : i32 to index
      %parallel_loop3A_1251 = tpu.vector_load %arg8[%parallel_loop3A_1249, %parallel_loop3A_1250] {strides = array<i32>} : memref<3x8192xf32, #tpu.memory_space<vmem>>, vector<16xf32>,
      %parallel_loop3A_1252 = arith.constant 0 : i32
      %parallel_loop3A_1253 = arith.index_cast %parallel_loop3A_1252 : i32 to index
      %parallel_loop3A_1254 = arith.index_cast %parallel_loop3A_1243 : i32 to index
      %parallel_loop3A_1255 = tpu.vector_load %arg9[%parallel_loop3A_1253, %parallel_loop3A_1254] {strides = array<i32>} : memref<3x8192xf32, #tpu.memory_space<vmem>>, vector<16xf32>,
      %parallel_loop3A_1256 = arith.constant 0 : i32
      %parallel_loop3A_1257 = arith.index_cast %parallel_loop3A_1256 : i32 to index
      %parallel_loop3A_1258 = arith.index_cast %parallel_loop3A_1243 : i32 to index
      %parallel_loop3A_1259 = tpu.vector_load %arg10[%parallel_loop3A_1257, %parallel_loop3A_1258] {strides = array<i32>} : memref<3x8192xi32, #tpu.memory_space<vmem>>, vector<16xi32>,
      %parallel_loop3A_1260 = arith.constant 16 : i32
      %parallel_loop3A_1261 = vector.broadcast %parallel_loop3A_1260 : i32 to vector<16xi32>
      %parallel_loop3A_1262 = arith.muli %parallel_loop3A_1259, %parallel_loop3A_1261 : vector<16xi32>
      %parallel_loop3A_1263 = arith.addi %parallel_loop3A_1262, %iota3A : vector<16xi32>
      %parallel_loop3A_1264 = arith.mulf %parallel_loop3A_1247, %parallel_loop3A_1251 : vector<16xf32>
      %parallel_loop3A_1265 = arith.mulf %parallel_loop3A_1264, %parallel_loop3A_1255 : vector<16xf32>
      tpu.vector_store_idx %arg11[%parallel_loop3A_1263], %parallel_loop3A_1265 {add = true} : memref<8192xf32, #tpu.memory_space<vmem>>[vector<16xi32>], vector<16xf32>,
      %parallel_loop3A_1266 = arith.constant 16 : i32
      %parallel_loop3A_1267 = arith.addi %parallel_loop3A_1241, %parallel_loop3A_1266 : i32
      %parallel_loop3A_1268 = arith.constant 0 : i32
      %parallel_loop3A_1269 = arith.index_cast %parallel_loop3A_1268 : i32 to index
      %parallel_loop3A_1270 = arith.index_cast %parallel_loop3A_1267 : i32 to index
      %parallel_loop3A_1271 = tpu.vector_load %arg7[%parallel_loop3A_1269, %parallel_loop3A_1270] {strides = array<i32>} : memref<3x8192xf32, #tpu.memory_space<vmem>>, vector<16xf32>,
      %parallel_loop3A_1272 = arith.constant 0 : i32
      %parallel_loop3A_1273 = arith.index_cast %parallel_loop3A_1272 : i32 to index
      %parallel_loop3A_1274 = arith.index_cast %parallel_loop3A_1267 : i32 to index
      %parallel_loop3A_1275 = tpu.vector_load %arg8[%parallel_loop3A_1273, %parallel_loop3A_1274] {strides = array<i32>} : memref<3x8192xf32, #tpu.memory_space<vmem>>, vector<16xf32>,
      %parallel_loop3A_1276 = arith.constant 0 : i32
      %parallel_loop3A_1277 = arith.index_cast %parallel_loop3A_1276 : i32 to index
      %parallel_loop3A_1278 = arith.index_cast %parallel_loop3A_1267 : i32 to index
      %parallel_loop3A_1279 = tpu.vector_load %arg9[%parallel_loop3A_1277, %parallel_loop3A_1278] {strides = array<i32>} : memref<3x8192xf32, #tpu.memory_space<vmem>>, vector<16xf32>,
      %parallel_loop3A_1280 = arith.constant 0 : i32
      %parallel_loop3A_1281 = arith.index_cast %parallel_loop3A_1280 : i32 to index
      %parallel_loop3A_1282 = arith.index_cast %parallel_loop3A_1267 : i32 to index
      %parallel_loop3A_1283 = tpu.vector_load %arg10[%parallel_loop3A_1281, %parallel_loop3A_1282] {strides = array<i32>} : memref<3x8192xi32, #tpu.memory_space<vmem>>, vector<16xi32>,
      %parallel_loop3A_1284 = arith.constant 16 : i32
      %parallel_loop3A_1285 = vector.broadcast %parallel_loop3A_1284 : i32 to vector<16xi32>
      %parallel_loop3A_1286 = arith.muli %parallel_loop3A_1283, %parallel_loop3A_1285 : vector<16xi32>
      %parallel_loop3A_1287 = arith.addi %parallel_loop3A_1286, %iota3A : vector<16xi32>
      %parallel_loop3A_1288 = arith.mulf %parallel_loop3A_1271, %parallel_loop3A_1275 : vector<16xf32>
      %parallel_loop3A_1289 = arith.mulf %parallel_loop3A_1288, %parallel_loop3A_1279 : vector<16xf32>
      tpu.vector_store_idx %arg12[%parallel_loop3A_1287], %parallel_loop3A_1289 {add = true} : memref<8192xf32, #tpu.memory_space<vmem>>[vector<16xi32>], vector<16xf32>,
    } {sc.loop_unroll_factor = 4 : i64, sc.parallel_access}
    %dma_wait3A_388 = arith.constant 1 : i32
    %dma_wait3A_389 = arith.constant 0 : i32
    %dma_wait3A_390 = tpu.memref_slice %arg7[%dma_wait3A_388, %dma_wait3A_389] : memref<3x8192xf32, #tpu.memory_space<vmem>> -> memref<1x8192xf32, #tpu.memory_space<vmem>>
    %dma_wait3A_391 = tpu.memref_squeeze %dma_wait3A_390 : memref<1x8192xf32, #tpu.memory_space<vmem>> -> memref<8192xf32, #tpu.memory_space<vmem>>
    %dma_wait3A_392 = tpu.memref_slice %arg2[%add3A_271] : memref<4194304xf32, #tpu.memory_space<hbm>> -> memref<8192xf32, #tpu.memory_space<hbm>>
    %dma_wait3A_393 = arith.constant 0 : i32
    %dma_wait3A_394 = tpu.memref_slice %arg7[%dma_wait3A_388, %dma_wait3A_393] : memref<3x8192xf32, #tpu.memory_space<vmem>> -> memref<1x8192xf32, #tpu.memory_space<vmem>>
    %dma_wait3A_395 = tpu.memref_squeeze %dma_wait3A_394 : memref<1x8192xf32, #tpu.memory_space<vmem>> -> memref<8192xf32, #tpu.memory_space<vmem>>
    %dma_wait3A_396 = tpu.memref_slice %arg2[%add3A_271] : memref<4194304xf32, #tpu.memory_space<hbm>> -> memref<8192xf32, #tpu.memory_space<hbm>>
    tpu.wait_dma2 semaphore(%arg15 : memref<!tpu.dma_semaphore, #tpu.memory_space<semaphore_mem>>) src(%dma_wait3A_396 : memref<8192xf32, #tpu.memory_space<hbm>>) dst(%dma_wait3A_395 : memref<8192xf32, #tpu.memory_space<vmem>>)
    %dma_wait3A_397 = arith.constant 1 : i32
    %dma_wait3A_398 = arith.constant 0 : i32
    %dma_wait3A_399 = tpu.memref_slice %arg8[%dma_wait3A_397, %dma_wait3A_398] : memref<3x8192xf32, #tpu.memory_space<vmem>> -> memref<1x8192xf32, #tpu.memory_space<vmem>>
    %dma_wait3A_400 = tpu.memref_squeeze %dma_wait3A_399 : memref<1x8192xf32, #tpu.memory_space<vmem>> -> memref<8192xf32, #tpu.memory_space<vmem>>
    %dma_wait3A_401 = tpu.memref_slice %arg3[%add3A_271] : memref<4194304xf32, #tpu.memory_space<hbm>> -> memref<8192xf32, #tpu.memory_space<hbm>>
    %dma_wait3A_402 = arith.constant 0 : i32
    %dma_wait3A_403 = tpu.memref_slice %arg8[%dma_wait3A_397, %dma_wait3A_402] : memref<3x8192xf32, #tpu.memory_space<vmem>> -> memref<1x8192xf32, #tpu.memory_space<vmem>>
    %dma_wait3A_404 = tpu.memref_squeeze %dma_wait3A_403 : memref<1x8192xf32, #tpu.memory_space<vmem>> -> memref<8192xf32, #tpu.memory_space<vmem>>
    %dma_wait3A_405 = tpu.memref_slice %arg3[%add3A_271] : memref<4194304xf32, #tpu.memory_space<hbm>> -> memref<8192xf32, #tpu.memory_space<hbm>>
    tpu.wait_dma2 semaphore(%arg15 : memref<!tpu.dma_semaphore, #tpu.memory_space<semaphore_mem>>) src(%dma_wait3A_405 : memref<8192xf32, #tpu.memory_space<hbm>>) dst(%dma_wait3A_404 : memref<8192xf32, #tpu.memory_space<vmem>>)
    %dma_wait3A_406 = arith.constant 1 : i32
    %dma_wait3A_407 = arith.constant 0 : i32
    %dma_wait3A_408 = tpu.memref_slice %arg9[%dma_wait3A_406, %dma_wait3A_407] : memref<3x8192xf32, #tpu.memory_space<vmem>> -> memref<1x8192xf32, #tpu.memory_space<vmem>>
    %dma_wait3A_409 = tpu.memref_squeeze %dma_wait3A_408 : memref<1x8192xf32, #tpu.memory_space<vmem>> -> memref<8192xf32, #tpu.memory_space<vmem>>
    %dma_wait3A_410 = tpu.memref_slice %arg4[%add3A_271] : memref<4194304xf32, #tpu.memory_space<hbm>> -> memref<8192xf32, #tpu.memory_space<hbm>>
    %dma_wait3A_411 = arith.constant 0 : i32
    %dma_wait3A_412 = tpu.memref_slice %arg9[%dma_wait3A_406, %dma_wait3A_411] : memref<3x8192xf32, #tpu.memory_space<vmem>> -> memref<1x8192xf32, #tpu.memory_space<vmem>>
    %dma_wait3A_413 = tpu.memref_squeeze %dma_wait3A_412 : memref<1x8192xf32, #tpu.memory_space<vmem>> -> memref<8192xf32, #tpu.memory_space<vmem>>
    %dma_wait3A_414 = tpu.memref_slice %arg4[%add3A_271] : memref<4194304xf32, #tpu.memory_space<hbm>> -> memref<8192xf32, #tpu.memory_space<hbm>>
    tpu.wait_dma2 semaphore(%arg15 : memref<!tpu.dma_semaphore, #tpu.memory_space<semaphore_mem>>) src(%dma_wait3A_414 : memref<8192xf32, #tpu.memory_space<hbm>>) dst(%dma_wait3A_413 : memref<8192xf32, #tpu.memory_space<vmem>>)
    %dma_wait3A_415 = arith.constant 1 : i32
    %dma_wait3A_416 = arith.constant 0 : i32
    %dma_wait3A_417 = tpu.memref_slice %arg10[%dma_wait3A_415, %dma_wait3A_416] : memref<3x8192xi32, #tpu.memory_space<vmem>> -> memref<1x8192xi32, #tpu.memory_space<vmem>>
    %dma_wait3A_418 = tpu.memref_squeeze %dma_wait3A_417 : memref<1x8192xi32, #tpu.memory_space<vmem>> -> memref<8192xi32, #tpu.memory_space<vmem>>
    %dma_wait3A_419 = tpu.memref_slice %arg5[%add3A_271] : memref<4194304xi32, #tpu.memory_space<hbm>> -> memref<8192xi32, #tpu.memory_space<hbm>>
    %dma_wait3A_420 = arith.constant 0 : i32
    %dma_wait3A_421 = tpu.memref_slice %arg10[%dma_wait3A_415, %dma_wait3A_420] : memref<3x8192xi32, #tpu.memory_space<vmem>> -> memref<1x8192xi32, #tpu.memory_space<vmem>>
    %dma_wait3A_422 = tpu.memref_squeeze %dma_wait3A_421 : memref<1x8192xi32, #tpu.memory_space<vmem>> -> memref<8192xi32, #tpu.memory_space<vmem>>
    %dma_wait3A_423 = tpu.memref_slice %arg5[%add3A_271] : memref<4194304xi32, #tpu.memory_space<hbm>> -> memref<8192xi32, #tpu.memory_space<hbm>>
    tpu.wait_dma2 semaphore(%arg15 : memref<!tpu.dma_semaphore, #tpu.memory_space<semaphore_mem>>) src(%dma_wait3A_423 : memref<8192xi32, #tpu.memory_space<hbm>>) dst(%dma_wait3A_422 : memref<8192xi32, #tpu.memory_space<vmem>>)
    %add3A_424 = arith.constant 49152 : i32
    %add3A_425 = arith.addi %mul3A_2, %add3A_424 : i32
    %dma_start3A_426 = arith.constant 0 : i32
    %dma_start3A_427 = arith.constant 0 : i32
    %dma_start3A_428 = tpu.memref_slice %arg7[%dma_start3A_426, %dma_start3A_427] : memref<3x8192xf32, #tpu.memory_space<vmem>> -> memref<1x8192xf32, #tpu.memory_space<vmem>>
    %dma_start3A_429 = tpu.memref_squeeze %dma_start3A_428 : memref<1x8192xf32, #tpu.memory_space<vmem>> -> memref<8192xf32, #tpu.memory_space<vmem>>
    %dma_start3A_430 = tpu.memref_slice %arg2[%add3A_425] : memref<4194304xf32, #tpu.memory_space<hbm>> -> memref<8192xf32, #tpu.memory_space<hbm>>
    %dma_start3A_431 = arith.constant 0 : i32
    %dma_start3A_432 = tpu.memref_slice %arg7[%dma_start3A_426, %dma_start3A_431] : memref<3x8192xf32, #tpu.memory_space<vmem>> -> memref<1x8192xf32, #tpu.memory_space<vmem>>
    %dma_start3A_433 = tpu.memref_squeeze %dma_start3A_432 : memref<1x8192xf32, #tpu.memory_space<vmem>> -> memref<8192xf32, #tpu.memory_space<vmem>>
    %dma_start3A_434 = tpu.memref_slice %arg2[%add3A_425] : memref<4194304xf32, #tpu.memory_space<hbm>> -> memref<8192xf32, #tpu.memory_space<hbm>>
    tpu.enqueue_dma source(%dma_start3A_434 : memref<8192xf32, #tpu.memory_space<hbm>>) target(%dma_start3A_433 : memref<8192xf32, #tpu.memory_space<vmem>>) target_semaphore(%arg14 : memref<!tpu.dma_semaphore, #tpu.memory_space<semaphore_mem>>)
    %dma_start3A_435 = arith.constant 0 : i32
    %dma_start3A_436 = arith.constant 0 : i32
    %dma_start3A_437 = tpu.memref_slice %arg8[%dma_start3A_435, %dma_start3A_436] : memref<3x8192xf32, #tpu.memory_space<vmem>> -> memref<1x8192xf32, #tpu.memory_space<vmem>>
    %dma_start3A_438 = tpu.memref_squeeze %dma_start3A_437 : memref<1x8192xf32, #tpu.memory_space<vmem>> -> memref<8192xf32, #tpu.memory_space<vmem>>
    %dma_start3A_439 = tpu.memref_slice %arg3[%add3A_425] : memref<4194304xf32, #tpu.memory_space<hbm>> -> memref<8192xf32, #tpu.memory_space<hbm>>
    %dma_start3A_440 = arith.constant 0 : i32
    %dma_start3A_441 = tpu.memref_slice %arg8[%dma_start3A_435, %dma_start3A_440] : memref<3x8192xf32, #tpu.memory_space<vmem>> -> memref<1x8192xf32, #tpu.memory_space<vmem>>
    %dma_start3A_442 = tpu.memref_squeeze %dma_start3A_441 : memref<1x8192xf32, #tpu.memory_space<vmem>> -> memref<8192xf32, #tpu.memory_space<vmem>>
    %dma_start3A_443 = tpu.memref_slice %arg3[%add3A_425] : memref<4194304xf32, #tpu.memory_space<hbm>> -> memref<8192xf32, #tpu.memory_space<hbm>>
    tpu.enqueue_dma source(%dma_start3A_443 : memref<8192xf32, #tpu.memory_space<hbm>>) target(%dma_start3A_442 : memref<8192xf32, #tpu.memory_space<vmem>>) target_semaphore(%arg14 : memref<!tpu.dma_semaphore, #tpu.memory_space<semaphore_mem>>)
    %dma_start3A_444 = arith.constant 0 : i32
    %dma_start3A_445 = arith.constant 0 : i32
    %dma_start3A_446 = tpu.memref_slice %arg9[%dma_start3A_444, %dma_start3A_445] : memref<3x8192xf32, #tpu.memory_space<vmem>> -> memref<1x8192xf32, #tpu.memory_space<vmem>>
    %dma_start3A_447 = tpu.memref_squeeze %dma_start3A_446 : memref<1x8192xf32, #tpu.memory_space<vmem>> -> memref<8192xf32, #tpu.memory_space<vmem>>
    %dma_start3A_448 = tpu.memref_slice %arg4[%add3A_425] : memref<4194304xf32, #tpu.memory_space<hbm>> -> memref<8192xf32, #tpu.memory_space<hbm>>
    %dma_start3A_449 = arith.constant 0 : i32
    %dma_start3A_450 = tpu.memref_slice %arg9[%dma_start3A_444, %dma_start3A_449] : memref<3x8192xf32, #tpu.memory_space<vmem>> -> memref<1x8192xf32, #tpu.memory_space<vmem>>
    %dma_start3A_451 = tpu.memref_squeeze %dma_start3A_450 : memref<1x8192xf32, #tpu.memory_space<vmem>> -> memref<8192xf32, #tpu.memory_space<vmem>>
    %dma_start3A_452 = tpu.memref_slice %arg4[%add3A_425] : memref<4194304xf32, #tpu.memory_space<hbm>> -> memref<8192xf32, #tpu.memory_space<hbm>>
    tpu.enqueue_dma source(%dma_start3A_452 : memref<8192xf32, #tpu.memory_space<hbm>>) target(%dma_start3A_451 : memref<8192xf32, #tpu.memory_space<vmem>>) target_semaphore(%arg14 : memref<!tpu.dma_semaphore, #tpu.memory_space<semaphore_mem>>)
    %dma_start3A_453 = arith.constant 0 : i32
    %dma_start3A_454 = arith.constant 0 : i32
    %dma_start3A_455 = tpu.memref_slice %arg10[%dma_start3A_453, %dma_start3A_454] : memref<3x8192xi32, #tpu.memory_space<vmem>> -> memref<1x8192xi32, #tpu.memory_space<vmem>>
    %dma_start3A_456 = tpu.memref_squeeze %dma_start3A_455 : memref<1x8192xi32, #tpu.memory_space<vmem>> -> memref<8192xi32, #tpu.memory_space<vmem>>
    %dma_start3A_457 = tpu.memref_slice %arg5[%add3A_425] : memref<4194304xi32, #tpu.memory_space<hbm>> -> memref<8192xi32, #tpu.memory_space<hbm>>
    %dma_start3A_458 = arith.constant 0 : i32
    %dma_start3A_459 = tpu.memref_slice %arg10[%dma_start3A_453, %dma_start3A_458] : memref<3x8192xi32, #tpu.memory_space<vmem>> -> memref<1x8192xi32, #tpu.memory_space<vmem>>
    %dma_start3A_460 = tpu.memref_squeeze %dma_start3A_459 : memref<1x8192xi32, #tpu.memory_space<vmem>> -> memref<8192xi32, #tpu.memory_space<vmem>>
    %dma_start3A_461 = tpu.memref_slice %arg5[%add3A_425] : memref<4194304xi32, #tpu.memory_space<hbm>> -> memref<8192xi32, #tpu.memory_space<hbm>>
    tpu.enqueue_dma source(%dma_start3A_461 : memref<8192xi32, #tpu.memory_space<hbm>>) target(%dma_start3A_460 : memref<8192xi32, #tpu.memory_space<vmem>>) target_semaphore(%arg14 : memref<!tpu.dma_semaphore, #tpu.memory_space<semaphore_mem>>)
    %parallel_loop3A_462 = arith.constant 0 : i32
    %parallel_loop3A_463 = arith.constant 256 : i32
    %parallel_loop3A_464 = arith.constant 1 : i32
    scf.for %parallel_loop3A_1239 = %parallel_loop3A_462 to %parallel_loop3A_463 step %parallel_loop3A_464  : i32 {
      %parallel_loop3A_1240 = arith.constant 32 : i32
      %parallel_loop3A_1241 = arith.muli %parallel_loop3A_1239, %parallel_loop3A_1240 : i32
      %parallel_loop3A_1242 = arith.constant 0 : i32
      %parallel_loop3A_1243 = arith.addi %parallel_loop3A_1241, %parallel_loop3A_1242 : i32
      %parallel_loop3A_1244 = arith.constant 1 : i32
      %parallel_loop3A_1245 = arith.index_cast %parallel_loop3A_1244 : i32 to index
      %parallel_loop3A_1246 = arith.index_cast %parallel_loop3A_1243 : i32 to index
      %parallel_loop3A_1247 = tpu.vector_load %arg7[%parallel_loop3A_1245, %parallel_loop3A_1246] {strides = array<i32>} : memref<3x8192xf32, #tpu.memory_space<vmem>>, vector<16xf32>,
      %parallel_loop3A_1248 = arith.constant 1 : i32
      %parallel_loop3A_1249 = arith.index_cast %parallel_loop3A_1248 : i32 to index
      %parallel_loop3A_1250 = arith.index_cast %parallel_loop3A_1243 : i32 to index
      %parallel_loop3A_1251 = tpu.vector_load %arg8[%parallel_loop3A_1249, %parallel_loop3A_1250] {strides = array<i32>} : memref<3x8192xf32, #tpu.memory_space<vmem>>, vector<16xf32>,
      %parallel_loop3A_1252 = arith.constant 1 : i32
      %parallel_loop3A_1253 = arith.index_cast %parallel_loop3A_1252 : i32 to index
      %parallel_loop3A_1254 = arith.index_cast %parallel_loop3A_1243 : i32 to index
      %parallel_loop3A_1255 = tpu.vector_load %arg9[%parallel_loop3A_1253, %parallel_loop3A_1254] {strides = array<i32>} : memref<3x8192xf32, #tpu.memory_space<vmem>>, vector<16xf32>,
      %parallel_loop3A_1256 = arith.constant 1 : i32
      %parallel_loop3A_1257 = arith.index_cast %parallel_loop3A_1256 : i32 to index
      %parallel_loop3A_1258 = arith.index_cast %parallel_loop3A_1243 : i32 to index
      %parallel_loop3A_1259 = tpu.vector_load %arg10[%parallel_loop3A_1257, %parallel_loop3A_1258] {strides = array<i32>} : memref<3x8192xi32, #tpu.memory_space<vmem>>, vector<16xi32>,
      %parallel_loop3A_1260 = arith.constant 16 : i32
      %parallel_loop3A_1261 = vector.broadcast %parallel_loop3A_1260 : i32 to vector<16xi32>
      %parallel_loop3A_1262 = arith.muli %parallel_loop3A_1259, %parallel_loop3A_1261 : vector<16xi32>
      %parallel_loop3A_1263 = arith.addi %parallel_loop3A_1262, %iota3A : vector<16xi32>
      %parallel_loop3A_1264 = arith.mulf %parallel_loop3A_1247, %parallel_loop3A_1251 : vector<16xf32>
      %parallel_loop3A_1265 = arith.mulf %parallel_loop3A_1264, %parallel_loop3A_1255 : vector<16xf32>
      tpu.vector_store_idx %arg11[%parallel_loop3A_1263], %parallel_loop3A_1265 {add = true} : memref<8192xf32, #tpu.memory_space<vmem>>[vector<16xi32>], vector<16xf32>,
      %parallel_loop3A_1266 = arith.constant 16 : i32
      %parallel_loop3A_1267 = arith.addi %parallel_loop3A_1241, %parallel_loop3A_1266 : i32
      %parallel_loop3A_1268 = arith.constant 1 : i32
      %parallel_loop3A_1269 = arith.index_cast %parallel_loop3A_1268 : i32 to index
      %parallel_loop3A_1270 = arith.index_cast %parallel_loop3A_1267 : i32 to index
      %parallel_loop3A_1271 = tpu.vector_load %arg7[%parallel_loop3A_1269, %parallel_loop3A_1270] {strides = array<i32>} : memref<3x8192xf32, #tpu.memory_space<vmem>>, vector<16xf32>,
      %parallel_loop3A_1272 = arith.constant 1 : i32
      %parallel_loop3A_1273 = arith.index_cast %parallel_loop3A_1272 : i32 to index
      %parallel_loop3A_1274 = arith.index_cast %parallel_loop3A_1267 : i32 to index
      %parallel_loop3A_1275 = tpu.vector_load %arg8[%parallel_loop3A_1273, %parallel_loop3A_1274] {strides = array<i32>} : memref<3x8192xf32, #tpu.memory_space<vmem>>, vector<16xf32>,
      %parallel_loop3A_1276 = arith.constant 1 : i32
      %parallel_loop3A_1277 = arith.index_cast %parallel_loop3A_1276 : i32 to index
      %parallel_loop3A_1278 = arith.index_cast %parallel_loop3A_1267 : i32 to index
      %parallel_loop3A_1279 = tpu.vector_load %arg9[%parallel_loop3A_1277, %parallel_loop3A_1278] {strides = array<i32>} : memref<3x8192xf32, #tpu.memory_space<vmem>>, vector<16xf32>,
      %parallel_loop3A_1280 = arith.constant 1 : i32
      %parallel_loop3A_1281 = arith.index_cast %parallel_loop3A_1280 : i32 to index
      %parallel_loop3A_1282 = arith.index_cast %parallel_loop3A_1267 : i32 to index
      %parallel_loop3A_1283 = tpu.vector_load %arg10[%parallel_loop3A_1281, %parallel_loop3A_1282] {strides = array<i32>} : memref<3x8192xi32, #tpu.memory_space<vmem>>, vector<16xi32>,
      %parallel_loop3A_1284 = arith.constant 16 : i32
      %parallel_loop3A_1285 = vector.broadcast %parallel_loop3A_1284 : i32 to vector<16xi32>
      %parallel_loop3A_1286 = arith.muli %parallel_loop3A_1283, %parallel_loop3A_1285 : vector<16xi32>
      %parallel_loop3A_1287 = arith.addi %parallel_loop3A_1286, %iota3A : vector<16xi32>
      %parallel_loop3A_1288 = arith.mulf %parallel_loop3A_1271, %parallel_loop3A_1275 : vector<16xf32>
      %parallel_loop3A_1289 = arith.mulf %parallel_loop3A_1288, %parallel_loop3A_1279 : vector<16xf32>
      tpu.vector_store_idx %arg12[%parallel_loop3A_1287], %parallel_loop3A_1289 {add = true} : memref<8192xf32, #tpu.memory_space<vmem>>[vector<16xi32>], vector<16xf32>,
    } {sc.loop_unroll_factor = 4 : i64, sc.parallel_access}
    %dma_wait3A_465 = arith.constant 2 : i32
    %dma_wait3A_466 = arith.constant 0 : i32
    %dma_wait3A_467 = tpu.memref_slice %arg7[%dma_wait3A_465, %dma_wait3A_466] : memref<3x8192xf32, #tpu.memory_space<vmem>> -> memref<1x8192xf32, #tpu.memory_space<vmem>>
    %dma_wait3A_468 = tpu.memref_squeeze %dma_wait3A_467 : memref<1x8192xf32, #tpu.memory_space<vmem>> -> memref<8192xf32, #tpu.memory_space<vmem>>
    %dma_wait3A_469 = tpu.memref_slice %arg2[%add3A_348] : memref<4194304xf32, #tpu.memory_space<hbm>> -> memref<8192xf32, #tpu.memory_space<hbm>>
    %dma_wait3A_470 = arith.constant 0 : i32
    %dma_wait3A_471 = tpu.memref_slice %arg7[%dma_wait3A_465, %dma_wait3A_470] : memref<3x8192xf32, #tpu.memory_space<vmem>> -> memref<1x8192xf32, #tpu.memory_space<vmem>>
    %dma_wait3A_472 = tpu.memref_squeeze %dma_wait3A_471 : memref<1x8192xf32, #tpu.memory_space<vmem>> -> memref<8192xf32, #tpu.memory_space<vmem>>
    %dma_wait3A_473 = tpu.memref_slice %arg2[%add3A_348] : memref<4194304xf32, #tpu.memory_space<hbm>> -> memref<8192xf32, #tpu.memory_space<hbm>>
    tpu.wait_dma2 semaphore(%arg16 : memref<!tpu.dma_semaphore, #tpu.memory_space<semaphore_mem>>) src(%dma_wait3A_473 : memref<8192xf32, #tpu.memory_space<hbm>>) dst(%dma_wait3A_472 : memref<8192xf32, #tpu.memory_space<vmem>>)
    %dma_wait3A_474 = arith.constant 2 : i32
    %dma_wait3A_475 = arith.constant 0 : i32
    %dma_wait3A_476 = tpu.memref_slice %arg8[%dma_wait3A_474, %dma_wait3A_475] : memref<3x8192xf32, #tpu.memory_space<vmem>> -> memref<1x8192xf32, #tpu.memory_space<vmem>>
    %dma_wait3A_477 = tpu.memref_squeeze %dma_wait3A_476 : memref<1x8192xf32, #tpu.memory_space<vmem>> -> memref<8192xf32, #tpu.memory_space<vmem>>
    %dma_wait3A_478 = tpu.memref_slice %arg3[%add3A_348] : memref<4194304xf32, #tpu.memory_space<hbm>> -> memref<8192xf32, #tpu.memory_space<hbm>>
    %dma_wait3A_479 = arith.constant 0 : i32
    %dma_wait3A_480 = tpu.memref_slice %arg8[%dma_wait3A_474, %dma_wait3A_479] : memref<3x8192xf32, #tpu.memory_space<vmem>> -> memref<1x8192xf32, #tpu.memory_space<vmem>>
    %dma_wait3A_481 = tpu.memref_squeeze %dma_wait3A_480 : memref<1x8192xf32, #tpu.memory_space<vmem>> -> memref<8192xf32, #tpu.memory_space<vmem>>
    %dma_wait3A_482 = tpu.memref_slice %arg3[%add3A_348] : memref<4194304xf32, #tpu.memory_space<hbm>> -> memref<8192xf32, #tpu.memory_space<hbm>>
    tpu.wait_dma2 semaphore(%arg16 : memref<!tpu.dma_semaphore, #tpu.memory_space<semaphore_mem>>) src(%dma_wait3A_482 : memref<8192xf32, #tpu.memory_space<hbm>>) dst(%dma_wait3A_481 : memref<8192xf32, #tpu.memory_space<vmem>>)
    %dma_wait3A_483 = arith.constant 2 : i32
    %dma_wait3A_484 = arith.constant 0 : i32
    %dma_wait3A_485 = tpu.memref_slice %arg9[%dma_wait3A_483, %dma_wait3A_484] : memref<3x8192xf32, #tpu.memory_space<vmem>> -> memref<1x8192xf32, #tpu.memory_space<vmem>>
    %dma_wait3A_486 = tpu.memref_squeeze %dma_wait3A_485 : memref<1x8192xf32, #tpu.memory_space<vmem>> -> memref<8192xf32, #tpu.memory_space<vmem>>
    %dma_wait3A_487 = tpu.memref_slice %arg4[%add3A_348] : memref<4194304xf32, #tpu.memory_space<hbm>> -> memref<8192xf32, #tpu.memory_space<hbm>>
    %dma_wait3A_488 = arith.constant 0 : i32
    %dma_wait3A_489 = tpu.memref_slice %arg9[%dma_wait3A_483, %dma_wait3A_488] : memref<3x8192xf32, #tpu.memory_space<vmem>> -> memref<1x8192xf32, #tpu.memory_space<vmem>>
    %dma_wait3A_490 = tpu.memref_squeeze %dma_wait3A_489 : memref<1x8192xf32, #tpu.memory_space<vmem>> -> memref<8192xf32, #tpu.memory_space<vmem>>
    %dma_wait3A_491 = tpu.memref_slice %arg4[%add3A_348] : memref<4194304xf32, #tpu.memory_space<hbm>> -> memref<8192xf32, #tpu.memory_space<hbm>>
    tpu.wait_dma2 semaphore(%arg16 : memref<!tpu.dma_semaphore, #tpu.memory_space<semaphore_mem>>) src(%dma_wait3A_491 : memref<8192xf32, #tpu.memory_space<hbm>>) dst(%dma_wait3A_490 : memref<8192xf32, #tpu.memory_space<vmem>>)
    %dma_wait3A_492 = arith.constant 2 : i32
    %dma_wait3A_493 = arith.constant 0 : i32
    %dma_wait3A_494 = tpu.memref_slice %arg10[%dma_wait3A_492, %dma_wait3A_493] : memref<3x8192xi32, #tpu.memory_space<vmem>> -> memref<1x8192xi32, #tpu.memory_space<vmem>>
    %dma_wait3A_495 = tpu.memref_squeeze %dma_wait3A_494 : memref<1x8192xi32, #tpu.memory_space<vmem>> -> memref<8192xi32, #tpu.memory_space<vmem>>
    %dma_wait3A_496 = tpu.memref_slice %arg5[%add3A_348] : memref<4194304xi32, #tpu.memory_space<hbm>> -> memref<8192xi32, #tpu.memory_space<hbm>>
    %dma_wait3A_497 = arith.constant 0 : i32
    %dma_wait3A_498 = tpu.memref_slice %arg10[%dma_wait3A_492, %dma_wait3A_497] : memref<3x8192xi32, #tpu.memory_space<vmem>> -> memref<1x8192xi32, #tpu.memory_space<vmem>>
    %dma_wait3A_499 = tpu.memref_squeeze %dma_wait3A_498 : memref<1x8192xi32, #tpu.memory_space<vmem>> -> memref<8192xi32, #tpu.memory_space<vmem>>
    %dma_wait3A_500 = tpu.memref_slice %arg5[%add3A_348] : memref<4194304xi32, #tpu.memory_space<hbm>> -> memref<8192xi32, #tpu.memory_space<hbm>>
    tpu.wait_dma2 semaphore(%arg16 : memref<!tpu.dma_semaphore, #tpu.memory_space<semaphore_mem>>) src(%dma_wait3A_500 : memref<8192xi32, #tpu.memory_space<hbm>>) dst(%dma_wait3A_499 : memref<8192xi32, #tpu.memory_space<vmem>>)
    %add3A_501 = arith.constant 57344 : i32
    %add3A_502 = arith.addi %mul3A_2, %add3A_501 : i32
    %dma_start3A_503 = arith.constant 1 : i32
    %dma_start3A_504 = arith.constant 0 : i32
    %dma_start3A_505 = tpu.memref_slice %arg7[%dma_start3A_503, %dma_start3A_504] : memref<3x8192xf32, #tpu.memory_space<vmem>> -> memref<1x8192xf32, #tpu.memory_space<vmem>>
    %dma_start3A_506 = tpu.memref_squeeze %dma_start3A_505 : memref<1x8192xf32, #tpu.memory_space<vmem>> -> memref<8192xf32, #tpu.memory_space<vmem>>
    %dma_start3A_507 = tpu.memref_slice %arg2[%add3A_502] : memref<4194304xf32, #tpu.memory_space<hbm>> -> memref<8192xf32, #tpu.memory_space<hbm>>
    %dma_start3A_508 = arith.constant 0 : i32
    %dma_start3A_509 = tpu.memref_slice %arg7[%dma_start3A_503, %dma_start3A_508] : memref<3x8192xf32, #tpu.memory_space<vmem>> -> memref<1x8192xf32, #tpu.memory_space<vmem>>
    %dma_start3A_510 = tpu.memref_squeeze %dma_start3A_509 : memref<1x8192xf32, #tpu.memory_space<vmem>> -> memref<8192xf32, #tpu.memory_space<vmem>>
    %dma_start3A_511 = tpu.memref_slice %arg2[%add3A_502] : memref<4194304xf32, #tpu.memory_space<hbm>> -> memref<8192xf32, #tpu.memory_space<hbm>>
    tpu.enqueue_dma source(%dma_start3A_511 : memref<8192xf32, #tpu.memory_space<hbm>>) target(%dma_start3A_510 : memref<8192xf32, #tpu.memory_space<vmem>>) target_semaphore(%arg15 : memref<!tpu.dma_semaphore, #tpu.memory_space<semaphore_mem>>)
    %dma_start3A_512 = arith.constant 1 : i32
    %dma_start3A_513 = arith.constant 0 : i32
    %dma_start3A_514 = tpu.memref_slice %arg8[%dma_start3A_512, %dma_start3A_513] : memref<3x8192xf32, #tpu.memory_space<vmem>> -> memref<1x8192xf32, #tpu.memory_space<vmem>>
    %dma_start3A_515 = tpu.memref_squeeze %dma_start3A_514 : memref<1x8192xf32, #tpu.memory_space<vmem>> -> memref<8192xf32, #tpu.memory_space<vmem>>
    %dma_start3A_516 = tpu.memref_slice %arg3[%add3A_502] : memref<4194304xf32, #tpu.memory_space<hbm>> -> memref<8192xf32, #tpu.memory_space<hbm>>
    %dma_start3A_517 = arith.constant 0 : i32
    %dma_start3A_518 = tpu.memref_slice %arg8[%dma_start3A_512, %dma_start3A_517] : memref<3x8192xf32, #tpu.memory_space<vmem>> -> memref<1x8192xf32, #tpu.memory_space<vmem>>
    %dma_start3A_519 = tpu.memref_squeeze %dma_start3A_518 : memref<1x8192xf32, #tpu.memory_space<vmem>> -> memref<8192xf32, #tpu.memory_space<vmem>>
    %dma_start3A_520 = tpu.memref_slice %arg3[%add3A_502] : memref<4194304xf32, #tpu.memory_space<hbm>> -> memref<8192xf32, #tpu.memory_space<hbm>>
    tpu.enqueue_dma source(%dma_start3A_520 : memref<8192xf32, #tpu.memory_space<hbm>>) target(%dma_start3A_519 : memref<8192xf32, #tpu.memory_space<vmem>>) target_semaphore(%arg15 : memref<!tpu.dma_semaphore, #tpu.memory_space<semaphore_mem>>)
    %dma_start3A_521 = arith.constant 1 : i32
    %dma_start3A_522 = arith.constant 0 : i32
    %dma_start3A_523 = tpu.memref_slice %arg9[%dma_start3A_521, %dma_start3A_522] : memref<3x8192xf32, #tpu.memory_space<vmem>> -> memref<1x8192xf32, #tpu.memory_space<vmem>>
    %dma_start3A_524 = tpu.memref_squeeze %dma_start3A_523 : memref<1x8192xf32, #tpu.memory_space<vmem>> -> memref<8192xf32, #tpu.memory_space<vmem>>
    %dma_start3A_525 = tpu.memref_slice %arg4[%add3A_502] : memref<4194304xf32, #tpu.memory_space<hbm>> -> memref<8192xf32, #tpu.memory_space<hbm>>
    %dma_start3A_526 = arith.constant 0 : i32
    %dma_start3A_527 = tpu.memref_slice %arg9[%dma_start3A_521, %dma_start3A_526] : memref<3x8192xf32, #tpu.memory_space<vmem>> -> memref<1x8192xf32, #tpu.memory_space<vmem>>
    %dma_start3A_528 = tpu.memref_squeeze %dma_start3A_527 : memref<1x8192xf32, #tpu.memory_space<vmem>> -> memref<8192xf32, #tpu.memory_space<vmem>>
    %dma_start3A_529 = tpu.memref_slice %arg4[%add3A_502] : memref<4194304xf32, #tpu.memory_space<hbm>> -> memref<8192xf32, #tpu.memory_space<hbm>>
    tpu.enqueue_dma source(%dma_start3A_529 : memref<8192xf32, #tpu.memory_space<hbm>>) target(%dma_start3A_528 : memref<8192xf32, #tpu.memory_space<vmem>>) target_semaphore(%arg15 : memref<!tpu.dma_semaphore, #tpu.memory_space<semaphore_mem>>)
    %dma_start3A_530 = arith.constant 1 : i32
    %dma_start3A_531 = arith.constant 0 : i32
    %dma_start3A_532 = tpu.memref_slice %arg10[%dma_start3A_530, %dma_start3A_531] : memref<3x8192xi32, #tpu.memory_space<vmem>> -> memref<1x8192xi32, #tpu.memory_space<vmem>>
    %dma_start3A_533 = tpu.memref_squeeze %dma_start3A_532 : memref<1x8192xi32, #tpu.memory_space<vmem>> -> memref<8192xi32, #tpu.memory_space<vmem>>
    %dma_start3A_534 = tpu.memref_slice %arg5[%add3A_502] : memref<4194304xi32, #tpu.memory_space<hbm>> -> memref<8192xi32, #tpu.memory_space<hbm>>
    %dma_start3A_535 = arith.constant 0 : i32
    %dma_start3A_536 = tpu.memref_slice %arg10[%dma_start3A_530, %dma_start3A_535] : memref<3x8192xi32, #tpu.memory_space<vmem>> -> memref<1x8192xi32, #tpu.memory_space<vmem>>
    %dma_start3A_537 = tpu.memref_squeeze %dma_start3A_536 : memref<1x8192xi32, #tpu.memory_space<vmem>> -> memref<8192xi32, #tpu.memory_space<vmem>>
    %dma_start3A_538 = tpu.memref_slice %arg5[%add3A_502] : memref<4194304xi32, #tpu.memory_space<hbm>> -> memref<8192xi32, #tpu.memory_space<hbm>>
    tpu.enqueue_dma source(%dma_start3A_538 : memref<8192xi32, #tpu.memory_space<hbm>>) target(%dma_start3A_537 : memref<8192xi32, #tpu.memory_space<vmem>>) target_semaphore(%arg15 : memref<!tpu.dma_semaphore, #tpu.memory_space<semaphore_mem>>)
    %parallel_loop3A_539 = arith.constant 0 : i32
    %parallel_loop3A_540 = arith.constant 256 : i32
    %parallel_loop3A_541 = arith.constant 1 : i32
    scf.for %parallel_loop3A_1239 = %parallel_loop3A_539 to %parallel_loop3A_540 step %parallel_loop3A_541  : i32 {
      %parallel_loop3A_1240 = arith.constant 32 : i32
      %parallel_loop3A_1241 = arith.muli %parallel_loop3A_1239, %parallel_loop3A_1240 : i32
      %parallel_loop3A_1242 = arith.constant 0 : i32
      %parallel_loop3A_1243 = arith.addi %parallel_loop3A_1241, %parallel_loop3A_1242 : i32
      %parallel_loop3A_1244 = arith.constant 2 : i32
      %parallel_loop3A_1245 = arith.index_cast %parallel_loop3A_1244 : i32 to index
      %parallel_loop3A_1246 = arith.index_cast %parallel_loop3A_1243 : i32 to index
      %parallel_loop3A_1247 = tpu.vector_load %arg7[%parallel_loop3A_1245, %parallel_loop3A_1246] {strides = array<i32>} : memref<3x8192xf32, #tpu.memory_space<vmem>>, vector<16xf32>,
      %parallel_loop3A_1248 = arith.constant 2 : i32
      %parallel_loop3A_1249 = arith.index_cast %parallel_loop3A_1248 : i32 to index
      %parallel_loop3A_1250 = arith.index_cast %parallel_loop3A_1243 : i32 to index
      %parallel_loop3A_1251 = tpu.vector_load %arg8[%parallel_loop3A_1249, %parallel_loop3A_1250] {strides = array<i32>} : memref<3x8192xf32, #tpu.memory_space<vmem>>, vector<16xf32>,
      %parallel_loop3A_1252 = arith.constant 2 : i32
      %parallel_loop3A_1253 = arith.index_cast %parallel_loop3A_1252 : i32 to index
      %parallel_loop3A_1254 = arith.index_cast %parallel_loop3A_1243 : i32 to index
      %parallel_loop3A_1255 = tpu.vector_load %arg9[%parallel_loop3A_1253, %parallel_loop3A_1254] {strides = array<i32>} : memref<3x8192xf32, #tpu.memory_space<vmem>>, vector<16xf32>,
      %parallel_loop3A_1256 = arith.constant 2 : i32
      %parallel_loop3A_1257 = arith.index_cast %parallel_loop3A_1256 : i32 to index
      %parallel_loop3A_1258 = arith.index_cast %parallel_loop3A_1243 : i32 to index
      %parallel_loop3A_1259 = tpu.vector_load %arg10[%parallel_loop3A_1257, %parallel_loop3A_1258] {strides = array<i32>} : memref<3x8192xi32, #tpu.memory_space<vmem>>, vector<16xi32>,
      %parallel_loop3A_1260 = arith.constant 16 : i32
      %parallel_loop3A_1261 = vector.broadcast %parallel_loop3A_1260 : i32 to vector<16xi32>
      %parallel_loop3A_1262 = arith.muli %parallel_loop3A_1259, %parallel_loop3A_1261 : vector<16xi32>
      %parallel_loop3A_1263 = arith.addi %parallel_loop3A_1262, %iota3A : vector<16xi32>
      %parallel_loop3A_1264 = arith.mulf %parallel_loop3A_1247, %parallel_loop3A_1251 : vector<16xf32>
      %parallel_loop3A_1265 = arith.mulf %parallel_loop3A_1264, %parallel_loop3A_1255 : vector<16xf32>
      tpu.vector_store_idx %arg11[%parallel_loop3A_1263], %parallel_loop3A_1265 {add = true} : memref<8192xf32, #tpu.memory_space<vmem>>[vector<16xi32>], vector<16xf32>,
      %parallel_loop3A_1266 = arith.constant 16 : i32
      %parallel_loop3A_1267 = arith.addi %parallel_loop3A_1241, %parallel_loop3A_1266 : i32
      %parallel_loop3A_1268 = arith.constant 2 : i32
      %parallel_loop3A_1269 = arith.index_cast %parallel_loop3A_1268 : i32 to index
      %parallel_loop3A_1270 = arith.index_cast %parallel_loop3A_1267 : i32 to index
      %parallel_loop3A_1271 = tpu.vector_load %arg7[%parallel_loop3A_1269, %parallel_loop3A_1270] {strides = array<i32>} : memref<3x8192xf32, #tpu.memory_space<vmem>>, vector<16xf32>,
      %parallel_loop3A_1272 = arith.constant 2 : i32
      %parallel_loop3A_1273 = arith.index_cast %parallel_loop3A_1272 : i32 to index
      %parallel_loop3A_1274 = arith.index_cast %parallel_loop3A_1267 : i32 to index
      %parallel_loop3A_1275 = tpu.vector_load %arg8[%parallel_loop3A_1273, %parallel_loop3A_1274] {strides = array<i32>} : memref<3x8192xf32, #tpu.memory_space<vmem>>, vector<16xf32>,
      %parallel_loop3A_1276 = arith.constant 2 : i32
      %parallel_loop3A_1277 = arith.index_cast %parallel_loop3A_1276 : i32 to index
      %parallel_loop3A_1278 = arith.index_cast %parallel_loop3A_1267 : i32 to index
      %parallel_loop3A_1279 = tpu.vector_load %arg9[%parallel_loop3A_1277, %parallel_loop3A_1278] {strides = array<i32>} : memref<3x8192xf32, #tpu.memory_space<vmem>>, vector<16xf32>,
      %parallel_loop3A_1280 = arith.constant 2 : i32
      %parallel_loop3A_1281 = arith.index_cast %parallel_loop3A_1280 : i32 to index
      %parallel_loop3A_1282 = arith.index_cast %parallel_loop3A_1267 : i32 to index
      %parallel_loop3A_1283 = tpu.vector_load %arg10[%parallel_loop3A_1281, %parallel_loop3A_1282] {strides = array<i32>} : memref<3x8192xi32, #tpu.memory_space<vmem>>, vector<16xi32>,
      %parallel_loop3A_1284 = arith.constant 16 : i32
      %parallel_loop3A_1285 = vector.broadcast %parallel_loop3A_1284 : i32 to vector<16xi32>
      %parallel_loop3A_1286 = arith.muli %parallel_loop3A_1283, %parallel_loop3A_1285 : vector<16xi32>
      %parallel_loop3A_1287 = arith.addi %parallel_loop3A_1286, %iota3A : vector<16xi32>
      %parallel_loop3A_1288 = arith.mulf %parallel_loop3A_1271, %parallel_loop3A_1275 : vector<16xf32>
      %parallel_loop3A_1289 = arith.mulf %parallel_loop3A_1288, %parallel_loop3A_1279 : vector<16xf32>
      tpu.vector_store_idx %arg12[%parallel_loop3A_1287], %parallel_loop3A_1289 {add = true} : memref<8192xf32, #tpu.memory_space<vmem>>[vector<16xi32>], vector<16xf32>,
    } {sc.loop_unroll_factor = 4 : i64, sc.parallel_access}
    %dma_wait3A_542 = arith.constant 0 : i32
    %dma_wait3A_543 = arith.constant 0 : i32
    %dma_wait3A_544 = tpu.memref_slice %arg7[%dma_wait3A_542, %dma_wait3A_543] : memref<3x8192xf32, #tpu.memory_space<vmem>> -> memref<1x8192xf32, #tpu.memory_space<vmem>>
    %dma_wait3A_545 = tpu.memref_squeeze %dma_wait3A_544 : memref<1x8192xf32, #tpu.memory_space<vmem>> -> memref<8192xf32, #tpu.memory_space<vmem>>
    %dma_wait3A_546 = tpu.memref_slice %arg2[%add3A_425] : memref<4194304xf32, #tpu.memory_space<hbm>> -> memref<8192xf32, #tpu.memory_space<hbm>>
    %dma_wait3A_547 = arith.constant 0 : i32
    %dma_wait3A_548 = tpu.memref_slice %arg7[%dma_wait3A_542, %dma_wait3A_547] : memref<3x8192xf32, #tpu.memory_space<vmem>> -> memref<1x8192xf32, #tpu.memory_space<vmem>>
    %dma_wait3A_549 = tpu.memref_squeeze %dma_wait3A_548 : memref<1x8192xf32, #tpu.memory_space<vmem>> -> memref<8192xf32, #tpu.memory_space<vmem>>
    %dma_wait3A_550 = tpu.memref_slice %arg2[%add3A_425] : memref<4194304xf32, #tpu.memory_space<hbm>> -> memref<8192xf32, #tpu.memory_space<hbm>>
    tpu.wait_dma2 semaphore(%arg14 : memref<!tpu.dma_semaphore, #tpu.memory_space<semaphore_mem>>) src(%dma_wait3A_550 : memref<8192xf32, #tpu.memory_space<hbm>>) dst(%dma_wait3A_549 : memref<8192xf32, #tpu.memory_space<vmem>>)
    %dma_wait3A_551 = arith.constant 0 : i32
    %dma_wait3A_552 = arith.constant 0 : i32
    %dma_wait3A_553 = tpu.memref_slice %arg8[%dma_wait3A_551, %dma_wait3A_552] : memref<3x8192xf32, #tpu.memory_space<vmem>> -> memref<1x8192xf32, #tpu.memory_space<vmem>>
    %dma_wait3A_554 = tpu.memref_squeeze %dma_wait3A_553 : memref<1x8192xf32, #tpu.memory_space<vmem>> -> memref<8192xf32, #tpu.memory_space<vmem>>
    %dma_wait3A_555 = tpu.memref_slice %arg3[%add3A_425] : memref<4194304xf32, #tpu.memory_space<hbm>> -> memref<8192xf32, #tpu.memory_space<hbm>>
    %dma_wait3A_556 = arith.constant 0 : i32
    %dma_wait3A_557 = tpu.memref_slice %arg8[%dma_wait3A_551, %dma_wait3A_556] : memref<3x8192xf32, #tpu.memory_space<vmem>> -> memref<1x8192xf32, #tpu.memory_space<vmem>>
    %dma_wait3A_558 = tpu.memref_squeeze %dma_wait3A_557 : memref<1x8192xf32, #tpu.memory_space<vmem>> -> memref<8192xf32, #tpu.memory_space<vmem>>
    %dma_wait3A_559 = tpu.memref_slice %arg3[%add3A_425] : memref<4194304xf32, #tpu.memory_space<hbm>> -> memref<8192xf32, #tpu.memory_space<hbm>>
    tpu.wait_dma2 semaphore(%arg14 : memref<!tpu.dma_semaphore, #tpu.memory_space<semaphore_mem>>) src(%dma_wait3A_559 : memref<8192xf32, #tpu.memory_space<hbm>>) dst(%dma_wait3A_558 : memref<8192xf32, #tpu.memory_space<vmem>>)
    %dma_wait3A_560 = arith.constant 0 : i32
    %dma_wait3A_561 = arith.constant 0 : i32
    %dma_wait3A_562 = tpu.memref_slice %arg9[%dma_wait3A_560, %dma_wait3A_561] : memref<3x8192xf32, #tpu.memory_space<vmem>> -> memref<1x8192xf32, #tpu.memory_space<vmem>>
    %dma_wait3A_563 = tpu.memref_squeeze %dma_wait3A_562 : memref<1x8192xf32, #tpu.memory_space<vmem>> -> memref<8192xf32, #tpu.memory_space<vmem>>
    %dma_wait3A_564 = tpu.memref_slice %arg4[%add3A_425] : memref<4194304xf32, #tpu.memory_space<hbm>> -> memref<8192xf32, #tpu.memory_space<hbm>>
    %dma_wait3A_565 = arith.constant 0 : i32
    %dma_wait3A_566 = tpu.memref_slice %arg9[%dma_wait3A_560, %dma_wait3A_565] : memref<3x8192xf32, #tpu.memory_space<vmem>> -> memref<1x8192xf32, #tpu.memory_space<vmem>>
    %dma_wait3A_567 = tpu.memref_squeeze %dma_wait3A_566 : memref<1x8192xf32, #tpu.memory_space<vmem>> -> memref<8192xf32, #tpu.memory_space<vmem>>
    %dma_wait3A_568 = tpu.memref_slice %arg4[%add3A_425] : memref<4194304xf32, #tpu.memory_space<hbm>> -> memref<8192xf32, #tpu.memory_space<hbm>>
    tpu.wait_dma2 semaphore(%arg14 : memref<!tpu.dma_semaphore, #tpu.memory_space<semaphore_mem>>) src(%dma_wait3A_568 : memref<8192xf32, #tpu.memory_space<hbm>>) dst(%dma_wait3A_567 : memref<8192xf32, #tpu.memory_space<vmem>>)
    %dma_wait3A_569 = arith.constant 0 : i32
    %dma_wait3A_570 = arith.constant 0 : i32
    %dma_wait3A_571 = tpu.memref_slice %arg10[%dma_wait3A_569, %dma_wait3A_570] : memref<3x8192xi32, #tpu.memory_space<vmem>> -> memref<1x8192xi32, #tpu.memory_space<vmem>>
    %dma_wait3A_572 = tpu.memref_squeeze %dma_wait3A_571 : memref<1x8192xi32, #tpu.memory_space<vmem>> -> memref<8192xi32, #tpu.memory_space<vmem>>
    %dma_wait3A_573 = tpu.memref_slice %arg5[%add3A_425] : memref<4194304xi32, #tpu.memory_space<hbm>> -> memref<8192xi32, #tpu.memory_space<hbm>>
    %dma_wait3A_574 = arith.constant 0 : i32
    %dma_wait3A_575 = tpu.memref_slice %arg10[%dma_wait3A_569, %dma_wait3A_574] : memref<3x8192xi32, #tpu.memory_space<vmem>> -> memref<1x8192xi32, #tpu.memory_space<vmem>>
    %dma_wait3A_576 = tpu.memref_squeeze %dma_wait3A_575 : memref<1x8192xi32, #tpu.memory_space<vmem>> -> memref<8192xi32, #tpu.memory_space<vmem>>
    %dma_wait3A_577 = tpu.memref_slice %arg5[%add3A_425] : memref<4194304xi32, #tpu.memory_space<hbm>> -> memref<8192xi32, #tpu.memory_space<hbm>>
    tpu.wait_dma2 semaphore(%arg14 : memref<!tpu.dma_semaphore, #tpu.memory_space<semaphore_mem>>) src(%dma_wait3A_577 : memref<8192xi32, #tpu.memory_space<hbm>>) dst(%dma_wait3A_576 : memref<8192xi32, #tpu.memory_space<vmem>>)
    %add3A_578 = arith.constant 65536 : i32
    %add3A_579 = arith.addi %mul3A_2, %add3A_578 : i32
    %dma_start3A_580 = arith.constant 2 : i32
    %dma_start3A_581 = arith.constant 0 : i32
    %dma_start3A_582 = tpu.memref_slice %arg7[%dma_start3A_580, %dma_start3A_581] : memref<3x8192xf32, #tpu.memory_space<vmem>> -> memref<1x8192xf32, #tpu.memory_space<vmem>>
    %dma_start3A_583 = tpu.memref_squeeze %dma_start3A_582 : memref<1x8192xf32, #tpu.memory_space<vmem>> -> memref<8192xf32, #tpu.memory_space<vmem>>
    %dma_start3A_584 = tpu.memref_slice %arg2[%add3A_579] : memref<4194304xf32, #tpu.memory_space<hbm>> -> memref<8192xf32, #tpu.memory_space<hbm>>
    %dma_start3A_585 = arith.constant 0 : i32
    %dma_start3A_586 = tpu.memref_slice %arg7[%dma_start3A_580, %dma_start3A_585] : memref<3x8192xf32, #tpu.memory_space<vmem>> -> memref<1x8192xf32, #tpu.memory_space<vmem>>
    %dma_start3A_587 = tpu.memref_squeeze %dma_start3A_586 : memref<1x8192xf32, #tpu.memory_space<vmem>> -> memref<8192xf32, #tpu.memory_space<vmem>>
    %dma_start3A_588 = tpu.memref_slice %arg2[%add3A_579] : memref<4194304xf32, #tpu.memory_space<hbm>> -> memref<8192xf32, #tpu.memory_space<hbm>>
    tpu.enqueue_dma source(%dma_start3A_588 : memref<8192xf32, #tpu.memory_space<hbm>>) target(%dma_start3A_587 : memref<8192xf32, #tpu.memory_space<vmem>>) target_semaphore(%arg16 : memref<!tpu.dma_semaphore, #tpu.memory_space<semaphore_mem>>)
    %dma_start3A_589 = arith.constant 2 : i32
    %dma_start3A_590 = arith.constant 0 : i32
    %dma_start3A_591 = tpu.memref_slice %arg8[%dma_start3A_589, %dma_start3A_590] : memref<3x8192xf32, #tpu.memory_space<vmem>> -> memref<1x8192xf32, #tpu.memory_space<vmem>>
    %dma_start3A_592 = tpu.memref_squeeze %dma_start3A_591 : memref<1x8192xf32, #tpu.memory_space<vmem>> -> memref<8192xf32, #tpu.memory_space<vmem>>
    %dma_start3A_593 = tpu.memref_slice %arg3[%add3A_579] : memref<4194304xf32, #tpu.memory_space<hbm>> -> memref<8192xf32, #tpu.memory_space<hbm>>
    %dma_start3A_594 = arith.constant 0 : i32
    %dma_start3A_595 = tpu.memref_slice %arg8[%dma_start3A_589, %dma_start3A_594] : memref<3x8192xf32, #tpu.memory_space<vmem>> -> memref<1x8192xf32, #tpu.memory_space<vmem>>
    %dma_start3A_596 = tpu.memref_squeeze %dma_start3A_595 : memref<1x8192xf32, #tpu.memory_space<vmem>> -> memref<8192xf32, #tpu.memory_space<vmem>>
    %dma_start3A_597 = tpu.memref_slice %arg3[%add3A_579] : memref<4194304xf32, #tpu.memory_space<hbm>> -> memref<8192xf32, #tpu.memory_space<hbm>>
    tpu.enqueue_dma source(%dma_start3A_597 : memref<8192xf32, #tpu.memory_space<hbm>>) target(%dma_start3A_596 : memref<8192xf32, #tpu.memory_space<vmem>>) target_semaphore(%arg16 : memref<!tpu.dma_semaphore, #tpu.memory_space<semaphore_mem>>)
    %dma_start3A_598 = arith.constant 2 : i32
    %dma_start3A_599 = arith.constant 0 : i32
    %dma_start3A_600 = tpu.memref_slice %arg9[%dma_start3A_598, %dma_start3A_599] : memref<3x8192xf32, #tpu.memory_space<vmem>> -> memref<1x8192xf32, #tpu.memory_space<vmem>>
    %dma_start3A_601 = tpu.memref_squeeze %dma_start3A_600 : memref<1x8192xf32, #tpu.memory_space<vmem>> -> memref<8192xf32, #tpu.memory_space<vmem>>
    %dma_start3A_602 = tpu.memref_slice %arg4[%add3A_579] : memref<4194304xf32, #tpu.memory_space<hbm>> -> memref<8192xf32, #tpu.memory_space<hbm>>
    %dma_start3A_603 = arith.constant 0 : i32
    %dma_start3A_604 = tpu.memref_slice %arg9[%dma_start3A_598, %dma_start3A_603] : memref<3x8192xf32, #tpu.memory_space<vmem>> -> memref<1x8192xf32, #tpu.memory_space<vmem>>
    %dma_start3A_605 = tpu.memref_squeeze %dma_start3A_604 : memref<1x8192xf32, #tpu.memory_space<vmem>> -> memref<8192xf32, #tpu.memory_space<vmem>>
    %dma_start3A_606 = tpu.memref_slice %arg4[%add3A_579] : memref<4194304xf32, #tpu.memory_space<hbm>> -> memref<8192xf32, #tpu.memory_space<hbm>>
    tpu.enqueue_dma source(%dma_start3A_606 : memref<8192xf32, #tpu.memory_space<hbm>>) target(%dma_start3A_605 : memref<8192xf32, #tpu.memory_space<vmem>>) target_semaphore(%arg16 : memref<!tpu.dma_semaphore, #tpu.memory_space<semaphore_mem>>)
    %dma_start3A_607 = arith.constant 2 : i32
    %dma_start3A_608 = arith.constant 0 : i32
    %dma_start3A_609 = tpu.memref_slice %arg10[%dma_start3A_607, %dma_start3A_608] : memref<3x8192xi32, #tpu.memory_space<vmem>> -> memref<1x8192xi32, #tpu.memory_space<vmem>>
    %dma_start3A_610 = tpu.memref_squeeze %dma_start3A_609 : memref<1x8192xi32, #tpu.memory_space<vmem>> -> memref<8192xi32, #tpu.memory_space<vmem>>
    %dma_start3A_611 = tpu.memref_slice %arg5[%add3A_579] : memref<4194304xi32, #tpu.memory_space<hbm>> -> memref<8192xi32, #tpu.memory_space<hbm>>
    %dma_start3A_612 = arith.constant 0 : i32
    %dma_start3A_613 = tpu.memref_slice %arg10[%dma_start3A_607, %dma_start3A_612] : memref<3x8192xi32, #tpu.memory_space<vmem>> -> memref<1x8192xi32, #tpu.memory_space<vmem>>
    %dma_start3A_614 = tpu.memref_squeeze %dma_start3A_613 : memref<1x8192xi32, #tpu.memory_space<vmem>> -> memref<8192xi32, #tpu.memory_space<vmem>>
    %dma_start3A_615 = tpu.memref_slice %arg5[%add3A_579] : memref<4194304xi32, #tpu.memory_space<hbm>> -> memref<8192xi32, #tpu.memory_space<hbm>>
    tpu.enqueue_dma source(%dma_start3A_615 : memref<8192xi32, #tpu.memory_space<hbm>>) target(%dma_start3A_614 : memref<8192xi32, #tpu.memory_space<vmem>>) target_semaphore(%arg16 : memref<!tpu.dma_semaphore, #tpu.memory_space<semaphore_mem>>)
    %parallel_loop3A_616 = arith.constant 0 : i32
    %parallel_loop3A_617 = arith.constant 256 : i32
    %parallel_loop3A_618 = arith.constant 1 : i32
    scf.for %parallel_loop3A_1239 = %parallel_loop3A_616 to %parallel_loop3A_617 step %parallel_loop3A_618  : i32 {
      %parallel_loop3A_1240 = arith.constant 32 : i32
      %parallel_loop3A_1241 = arith.muli %parallel_loop3A_1239, %parallel_loop3A_1240 : i32
      %parallel_loop3A_1242 = arith.constant 0 : i32
      %parallel_loop3A_1243 = arith.addi %parallel_loop3A_1241, %parallel_loop3A_1242 : i32
      %parallel_loop3A_1244 = arith.constant 0 : i32
      %parallel_loop3A_1245 = arith.index_cast %parallel_loop3A_1244 : i32 to index
      %parallel_loop3A_1246 = arith.index_cast %parallel_loop3A_1243 : i32 to index
      %parallel_loop3A_1247 = tpu.vector_load %arg7[%parallel_loop3A_1245, %parallel_loop3A_1246] {strides = array<i32>} : memref<3x8192xf32, #tpu.memory_space<vmem>>, vector<16xf32>,
      %parallel_loop3A_1248 = arith.constant 0 : i32
      %parallel_loop3A_1249 = arith.index_cast %parallel_loop3A_1248 : i32 to index
      %parallel_loop3A_1250 = arith.index_cast %parallel_loop3A_1243 : i32 to index
      %parallel_loop3A_1251 = tpu.vector_load %arg8[%parallel_loop3A_1249, %parallel_loop3A_1250] {strides = array<i32>} : memref<3x8192xf32, #tpu.memory_space<vmem>>, vector<16xf32>,
      %parallel_loop3A_1252 = arith.constant 0 : i32
      %parallel_loop3A_1253 = arith.index_cast %parallel_loop3A_1252 : i32 to index
      %parallel_loop3A_1254 = arith.index_cast %parallel_loop3A_1243 : i32 to index
      %parallel_loop3A_1255 = tpu.vector_load %arg9[%parallel_loop3A_1253, %parallel_loop3A_1254] {strides = array<i32>} : memref<3x8192xf32, #tpu.memory_space<vmem>>, vector<16xf32>,
      %parallel_loop3A_1256 = arith.constant 0 : i32
      %parallel_loop3A_1257 = arith.index_cast %parallel_loop3A_1256 : i32 to index
      %parallel_loop3A_1258 = arith.index_cast %parallel_loop3A_1243 : i32 to index
      %parallel_loop3A_1259 = tpu.vector_load %arg10[%parallel_loop3A_1257, %parallel_loop3A_1258] {strides = array<i32>} : memref<3x8192xi32, #tpu.memory_space<vmem>>, vector<16xi32>,
      %parallel_loop3A_1260 = arith.constant 16 : i32
      %parallel_loop3A_1261 = vector.broadcast %parallel_loop3A_1260 : i32 to vector<16xi32>
      %parallel_loop3A_1262 = arith.muli %parallel_loop3A_1259, %parallel_loop3A_1261 : vector<16xi32>
      %parallel_loop3A_1263 = arith.addi %parallel_loop3A_1262, %iota3A : vector<16xi32>
      %parallel_loop3A_1264 = arith.mulf %parallel_loop3A_1247, %parallel_loop3A_1251 : vector<16xf32>
      %parallel_loop3A_1265 = arith.mulf %parallel_loop3A_1264, %parallel_loop3A_1255 : vector<16xf32>
      tpu.vector_store_idx %arg11[%parallel_loop3A_1263], %parallel_loop3A_1265 {add = true} : memref<8192xf32, #tpu.memory_space<vmem>>[vector<16xi32>], vector<16xf32>,
      %parallel_loop3A_1266 = arith.constant 16 : i32
      %parallel_loop3A_1267 = arith.addi %parallel_loop3A_1241, %parallel_loop3A_1266 : i32
      %parallel_loop3A_1268 = arith.constant 0 : i32
      %parallel_loop3A_1269 = arith.index_cast %parallel_loop3A_1268 : i32 to index
      %parallel_loop3A_1270 = arith.index_cast %parallel_loop3A_1267 : i32 to index
      %parallel_loop3A_1271 = tpu.vector_load %arg7[%parallel_loop3A_1269, %parallel_loop3A_1270] {strides = array<i32>} : memref<3x8192xf32, #tpu.memory_space<vmem>>, vector<16xf32>,
      %parallel_loop3A_1272 = arith.constant 0 : i32
      %parallel_loop3A_1273 = arith.index_cast %parallel_loop3A_1272 : i32 to index
      %parallel_loop3A_1274 = arith.index_cast %parallel_loop3A_1267 : i32 to index
      %parallel_loop3A_1275 = tpu.vector_load %arg8[%parallel_loop3A_1273, %parallel_loop3A_1274] {strides = array<i32>} : memref<3x8192xf32, #tpu.memory_space<vmem>>, vector<16xf32>,
      %parallel_loop3A_1276 = arith.constant 0 : i32
      %parallel_loop3A_1277 = arith.index_cast %parallel_loop3A_1276 : i32 to index
      %parallel_loop3A_1278 = arith.index_cast %parallel_loop3A_1267 : i32 to index
      %parallel_loop3A_1279 = tpu.vector_load %arg9[%parallel_loop3A_1277, %parallel_loop3A_1278] {strides = array<i32>} : memref<3x8192xf32, #tpu.memory_space<vmem>>, vector<16xf32>,
      %parallel_loop3A_1280 = arith.constant 0 : i32
      %parallel_loop3A_1281 = arith.index_cast %parallel_loop3A_1280 : i32 to index
      %parallel_loop3A_1282 = arith.index_cast %parallel_loop3A_1267 : i32 to index
      %parallel_loop3A_1283 = tpu.vector_load %arg10[%parallel_loop3A_1281, %parallel_loop3A_1282] {strides = array<i32>} : memref<3x8192xi32, #tpu.memory_space<vmem>>, vector<16xi32>,
      %parallel_loop3A_1284 = arith.constant 16 : i32
      %parallel_loop3A_1285 = vector.broadcast %parallel_loop3A_1284 : i32 to vector<16xi32>
      %parallel_loop3A_1286 = arith.muli %parallel_loop3A_1283, %parallel_loop3A_1285 : vector<16xi32>
      %parallel_loop3A_1287 = arith.addi %parallel_loop3A_1286, %iota3A : vector<16xi32>
      %parallel_loop3A_1288 = arith.mulf %parallel_loop3A_1271, %parallel_loop3A_1275 : vector<16xf32>
      %parallel_loop3A_1289 = arith.mulf %parallel_loop3A_1288, %parallel_loop3A_1279 : vector<16xf32>
      tpu.vector_store_idx %arg12[%parallel_loop3A_1287], %parallel_loop3A_1289 {add = true} : memref<8192xf32, #tpu.memory_space<vmem>>[vector<16xi32>], vector<16xf32>,
    } {sc.loop_unroll_factor = 4 : i64, sc.parallel_access}
    %dma_wait3A_619 = arith.constant 1 : i32
    %dma_wait3A_620 = arith.constant 0 : i32
    %dma_wait3A_621 = tpu.memref_slice %arg7[%dma_wait3A_619, %dma_wait3A_620] : memref<3x8192xf32, #tpu.memory_space<vmem>> -> memref<1x8192xf32, #tpu.memory_space<vmem>>
    %dma_wait3A_622 = tpu.memref_squeeze %dma_wait3A_621 : memref<1x8192xf32, #tpu.memory_space<vmem>> -> memref<8192xf32, #tpu.memory_space<vmem>>
    %dma_wait3A_623 = tpu.memref_slice %arg2[%add3A_502] : memref<4194304xf32, #tpu.memory_space<hbm>> -> memref<8192xf32, #tpu.memory_space<hbm>>
    %dma_wait3A_624 = arith.constant 0 : i32
    %dma_wait3A_625 = tpu.memref_slice %arg7[%dma_wait3A_619, %dma_wait3A_624] : memref<3x8192xf32, #tpu.memory_space<vmem>> -> memref<1x8192xf32, #tpu.memory_space<vmem>>
    %dma_wait3A_626 = tpu.memref_squeeze %dma_wait3A_625 : memref<1x8192xf32, #tpu.memory_space<vmem>> -> memref<8192xf32, #tpu.memory_space<vmem>>
    %dma_wait3A_627 = tpu.memref_slice %arg2[%add3A_502] : memref<4194304xf32, #tpu.memory_space<hbm>> -> memref<8192xf32, #tpu.memory_space<hbm>>
    tpu.wait_dma2 semaphore(%arg15 : memref<!tpu.dma_semaphore, #tpu.memory_space<semaphore_mem>>) src(%dma_wait3A_627 : memref<8192xf32, #tpu.memory_space<hbm>>) dst(%dma_wait3A_626 : memref<8192xf32, #tpu.memory_space<vmem>>)
    %dma_wait3A_628 = arith.constant 1 : i32
    %dma_wait3A_629 = arith.constant 0 : i32
    %dma_wait3A_630 = tpu.memref_slice %arg8[%dma_wait3A_628, %dma_wait3A_629] : memref<3x8192xf32, #tpu.memory_space<vmem>> -> memref<1x8192xf32, #tpu.memory_space<vmem>>
    %dma_wait3A_631 = tpu.memref_squeeze %dma_wait3A_630 : memref<1x8192xf32, #tpu.memory_space<vmem>> -> memref<8192xf32, #tpu.memory_space<vmem>>
    %dma_wait3A_632 = tpu.memref_slice %arg3[%add3A_502] : memref<4194304xf32, #tpu.memory_space<hbm>> -> memref<8192xf32, #tpu.memory_space<hbm>>
    %dma_wait3A_633 = arith.constant 0 : i32
    %dma_wait3A_634 = tpu.memref_slice %arg8[%dma_wait3A_628, %dma_wait3A_633] : memref<3x8192xf32, #tpu.memory_space<vmem>> -> memref<1x8192xf32, #tpu.memory_space<vmem>>
    %dma_wait3A_635 = tpu.memref_squeeze %dma_wait3A_634 : memref<1x8192xf32, #tpu.memory_space<vmem>> -> memref<8192xf32, #tpu.memory_space<vmem>>
    %dma_wait3A_636 = tpu.memref_slice %arg3[%add3A_502] : memref<4194304xf32, #tpu.memory_space<hbm>> -> memref<8192xf32, #tpu.memory_space<hbm>>
    tpu.wait_dma2 semaphore(%arg15 : memref<!tpu.dma_semaphore, #tpu.memory_space<semaphore_mem>>) src(%dma_wait3A_636 : memref<8192xf32, #tpu.memory_space<hbm>>) dst(%dma_wait3A_635 : memref<8192xf32, #tpu.memory_space<vmem>>)
    %dma_wait3A_637 = arith.constant 1 : i32
    %dma_wait3A_638 = arith.constant 0 : i32
    %dma_wait3A_639 = tpu.memref_slice %arg9[%dma_wait3A_637, %dma_wait3A_638] : memref<3x8192xf32, #tpu.memory_space<vmem>> -> memref<1x8192xf32, #tpu.memory_space<vmem>>
    %dma_wait3A_640 = tpu.memref_squeeze %dma_wait3A_639 : memref<1x8192xf32, #tpu.memory_space<vmem>> -> memref<8192xf32, #tpu.memory_space<vmem>>
    %dma_wait3A_641 = tpu.memref_slice %arg4[%add3A_502] : memref<4194304xf32, #tpu.memory_space<hbm>> -> memref<8192xf32, #tpu.memory_space<hbm>>
    %dma_wait3A_642 = arith.constant 0 : i32
    %dma_wait3A_643 = tpu.memref_slice %arg9[%dma_wait3A_637, %dma_wait3A_642] : memref<3x8192xf32, #tpu.memory_space<vmem>> -> memref<1x8192xf32, #tpu.memory_space<vmem>>
    %dma_wait3A_644 = tpu.memref_squeeze %dma_wait3A_643 : memref<1x8192xf32, #tpu.memory_space<vmem>> -> memref<8192xf32, #tpu.memory_space<vmem>>
    %dma_wait3A_645 = tpu.memref_slice %arg4[%add3A_502] : memref<4194304xf32, #tpu.memory_space<hbm>> -> memref<8192xf32, #tpu.memory_space<hbm>>
    tpu.wait_dma2 semaphore(%arg15 : memref<!tpu.dma_semaphore, #tpu.memory_space<semaphore_mem>>) src(%dma_wait3A_645 : memref<8192xf32, #tpu.memory_space<hbm>>) dst(%dma_wait3A_644 : memref<8192xf32, #tpu.memory_space<vmem>>)
    %dma_wait3A_646 = arith.constant 1 : i32
    %dma_wait3A_647 = arith.constant 0 : i32
    %dma_wait3A_648 = tpu.memref_slice %arg10[%dma_wait3A_646, %dma_wait3A_647] : memref<3x8192xi32, #tpu.memory_space<vmem>> -> memref<1x8192xi32, #tpu.memory_space<vmem>>
    %dma_wait3A_649 = tpu.memref_squeeze %dma_wait3A_648 : memref<1x8192xi32, #tpu.memory_space<vmem>> -> memref<8192xi32, #tpu.memory_space<vmem>>
    %dma_wait3A_650 = tpu.memref_slice %arg5[%add3A_502] : memref<4194304xi32, #tpu.memory_space<hbm>> -> memref<8192xi32, #tpu.memory_space<hbm>>
    %dma_wait3A_651 = arith.constant 0 : i32
    %dma_wait3A_652 = tpu.memref_slice %arg10[%dma_wait3A_646, %dma_wait3A_651] : memref<3x8192xi32, #tpu.memory_space<vmem>> -> memref<1x8192xi32, #tpu.memory_space<vmem>>
    %dma_wait3A_653 = tpu.memref_squeeze %dma_wait3A_652 : memref<1x8192xi32, #tpu.memory_space<vmem>> -> memref<8192xi32, #tpu.memory_space<vmem>>
    %dma_wait3A_654 = tpu.memref_slice %arg5[%add3A_502] : memref<4194304xi32, #tpu.memory_space<hbm>> -> memref<8192xi32, #tpu.memory_space<hbm>>
    tpu.wait_dma2 semaphore(%arg15 : memref<!tpu.dma_semaphore, #tpu.memory_space<semaphore_mem>>) src(%dma_wait3A_654 : memref<8192xi32, #tpu.memory_space<hbm>>) dst(%dma_wait3A_653 : memref<8192xi32, #tpu.memory_space<vmem>>)
    %add3A_655 = arith.constant 73728 : i32
    %add3A_656 = arith.addi %mul3A_2, %add3A_655 : i32
    %dma_start3A_657 = arith.constant 0 : i32
    %dma_start3A_658 = arith.constant 0 : i32
    %dma_start3A_659 = tpu.memref_slice %arg7[%dma_start3A_657, %dma_start3A_658] : memref<3x8192xf32, #tpu.memory_space<vmem>> -> memref<1x8192xf32, #tpu.memory_space<vmem>>
    %dma_start3A_660 = tpu.memref_squeeze %dma_start3A_659 : memref<1x8192xf32, #tpu.memory_space<vmem>> -> memref<8192xf32, #tpu.memory_space<vmem>>
    %dma_start3A_661 = tpu.memref_slice %arg2[%add3A_656] : memref<4194304xf32, #tpu.memory_space<hbm>> -> memref<8192xf32, #tpu.memory_space<hbm>>
    %dma_start3A_662 = arith.constant 0 : i32
    %dma_start3A_663 = tpu.memref_slice %arg7[%dma_start3A_657, %dma_start3A_662] : memref<3x8192xf32, #tpu.memory_space<vmem>> -> memref<1x8192xf32, #tpu.memory_space<vmem>>
    %dma_start3A_664 = tpu.memref_squeeze %dma_start3A_663 : memref<1x8192xf32, #tpu.memory_space<vmem>> -> memref<8192xf32, #tpu.memory_space<vmem>>
    %dma_start3A_665 = tpu.memref_slice %arg2[%add3A_656] : memref<4194304xf32, #tpu.memory_space<hbm>> -> memref<8192xf32, #tpu.memory_space<hbm>>
    tpu.enqueue_dma source(%dma_start3A_665 : memref<8192xf32, #tpu.memory_space<hbm>>) target(%dma_start3A_664 : memref<8192xf32, #tpu.memory_space<vmem>>) target_semaphore(%arg14 : memref<!tpu.dma_semaphore, #tpu.memory_space<semaphore_mem>>)
    %dma_start3A_666 = arith.constant 0 : i32
    %dma_start3A_667 = arith.constant 0 : i32
    %dma_start3A_668 = tpu.memref_slice %arg8[%dma_start3A_666, %dma_start3A_667] : memref<3x8192xf32, #tpu.memory_space<vmem>> -> memref<1x8192xf32, #tpu.memory_space<vmem>>
    %dma_start3A_669 = tpu.memref_squeeze %dma_start3A_668 : memref<1x8192xf32, #tpu.memory_space<vmem>> -> memref<8192xf32, #tpu.memory_space<vmem>>
    %dma_start3A_670 = tpu.memref_slice %arg3[%add3A_656] : memref<4194304xf32, #tpu.memory_space<hbm>> -> memref<8192xf32, #tpu.memory_space<hbm>>
    %dma_start3A_671 = arith.constant 0 : i32
    %dma_start3A_672 = tpu.memref_slice %arg8[%dma_start3A_666, %dma_start3A_671] : memref<3x8192xf32, #tpu.memory_space<vmem>> -> memref<1x8192xf32, #tpu.memory_space<vmem>>
    %dma_start3A_673 = tpu.memref_squeeze %dma_start3A_672 : memref<1x8192xf32, #tpu.memory_space<vmem>> -> memref<8192xf32, #tpu.memory_space<vmem>>
    %dma_start3A_674 = tpu.memref_slice %arg3[%add3A_656] : memref<4194304xf32, #tpu.memory_space<hbm>> -> memref<8192xf32, #tpu.memory_space<hbm>>
    tpu.enqueue_dma source(%dma_start3A_674 : memref<8192xf32, #tpu.memory_space<hbm>>) target(%dma_start3A_673 : memref<8192xf32, #tpu.memory_space<vmem>>) target_semaphore(%arg14 : memref<!tpu.dma_semaphore, #tpu.memory_space<semaphore_mem>>)
    %dma_start3A_675 = arith.constant 0 : i32
    %dma_start3A_676 = arith.constant 0 : i32
    %dma_start3A_677 = tpu.memref_slice %arg9[%dma_start3A_675, %dma_start3A_676] : memref<3x8192xf32, #tpu.memory_space<vmem>> -> memref<1x8192xf32, #tpu.memory_space<vmem>>
    %dma_start3A_678 = tpu.memref_squeeze %dma_start3A_677 : memref<1x8192xf32, #tpu.memory_space<vmem>> -> memref<8192xf32, #tpu.memory_space<vmem>>
    %dma_start3A_679 = tpu.memref_slice %arg4[%add3A_656] : memref<4194304xf32, #tpu.memory_space<hbm>> -> memref<8192xf32, #tpu.memory_space<hbm>>
    %dma_start3A_680 = arith.constant 0 : i32
    %dma_start3A_681 = tpu.memref_slice %arg9[%dma_start3A_675, %dma_start3A_680] : memref<3x8192xf32, #tpu.memory_space<vmem>> -> memref<1x8192xf32, #tpu.memory_space<vmem>>
    %dma_start3A_682 = tpu.memref_squeeze %dma_start3A_681 : memref<1x8192xf32, #tpu.memory_space<vmem>> -> memref<8192xf32, #tpu.memory_space<vmem>>
    %dma_start3A_683 = tpu.memref_slice %arg4[%add3A_656] : memref<4194304xf32, #tpu.memory_space<hbm>> -> memref<8192xf32, #tpu.memory_space<hbm>>
    tpu.enqueue_dma source(%dma_start3A_683 : memref<8192xf32, #tpu.memory_space<hbm>>) target(%dma_start3A_682 : memref<8192xf32, #tpu.memory_space<vmem>>) target_semaphore(%arg14 : memref<!tpu.dma_semaphore, #tpu.memory_space<semaphore_mem>>)
    %dma_start3A_684 = arith.constant 0 : i32
    %dma_start3A_685 = arith.constant 0 : i32
    %dma_start3A_686 = tpu.memref_slice %arg10[%dma_start3A_684, %dma_start3A_685] : memref<3x8192xi32, #tpu.memory_space<vmem>> -> memref<1x8192xi32, #tpu.memory_space<vmem>>
    %dma_start3A_687 = tpu.memref_squeeze %dma_start3A_686 : memref<1x8192xi32, #tpu.memory_space<vmem>> -> memref<8192xi32, #tpu.memory_space<vmem>>
    %dma_start3A_688 = tpu.memref_slice %arg5[%add3A_656] : memref<4194304xi32, #tpu.memory_space<hbm>> -> memref<8192xi32, #tpu.memory_space<hbm>>
    %dma_start3A_689 = arith.constant 0 : i32
    %dma_start3A_690 = tpu.memref_slice %arg10[%dma_start3A_684, %dma_start3A_689] : memref<3x8192xi32, #tpu.memory_space<vmem>> -> memref<1x8192xi32, #tpu.memory_space<vmem>>
    %dma_start3A_691 = tpu.memref_squeeze %dma_start3A_690 : memref<1x8192xi32, #tpu.memory_space<vmem>> -> memref<8192xi32, #tpu.memory_space<vmem>>
    %dma_start3A_692 = tpu.memref_slice %arg5[%add3A_656] : memref<4194304xi32, #tpu.memory_space<hbm>> -> memref<8192xi32, #tpu.memory_space<hbm>>
    tpu.enqueue_dma source(%dma_start3A_692 : memref<8192xi32, #tpu.memory_space<hbm>>) target(%dma_start3A_691 : memref<8192xi32, #tpu.memory_space<vmem>>) target_semaphore(%arg14 : memref<!tpu.dma_semaphore, #tpu.memory_space<semaphore_mem>>)
    %parallel_loop3A_693 = arith.constant 0 : i32
    %parallel_loop3A_694 = arith.constant 256 : i32
    %parallel_loop3A_695 = arith.constant 1 : i32
    scf.for %parallel_loop3A_1239 = %parallel_loop3A_693 to %parallel_loop3A_694 step %parallel_loop3A_695  : i32 {
      %parallel_loop3A_1240 = arith.constant 32 : i32
      %parallel_loop3A_1241 = arith.muli %parallel_loop3A_1239, %parallel_loop3A_1240 : i32
      %parallel_loop3A_1242 = arith.constant 0 : i32
      %parallel_loop3A_1243 = arith.addi %parallel_loop3A_1241, %parallel_loop3A_1242 : i32
      %parallel_loop3A_1244 = arith.constant 1 : i32
      %parallel_loop3A_1245 = arith.index_cast %parallel_loop3A_1244 : i32 to index
      %parallel_loop3A_1246 = arith.index_cast %parallel_loop3A_1243 : i32 to index
      %parallel_loop3A_1247 = tpu.vector_load %arg7[%parallel_loop3A_1245, %parallel_loop3A_1246] {strides = array<i32>} : memref<3x8192xf32, #tpu.memory_space<vmem>>, vector<16xf32>,
      %parallel_loop3A_1248 = arith.constant 1 : i32
      %parallel_loop3A_1249 = arith.index_cast %parallel_loop3A_1248 : i32 to index
      %parallel_loop3A_1250 = arith.index_cast %parallel_loop3A_1243 : i32 to index
      %parallel_loop3A_1251 = tpu.vector_load %arg8[%parallel_loop3A_1249, %parallel_loop3A_1250] {strides = array<i32>} : memref<3x8192xf32, #tpu.memory_space<vmem>>, vector<16xf32>,
      %parallel_loop3A_1252 = arith.constant 1 : i32
      %parallel_loop3A_1253 = arith.index_cast %parallel_loop3A_1252 : i32 to index
      %parallel_loop3A_1254 = arith.index_cast %parallel_loop3A_1243 : i32 to index
      %parallel_loop3A_1255 = tpu.vector_load %arg9[%parallel_loop3A_1253, %parallel_loop3A_1254] {strides = array<i32>} : memref<3x8192xf32, #tpu.memory_space<vmem>>, vector<16xf32>,
      %parallel_loop3A_1256 = arith.constant 1 : i32
      %parallel_loop3A_1257 = arith.index_cast %parallel_loop3A_1256 : i32 to index
      %parallel_loop3A_1258 = arith.index_cast %parallel_loop3A_1243 : i32 to index
      %parallel_loop3A_1259 = tpu.vector_load %arg10[%parallel_loop3A_1257, %parallel_loop3A_1258] {strides = array<i32>} : memref<3x8192xi32, #tpu.memory_space<vmem>>, vector<16xi32>,
      %parallel_loop3A_1260 = arith.constant 16 : i32
      %parallel_loop3A_1261 = vector.broadcast %parallel_loop3A_1260 : i32 to vector<16xi32>
      %parallel_loop3A_1262 = arith.muli %parallel_loop3A_1259, %parallel_loop3A_1261 : vector<16xi32>
      %parallel_loop3A_1263 = arith.addi %parallel_loop3A_1262, %iota3A : vector<16xi32>
      %parallel_loop3A_1264 = arith.mulf %parallel_loop3A_1247, %parallel_loop3A_1251 : vector<16xf32>
      %parallel_loop3A_1265 = arith.mulf %parallel_loop3A_1264, %parallel_loop3A_1255 : vector<16xf32>
      tpu.vector_store_idx %arg11[%parallel_loop3A_1263], %parallel_loop3A_1265 {add = true} : memref<8192xf32, #tpu.memory_space<vmem>>[vector<16xi32>], vector<16xf32>,
      %parallel_loop3A_1266 = arith.constant 16 : i32
      %parallel_loop3A_1267 = arith.addi %parallel_loop3A_1241, %parallel_loop3A_1266 : i32
      %parallel_loop3A_1268 = arith.constant 1 : i32
      %parallel_loop3A_1269 = arith.index_cast %parallel_loop3A_1268 : i32 to index
      %parallel_loop3A_1270 = arith.index_cast %parallel_loop3A_1267 : i32 to index
      %parallel_loop3A_1271 = tpu.vector_load %arg7[%parallel_loop3A_1269, %parallel_loop3A_1270] {strides = array<i32>} : memref<3x8192xf32, #tpu.memory_space<vmem>>, vector<16xf32>,
      %parallel_loop3A_1272 = arith.constant 1 : i32
      %parallel_loop3A_1273 = arith.index_cast %parallel_loop3A_1272 : i32 to index
      %parallel_loop3A_1274 = arith.index_cast %parallel_loop3A_1267 : i32 to index
      %parallel_loop3A_1275 = tpu.vector_load %arg8[%parallel_loop3A_1273, %parallel_loop3A_1274] {strides = array<i32>} : memref<3x8192xf32, #tpu.memory_space<vmem>>, vector<16xf32>,
      %parallel_loop3A_1276 = arith.constant 1 : i32
      %parallel_loop3A_1277 = arith.index_cast %parallel_loop3A_1276 : i32 to index
      %parallel_loop3A_1278 = arith.index_cast %parallel_loop3A_1267 : i32 to index
      %parallel_loop3A_1279 = tpu.vector_load %arg9[%parallel_loop3A_1277, %parallel_loop3A_1278] {strides = array<i32>} : memref<3x8192xf32, #tpu.memory_space<vmem>>, vector<16xf32>,
      %parallel_loop3A_1280 = arith.constant 1 : i32
      %parallel_loop3A_1281 = arith.index_cast %parallel_loop3A_1280 : i32 to index
      %parallel_loop3A_1282 = arith.index_cast %parallel_loop3A_1267 : i32 to index
      %parallel_loop3A_1283 = tpu.vector_load %arg10[%parallel_loop3A_1281, %parallel_loop3A_1282] {strides = array<i32>} : memref<3x8192xi32, #tpu.memory_space<vmem>>, vector<16xi32>,
      %parallel_loop3A_1284 = arith.constant 16 : i32
      %parallel_loop3A_1285 = vector.broadcast %parallel_loop3A_1284 : i32 to vector<16xi32>
      %parallel_loop3A_1286 = arith.muli %parallel_loop3A_1283, %parallel_loop3A_1285 : vector<16xi32>
      %parallel_loop3A_1287 = arith.addi %parallel_loop3A_1286, %iota3A : vector<16xi32>
      %parallel_loop3A_1288 = arith.mulf %parallel_loop3A_1271, %parallel_loop3A_1275 : vector<16xf32>
      %parallel_loop3A_1289 = arith.mulf %parallel_loop3A_1288, %parallel_loop3A_1279 : vector<16xf32>
      tpu.vector_store_idx %arg12[%parallel_loop3A_1287], %parallel_loop3A_1289 {add = true} : memref<8192xf32, #tpu.memory_space<vmem>>[vector<16xi32>], vector<16xf32>,
    } {sc.loop_unroll_factor = 4 : i64, sc.parallel_access}
    %dma_wait3A_696 = arith.constant 2 : i32
    %dma_wait3A_697 = arith.constant 0 : i32
    %dma_wait3A_698 = tpu.memref_slice %arg7[%dma_wait3A_696, %dma_wait3A_697] : memref<3x8192xf32, #tpu.memory_space<vmem>> -> memref<1x8192xf32, #tpu.memory_space<vmem>>
    %dma_wait3A_699 = tpu.memref_squeeze %dma_wait3A_698 : memref<1x8192xf32, #tpu.memory_space<vmem>> -> memref<8192xf32, #tpu.memory_space<vmem>>
    %dma_wait3A_700 = tpu.memref_slice %arg2[%add3A_579] : memref<4194304xf32, #tpu.memory_space<hbm>> -> memref<8192xf32, #tpu.memory_space<hbm>>
    %dma_wait3A_701 = arith.constant 0 : i32
    %dma_wait3A_702 = tpu.memref_slice %arg7[%dma_wait3A_696, %dma_wait3A_701] : memref<3x8192xf32, #tpu.memory_space<vmem>> -> memref<1x8192xf32, #tpu.memory_space<vmem>>
    %dma_wait3A_703 = tpu.memref_squeeze %dma_wait3A_702 : memref<1x8192xf32, #tpu.memory_space<vmem>> -> memref<8192xf32, #tpu.memory_space<vmem>>
    %dma_wait3A_704 = tpu.memref_slice %arg2[%add3A_579] : memref<4194304xf32, #tpu.memory_space<hbm>> -> memref<8192xf32, #tpu.memory_space<hbm>>
    tpu.wait_dma2 semaphore(%arg16 : memref<!tpu.dma_semaphore, #tpu.memory_space<semaphore_mem>>) src(%dma_wait3A_704 : memref<8192xf32, #tpu.memory_space<hbm>>) dst(%dma_wait3A_703 : memref<8192xf32, #tpu.memory_space<vmem>>)
    %dma_wait3A_705 = arith.constant 2 : i32
    %dma_wait3A_706 = arith.constant 0 : i32
    %dma_wait3A_707 = tpu.memref_slice %arg8[%dma_wait3A_705, %dma_wait3A_706] : memref<3x8192xf32, #tpu.memory_space<vmem>> -> memref<1x8192xf32, #tpu.memory_space<vmem>>
    %dma_wait3A_708 = tpu.memref_squeeze %dma_wait3A_707 : memref<1x8192xf32, #tpu.memory_space<vmem>> -> memref<8192xf32, #tpu.memory_space<vmem>>
    %dma_wait3A_709 = tpu.memref_slice %arg3[%add3A_579] : memref<4194304xf32, #tpu.memory_space<hbm>> -> memref<8192xf32, #tpu.memory_space<hbm>>
    %dma_wait3A_710 = arith.constant 0 : i32
    %dma_wait3A_711 = tpu.memref_slice %arg8[%dma_wait3A_705, %dma_wait3A_710] : memref<3x8192xf32, #tpu.memory_space<vmem>> -> memref<1x8192xf32, #tpu.memory_space<vmem>>
    %dma_wait3A_712 = tpu.memref_squeeze %dma_wait3A_711 : memref<1x8192xf32, #tpu.memory_space<vmem>> -> memref<8192xf32, #tpu.memory_space<vmem>>
    %dma_wait3A_713 = tpu.memref_slice %arg3[%add3A_579] : memref<4194304xf32, #tpu.memory_space<hbm>> -> memref<8192xf32, #tpu.memory_space<hbm>>
    tpu.wait_dma2 semaphore(%arg16 : memref<!tpu.dma_semaphore, #tpu.memory_space<semaphore_mem>>) src(%dma_wait3A_713 : memref<8192xf32, #tpu.memory_space<hbm>>) dst(%dma_wait3A_712 : memref<8192xf32, #tpu.memory_space<vmem>>)
    %dma_wait3A_714 = arith.constant 2 : i32
    %dma_wait3A_715 = arith.constant 0 : i32
    %dma_wait3A_716 = tpu.memref_slice %arg9[%dma_wait3A_714, %dma_wait3A_715] : memref<3x8192xf32, #tpu.memory_space<vmem>> -> memref<1x8192xf32, #tpu.memory_space<vmem>>
    %dma_wait3A_717 = tpu.memref_squeeze %dma_wait3A_716 : memref<1x8192xf32, #tpu.memory_space<vmem>> -> memref<8192xf32, #tpu.memory_space<vmem>>
    %dma_wait3A_718 = tpu.memref_slice %arg4[%add3A_579] : memref<4194304xf32, #tpu.memory_space<hbm>> -> memref<8192xf32, #tpu.memory_space<hbm>>
    %dma_wait3A_719 = arith.constant 0 : i32
    %dma_wait3A_720 = tpu.memref_slice %arg9[%dma_wait3A_714, %dma_wait3A_719] : memref<3x8192xf32, #tpu.memory_space<vmem>> -> memref<1x8192xf32, #tpu.memory_space<vmem>>
    %dma_wait3A_721 = tpu.memref_squeeze %dma_wait3A_720 : memref<1x8192xf32, #tpu.memory_space<vmem>> -> memref<8192xf32, #tpu.memory_space<vmem>>
    %dma_wait3A_722 = tpu.memref_slice %arg4[%add3A_579] : memref<4194304xf32, #tpu.memory_space<hbm>> -> memref<8192xf32, #tpu.memory_space<hbm>>
    tpu.wait_dma2 semaphore(%arg16 : memref<!tpu.dma_semaphore, #tpu.memory_space<semaphore_mem>>) src(%dma_wait3A_722 : memref<8192xf32, #tpu.memory_space<hbm>>) dst(%dma_wait3A_721 : memref<8192xf32, #tpu.memory_space<vmem>>)
    %dma_wait3A_723 = arith.constant 2 : i32
    %dma_wait3A_724 = arith.constant 0 : i32
    %dma_wait3A_725 = tpu.memref_slice %arg10[%dma_wait3A_723, %dma_wait3A_724] : memref<3x8192xi32, #tpu.memory_space<vmem>> -> memref<1x8192xi32, #tpu.memory_space<vmem>>
    %dma_wait3A_726 = tpu.memref_squeeze %dma_wait3A_725 : memref<1x8192xi32, #tpu.memory_space<vmem>> -> memref<8192xi32, #tpu.memory_space<vmem>>
    %dma_wait3A_727 = tpu.memref_slice %arg5[%add3A_579] : memref<4194304xi32, #tpu.memory_space<hbm>> -> memref<8192xi32, #tpu.memory_space<hbm>>
    %dma_wait3A_728 = arith.constant 0 : i32
    %dma_wait3A_729 = tpu.memref_slice %arg10[%dma_wait3A_723, %dma_wait3A_728] : memref<3x8192xi32, #tpu.memory_space<vmem>> -> memref<1x8192xi32, #tpu.memory_space<vmem>>
    %dma_wait3A_730 = tpu.memref_squeeze %dma_wait3A_729 : memref<1x8192xi32, #tpu.memory_space<vmem>> -> memref<8192xi32, #tpu.memory_space<vmem>>
    %dma_wait3A_731 = tpu.memref_slice %arg5[%add3A_579] : memref<4194304xi32, #tpu.memory_space<hbm>> -> memref<8192xi32, #tpu.memory_space<hbm>>
    tpu.wait_dma2 semaphore(%arg16 : memref<!tpu.dma_semaphore, #tpu.memory_space<semaphore_mem>>) src(%dma_wait3A_731 : memref<8192xi32, #tpu.memory_space<hbm>>) dst(%dma_wait3A_730 : memref<8192xi32, #tpu.memory_space<vmem>>)
    %add3A_732 = arith.constant 81920 : i32
    %add3A_733 = arith.addi %mul3A_2, %add3A_732 : i32
    %dma_start3A_734 = arith.constant 1 : i32
    %dma_start3A_735 = arith.constant 0 : i32
    %dma_start3A_736 = tpu.memref_slice %arg7[%dma_start3A_734, %dma_start3A_735] : memref<3x8192xf32, #tpu.memory_space<vmem>> -> memref<1x8192xf32, #tpu.memory_space<vmem>>
    %dma_start3A_737 = tpu.memref_squeeze %dma_start3A_736 : memref<1x8192xf32, #tpu.memory_space<vmem>> -> memref<8192xf32, #tpu.memory_space<vmem>>
    %dma_start3A_738 = tpu.memref_slice %arg2[%add3A_733] : memref<4194304xf32, #tpu.memory_space<hbm>> -> memref<8192xf32, #tpu.memory_space<hbm>>
    %dma_start3A_739 = arith.constant 0 : i32
    %dma_start3A_740 = tpu.memref_slice %arg7[%dma_start3A_734, %dma_start3A_739] : memref<3x8192xf32, #tpu.memory_space<vmem>> -> memref<1x8192xf32, #tpu.memory_space<vmem>>
    %dma_start3A_741 = tpu.memref_squeeze %dma_start3A_740 : memref<1x8192xf32, #tpu.memory_space<vmem>> -> memref<8192xf32, #tpu.memory_space<vmem>>
    %dma_start3A_742 = tpu.memref_slice %arg2[%add3A_733] : memref<4194304xf32, #tpu.memory_space<hbm>> -> memref<8192xf32, #tpu.memory_space<hbm>>
    tpu.enqueue_dma source(%dma_start3A_742 : memref<8192xf32, #tpu.memory_space<hbm>>) target(%dma_start3A_741 : memref<8192xf32, #tpu.memory_space<vmem>>) target_semaphore(%arg15 : memref<!tpu.dma_semaphore, #tpu.memory_space<semaphore_mem>>)
    %dma_start3A_743 = arith.constant 1 : i32
    %dma_start3A_744 = arith.constant 0 : i32
    %dma_start3A_745 = tpu.memref_slice %arg8[%dma_start3A_743, %dma_start3A_744] : memref<3x8192xf32, #tpu.memory_space<vmem>> -> memref<1x8192xf32, #tpu.memory_space<vmem>>
    %dma_start3A_746 = tpu.memref_squeeze %dma_start3A_745 : memref<1x8192xf32, #tpu.memory_space<vmem>> -> memref<8192xf32, #tpu.memory_space<vmem>>
    %dma_start3A_747 = tpu.memref_slice %arg3[%add3A_733] : memref<4194304xf32, #tpu.memory_space<hbm>> -> memref<8192xf32, #tpu.memory_space<hbm>>
    %dma_start3A_748 = arith.constant 0 : i32
    %dma_start3A_749 = tpu.memref_slice %arg8[%dma_start3A_743, %dma_start3A_748] : memref<3x8192xf32, #tpu.memory_space<vmem>> -> memref<1x8192xf32, #tpu.memory_space<vmem>>
    %dma_start3A_750 = tpu.memref_squeeze %dma_start3A_749 : memref<1x8192xf32, #tpu.memory_space<vmem>> -> memref<8192xf32, #tpu.memory_space<vmem>>
    %dma_start3A_751 = tpu.memref_slice %arg3[%add3A_733] : memref<4194304xf32, #tpu.memory_space<hbm>> -> memref<8192xf32, #tpu.memory_space<hbm>>
    tpu.enqueue_dma source(%dma_start3A_751 : memref<8192xf32, #tpu.memory_space<hbm>>) target(%dma_start3A_750 : memref<8192xf32, #tpu.memory_space<vmem>>) target_semaphore(%arg15 : memref<!tpu.dma_semaphore, #tpu.memory_space<semaphore_mem>>)
    %dma_start3A_752 = arith.constant 1 : i32
    %dma_start3A_753 = arith.constant 0 : i32
    %dma_start3A_754 = tpu.memref_slice %arg9[%dma_start3A_752, %dma_start3A_753] : memref<3x8192xf32, #tpu.memory_space<vmem>> -> memref<1x8192xf32, #tpu.memory_space<vmem>>
    %dma_start3A_755 = tpu.memref_squeeze %dma_start3A_754 : memref<1x8192xf32, #tpu.memory_space<vmem>> -> memref<8192xf32, #tpu.memory_space<vmem>>
    %dma_start3A_756 = tpu.memref_slice %arg4[%add3A_733] : memref<4194304xf32, #tpu.memory_space<hbm>> -> memref<8192xf32, #tpu.memory_space<hbm>>
    %dma_start3A_757 = arith.constant 0 : i32
    %dma_start3A_758 = tpu.memref_slice %arg9[%dma_start3A_752, %dma_start3A_757] : memref<3x8192xf32, #tpu.memory_space<vmem>> -> memref<1x8192xf32, #tpu.memory_space<vmem>>
    %dma_start3A_759 = tpu.memref_squeeze %dma_start3A_758 : memref<1x8192xf32, #tpu.memory_space<vmem>> -> memref<8192xf32, #tpu.memory_space<vmem>>
    %dma_start3A_760 = tpu.memref_slice %arg4[%add3A_733] : memref<4194304xf32, #tpu.memory_space<hbm>> -> memref<8192xf32, #tpu.memory_space<hbm>>
    tpu.enqueue_dma source(%dma_start3A_760 : memref<8192xf32, #tpu.memory_space<hbm>>) target(%dma_start3A_759 : memref<8192xf32, #tpu.memory_space<vmem>>) target_semaphore(%arg15 : memref<!tpu.dma_semaphore, #tpu.memory_space<semaphore_mem>>)
    %dma_start3A_761 = arith.constant 1 : i32
    %dma_start3A_762 = arith.constant 0 : i32
    %dma_start3A_763 = tpu.memref_slice %arg10[%dma_start3A_761, %dma_start3A_762] : memref<3x8192xi32, #tpu.memory_space<vmem>> -> memref<1x8192xi32, #tpu.memory_space<vmem>>
    %dma_start3A_764 = tpu.memref_squeeze %dma_start3A_763 : memref<1x8192xi32, #tpu.memory_space<vmem>> -> memref<8192xi32, #tpu.memory_space<vmem>>
    %dma_start3A_765 = tpu.memref_slice %arg5[%add3A_733] : memref<4194304xi32, #tpu.memory_space<hbm>> -> memref<8192xi32, #tpu.memory_space<hbm>>
    %dma_start3A_766 = arith.constant 0 : i32
    %dma_start3A_767 = tpu.memref_slice %arg10[%dma_start3A_761, %dma_start3A_766] : memref<3x8192xi32, #tpu.memory_space<vmem>> -> memref<1x8192xi32, #tpu.memory_space<vmem>>
    %dma_start3A_768 = tpu.memref_squeeze %dma_start3A_767 : memref<1x8192xi32, #tpu.memory_space<vmem>> -> memref<8192xi32, #tpu.memory_space<vmem>>
    %dma_start3A_769 = tpu.memref_slice %arg5[%add3A_733] : memref<4194304xi32, #tpu.memory_space<hbm>> -> memref<8192xi32, #tpu.memory_space<hbm>>
    tpu.enqueue_dma source(%dma_start3A_769 : memref<8192xi32, #tpu.memory_space<hbm>>) target(%dma_start3A_768 : memref<8192xi32, #tpu.memory_space<vmem>>) target_semaphore(%arg15 : memref<!tpu.dma_semaphore, #tpu.memory_space<semaphore_mem>>)
    %parallel_loop3A_770 = arith.constant 0 : i32
    %parallel_loop3A_771 = arith.constant 256 : i32
    %parallel_loop3A_772 = arith.constant 1 : i32
    scf.for %parallel_loop3A_1239 = %parallel_loop3A_770 to %parallel_loop3A_771 step %parallel_loop3A_772  : i32 {
      %parallel_loop3A_1240 = arith.constant 32 : i32
      %parallel_loop3A_1241 = arith.muli %parallel_loop3A_1239, %parallel_loop3A_1240 : i32
      %parallel_loop3A_1242 = arith.constant 0 : i32
      %parallel_loop3A_1243 = arith.addi %parallel_loop3A_1241, %parallel_loop3A_1242 : i32
      %parallel_loop3A_1244 = arith.constant 2 : i32
      %parallel_loop3A_1245 = arith.index_cast %parallel_loop3A_1244 : i32 to index
      %parallel_loop3A_1246 = arith.index_cast %parallel_loop3A_1243 : i32 to index
      %parallel_loop3A_1247 = tpu.vector_load %arg7[%parallel_loop3A_1245, %parallel_loop3A_1246] {strides = array<i32>} : memref<3x8192xf32, #tpu.memory_space<vmem>>, vector<16xf32>,
      %parallel_loop3A_1248 = arith.constant 2 : i32
      %parallel_loop3A_1249 = arith.index_cast %parallel_loop3A_1248 : i32 to index
      %parallel_loop3A_1250 = arith.index_cast %parallel_loop3A_1243 : i32 to index
      %parallel_loop3A_1251 = tpu.vector_load %arg8[%parallel_loop3A_1249, %parallel_loop3A_1250] {strides = array<i32>} : memref<3x8192xf32, #tpu.memory_space<vmem>>, vector<16xf32>,
      %parallel_loop3A_1252 = arith.constant 2 : i32
      %parallel_loop3A_1253 = arith.index_cast %parallel_loop3A_1252 : i32 to index
      %parallel_loop3A_1254 = arith.index_cast %parallel_loop3A_1243 : i32 to index
      %parallel_loop3A_1255 = tpu.vector_load %arg9[%parallel_loop3A_1253, %parallel_loop3A_1254] {strides = array<i32>} : memref<3x8192xf32, #tpu.memory_space<vmem>>, vector<16xf32>,
      %parallel_loop3A_1256 = arith.constant 2 : i32
      %parallel_loop3A_1257 = arith.index_cast %parallel_loop3A_1256 : i32 to index
      %parallel_loop3A_1258 = arith.index_cast %parallel_loop3A_1243 : i32 to index
      %parallel_loop3A_1259 = tpu.vector_load %arg10[%parallel_loop3A_1257, %parallel_loop3A_1258] {strides = array<i32>} : memref<3x8192xi32, #tpu.memory_space<vmem>>, vector<16xi32>,
      %parallel_loop3A_1260 = arith.constant 16 : i32
      %parallel_loop3A_1261 = vector.broadcast %parallel_loop3A_1260 : i32 to vector<16xi32>
      %parallel_loop3A_1262 = arith.muli %parallel_loop3A_1259, %parallel_loop3A_1261 : vector<16xi32>
      %parallel_loop3A_1263 = arith.addi %parallel_loop3A_1262, %iota3A : vector<16xi32>
      %parallel_loop3A_1264 = arith.mulf %parallel_loop3A_1247, %parallel_loop3A_1251 : vector<16xf32>
      %parallel_loop3A_1265 = arith.mulf %parallel_loop3A_1264, %parallel_loop3A_1255 : vector<16xf32>
      tpu.vector_store_idx %arg11[%parallel_loop3A_1263], %parallel_loop3A_1265 {add = true} : memref<8192xf32, #tpu.memory_space<vmem>>[vector<16xi32>], vector<16xf32>,
      %parallel_loop3A_1266 = arith.constant 16 : i32
      %parallel_loop3A_1267 = arith.addi %parallel_loop3A_1241, %parallel_loop3A_1266 : i32
      %parallel_loop3A_1268 = arith.constant 2 : i32
      %parallel_loop3A_1269 = arith.index_cast %parallel_loop3A_1268 : i32 to index
      %parallel_loop3A_1270 = arith.index_cast %parallel_loop3A_1267 : i32 to index
      %parallel_loop3A_1271 = tpu.vector_load %arg7[%parallel_loop3A_1269, %parallel_loop3A_1270] {strides = array<i32>} : memref<3x8192xf32, #tpu.memory_space<vmem>>, vector<16xf32>,
      %parallel_loop3A_1272 = arith.constant 2 : i32
      %parallel_loop3A_1273 = arith.index_cast %parallel_loop3A_1272 : i32 to index
      %parallel_loop3A_1274 = arith.index_cast %parallel_loop3A_1267 : i32 to index
      %parallel_loop3A_1275 = tpu.vector_load %arg8[%parallel_loop3A_1273, %parallel_loop3A_1274] {strides = array<i32>} : memref<3x8192xf32, #tpu.memory_space<vmem>>, vector<16xf32>,
      %parallel_loop3A_1276 = arith.constant 2 : i32
      %parallel_loop3A_1277 = arith.index_cast %parallel_loop3A_1276 : i32 to index
      %parallel_loop3A_1278 = arith.index_cast %parallel_loop3A_1267 : i32 to index
      %parallel_loop3A_1279 = tpu.vector_load %arg9[%parallel_loop3A_1277, %parallel_loop3A_1278] {strides = array<i32>} : memref<3x8192xf32, #tpu.memory_space<vmem>>, vector<16xf32>,
      %parallel_loop3A_1280 = arith.constant 2 : i32
      %parallel_loop3A_1281 = arith.index_cast %parallel_loop3A_1280 : i32 to index
      %parallel_loop3A_1282 = arith.index_cast %parallel_loop3A_1267 : i32 to index
      %parallel_loop3A_1283 = tpu.vector_load %arg10[%parallel_loop3A_1281, %parallel_loop3A_1282] {strides = array<i32>} : memref<3x8192xi32, #tpu.memory_space<vmem>>, vector<16xi32>,
      %parallel_loop3A_1284 = arith.constant 16 : i32
      %parallel_loop3A_1285 = vector.broadcast %parallel_loop3A_1284 : i32 to vector<16xi32>
      %parallel_loop3A_1286 = arith.muli %parallel_loop3A_1283, %parallel_loop3A_1285 : vector<16xi32>
      %parallel_loop3A_1287 = arith.addi %parallel_loop3A_1286, %iota3A : vector<16xi32>
      %parallel_loop3A_1288 = arith.mulf %parallel_loop3A_1271, %parallel_loop3A_1275 : vector<16xf32>
      %parallel_loop3A_1289 = arith.mulf %parallel_loop3A_1288, %parallel_loop3A_1279 : vector<16xf32>
      tpu.vector_store_idx %arg12[%parallel_loop3A_1287], %parallel_loop3A_1289 {add = true} : memref<8192xf32, #tpu.memory_space<vmem>>[vector<16xi32>], vector<16xf32>,
    } {sc.loop_unroll_factor = 4 : i64, sc.parallel_access}
    %dma_wait3A_773 = arith.constant 0 : i32
    %dma_wait3A_774 = arith.constant 0 : i32
    %dma_wait3A_775 = tpu.memref_slice %arg7[%dma_wait3A_773, %dma_wait3A_774] : memref<3x8192xf32, #tpu.memory_space<vmem>> -> memref<1x8192xf32, #tpu.memory_space<vmem>>
    %dma_wait3A_776 = tpu.memref_squeeze %dma_wait3A_775 : memref<1x8192xf32, #tpu.memory_space<vmem>> -> memref<8192xf32, #tpu.memory_space<vmem>>
    %dma_wait3A_777 = tpu.memref_slice %arg2[%add3A_656] : memref<4194304xf32, #tpu.memory_space<hbm>> -> memref<8192xf32, #tpu.memory_space<hbm>>
    %dma_wait3A_778 = arith.constant 0 : i32
    %dma_wait3A_779 = tpu.memref_slice %arg7[%dma_wait3A_773, %dma_wait3A_778] : memref<3x8192xf32, #tpu.memory_space<vmem>> -> memref<1x8192xf32, #tpu.memory_space<vmem>>
    %dma_wait3A_780 = tpu.memref_squeeze %dma_wait3A_779 : memref<1x8192xf32, #tpu.memory_space<vmem>> -> memref<8192xf32, #tpu.memory_space<vmem>>
    %dma_wait3A_781 = tpu.memref_slice %arg2[%add3A_656] : memref<4194304xf32, #tpu.memory_space<hbm>> -> memref<8192xf32, #tpu.memory_space<hbm>>
    tpu.wait_dma2 semaphore(%arg14 : memref<!tpu.dma_semaphore, #tpu.memory_space<semaphore_mem>>) src(%dma_wait3A_781 : memref<8192xf32, #tpu.memory_space<hbm>>) dst(%dma_wait3A_780 : memref<8192xf32, #tpu.memory_space<vmem>>)
    %dma_wait3A_782 = arith.constant 0 : i32
    %dma_wait3A_783 = arith.constant 0 : i32
    %dma_wait3A_784 = tpu.memref_slice %arg8[%dma_wait3A_782, %dma_wait3A_783] : memref<3x8192xf32, #tpu.memory_space<vmem>> -> memref<1x8192xf32, #tpu.memory_space<vmem>>
    %dma_wait3A_785 = tpu.memref_squeeze %dma_wait3A_784 : memref<1x8192xf32, #tpu.memory_space<vmem>> -> memref<8192xf32, #tpu.memory_space<vmem>>
    %dma_wait3A_786 = tpu.memref_slice %arg3[%add3A_656] : memref<4194304xf32, #tpu.memory_space<hbm>> -> memref<8192xf32, #tpu.memory_space<hbm>>
    %dma_wait3A_787 = arith.constant 0 : i32
    %dma_wait3A_788 = tpu.memref_slice %arg8[%dma_wait3A_782, %dma_wait3A_787] : memref<3x8192xf32, #tpu.memory_space<vmem>> -> memref<1x8192xf32, #tpu.memory_space<vmem>>
    %dma_wait3A_789 = tpu.memref_squeeze %dma_wait3A_788 : memref<1x8192xf32, #tpu.memory_space<vmem>> -> memref<8192xf32, #tpu.memory_space<vmem>>
    %dma_wait3A_790 = tpu.memref_slice %arg3[%add3A_656] : memref<4194304xf32, #tpu.memory_space<hbm>> -> memref<8192xf32, #tpu.memory_space<hbm>>
    tpu.wait_dma2 semaphore(%arg14 : memref<!tpu.dma_semaphore, #tpu.memory_space<semaphore_mem>>) src(%dma_wait3A_790 : memref<8192xf32, #tpu.memory_space<hbm>>) dst(%dma_wait3A_789 : memref<8192xf32, #tpu.memory_space<vmem>>)
    %dma_wait3A_791 = arith.constant 0 : i32
    %dma_wait3A_792 = arith.constant 0 : i32
    %dma_wait3A_793 = tpu.memref_slice %arg9[%dma_wait3A_791, %dma_wait3A_792] : memref<3x8192xf32, #tpu.memory_space<vmem>> -> memref<1x8192xf32, #tpu.memory_space<vmem>>
    %dma_wait3A_794 = tpu.memref_squeeze %dma_wait3A_793 : memref<1x8192xf32, #tpu.memory_space<vmem>> -> memref<8192xf32, #tpu.memory_space<vmem>>
    %dma_wait3A_795 = tpu.memref_slice %arg4[%add3A_656] : memref<4194304xf32, #tpu.memory_space<hbm>> -> memref<8192xf32, #tpu.memory_space<hbm>>
    %dma_wait3A_796 = arith.constant 0 : i32
    %dma_wait3A_797 = tpu.memref_slice %arg9[%dma_wait3A_791, %dma_wait3A_796] : memref<3x8192xf32, #tpu.memory_space<vmem>> -> memref<1x8192xf32, #tpu.memory_space<vmem>>
    %dma_wait3A_798 = tpu.memref_squeeze %dma_wait3A_797 : memref<1x8192xf32, #tpu.memory_space<vmem>> -> memref<8192xf32, #tpu.memory_space<vmem>>
    %dma_wait3A_799 = tpu.memref_slice %arg4[%add3A_656] : memref<4194304xf32, #tpu.memory_space<hbm>> -> memref<8192xf32, #tpu.memory_space<hbm>>
    tpu.wait_dma2 semaphore(%arg14 : memref<!tpu.dma_semaphore, #tpu.memory_space<semaphore_mem>>) src(%dma_wait3A_799 : memref<8192xf32, #tpu.memory_space<hbm>>) dst(%dma_wait3A_798 : memref<8192xf32, #tpu.memory_space<vmem>>)
    %dma_wait3A_800 = arith.constant 0 : i32
    %dma_wait3A_801 = arith.constant 0 : i32
    %dma_wait3A_802 = tpu.memref_slice %arg10[%dma_wait3A_800, %dma_wait3A_801] : memref<3x8192xi32, #tpu.memory_space<vmem>> -> memref<1x8192xi32, #tpu.memory_space<vmem>>
    %dma_wait3A_803 = tpu.memref_squeeze %dma_wait3A_802 : memref<1x8192xi32, #tpu.memory_space<vmem>> -> memref<8192xi32, #tpu.memory_space<vmem>>
    %dma_wait3A_804 = tpu.memref_slice %arg5[%add3A_656] : memref<4194304xi32, #tpu.memory_space<hbm>> -> memref<8192xi32, #tpu.memory_space<hbm>>
    %dma_wait3A_805 = arith.constant 0 : i32
    %dma_wait3A_806 = tpu.memref_slice %arg10[%dma_wait3A_800, %dma_wait3A_805] : memref<3x8192xi32, #tpu.memory_space<vmem>> -> memref<1x8192xi32, #tpu.memory_space<vmem>>
    %dma_wait3A_807 = tpu.memref_squeeze %dma_wait3A_806 : memref<1x8192xi32, #tpu.memory_space<vmem>> -> memref<8192xi32, #tpu.memory_space<vmem>>
    %dma_wait3A_808 = tpu.memref_slice %arg5[%add3A_656] : memref<4194304xi32, #tpu.memory_space<hbm>> -> memref<8192xi32, #tpu.memory_space<hbm>>
    tpu.wait_dma2 semaphore(%arg14 : memref<!tpu.dma_semaphore, #tpu.memory_space<semaphore_mem>>) src(%dma_wait3A_808 : memref<8192xi32, #tpu.memory_space<hbm>>) dst(%dma_wait3A_807 : memref<8192xi32, #tpu.memory_space<vmem>>)
    %add3A_809 = arith.constant 90112 : i32
    %add3A_810 = arith.addi %mul3A_2, %add3A_809 : i32
    %dma_start3A_811 = arith.constant 2 : i32
    %dma_start3A_812 = arith.constant 0 : i32
    %dma_start3A_813 = tpu.memref_slice %arg7[%dma_start3A_811, %dma_start3A_812] : memref<3x8192xf32, #tpu.memory_space<vmem>> -> memref<1x8192xf32, #tpu.memory_space<vmem>>
    %dma_start3A_814 = tpu.memref_squeeze %dma_start3A_813 : memref<1x8192xf32, #tpu.memory_space<vmem>> -> memref<8192xf32, #tpu.memory_space<vmem>>
    %dma_start3A_815 = tpu.memref_slice %arg2[%add3A_810] : memref<4194304xf32, #tpu.memory_space<hbm>> -> memref<8192xf32, #tpu.memory_space<hbm>>
    %dma_start3A_816 = arith.constant 0 : i32
    %dma_start3A_817 = tpu.memref_slice %arg7[%dma_start3A_811, %dma_start3A_816] : memref<3x8192xf32, #tpu.memory_space<vmem>> -> memref<1x8192xf32, #tpu.memory_space<vmem>>
    %dma_start3A_818 = tpu.memref_squeeze %dma_start3A_817 : memref<1x8192xf32, #tpu.memory_space<vmem>> -> memref<8192xf32, #tpu.memory_space<vmem>>
    %dma_start3A_819 = tpu.memref_slice %arg2[%add3A_810] : memref<4194304xf32, #tpu.memory_space<hbm>> -> memref<8192xf32, #tpu.memory_space<hbm>>
    tpu.enqueue_dma source(%dma_start3A_819 : memref<8192xf32, #tpu.memory_space<hbm>>) target(%dma_start3A_818 : memref<8192xf32, #tpu.memory_space<vmem>>) target_semaphore(%arg16 : memref<!tpu.dma_semaphore, #tpu.memory_space<semaphore_mem>>)
    %dma_start3A_820 = arith.constant 2 : i32
    %dma_start3A_821 = arith.constant 0 : i32
    %dma_start3A_822 = tpu.memref_slice %arg8[%dma_start3A_820, %dma_start3A_821] : memref<3x8192xf32, #tpu.memory_space<vmem>> -> memref<1x8192xf32, #tpu.memory_space<vmem>>
    %dma_start3A_823 = tpu.memref_squeeze %dma_start3A_822 : memref<1x8192xf32, #tpu.memory_space<vmem>> -> memref<8192xf32, #tpu.memory_space<vmem>>
    %dma_start3A_824 = tpu.memref_slice %arg3[%add3A_810] : memref<4194304xf32, #tpu.memory_space<hbm>> -> memref<8192xf32, #tpu.memory_space<hbm>>
    %dma_start3A_825 = arith.constant 0 : i32
    %dma_start3A_826 = tpu.memref_slice %arg8[%dma_start3A_820, %dma_start3A_825] : memref<3x8192xf32, #tpu.memory_space<vmem>> -> memref<1x8192xf32, #tpu.memory_space<vmem>>
    %dma_start3A_827 = tpu.memref_squeeze %dma_start3A_826 : memref<1x8192xf32, #tpu.memory_space<vmem>> -> memref<8192xf32, #tpu.memory_space<vmem>>
    %dma_start3A_828 = tpu.memref_slice %arg3[%add3A_810] : memref<4194304xf32, #tpu.memory_space<hbm>> -> memref<8192xf32, #tpu.memory_space<hbm>>
    tpu.enqueue_dma source(%dma_start3A_828 : memref<8192xf32, #tpu.memory_space<hbm>>) target(%dma_start3A_827 : memref<8192xf32, #tpu.memory_space<vmem>>) target_semaphore(%arg16 : memref<!tpu.dma_semaphore, #tpu.memory_space<semaphore_mem>>)
    %dma_start3A_829 = arith.constant 2 : i32
    %dma_start3A_830 = arith.constant 0 : i32
    %dma_start3A_831 = tpu.memref_slice %arg9[%dma_start3A_829, %dma_start3A_830] : memref<3x8192xf32, #tpu.memory_space<vmem>> -> memref<1x8192xf32, #tpu.memory_space<vmem>>
    %dma_start3A_832 = tpu.memref_squeeze %dma_start3A_831 : memref<1x8192xf32, #tpu.memory_space<vmem>> -> memref<8192xf32, #tpu.memory_space<vmem>>
    %dma_start3A_833 = tpu.memref_slice %arg4[%add3A_810] : memref<4194304xf32, #tpu.memory_space<hbm>> -> memref<8192xf32, #tpu.memory_space<hbm>>
    %dma_start3A_834 = arith.constant 0 : i32
    %dma_start3A_835 = tpu.memref_slice %arg9[%dma_start3A_829, %dma_start3A_834] : memref<3x8192xf32, #tpu.memory_space<vmem>> -> memref<1x8192xf32, #tpu.memory_space<vmem>>
    %dma_start3A_836 = tpu.memref_squeeze %dma_start3A_835 : memref<1x8192xf32, #tpu.memory_space<vmem>> -> memref<8192xf32, #tpu.memory_space<vmem>>
    %dma_start3A_837 = tpu.memref_slice %arg4[%add3A_810] : memref<4194304xf32, #tpu.memory_space<hbm>> -> memref<8192xf32, #tpu.memory_space<hbm>>
    tpu.enqueue_dma source(%dma_start3A_837 : memref<8192xf32, #tpu.memory_space<hbm>>) target(%dma_start3A_836 : memref<8192xf32, #tpu.memory_space<vmem>>) target_semaphore(%arg16 : memref<!tpu.dma_semaphore, #tpu.memory_space<semaphore_mem>>)
    %dma_start3A_838 = arith.constant 2 : i32
    %dma_start3A_839 = arith.constant 0 : i32
    %dma_start3A_840 = tpu.memref_slice %arg10[%dma_start3A_838, %dma_start3A_839] : memref<3x8192xi32, #tpu.memory_space<vmem>> -> memref<1x8192xi32, #tpu.memory_space<vmem>>
    %dma_start3A_841 = tpu.memref_squeeze %dma_start3A_840 : memref<1x8192xi32, #tpu.memory_space<vmem>> -> memref<8192xi32, #tpu.memory_space<vmem>>
    %dma_start3A_842 = tpu.memref_slice %arg5[%add3A_810] : memref<4194304xi32, #tpu.memory_space<hbm>> -> memref<8192xi32, #tpu.memory_space<hbm>>
    %dma_start3A_843 = arith.constant 0 : i32
    %dma_start3A_844 = tpu.memref_slice %arg10[%dma_start3A_838, %dma_start3A_843] : memref<3x8192xi32, #tpu.memory_space<vmem>> -> memref<1x8192xi32, #tpu.memory_space<vmem>>
    %dma_start3A_845 = tpu.memref_squeeze %dma_start3A_844 : memref<1x8192xi32, #tpu.memory_space<vmem>> -> memref<8192xi32, #tpu.memory_space<vmem>>
    %dma_start3A_846 = tpu.memref_slice %arg5[%add3A_810] : memref<4194304xi32, #tpu.memory_space<hbm>> -> memref<8192xi32, #tpu.memory_space<hbm>>
    tpu.enqueue_dma source(%dma_start3A_846 : memref<8192xi32, #tpu.memory_space<hbm>>) target(%dma_start3A_845 : memref<8192xi32, #tpu.memory_space<vmem>>) target_semaphore(%arg16 : memref<!tpu.dma_semaphore, #tpu.memory_space<semaphore_mem>>)
    %parallel_loop3A_847 = arith.constant 0 : i32
    %parallel_loop3A_848 = arith.constant 256 : i32
    %parallel_loop3A_849 = arith.constant 1 : i32
    scf.for %parallel_loop3A_1239 = %parallel_loop3A_847 to %parallel_loop3A_848 step %parallel_loop3A_849  : i32 {
      %parallel_loop3A_1240 = arith.constant 32 : i32
      %parallel_loop3A_1241 = arith.muli %parallel_loop3A_1239, %parallel_loop3A_1240 : i32
      %parallel_loop3A_1242 = arith.constant 0 : i32
      %parallel_loop3A_1243 = arith.addi %parallel_loop3A_1241, %parallel_loop3A_1242 : i32
      %parallel_loop3A_1244 = arith.constant 0 : i32
      %parallel_loop3A_1245 = arith.index_cast %parallel_loop3A_1244 : i32 to index
      %parallel_loop3A_1246 = arith.index_cast %parallel_loop3A_1243 : i32 to index
      %parallel_loop3A_1247 = tpu.vector_load %arg7[%parallel_loop3A_1245, %parallel_loop3A_1246] {strides = array<i32>} : memref<3x8192xf32, #tpu.memory_space<vmem>>, vector<16xf32>,
      %parallel_loop3A_1248 = arith.constant 0 : i32
      %parallel_loop3A_1249 = arith.index_cast %parallel_loop3A_1248 : i32 to index
      %parallel_loop3A_1250 = arith.index_cast %parallel_loop3A_1243 : i32 to index
      %parallel_loop3A_1251 = tpu.vector_load %arg8[%parallel_loop3A_1249, %parallel_loop3A_1250] {strides = array<i32>} : memref<3x8192xf32, #tpu.memory_space<vmem>>, vector<16xf32>,
      %parallel_loop3A_1252 = arith.constant 0 : i32
      %parallel_loop3A_1253 = arith.index_cast %parallel_loop3A_1252 : i32 to index
      %parallel_loop3A_1254 = arith.index_cast %parallel_loop3A_1243 : i32 to index
      %parallel_loop3A_1255 = tpu.vector_load %arg9[%parallel_loop3A_1253, %parallel_loop3A_1254] {strides = array<i32>} : memref<3x8192xf32, #tpu.memory_space<vmem>>, vector<16xf32>,
      %parallel_loop3A_1256 = arith.constant 0 : i32
      %parallel_loop3A_1257 = arith.index_cast %parallel_loop3A_1256 : i32 to index
      %parallel_loop3A_1258 = arith.index_cast %parallel_loop3A_1243 : i32 to index
      %parallel_loop3A_1259 = tpu.vector_load %arg10[%parallel_loop3A_1257, %parallel_loop3A_1258] {strides = array<i32>} : memref<3x8192xi32, #tpu.memory_space<vmem>>, vector<16xi32>,
      %parallel_loop3A_1260 = arith.constant 16 : i32
      %parallel_loop3A_1261 = vector.broadcast %parallel_loop3A_1260 : i32 to vector<16xi32>
      %parallel_loop3A_1262 = arith.muli %parallel_loop3A_1259, %parallel_loop3A_1261 : vector<16xi32>
      %parallel_loop3A_1263 = arith.addi %parallel_loop3A_1262, %iota3A : vector<16xi32>
      %parallel_loop3A_1264 = arith.mulf %parallel_loop3A_1247, %parallel_loop3A_1251 : vector<16xf32>
      %parallel_loop3A_1265 = arith.mulf %parallel_loop3A_1264, %parallel_loop3A_1255 : vector<16xf32>
      tpu.vector_store_idx %arg11[%parallel_loop3A_1263], %parallel_loop3A_1265 {add = true} : memref<8192xf32, #tpu.memory_space<vmem>>[vector<16xi32>], vector<16xf32>,
      %parallel_loop3A_1266 = arith.constant 16 : i32
      %parallel_loop3A_1267 = arith.addi %parallel_loop3A_1241, %parallel_loop3A_1266 : i32
      %parallel_loop3A_1268 = arith.constant 0 : i32
      %parallel_loop3A_1269 = arith.index_cast %parallel_loop3A_1268 : i32 to index
      %parallel_loop3A_1270 = arith.index_cast %parallel_loop3A_1267 : i32 to index
      %parallel_loop3A_1271 = tpu.vector_load %arg7[%parallel_loop3A_1269, %parallel_loop3A_1270] {strides = array<i32>} : memref<3x8192xf32, #tpu.memory_space<vmem>>, vector<16xf32>,
      %parallel_loop3A_1272 = arith.constant 0 : i32
      %parallel_loop3A_1273 = arith.index_cast %parallel_loop3A_1272 : i32 to index
      %parallel_loop3A_1274 = arith.index_cast %parallel_loop3A_1267 : i32 to index
      %parallel_loop3A_1275 = tpu.vector_load %arg8[%parallel_loop3A_1273, %parallel_loop3A_1274] {strides = array<i32>} : memref<3x8192xf32, #tpu.memory_space<vmem>>, vector<16xf32>,
      %parallel_loop3A_1276 = arith.constant 0 : i32
      %parallel_loop3A_1277 = arith.index_cast %parallel_loop3A_1276 : i32 to index
      %parallel_loop3A_1278 = arith.index_cast %parallel_loop3A_1267 : i32 to index
      %parallel_loop3A_1279 = tpu.vector_load %arg9[%parallel_loop3A_1277, %parallel_loop3A_1278] {strides = array<i32>} : memref<3x8192xf32, #tpu.memory_space<vmem>>, vector<16xf32>,
      %parallel_loop3A_1280 = arith.constant 0 : i32
      %parallel_loop3A_1281 = arith.index_cast %parallel_loop3A_1280 : i32 to index
      %parallel_loop3A_1282 = arith.index_cast %parallel_loop3A_1267 : i32 to index
      %parallel_loop3A_1283 = tpu.vector_load %arg10[%parallel_loop3A_1281, %parallel_loop3A_1282] {strides = array<i32>} : memref<3x8192xi32, #tpu.memory_space<vmem>>, vector<16xi32>,
      %parallel_loop3A_1284 = arith.constant 16 : i32
      %parallel_loop3A_1285 = vector.broadcast %parallel_loop3A_1284 : i32 to vector<16xi32>
      %parallel_loop3A_1286 = arith.muli %parallel_loop3A_1283, %parallel_loop3A_1285 : vector<16xi32>
      %parallel_loop3A_1287 = arith.addi %parallel_loop3A_1286, %iota3A : vector<16xi32>
      %parallel_loop3A_1288 = arith.mulf %parallel_loop3A_1271, %parallel_loop3A_1275 : vector<16xf32>
      %parallel_loop3A_1289 = arith.mulf %parallel_loop3A_1288, %parallel_loop3A_1279 : vector<16xf32>
      tpu.vector_store_idx %arg12[%parallel_loop3A_1287], %parallel_loop3A_1289 {add = true} : memref<8192xf32, #tpu.memory_space<vmem>>[vector<16xi32>], vector<16xf32>,
    } {sc.loop_unroll_factor = 4 : i64, sc.parallel_access}
    %dma_wait3A_850 = arith.constant 1 : i32
    %dma_wait3A_851 = arith.constant 0 : i32
    %dma_wait3A_852 = tpu.memref_slice %arg7[%dma_wait3A_850, %dma_wait3A_851] : memref<3x8192xf32, #tpu.memory_space<vmem>> -> memref<1x8192xf32, #tpu.memory_space<vmem>>
    %dma_wait3A_853 = tpu.memref_squeeze %dma_wait3A_852 : memref<1x8192xf32, #tpu.memory_space<vmem>> -> memref<8192xf32, #tpu.memory_space<vmem>>
    %dma_wait3A_854 = tpu.memref_slice %arg2[%add3A_733] : memref<4194304xf32, #tpu.memory_space<hbm>> -> memref<8192xf32, #tpu.memory_space<hbm>>
    %dma_wait3A_855 = arith.constant 0 : i32
    %dma_wait3A_856 = tpu.memref_slice %arg7[%dma_wait3A_850, %dma_wait3A_855] : memref<3x8192xf32, #tpu.memory_space<vmem>> -> memref<1x8192xf32, #tpu.memory_space<vmem>>
    %dma_wait3A_857 = tpu.memref_squeeze %dma_wait3A_856 : memref<1x8192xf32, #tpu.memory_space<vmem>> -> memref<8192xf32, #tpu.memory_space<vmem>>
    %dma_wait3A_858 = tpu.memref_slice %arg2[%add3A_733] : memref<4194304xf32, #tpu.memory_space<hbm>> -> memref<8192xf32, #tpu.memory_space<hbm>>
    tpu.wait_dma2 semaphore(%arg15 : memref<!tpu.dma_semaphore, #tpu.memory_space<semaphore_mem>>) src(%dma_wait3A_858 : memref<8192xf32, #tpu.memory_space<hbm>>) dst(%dma_wait3A_857 : memref<8192xf32, #tpu.memory_space<vmem>>)
    %dma_wait3A_859 = arith.constant 1 : i32
    %dma_wait3A_860 = arith.constant 0 : i32
    %dma_wait3A_861 = tpu.memref_slice %arg8[%dma_wait3A_859, %dma_wait3A_860] : memref<3x8192xf32, #tpu.memory_space<vmem>> -> memref<1x8192xf32, #tpu.memory_space<vmem>>
    %dma_wait3A_862 = tpu.memref_squeeze %dma_wait3A_861 : memref<1x8192xf32, #tpu.memory_space<vmem>> -> memref<8192xf32, #tpu.memory_space<vmem>>
    %dma_wait3A_863 = tpu.memref_slice %arg3[%add3A_733] : memref<4194304xf32, #tpu.memory_space<hbm>> -> memref<8192xf32, #tpu.memory_space<hbm>>
    %dma_wait3A_864 = arith.constant 0 : i32
    %dma_wait3A_865 = tpu.memref_slice %arg8[%dma_wait3A_859, %dma_wait3A_864] : memref<3x8192xf32, #tpu.memory_space<vmem>> -> memref<1x8192xf32, #tpu.memory_space<vmem>>
    %dma_wait3A_866 = tpu.memref_squeeze %dma_wait3A_865 : memref<1x8192xf32, #tpu.memory_space<vmem>> -> memref<8192xf32, #tpu.memory_space<vmem>>
    %dma_wait3A_867 = tpu.memref_slice %arg3[%add3A_733] : memref<4194304xf32, #tpu.memory_space<hbm>> -> memref<8192xf32, #tpu.memory_space<hbm>>
    tpu.wait_dma2 semaphore(%arg15 : memref<!tpu.dma_semaphore, #tpu.memory_space<semaphore_mem>>) src(%dma_wait3A_867 : memref<8192xf32, #tpu.memory_space<hbm>>) dst(%dma_wait3A_866 : memref<8192xf32, #tpu.memory_space<vmem>>)
    %dma_wait3A_868 = arith.constant 1 : i32
    %dma_wait3A_869 = arith.constant 0 : i32
    %dma_wait3A_870 = tpu.memref_slice %arg9[%dma_wait3A_868, %dma_wait3A_869] : memref<3x8192xf32, #tpu.memory_space<vmem>> -> memref<1x8192xf32, #tpu.memory_space<vmem>>
    %dma_wait3A_871 = tpu.memref_squeeze %dma_wait3A_870 : memref<1x8192xf32, #tpu.memory_space<vmem>> -> memref<8192xf32, #tpu.memory_space<vmem>>
    %dma_wait3A_872 = tpu.memref_slice %arg4[%add3A_733] : memref<4194304xf32, #tpu.memory_space<hbm>> -> memref<8192xf32, #tpu.memory_space<hbm>>
    %dma_wait3A_873 = arith.constant 0 : i32
    %dma_wait3A_874 = tpu.memref_slice %arg9[%dma_wait3A_868, %dma_wait3A_873] : memref<3x8192xf32, #tpu.memory_space<vmem>> -> memref<1x8192xf32, #tpu.memory_space<vmem>>
    %dma_wait3A_875 = tpu.memref_squeeze %dma_wait3A_874 : memref<1x8192xf32, #tpu.memory_space<vmem>> -> memref<8192xf32, #tpu.memory_space<vmem>>
    %dma_wait3A_876 = tpu.memref_slice %arg4[%add3A_733] : memref<4194304xf32, #tpu.memory_space<hbm>> -> memref<8192xf32, #tpu.memory_space<hbm>>
    tpu.wait_dma2 semaphore(%arg15 : memref<!tpu.dma_semaphore, #tpu.memory_space<semaphore_mem>>) src(%dma_wait3A_876 : memref<8192xf32, #tpu.memory_space<hbm>>) dst(%dma_wait3A_875 : memref<8192xf32, #tpu.memory_space<vmem>>)
    %dma_wait3A_877 = arith.constant 1 : i32
    %dma_wait3A_878 = arith.constant 0 : i32
    %dma_wait3A_879 = tpu.memref_slice %arg10[%dma_wait3A_877, %dma_wait3A_878] : memref<3x8192xi32, #tpu.memory_space<vmem>> -> memref<1x8192xi32, #tpu.memory_space<vmem>>
    %dma_wait3A_880 = tpu.memref_squeeze %dma_wait3A_879 : memref<1x8192xi32, #tpu.memory_space<vmem>> -> memref<8192xi32, #tpu.memory_space<vmem>>
    %dma_wait3A_881 = tpu.memref_slice %arg5[%add3A_733] : memref<4194304xi32, #tpu.memory_space<hbm>> -> memref<8192xi32, #tpu.memory_space<hbm>>
    %dma_wait3A_882 = arith.constant 0 : i32
    %dma_wait3A_883 = tpu.memref_slice %arg10[%dma_wait3A_877, %dma_wait3A_882] : memref<3x8192xi32, #tpu.memory_space<vmem>> -> memref<1x8192xi32, #tpu.memory_space<vmem>>
    %dma_wait3A_884 = tpu.memref_squeeze %dma_wait3A_883 : memref<1x8192xi32, #tpu.memory_space<vmem>> -> memref<8192xi32, #tpu.memory_space<vmem>>
    %dma_wait3A_885 = tpu.memref_slice %arg5[%add3A_733] : memref<4194304xi32, #tpu.memory_space<hbm>> -> memref<8192xi32, #tpu.memory_space<hbm>>
    tpu.wait_dma2 semaphore(%arg15 : memref<!tpu.dma_semaphore, #tpu.memory_space<semaphore_mem>>) src(%dma_wait3A_885 : memref<8192xi32, #tpu.memory_space<hbm>>) dst(%dma_wait3A_884 : memref<8192xi32, #tpu.memory_space<vmem>>)
    %add3A_886 = arith.constant 98304 : i32
    %add3A_887 = arith.addi %mul3A_2, %add3A_886 : i32
    %dma_start3A_888 = arith.constant 0 : i32
    %dma_start3A_889 = arith.constant 0 : i32
    %dma_start3A_890 = tpu.memref_slice %arg7[%dma_start3A_888, %dma_start3A_889] : memref<3x8192xf32, #tpu.memory_space<vmem>> -> memref<1x8192xf32, #tpu.memory_space<vmem>>
    %dma_start3A_891 = tpu.memref_squeeze %dma_start3A_890 : memref<1x8192xf32, #tpu.memory_space<vmem>> -> memref<8192xf32, #tpu.memory_space<vmem>>
    %dma_start3A_892 = tpu.memref_slice %arg2[%add3A_887] : memref<4194304xf32, #tpu.memory_space<hbm>> -> memref<8192xf32, #tpu.memory_space<hbm>>
    %dma_start3A_893 = arith.constant 0 : i32
    %dma_start3A_894 = tpu.memref_slice %arg7[%dma_start3A_888, %dma_start3A_893] : memref<3x8192xf32, #tpu.memory_space<vmem>> -> memref<1x8192xf32, #tpu.memory_space<vmem>>
    %dma_start3A_895 = tpu.memref_squeeze %dma_start3A_894 : memref<1x8192xf32, #tpu.memory_space<vmem>> -> memref<8192xf32, #tpu.memory_space<vmem>>
    %dma_start3A_896 = tpu.memref_slice %arg2[%add3A_887] : memref<4194304xf32, #tpu.memory_space<hbm>> -> memref<8192xf32, #tpu.memory_space<hbm>>
    tpu.enqueue_dma source(%dma_start3A_896 : memref<8192xf32, #tpu.memory_space<hbm>>) target(%dma_start3A_895 : memref<8192xf32, #tpu.memory_space<vmem>>) target_semaphore(%arg14 : memref<!tpu.dma_semaphore, #tpu.memory_space<semaphore_mem>>)
    %dma_start3A_897 = arith.constant 0 : i32
    %dma_start3A_898 = arith.constant 0 : i32
    %dma_start3A_899 = tpu.memref_slice %arg8[%dma_start3A_897, %dma_start3A_898] : memref<3x8192xf32, #tpu.memory_space<vmem>> -> memref<1x8192xf32, #tpu.memory_space<vmem>>
    %dma_start3A_900 = tpu.memref_squeeze %dma_start3A_899 : memref<1x8192xf32, #tpu.memory_space<vmem>> -> memref<8192xf32, #tpu.memory_space<vmem>>
    %dma_start3A_901 = tpu.memref_slice %arg3[%add3A_887] : memref<4194304xf32, #tpu.memory_space<hbm>> -> memref<8192xf32, #tpu.memory_space<hbm>>
    %dma_start3A_902 = arith.constant 0 : i32
    %dma_start3A_903 = tpu.memref_slice %arg8[%dma_start3A_897, %dma_start3A_902] : memref<3x8192xf32, #tpu.memory_space<vmem>> -> memref<1x8192xf32, #tpu.memory_space<vmem>>
    %dma_start3A_904 = tpu.memref_squeeze %dma_start3A_903 : memref<1x8192xf32, #tpu.memory_space<vmem>> -> memref<8192xf32, #tpu.memory_space<vmem>>
    %dma_start3A_905 = tpu.memref_slice %arg3[%add3A_887] : memref<4194304xf32, #tpu.memory_space<hbm>> -> memref<8192xf32, #tpu.memory_space<hbm>>
    tpu.enqueue_dma source(%dma_start3A_905 : memref<8192xf32, #tpu.memory_space<hbm>>) target(%dma_start3A_904 : memref<8192xf32, #tpu.memory_space<vmem>>) target_semaphore(%arg14 : memref<!tpu.dma_semaphore, #tpu.memory_space<semaphore_mem>>)
    %dma_start3A_906 = arith.constant 0 : i32
    %dma_start3A_907 = arith.constant 0 : i32
    %dma_start3A_908 = tpu.memref_slice %arg9[%dma_start3A_906, %dma_start3A_907] : memref<3x8192xf32, #tpu.memory_space<vmem>> -> memref<1x8192xf32, #tpu.memory_space<vmem>>
    %dma_start3A_909 = tpu.memref_squeeze %dma_start3A_908 : memref<1x8192xf32, #tpu.memory_space<vmem>> -> memref<8192xf32, #tpu.memory_space<vmem>>
    %dma_start3A_910 = tpu.memref_slice %arg4[%add3A_887] : memref<4194304xf32, #tpu.memory_space<hbm>> -> memref<8192xf32, #tpu.memory_space<hbm>>
    %dma_start3A_911 = arith.constant 0 : i32
    %dma_start3A_912 = tpu.memref_slice %arg9[%dma_start3A_906, %dma_start3A_911] : memref<3x8192xf32, #tpu.memory_space<vmem>> -> memref<1x8192xf32, #tpu.memory_space<vmem>>
    %dma_start3A_913 = tpu.memref_squeeze %dma_start3A_912 : memref<1x8192xf32, #tpu.memory_space<vmem>> -> memref<8192xf32, #tpu.memory_space<vmem>>
    %dma_start3A_914 = tpu.memref_slice %arg4[%add3A_887] : memref<4194304xf32, #tpu.memory_space<hbm>> -> memref<8192xf32, #tpu.memory_space<hbm>>
    tpu.enqueue_dma source(%dma_start3A_914 : memref<8192xf32, #tpu.memory_space<hbm>>) target(%dma_start3A_913 : memref<8192xf32, #tpu.memory_space<vmem>>) target_semaphore(%arg14 : memref<!tpu.dma_semaphore, #tpu.memory_space<semaphore_mem>>)
    %dma_start3A_915 = arith.constant 0 : i32
    %dma_start3A_916 = arith.constant 0 : i32
    %dma_start3A_917 = tpu.memref_slice %arg10[%dma_start3A_915, %dma_start3A_916] : memref<3x8192xi32, #tpu.memory_space<vmem>> -> memref<1x8192xi32, #tpu.memory_space<vmem>>
    %dma_start3A_918 = tpu.memref_squeeze %dma_start3A_917 : memref<1x8192xi32, #tpu.memory_space<vmem>> -> memref<8192xi32, #tpu.memory_space<vmem>>
    %dma_start3A_919 = tpu.memref_slice %arg5[%add3A_887] : memref<4194304xi32, #tpu.memory_space<hbm>> -> memref<8192xi32, #tpu.memory_space<hbm>>
    %dma_start3A_920 = arith.constant 0 : i32
    %dma_start3A_921 = tpu.memref_slice %arg10[%dma_start3A_915, %dma_start3A_920] : memref<3x8192xi32, #tpu.memory_space<vmem>> -> memref<1x8192xi32, #tpu.memory_space<vmem>>
    %dma_start3A_922 = tpu.memref_squeeze %dma_start3A_921 : memref<1x8192xi32, #tpu.memory_space<vmem>> -> memref<8192xi32, #tpu.memory_space<vmem>>
    %dma_start3A_923 = tpu.memref_slice %arg5[%add3A_887] : memref<4194304xi32, #tpu.memory_space<hbm>> -> memref<8192xi32, #tpu.memory_space<hbm>>
    tpu.enqueue_dma source(%dma_start3A_923 : memref<8192xi32, #tpu.memory_space<hbm>>) target(%dma_start3A_922 : memref<8192xi32, #tpu.memory_space<vmem>>) target_semaphore(%arg14 : memref<!tpu.dma_semaphore, #tpu.memory_space<semaphore_mem>>)
    %parallel_loop3A_924 = arith.constant 0 : i32
    %parallel_loop3A_925 = arith.constant 256 : i32
    %parallel_loop3A_926 = arith.constant 1 : i32
    scf.for %parallel_loop3A_1239 = %parallel_loop3A_924 to %parallel_loop3A_925 step %parallel_loop3A_926  : i32 {
      %parallel_loop3A_1240 = arith.constant 32 : i32
      %parallel_loop3A_1241 = arith.muli %parallel_loop3A_1239, %parallel_loop3A_1240 : i32
      %parallel_loop3A_1242 = arith.constant 0 : i32
      %parallel_loop3A_1243 = arith.addi %parallel_loop3A_1241, %parallel_loop3A_1242 : i32
      %parallel_loop3A_1244 = arith.constant 1 : i32
      %parallel_loop3A_1245 = arith.index_cast %parallel_loop3A_1244 : i32 to index
      %parallel_loop3A_1246 = arith.index_cast %parallel_loop3A_1243 : i32 to index
      %parallel_loop3A_1247 = tpu.vector_load %arg7[%parallel_loop3A_1245, %parallel_loop3A_1246] {strides = array<i32>} : memref<3x8192xf32, #tpu.memory_space<vmem>>, vector<16xf32>,
      %parallel_loop3A_1248 = arith.constant 1 : i32
      %parallel_loop3A_1249 = arith.index_cast %parallel_loop3A_1248 : i32 to index
      %parallel_loop3A_1250 = arith.index_cast %parallel_loop3A_1243 : i32 to index
      %parallel_loop3A_1251 = tpu.vector_load %arg8[%parallel_loop3A_1249, %parallel_loop3A_1250] {strides = array<i32>} : memref<3x8192xf32, #tpu.memory_space<vmem>>, vector<16xf32>,
      %parallel_loop3A_1252 = arith.constant 1 : i32
      %parallel_loop3A_1253 = arith.index_cast %parallel_loop3A_1252 : i32 to index
      %parallel_loop3A_1254 = arith.index_cast %parallel_loop3A_1243 : i32 to index
      %parallel_loop3A_1255 = tpu.vector_load %arg9[%parallel_loop3A_1253, %parallel_loop3A_1254] {strides = array<i32>} : memref<3x8192xf32, #tpu.memory_space<vmem>>, vector<16xf32>,
      %parallel_loop3A_1256 = arith.constant 1 : i32
      %parallel_loop3A_1257 = arith.index_cast %parallel_loop3A_1256 : i32 to index
      %parallel_loop3A_1258 = arith.index_cast %parallel_loop3A_1243 : i32 to index
      %parallel_loop3A_1259 = tpu.vector_load %arg10[%parallel_loop3A_1257, %parallel_loop3A_1258] {strides = array<i32>} : memref<3x8192xi32, #tpu.memory_space<vmem>>, vector<16xi32>,
      %parallel_loop3A_1260 = arith.constant 16 : i32
      %parallel_loop3A_1261 = vector.broadcast %parallel_loop3A_1260 : i32 to vector<16xi32>
      %parallel_loop3A_1262 = arith.muli %parallel_loop3A_1259, %parallel_loop3A_1261 : vector<16xi32>
      %parallel_loop3A_1263 = arith.addi %parallel_loop3A_1262, %iota3A : vector<16xi32>
      %parallel_loop3A_1264 = arith.mulf %parallel_loop3A_1247, %parallel_loop3A_1251 : vector<16xf32>
      %parallel_loop3A_1265 = arith.mulf %parallel_loop3A_1264, %parallel_loop3A_1255 : vector<16xf32>
      tpu.vector_store_idx %arg11[%parallel_loop3A_1263], %parallel_loop3A_1265 {add = true} : memref<8192xf32, #tpu.memory_space<vmem>>[vector<16xi32>], vector<16xf32>,
      %parallel_loop3A_1266 = arith.constant 16 : i32
      %parallel_loop3A_1267 = arith.addi %parallel_loop3A_1241, %parallel_loop3A_1266 : i32
      %parallel_loop3A_1268 = arith.constant 1 : i32
      %parallel_loop3A_1269 = arith.index_cast %parallel_loop3A_1268 : i32 to index
      %parallel_loop3A_1270 = arith.index_cast %parallel_loop3A_1267 : i32 to index
      %parallel_loop3A_1271 = tpu.vector_load %arg7[%parallel_loop3A_1269, %parallel_loop3A_1270] {strides = array<i32>} : memref<3x8192xf32, #tpu.memory_space<vmem>>, vector<16xf32>,
      %parallel_loop3A_1272 = arith.constant 1 : i32
      %parallel_loop3A_1273 = arith.index_cast %parallel_loop3A_1272 : i32 to index
      %parallel_loop3A_1274 = arith.index_cast %parallel_loop3A_1267 : i32 to index
      %parallel_loop3A_1275 = tpu.vector_load %arg8[%parallel_loop3A_1273, %parallel_loop3A_1274] {strides = array<i32>} : memref<3x8192xf32, #tpu.memory_space<vmem>>, vector<16xf32>,
      %parallel_loop3A_1276 = arith.constant 1 : i32
      %parallel_loop3A_1277 = arith.index_cast %parallel_loop3A_1276 : i32 to index
      %parallel_loop3A_1278 = arith.index_cast %parallel_loop3A_1267 : i32 to index
      %parallel_loop3A_1279 = tpu.vector_load %arg9[%parallel_loop3A_1277, %parallel_loop3A_1278] {strides = array<i32>} : memref<3x8192xf32, #tpu.memory_space<vmem>>, vector<16xf32>,
      %parallel_loop3A_1280 = arith.constant 1 : i32
      %parallel_loop3A_1281 = arith.index_cast %parallel_loop3A_1280 : i32 to index
      %parallel_loop3A_1282 = arith.index_cast %parallel_loop3A_1267 : i32 to index
      %parallel_loop3A_1283 = tpu.vector_load %arg10[%parallel_loop3A_1281, %parallel_loop3A_1282] {strides = array<i32>} : memref<3x8192xi32, #tpu.memory_space<vmem>>, vector<16xi32>,
      %parallel_loop3A_1284 = arith.constant 16 : i32
      %parallel_loop3A_1285 = vector.broadcast %parallel_loop3A_1284 : i32 to vector<16xi32>
      %parallel_loop3A_1286 = arith.muli %parallel_loop3A_1283, %parallel_loop3A_1285 : vector<16xi32>
      %parallel_loop3A_1287 = arith.addi %parallel_loop3A_1286, %iota3A : vector<16xi32>
      %parallel_loop3A_1288 = arith.mulf %parallel_loop3A_1271, %parallel_loop3A_1275 : vector<16xf32>
      %parallel_loop3A_1289 = arith.mulf %parallel_loop3A_1288, %parallel_loop3A_1279 : vector<16xf32>
      tpu.vector_store_idx %arg12[%parallel_loop3A_1287], %parallel_loop3A_1289 {add = true} : memref<8192xf32, #tpu.memory_space<vmem>>[vector<16xi32>], vector<16xf32>,
    } {sc.loop_unroll_factor = 4 : i64, sc.parallel_access}
    %dma_wait3A_927 = arith.constant 2 : i32
    %dma_wait3A_928 = arith.constant 0 : i32
    %dma_wait3A_929 = tpu.memref_slice %arg7[%dma_wait3A_927, %dma_wait3A_928] : memref<3x8192xf32, #tpu.memory_space<vmem>> -> memref<1x8192xf32, #tpu.memory_space<vmem>>
    %dma_wait3A_930 = tpu.memref_squeeze %dma_wait3A_929 : memref<1x8192xf32, #tpu.memory_space<vmem>> -> memref<8192xf32, #tpu.memory_space<vmem>>
    %dma_wait3A_931 = tpu.memref_slice %arg2[%add3A_810] : memref<4194304xf32, #tpu.memory_space<hbm>> -> memref<8192xf32, #tpu.memory_space<hbm>>
    %dma_wait3A_932 = arith.constant 0 : i32
    %dma_wait3A_933 = tpu.memref_slice %arg7[%dma_wait3A_927, %dma_wait3A_932] : memref<3x8192xf32, #tpu.memory_space<vmem>> -> memref<1x8192xf32, #tpu.memory_space<vmem>>
    %dma_wait3A_934 = tpu.memref_squeeze %dma_wait3A_933 : memref<1x8192xf32, #tpu.memory_space<vmem>> -> memref<8192xf32, #tpu.memory_space<vmem>>
    %dma_wait3A_935 = tpu.memref_slice %arg2[%add3A_810] : memref<4194304xf32, #tpu.memory_space<hbm>> -> memref<8192xf32, #tpu.memory_space<hbm>>
    tpu.wait_dma2 semaphore(%arg16 : memref<!tpu.dma_semaphore, #tpu.memory_space<semaphore_mem>>) src(%dma_wait3A_935 : memref<8192xf32, #tpu.memory_space<hbm>>) dst(%dma_wait3A_934 : memref<8192xf32, #tpu.memory_space<vmem>>)
    %dma_wait3A_936 = arith.constant 2 : i32
    %dma_wait3A_937 = arith.constant 0 : i32
    %dma_wait3A_938 = tpu.memref_slice %arg8[%dma_wait3A_936, %dma_wait3A_937] : memref<3x8192xf32, #tpu.memory_space<vmem>> -> memref<1x8192xf32, #tpu.memory_space<vmem>>
    %dma_wait3A_939 = tpu.memref_squeeze %dma_wait3A_938 : memref<1x8192xf32, #tpu.memory_space<vmem>> -> memref<8192xf32, #tpu.memory_space<vmem>>
    %dma_wait3A_940 = tpu.memref_slice %arg3[%add3A_810] : memref<4194304xf32, #tpu.memory_space<hbm>> -> memref<8192xf32, #tpu.memory_space<hbm>>
    %dma_wait3A_941 = arith.constant 0 : i32
    %dma_wait3A_942 = tpu.memref_slice %arg8[%dma_wait3A_936, %dma_wait3A_941] : memref<3x8192xf32, #tpu.memory_space<vmem>> -> memref<1x8192xf32, #tpu.memory_space<vmem>>
    %dma_wait3A_943 = tpu.memref_squeeze %dma_wait3A_942 : memref<1x8192xf32, #tpu.memory_space<vmem>> -> memref<8192xf32, #tpu.memory_space<vmem>>
    %dma_wait3A_944 = tpu.memref_slice %arg3[%add3A_810] : memref<4194304xf32, #tpu.memory_space<hbm>> -> memref<8192xf32, #tpu.memory_space<hbm>>
    tpu.wait_dma2 semaphore(%arg16 : memref<!tpu.dma_semaphore, #tpu.memory_space<semaphore_mem>>) src(%dma_wait3A_944 : memref<8192xf32, #tpu.memory_space<hbm>>) dst(%dma_wait3A_943 : memref<8192xf32, #tpu.memory_space<vmem>>)
    %dma_wait3A_945 = arith.constant 2 : i32
    %dma_wait3A_946 = arith.constant 0 : i32
    %dma_wait3A_947 = tpu.memref_slice %arg9[%dma_wait3A_945, %dma_wait3A_946] : memref<3x8192xf32, #tpu.memory_space<vmem>> -> memref<1x8192xf32, #tpu.memory_space<vmem>>
    %dma_wait3A_948 = tpu.memref_squeeze %dma_wait3A_947 : memref<1x8192xf32, #tpu.memory_space<vmem>> -> memref<8192xf32, #tpu.memory_space<vmem>>
    %dma_wait3A_949 = tpu.memref_slice %arg4[%add3A_810] : memref<4194304xf32, #tpu.memory_space<hbm>> -> memref<8192xf32, #tpu.memory_space<hbm>>
    %dma_wait3A_950 = arith.constant 0 : i32
    %dma_wait3A_951 = tpu.memref_slice %arg9[%dma_wait3A_945, %dma_wait3A_950] : memref<3x8192xf32, #tpu.memory_space<vmem>> -> memref<1x8192xf32, #tpu.memory_space<vmem>>
    %dma_wait3A_952 = tpu.memref_squeeze %dma_wait3A_951 : memref<1x8192xf32, #tpu.memory_space<vmem>> -> memref<8192xf32, #tpu.memory_space<vmem>>
    %dma_wait3A_953 = tpu.memref_slice %arg4[%add3A_810] : memref<4194304xf32, #tpu.memory_space<hbm>> -> memref<8192xf32, #tpu.memory_space<hbm>>
    tpu.wait_dma2 semaphore(%arg16 : memref<!tpu.dma_semaphore, #tpu.memory_space<semaphore_mem>>) src(%dma_wait3A_953 : memref<8192xf32, #tpu.memory_space<hbm>>) dst(%dma_wait3A_952 : memref<8192xf32, #tpu.memory_space<vmem>>)
    %dma_wait3A_954 = arith.constant 2 : i32
    %dma_wait3A_955 = arith.constant 0 : i32
    %dma_wait3A_956 = tpu.memref_slice %arg10[%dma_wait3A_954, %dma_wait3A_955] : memref<3x8192xi32, #tpu.memory_space<vmem>> -> memref<1x8192xi32, #tpu.memory_space<vmem>>
    %dma_wait3A_957 = tpu.memref_squeeze %dma_wait3A_956 : memref<1x8192xi32, #tpu.memory_space<vmem>> -> memref<8192xi32, #tpu.memory_space<vmem>>
    %dma_wait3A_958 = tpu.memref_slice %arg5[%add3A_810] : memref<4194304xi32, #tpu.memory_space<hbm>> -> memref<8192xi32, #tpu.memory_space<hbm>>
    %dma_wait3A_959 = arith.constant 0 : i32
    %dma_wait3A_960 = tpu.memref_slice %arg10[%dma_wait3A_954, %dma_wait3A_959] : memref<3x8192xi32, #tpu.memory_space<vmem>> -> memref<1x8192xi32, #tpu.memory_space<vmem>>
    %dma_wait3A_961 = tpu.memref_squeeze %dma_wait3A_960 : memref<1x8192xi32, #tpu.memory_space<vmem>> -> memref<8192xi32, #tpu.memory_space<vmem>>
    %dma_wait3A_962 = tpu.memref_slice %arg5[%add3A_810] : memref<4194304xi32, #tpu.memory_space<hbm>> -> memref<8192xi32, #tpu.memory_space<hbm>>
    tpu.wait_dma2 semaphore(%arg16 : memref<!tpu.dma_semaphore, #tpu.memory_space<semaphore_mem>>) src(%dma_wait3A_962 : memref<8192xi32, #tpu.memory_space<hbm>>) dst(%dma_wait3A_961 : memref<8192xi32, #tpu.memory_space<vmem>>)
    %add3A_963 = arith.constant 106496 : i32
    %add3A_964 = arith.addi %mul3A_2, %add3A_963 : i32
    %dma_start3A_965 = arith.constant 1 : i32
    %dma_start3A_966 = arith.constant 0 : i32
    %dma_start3A_967 = tpu.memref_slice %arg7[%dma_start3A_965, %dma_start3A_966] : memref<3x8192xf32, #tpu.memory_space<vmem>> -> memref<1x8192xf32, #tpu.memory_space<vmem>>
    %dma_start3A_968 = tpu.memref_squeeze %dma_start3A_967 : memref<1x8192xf32, #tpu.memory_space<vmem>> -> memref<8192xf32, #tpu.memory_space<vmem>>
    %dma_start3A_969 = tpu.memref_slice %arg2[%add3A_964] : memref<4194304xf32, #tpu.memory_space<hbm>> -> memref<8192xf32, #tpu.memory_space<hbm>>
    %dma_start3A_970 = arith.constant 0 : i32
    %dma_start3A_971 = tpu.memref_slice %arg7[%dma_start3A_965, %dma_start3A_970] : memref<3x8192xf32, #tpu.memory_space<vmem>> -> memref<1x8192xf32, #tpu.memory_space<vmem>>
    %dma_start3A_972 = tpu.memref_squeeze %dma_start3A_971 : memref<1x8192xf32, #tpu.memory_space<vmem>> -> memref<8192xf32, #tpu.memory_space<vmem>>
    %dma_start3A_973 = tpu.memref_slice %arg2[%add3A_964] : memref<4194304xf32, #tpu.memory_space<hbm>> -> memref<8192xf32, #tpu.memory_space<hbm>>
    tpu.enqueue_dma source(%dma_start3A_973 : memref<8192xf32, #tpu.memory_space<hbm>>) target(%dma_start3A_972 : memref<8192xf32, #tpu.memory_space<vmem>>) target_semaphore(%arg15 : memref<!tpu.dma_semaphore, #tpu.memory_space<semaphore_mem>>)
    %dma_start3A_974 = arith.constant 1 : i32
    %dma_start3A_975 = arith.constant 0 : i32
    %dma_start3A_976 = tpu.memref_slice %arg8[%dma_start3A_974, %dma_start3A_975] : memref<3x8192xf32, #tpu.memory_space<vmem>> -> memref<1x8192xf32, #tpu.memory_space<vmem>>
    %dma_start3A_977 = tpu.memref_squeeze %dma_start3A_976 : memref<1x8192xf32, #tpu.memory_space<vmem>> -> memref<8192xf32, #tpu.memory_space<vmem>>
    %dma_start3A_978 = tpu.memref_slice %arg3[%add3A_964] : memref<4194304xf32, #tpu.memory_space<hbm>> -> memref<8192xf32, #tpu.memory_space<hbm>>
    %dma_start3A_979 = arith.constant 0 : i32
    %dma_start3A_980 = tpu.memref_slice %arg8[%dma_start3A_974, %dma_start3A_979] : memref<3x8192xf32, #tpu.memory_space<vmem>> -> memref<1x8192xf32, #tpu.memory_space<vmem>>
    %dma_start3A_981 = tpu.memref_squeeze %dma_start3A_980 : memref<1x8192xf32, #tpu.memory_space<vmem>> -> memref<8192xf32, #tpu.memory_space<vmem>>
    %dma_start3A_982 = tpu.memref_slice %arg3[%add3A_964] : memref<4194304xf32, #tpu.memory_space<hbm>> -> memref<8192xf32, #tpu.memory_space<hbm>>
    tpu.enqueue_dma source(%dma_start3A_982 : memref<8192xf32, #tpu.memory_space<hbm>>) target(%dma_start3A_981 : memref<8192xf32, #tpu.memory_space<vmem>>) target_semaphore(%arg15 : memref<!tpu.dma_semaphore, #tpu.memory_space<semaphore_mem>>)
    %dma_start3A_983 = arith.constant 1 : i32
    %dma_start3A_984 = arith.constant 0 : i32
    %dma_start3A_985 = tpu.memref_slice %arg9[%dma_start3A_983, %dma_start3A_984] : memref<3x8192xf32, #tpu.memory_space<vmem>> -> memref<1x8192xf32, #tpu.memory_space<vmem>>
    %dma_start3A_986 = tpu.memref_squeeze %dma_start3A_985 : memref<1x8192xf32, #tpu.memory_space<vmem>> -> memref<8192xf32, #tpu.memory_space<vmem>>
    %dma_start3A_987 = tpu.memref_slice %arg4[%add3A_964] : memref<4194304xf32, #tpu.memory_space<hbm>> -> memref<8192xf32, #tpu.memory_space<hbm>>
    %dma_start3A_988 = arith.constant 0 : i32
    %dma_start3A_989 = tpu.memref_slice %arg9[%dma_start3A_983, %dma_start3A_988] : memref<3x8192xf32, #tpu.memory_space<vmem>> -> memref<1x8192xf32, #tpu.memory_space<vmem>>
    %dma_start3A_990 = tpu.memref_squeeze %dma_start3A_989 : memref<1x8192xf32, #tpu.memory_space<vmem>> -> memref<8192xf32, #tpu.memory_space<vmem>>
    %dma_start3A_991 = tpu.memref_slice %arg4[%add3A_964] : memref<4194304xf32, #tpu.memory_space<hbm>> -> memref<8192xf32, #tpu.memory_space<hbm>>
    tpu.enqueue_dma source(%dma_start3A_991 : memref<8192xf32, #tpu.memory_space<hbm>>) target(%dma_start3A_990 : memref<8192xf32, #tpu.memory_space<vmem>>) target_semaphore(%arg15 : memref<!tpu.dma_semaphore, #tpu.memory_space<semaphore_mem>>)
    %dma_start3A_992 = arith.constant 1 : i32
    %dma_start3A_993 = arith.constant 0 : i32
    %dma_start3A_994 = tpu.memref_slice %arg10[%dma_start3A_992, %dma_start3A_993] : memref<3x8192xi32, #tpu.memory_space<vmem>> -> memref<1x8192xi32, #tpu.memory_space<vmem>>
    %dma_start3A_995 = tpu.memref_squeeze %dma_start3A_994 : memref<1x8192xi32, #tpu.memory_space<vmem>> -> memref<8192xi32, #tpu.memory_space<vmem>>
    %dma_start3A_996 = tpu.memref_slice %arg5[%add3A_964] : memref<4194304xi32, #tpu.memory_space<hbm>> -> memref<8192xi32, #tpu.memory_space<hbm>>
    %dma_start3A_997 = arith.constant 0 : i32
    %dma_start3A_998 = tpu.memref_slice %arg10[%dma_start3A_992, %dma_start3A_997] : memref<3x8192xi32, #tpu.memory_space<vmem>> -> memref<1x8192xi32, #tpu.memory_space<vmem>>
    %dma_start3A_999 = tpu.memref_squeeze %dma_start3A_998 : memref<1x8192xi32, #tpu.memory_space<vmem>> -> memref<8192xi32, #tpu.memory_space<vmem>>
    %dma_start3A_1000 = tpu.memref_slice %arg5[%add3A_964] : memref<4194304xi32, #tpu.memory_space<hbm>> -> memref<8192xi32, #tpu.memory_space<hbm>>
    tpu.enqueue_dma source(%dma_start3A_1000 : memref<8192xi32, #tpu.memory_space<hbm>>) target(%dma_start3A_999 : memref<8192xi32, #tpu.memory_space<vmem>>) target_semaphore(%arg15 : memref<!tpu.dma_semaphore, #tpu.memory_space<semaphore_mem>>)
    %parallel_loop3A_1001 = arith.constant 0 : i32
    %parallel_loop3A_1002 = arith.constant 256 : i32
    %parallel_loop3A_1003 = arith.constant 1 : i32
    scf.for %parallel_loop3A_1239 = %parallel_loop3A_1001 to %parallel_loop3A_1002 step %parallel_loop3A_1003  : i32 {
      %parallel_loop3A_1240 = arith.constant 32 : i32
      %parallel_loop3A_1241 = arith.muli %parallel_loop3A_1239, %parallel_loop3A_1240 : i32
      %parallel_loop3A_1242 = arith.constant 0 : i32
      %parallel_loop3A_1243 = arith.addi %parallel_loop3A_1241, %parallel_loop3A_1242 : i32
      %parallel_loop3A_1244 = arith.constant 2 : i32
      %parallel_loop3A_1245 = arith.index_cast %parallel_loop3A_1244 : i32 to index
      %parallel_loop3A_1246 = arith.index_cast %parallel_loop3A_1243 : i32 to index
      %parallel_loop3A_1247 = tpu.vector_load %arg7[%parallel_loop3A_1245, %parallel_loop3A_1246] {strides = array<i32>} : memref<3x8192xf32, #tpu.memory_space<vmem>>, vector<16xf32>,
      %parallel_loop3A_1248 = arith.constant 2 : i32
      %parallel_loop3A_1249 = arith.index_cast %parallel_loop3A_1248 : i32 to index
      %parallel_loop3A_1250 = arith.index_cast %parallel_loop3A_1243 : i32 to index
      %parallel_loop3A_1251 = tpu.vector_load %arg8[%parallel_loop3A_1249, %parallel_loop3A_1250] {strides = array<i32>} : memref<3x8192xf32, #tpu.memory_space<vmem>>, vector<16xf32>,
      %parallel_loop3A_1252 = arith.constant 2 : i32
      %parallel_loop3A_1253 = arith.index_cast %parallel_loop3A_1252 : i32 to index
      %parallel_loop3A_1254 = arith.index_cast %parallel_loop3A_1243 : i32 to index
      %parallel_loop3A_1255 = tpu.vector_load %arg9[%parallel_loop3A_1253, %parallel_loop3A_1254] {strides = array<i32>} : memref<3x8192xf32, #tpu.memory_space<vmem>>, vector<16xf32>,
      %parallel_loop3A_1256 = arith.constant 2 : i32
      %parallel_loop3A_1257 = arith.index_cast %parallel_loop3A_1256 : i32 to index
      %parallel_loop3A_1258 = arith.index_cast %parallel_loop3A_1243 : i32 to index
      %parallel_loop3A_1259 = tpu.vector_load %arg10[%parallel_loop3A_1257, %parallel_loop3A_1258] {strides = array<i32>} : memref<3x8192xi32, #tpu.memory_space<vmem>>, vector<16xi32>,
      %parallel_loop3A_1260 = arith.constant 16 : i32
      %parallel_loop3A_1261 = vector.broadcast %parallel_loop3A_1260 : i32 to vector<16xi32>
      %parallel_loop3A_1262 = arith.muli %parallel_loop3A_1259, %parallel_loop3A_1261 : vector<16xi32>
      %parallel_loop3A_1263 = arith.addi %parallel_loop3A_1262, %iota3A : vector<16xi32>
      %parallel_loop3A_1264 = arith.mulf %parallel_loop3A_1247, %parallel_loop3A_1251 : vector<16xf32>
      %parallel_loop3A_1265 = arith.mulf %parallel_loop3A_1264, %parallel_loop3A_1255 : vector<16xf32>
      tpu.vector_store_idx %arg11[%parallel_loop3A_1263], %parallel_loop3A_1265 {add = true} : memref<8192xf32, #tpu.memory_space<vmem>>[vector<16xi32>], vector<16xf32>,
      %parallel_loop3A_1266 = arith.constant 16 : i32
      %parallel_loop3A_1267 = arith.addi %parallel_loop3A_1241, %parallel_loop3A_1266 : i32
      %parallel_loop3A_1268 = arith.constant 2 : i32
      %parallel_loop3A_1269 = arith.index_cast %parallel_loop3A_1268 : i32 to index
      %parallel_loop3A_1270 = arith.index_cast %parallel_loop3A_1267 : i32 to index
      %parallel_loop3A_1271 = tpu.vector_load %arg7[%parallel_loop3A_1269, %parallel_loop3A_1270] {strides = array<i32>} : memref<3x8192xf32, #tpu.memory_space<vmem>>, vector<16xf32>,
      %parallel_loop3A_1272 = arith.constant 2 : i32
      %parallel_loop3A_1273 = arith.index_cast %parallel_loop3A_1272 : i32 to index
      %parallel_loop3A_1274 = arith.index_cast %parallel_loop3A_1267 : i32 to index
      %parallel_loop3A_1275 = tpu.vector_load %arg8[%parallel_loop3A_1273, %parallel_loop3A_1274] {strides = array<i32>} : memref<3x8192xf32, #tpu.memory_space<vmem>>, vector<16xf32>,
      %parallel_loop3A_1276 = arith.constant 2 : i32
      %parallel_loop3A_1277 = arith.index_cast %parallel_loop3A_1276 : i32 to index
      %parallel_loop3A_1278 = arith.index_cast %parallel_loop3A_1267 : i32 to index
      %parallel_loop3A_1279 = tpu.vector_load %arg9[%parallel_loop3A_1277, %parallel_loop3A_1278] {strides = array<i32>} : memref<3x8192xf32, #tpu.memory_space<vmem>>, vector<16xf32>,
      %parallel_loop3A_1280 = arith.constant 2 : i32
      %parallel_loop3A_1281 = arith.index_cast %parallel_loop3A_1280 : i32 to index
      %parallel_loop3A_1282 = arith.index_cast %parallel_loop3A_1267 : i32 to index
      %parallel_loop3A_1283 = tpu.vector_load %arg10[%parallel_loop3A_1281, %parallel_loop3A_1282] {strides = array<i32>} : memref<3x8192xi32, #tpu.memory_space<vmem>>, vector<16xi32>,
      %parallel_loop3A_1284 = arith.constant 16 : i32
      %parallel_loop3A_1285 = vector.broadcast %parallel_loop3A_1284 : i32 to vector<16xi32>
      %parallel_loop3A_1286 = arith.muli %parallel_loop3A_1283, %parallel_loop3A_1285 : vector<16xi32>
      %parallel_loop3A_1287 = arith.addi %parallel_loop3A_1286, %iota3A : vector<16xi32>
      %parallel_loop3A_1288 = arith.mulf %parallel_loop3A_1271, %parallel_loop3A_1275 : vector<16xf32>
      %parallel_loop3A_1289 = arith.mulf %parallel_loop3A_1288, %parallel_loop3A_1279 : vector<16xf32>
      tpu.vector_store_idx %arg12[%parallel_loop3A_1287], %parallel_loop3A_1289 {add = true} : memref<8192xf32, #tpu.memory_space<vmem>>[vector<16xi32>], vector<16xf32>,
    } {sc.loop_unroll_factor = 4 : i64, sc.parallel_access}
    %dma_wait3A_1004 = arith.constant 0 : i32
    %dma_wait3A_1005 = arith.constant 0 : i32
    %dma_wait3A_1006 = tpu.memref_slice %arg7[%dma_wait3A_1004, %dma_wait3A_1005] : memref<3x8192xf32, #tpu.memory_space<vmem>> -> memref<1x8192xf32, #tpu.memory_space<vmem>>
    %dma_wait3A_1007 = tpu.memref_squeeze %dma_wait3A_1006 : memref<1x8192xf32, #tpu.memory_space<vmem>> -> memref<8192xf32, #tpu.memory_space<vmem>>
    %dma_wait3A_1008 = tpu.memref_slice %arg2[%add3A_887] : memref<4194304xf32, #tpu.memory_space<hbm>> -> memref<8192xf32, #tpu.memory_space<hbm>>
    %dma_wait3A_1009 = arith.constant 0 : i32
    %dma_wait3A_1010 = tpu.memref_slice %arg7[%dma_wait3A_1004, %dma_wait3A_1009] : memref<3x8192xf32, #tpu.memory_space<vmem>> -> memref<1x8192xf32, #tpu.memory_space<vmem>>
    %dma_wait3A_1011 = tpu.memref_squeeze %dma_wait3A_1010 : memref<1x8192xf32, #tpu.memory_space<vmem>> -> memref<8192xf32, #tpu.memory_space<vmem>>
    %dma_wait3A_1012 = tpu.memref_slice %arg2[%add3A_887] : memref<4194304xf32, #tpu.memory_space<hbm>> -> memref<8192xf32, #tpu.memory_space<hbm>>
    tpu.wait_dma2 semaphore(%arg14 : memref<!tpu.dma_semaphore, #tpu.memory_space<semaphore_mem>>) src(%dma_wait3A_1012 : memref<8192xf32, #tpu.memory_space<hbm>>) dst(%dma_wait3A_1011 : memref<8192xf32, #tpu.memory_space<vmem>>)
    %dma_wait3A_1013 = arith.constant 0 : i32
    %dma_wait3A_1014 = arith.constant 0 : i32
    %dma_wait3A_1015 = tpu.memref_slice %arg8[%dma_wait3A_1013, %dma_wait3A_1014] : memref<3x8192xf32, #tpu.memory_space<vmem>> -> memref<1x8192xf32, #tpu.memory_space<vmem>>
    %dma_wait3A_1016 = tpu.memref_squeeze %dma_wait3A_1015 : memref<1x8192xf32, #tpu.memory_space<vmem>> -> memref<8192xf32, #tpu.memory_space<vmem>>
    %dma_wait3A_1017 = tpu.memref_slice %arg3[%add3A_887] : memref<4194304xf32, #tpu.memory_space<hbm>> -> memref<8192xf32, #tpu.memory_space<hbm>>
    %dma_wait3A_1018 = arith.constant 0 : i32
    %dma_wait3A_1019 = tpu.memref_slice %arg8[%dma_wait3A_1013, %dma_wait3A_1018] : memref<3x8192xf32, #tpu.memory_space<vmem>> -> memref<1x8192xf32, #tpu.memory_space<vmem>>
    %dma_wait3A_1020 = tpu.memref_squeeze %dma_wait3A_1019 : memref<1x8192xf32, #tpu.memory_space<vmem>> -> memref<8192xf32, #tpu.memory_space<vmem>>
    %dma_wait3A_1021 = tpu.memref_slice %arg3[%add3A_887] : memref<4194304xf32, #tpu.memory_space<hbm>> -> memref<8192xf32, #tpu.memory_space<hbm>>
    tpu.wait_dma2 semaphore(%arg14 : memref<!tpu.dma_semaphore, #tpu.memory_space<semaphore_mem>>) src(%dma_wait3A_1021 : memref<8192xf32, #tpu.memory_space<hbm>>) dst(%dma_wait3A_1020 : memref<8192xf32, #tpu.memory_space<vmem>>)
    %dma_wait3A_1022 = arith.constant 0 : i32
    %dma_wait3A_1023 = arith.constant 0 : i32
    %dma_wait3A_1024 = tpu.memref_slice %arg9[%dma_wait3A_1022, %dma_wait3A_1023] : memref<3x8192xf32, #tpu.memory_space<vmem>> -> memref<1x8192xf32, #tpu.memory_space<vmem>>
    %dma_wait3A_1025 = tpu.memref_squeeze %dma_wait3A_1024 : memref<1x8192xf32, #tpu.memory_space<vmem>> -> memref<8192xf32, #tpu.memory_space<vmem>>
    %dma_wait3A_1026 = tpu.memref_slice %arg4[%add3A_887] : memref<4194304xf32, #tpu.memory_space<hbm>> -> memref<8192xf32, #tpu.memory_space<hbm>>
    %dma_wait3A_1027 = arith.constant 0 : i32
    %dma_wait3A_1028 = tpu.memref_slice %arg9[%dma_wait3A_1022, %dma_wait3A_1027] : memref<3x8192xf32, #tpu.memory_space<vmem>> -> memref<1x8192xf32, #tpu.memory_space<vmem>>
    %dma_wait3A_1029 = tpu.memref_squeeze %dma_wait3A_1028 : memref<1x8192xf32, #tpu.memory_space<vmem>> -> memref<8192xf32, #tpu.memory_space<vmem>>
    %dma_wait3A_1030 = tpu.memref_slice %arg4[%add3A_887] : memref<4194304xf32, #tpu.memory_space<hbm>> -> memref<8192xf32, #tpu.memory_space<hbm>>
    tpu.wait_dma2 semaphore(%arg14 : memref<!tpu.dma_semaphore, #tpu.memory_space<semaphore_mem>>) src(%dma_wait3A_1030 : memref<8192xf32, #tpu.memory_space<hbm>>) dst(%dma_wait3A_1029 : memref<8192xf32, #tpu.memory_space<vmem>>)
    %dma_wait3A_1031 = arith.constant 0 : i32
    %dma_wait3A_1032 = arith.constant 0 : i32
    %dma_wait3A_1033 = tpu.memref_slice %arg10[%dma_wait3A_1031, %dma_wait3A_1032] : memref<3x8192xi32, #tpu.memory_space<vmem>> -> memref<1x8192xi32, #tpu.memory_space<vmem>>
    %dma_wait3A_1034 = tpu.memref_squeeze %dma_wait3A_1033 : memref<1x8192xi32, #tpu.memory_space<vmem>> -> memref<8192xi32, #tpu.memory_space<vmem>>
    %dma_wait3A_1035 = tpu.memref_slice %arg5[%add3A_887] : memref<4194304xi32, #tpu.memory_space<hbm>> -> memref<8192xi32, #tpu.memory_space<hbm>>
    %dma_wait3A_1036 = arith.constant 0 : i32
    %dma_wait3A_1037 = tpu.memref_slice %arg10[%dma_wait3A_1031, %dma_wait3A_1036] : memref<3x8192xi32, #tpu.memory_space<vmem>> -> memref<1x8192xi32, #tpu.memory_space<vmem>>
    %dma_wait3A_1038 = tpu.memref_squeeze %dma_wait3A_1037 : memref<1x8192xi32, #tpu.memory_space<vmem>> -> memref<8192xi32, #tpu.memory_space<vmem>>
    %dma_wait3A_1039 = tpu.memref_slice %arg5[%add3A_887] : memref<4194304xi32, #tpu.memory_space<hbm>> -> memref<8192xi32, #tpu.memory_space<hbm>>
    tpu.wait_dma2 semaphore(%arg14 : memref<!tpu.dma_semaphore, #tpu.memory_space<semaphore_mem>>) src(%dma_wait3A_1039 : memref<8192xi32, #tpu.memory_space<hbm>>) dst(%dma_wait3A_1038 : memref<8192xi32, #tpu.memory_space<vmem>>)
    %add3A_1040 = arith.constant 114688 : i32
    %add3A_1041 = arith.addi %mul3A_2, %add3A_1040 : i32
    %dma_start3A_1042 = arith.constant 2 : i32
    %dma_start3A_1043 = arith.constant 0 : i32
    %dma_start3A_1044 = tpu.memref_slice %arg7[%dma_start3A_1042, %dma_start3A_1043] : memref<3x8192xf32, #tpu.memory_space<vmem>> -> memref<1x8192xf32, #tpu.memory_space<vmem>>
    %dma_start3A_1045 = tpu.memref_squeeze %dma_start3A_1044 : memref<1x8192xf32, #tpu.memory_space<vmem>> -> memref<8192xf32, #tpu.memory_space<vmem>>
    %dma_start3A_1046 = tpu.memref_slice %arg2[%add3A_1041] : memref<4194304xf32, #tpu.memory_space<hbm>> -> memref<8192xf32, #tpu.memory_space<hbm>>
    %dma_start3A_1047 = arith.constant 0 : i32
    %dma_start3A_1048 = tpu.memref_slice %arg7[%dma_start3A_1042, %dma_start3A_1047] : memref<3x8192xf32, #tpu.memory_space<vmem>> -> memref<1x8192xf32, #tpu.memory_space<vmem>>
    %dma_start3A_1049 = tpu.memref_squeeze %dma_start3A_1048 : memref<1x8192xf32, #tpu.memory_space<vmem>> -> memref<8192xf32, #tpu.memory_space<vmem>>
    %dma_start3A_1050 = tpu.memref_slice %arg2[%add3A_1041] : memref<4194304xf32, #tpu.memory_space<hbm>> -> memref<8192xf32, #tpu.memory_space<hbm>>
    tpu.enqueue_dma source(%dma_start3A_1050 : memref<8192xf32, #tpu.memory_space<hbm>>) target(%dma_start3A_1049 : memref<8192xf32, #tpu.memory_space<vmem>>) target_semaphore(%arg16 : memref<!tpu.dma_semaphore, #tpu.memory_space<semaphore_mem>>)
    %dma_start3A_1051 = arith.constant 2 : i32
    %dma_start3A_1052 = arith.constant 0 : i32
    %dma_start3A_1053 = tpu.memref_slice %arg8[%dma_start3A_1051, %dma_start3A_1052] : memref<3x8192xf32, #tpu.memory_space<vmem>> -> memref<1x8192xf32, #tpu.memory_space<vmem>>
    %dma_start3A_1054 = tpu.memref_squeeze %dma_start3A_1053 : memref<1x8192xf32, #tpu.memory_space<vmem>> -> memref<8192xf32, #tpu.memory_space<vmem>>
    %dma_start3A_1055 = tpu.memref_slice %arg3[%add3A_1041] : memref<4194304xf32, #tpu.memory_space<hbm>> -> memref<8192xf32, #tpu.memory_space<hbm>>
    %dma_start3A_1056 = arith.constant 0 : i32
    %dma_start3A_1057 = tpu.memref_slice %arg8[%dma_start3A_1051, %dma_start3A_1056] : memref<3x8192xf32, #tpu.memory_space<vmem>> -> memref<1x8192xf32, #tpu.memory_space<vmem>>
    %dma_start3A_1058 = tpu.memref_squeeze %dma_start3A_1057 : memref<1x8192xf32, #tpu.memory_space<vmem>> -> memref<8192xf32, #tpu.memory_space<vmem>>
    %dma_start3A_1059 = tpu.memref_slice %arg3[%add3A_1041] : memref<4194304xf32, #tpu.memory_space<hbm>> -> memref<8192xf32, #tpu.memory_space<hbm>>
    tpu.enqueue_dma source(%dma_start3A_1059 : memref<8192xf32, #tpu.memory_space<hbm>>) target(%dma_start3A_1058 : memref<8192xf32, #tpu.memory_space<vmem>>) target_semaphore(%arg16 : memref<!tpu.dma_semaphore, #tpu.memory_space<semaphore_mem>>)
    %dma_start3A_1060 = arith.constant 2 : i32
    %dma_start3A_1061 = arith.constant 0 : i32
    %dma_start3A_1062 = tpu.memref_slice %arg9[%dma_start3A_1060, %dma_start3A_1061] : memref<3x8192xf32, #tpu.memory_space<vmem>> -> memref<1x8192xf32, #tpu.memory_space<vmem>>
    %dma_start3A_1063 = tpu.memref_squeeze %dma_start3A_1062 : memref<1x8192xf32, #tpu.memory_space<vmem>> -> memref<8192xf32, #tpu.memory_space<vmem>>
    %dma_start3A_1064 = tpu.memref_slice %arg4[%add3A_1041] : memref<4194304xf32, #tpu.memory_space<hbm>> -> memref<8192xf32, #tpu.memory_space<hbm>>
    %dma_start3A_1065 = arith.constant 0 : i32
    %dma_start3A_1066 = tpu.memref_slice %arg9[%dma_start3A_1060, %dma_start3A_1065] : memref<3x8192xf32, #tpu.memory_space<vmem>> -> memref<1x8192xf32, #tpu.memory_space<vmem>>
    %dma_start3A_1067 = tpu.memref_squeeze %dma_start3A_1066 : memref<1x8192xf32, #tpu.memory_space<vmem>> -> memref<8192xf32, #tpu.memory_space<vmem>>
    %dma_start3A_1068 = tpu.memref_slice %arg4[%add3A_1041] : memref<4194304xf32, #tpu.memory_space<hbm>> -> memref<8192xf32, #tpu.memory_space<hbm>>
    tpu.enqueue_dma source(%dma_start3A_1068 : memref<8192xf32, #tpu.memory_space<hbm>>) target(%dma_start3A_1067 : memref<8192xf32, #tpu.memory_space<vmem>>) target_semaphore(%arg16 : memref<!tpu.dma_semaphore, #tpu.memory_space<semaphore_mem>>)
    %dma_start3A_1069 = arith.constant 2 : i32
    %dma_start3A_1070 = arith.constant 0 : i32
    %dma_start3A_1071 = tpu.memref_slice %arg10[%dma_start3A_1069, %dma_start3A_1070] : memref<3x8192xi32, #tpu.memory_space<vmem>> -> memref<1x8192xi32, #tpu.memory_space<vmem>>
    %dma_start3A_1072 = tpu.memref_squeeze %dma_start3A_1071 : memref<1x8192xi32, #tpu.memory_space<vmem>> -> memref<8192xi32, #tpu.memory_space<vmem>>
    %dma_start3A_1073 = tpu.memref_slice %arg5[%add3A_1041] : memref<4194304xi32, #tpu.memory_space<hbm>> -> memref<8192xi32, #tpu.memory_space<hbm>>
    %dma_start3A_1074 = arith.constant 0 : i32
    %dma_start3A_1075 = tpu.memref_slice %arg10[%dma_start3A_1069, %dma_start3A_1074] : memref<3x8192xi32, #tpu.memory_space<vmem>> -> memref<1x8192xi32, #tpu.memory_space<vmem>>
    %dma_start3A_1076 = tpu.memref_squeeze %dma_start3A_1075 : memref<1x8192xi32, #tpu.memory_space<vmem>> -> memref<8192xi32, #tpu.memory_space<vmem>>
    %dma_start3A_1077 = tpu.memref_slice %arg5[%add3A_1041] : memref<4194304xi32, #tpu.memory_space<hbm>> -> memref<8192xi32, #tpu.memory_space<hbm>>
    tpu.enqueue_dma source(%dma_start3A_1077 : memref<8192xi32, #tpu.memory_space<hbm>>) target(%dma_start3A_1076 : memref<8192xi32, #tpu.memory_space<vmem>>) target_semaphore(%arg16 : memref<!tpu.dma_semaphore, #tpu.memory_space<semaphore_mem>>)
    %parallel_loop3A_1078 = arith.constant 0 : i32
    %parallel_loop3A_1079 = arith.constant 256 : i32
    %parallel_loop3A_1080 = arith.constant 1 : i32
    scf.for %parallel_loop3A_1239 = %parallel_loop3A_1078 to %parallel_loop3A_1079 step %parallel_loop3A_1080  : i32 {
      %parallel_loop3A_1240 = arith.constant 32 : i32
      %parallel_loop3A_1241 = arith.muli %parallel_loop3A_1239, %parallel_loop3A_1240 : i32
      %parallel_loop3A_1242 = arith.constant 0 : i32
      %parallel_loop3A_1243 = arith.addi %parallel_loop3A_1241, %parallel_loop3A_1242 : i32
      %parallel_loop3A_1244 = arith.constant 0 : i32
      %parallel_loop3A_1245 = arith.index_cast %parallel_loop3A_1244 : i32 to index
      %parallel_loop3A_1246 = arith.index_cast %parallel_loop3A_1243 : i32 to index
      %parallel_loop3A_1247 = tpu.vector_load %arg7[%parallel_loop3A_1245, %parallel_loop3A_1246] {strides = array<i32>} : memref<3x8192xf32, #tpu.memory_space<vmem>>, vector<16xf32>,
      %parallel_loop3A_1248 = arith.constant 0 : i32
      %parallel_loop3A_1249 = arith.index_cast %parallel_loop3A_1248 : i32 to index
      %parallel_loop3A_1250 = arith.index_cast %parallel_loop3A_1243 : i32 to index
      %parallel_loop3A_1251 = tpu.vector_load %arg8[%parallel_loop3A_1249, %parallel_loop3A_1250] {strides = array<i32>} : memref<3x8192xf32, #tpu.memory_space<vmem>>, vector<16xf32>,
      %parallel_loop3A_1252 = arith.constant 0 : i32
      %parallel_loop3A_1253 = arith.index_cast %parallel_loop3A_1252 : i32 to index
      %parallel_loop3A_1254 = arith.index_cast %parallel_loop3A_1243 : i32 to index
      %parallel_loop3A_1255 = tpu.vector_load %arg9[%parallel_loop3A_1253, %parallel_loop3A_1254] {strides = array<i32>} : memref<3x8192xf32, #tpu.memory_space<vmem>>, vector<16xf32>,
      %parallel_loop3A_1256 = arith.constant 0 : i32
      %parallel_loop3A_1257 = arith.index_cast %parallel_loop3A_1256 : i32 to index
      %parallel_loop3A_1258 = arith.index_cast %parallel_loop3A_1243 : i32 to index
      %parallel_loop3A_1259 = tpu.vector_load %arg10[%parallel_loop3A_1257, %parallel_loop3A_1258] {strides = array<i32>} : memref<3x8192xi32, #tpu.memory_space<vmem>>, vector<16xi32>,
      %parallel_loop3A_1260 = arith.constant 16 : i32
      %parallel_loop3A_1261 = vector.broadcast %parallel_loop3A_1260 : i32 to vector<16xi32>
      %parallel_loop3A_1262 = arith.muli %parallel_loop3A_1259, %parallel_loop3A_1261 : vector<16xi32>
      %parallel_loop3A_1263 = arith.addi %parallel_loop3A_1262, %iota3A : vector<16xi32>
      %parallel_loop3A_1264 = arith.mulf %parallel_loop3A_1247, %parallel_loop3A_1251 : vector<16xf32>
      %parallel_loop3A_1265 = arith.mulf %parallel_loop3A_1264, %parallel_loop3A_1255 : vector<16xf32>
      tpu.vector_store_idx %arg11[%parallel_loop3A_1263], %parallel_loop3A_1265 {add = true} : memref<8192xf32, #tpu.memory_space<vmem>>[vector<16xi32>], vector<16xf32>,
      %parallel_loop3A_1266 = arith.constant 16 : i32
      %parallel_loop3A_1267 = arith.addi %parallel_loop3A_1241, %parallel_loop3A_1266 : i32
      %parallel_loop3A_1268 = arith.constant 0 : i32
      %parallel_loop3A_1269 = arith.index_cast %parallel_loop3A_1268 : i32 to index
      %parallel_loop3A_1270 = arith.index_cast %parallel_loop3A_1267 : i32 to index
      %parallel_loop3A_1271 = tpu.vector_load %arg7[%parallel_loop3A_1269, %parallel_loop3A_1270] {strides = array<i32>} : memref<3x8192xf32, #tpu.memory_space<vmem>>, vector<16xf32>,
      %parallel_loop3A_1272 = arith.constant 0 : i32
      %parallel_loop3A_1273 = arith.index_cast %parallel_loop3A_1272 : i32 to index
      %parallel_loop3A_1274 = arith.index_cast %parallel_loop3A_1267 : i32 to index
      %parallel_loop3A_1275 = tpu.vector_load %arg8[%parallel_loop3A_1273, %parallel_loop3A_1274] {strides = array<i32>} : memref<3x8192xf32, #tpu.memory_space<vmem>>, vector<16xf32>,
      %parallel_loop3A_1276 = arith.constant 0 : i32
      %parallel_loop3A_1277 = arith.index_cast %parallel_loop3A_1276 : i32 to index
      %parallel_loop3A_1278 = arith.index_cast %parallel_loop3A_1267 : i32 to index
      %parallel_loop3A_1279 = tpu.vector_load %arg9[%parallel_loop3A_1277, %parallel_loop3A_1278] {strides = array<i32>} : memref<3x8192xf32, #tpu.memory_space<vmem>>, vector<16xf32>,
      %parallel_loop3A_1280 = arith.constant 0 : i32
      %parallel_loop3A_1281 = arith.index_cast %parallel_loop3A_1280 : i32 to index
      %parallel_loop3A_1282 = arith.index_cast %parallel_loop3A_1267 : i32 to index
      %parallel_loop3A_1283 = tpu.vector_load %arg10[%parallel_loop3A_1281, %parallel_loop3A_1282] {strides = array<i32>} : memref<3x8192xi32, #tpu.memory_space<vmem>>, vector<16xi32>,
      %parallel_loop3A_1284 = arith.constant 16 : i32
      %parallel_loop3A_1285 = vector.broadcast %parallel_loop3A_1284 : i32 to vector<16xi32>
      %parallel_loop3A_1286 = arith.muli %parallel_loop3A_1283, %parallel_loop3A_1285 : vector<16xi32>
      %parallel_loop3A_1287 = arith.addi %parallel_loop3A_1286, %iota3A : vector<16xi32>
      %parallel_loop3A_1288 = arith.mulf %parallel_loop3A_1271, %parallel_loop3A_1275 : vector<16xf32>
      %parallel_loop3A_1289 = arith.mulf %parallel_loop3A_1288, %parallel_loop3A_1279 : vector<16xf32>
      tpu.vector_store_idx %arg12[%parallel_loop3A_1287], %parallel_loop3A_1289 {add = true} : memref<8192xf32, #tpu.memory_space<vmem>>[vector<16xi32>], vector<16xf32>,
    } {sc.loop_unroll_factor = 4 : i64, sc.parallel_access}
    %dma_wait3A_1081 = arith.constant 1 : i32
    %dma_wait3A_1082 = arith.constant 0 : i32
    %dma_wait3A_1083 = tpu.memref_slice %arg7[%dma_wait3A_1081, %dma_wait3A_1082] : memref<3x8192xf32, #tpu.memory_space<vmem>> -> memref<1x8192xf32, #tpu.memory_space<vmem>>
    %dma_wait3A_1084 = tpu.memref_squeeze %dma_wait3A_1083 : memref<1x8192xf32, #tpu.memory_space<vmem>> -> memref<8192xf32, #tpu.memory_space<vmem>>
    %dma_wait3A_1085 = tpu.memref_slice %arg2[%add3A_964] : memref<4194304xf32, #tpu.memory_space<hbm>> -> memref<8192xf32, #tpu.memory_space<hbm>>
    %dma_wait3A_1086 = arith.constant 0 : i32
    %dma_wait3A_1087 = tpu.memref_slice %arg7[%dma_wait3A_1081, %dma_wait3A_1086] : memref<3x8192xf32, #tpu.memory_space<vmem>> -> memref<1x8192xf32, #tpu.memory_space<vmem>>
    %dma_wait3A_1088 = tpu.memref_squeeze %dma_wait3A_1087 : memref<1x8192xf32, #tpu.memory_space<vmem>> -> memref<8192xf32, #tpu.memory_space<vmem>>
    %dma_wait3A_1089 = tpu.memref_slice %arg2[%add3A_964] : memref<4194304xf32, #tpu.memory_space<hbm>> -> memref<8192xf32, #tpu.memory_space<hbm>>
    tpu.wait_dma2 semaphore(%arg15 : memref<!tpu.dma_semaphore, #tpu.memory_space<semaphore_mem>>) src(%dma_wait3A_1089 : memref<8192xf32, #tpu.memory_space<hbm>>) dst(%dma_wait3A_1088 : memref<8192xf32, #tpu.memory_space<vmem>>)
    %dma_wait3A_1090 = arith.constant 1 : i32
    %dma_wait3A_1091 = arith.constant 0 : i32
    %dma_wait3A_1092 = tpu.memref_slice %arg8[%dma_wait3A_1090, %dma_wait3A_1091] : memref<3x8192xf32, #tpu.memory_space<vmem>> -> memref<1x8192xf32, #tpu.memory_space<vmem>>
    %dma_wait3A_1093 = tpu.memref_squeeze %dma_wait3A_1092 : memref<1x8192xf32, #tpu.memory_space<vmem>> -> memref<8192xf32, #tpu.memory_space<vmem>>
    %dma_wait3A_1094 = tpu.memref_slice %arg3[%add3A_964] : memref<4194304xf32, #tpu.memory_space<hbm>> -> memref<8192xf32, #tpu.memory_space<hbm>>
    %dma_wait3A_1095 = arith.constant 0 : i32
    %dma_wait3A_1096 = tpu.memref_slice %arg8[%dma_wait3A_1090, %dma_wait3A_1095] : memref<3x8192xf32, #tpu.memory_space<vmem>> -> memref<1x8192xf32, #tpu.memory_space<vmem>>
    %dma_wait3A_1097 = tpu.memref_squeeze %dma_wait3A_1096 : memref<1x8192xf32, #tpu.memory_space<vmem>> -> memref<8192xf32, #tpu.memory_space<vmem>>
    %dma_wait3A_1098 = tpu.memref_slice %arg3[%add3A_964] : memref<4194304xf32, #tpu.memory_space<hbm>> -> memref<8192xf32, #tpu.memory_space<hbm>>
    tpu.wait_dma2 semaphore(%arg15 : memref<!tpu.dma_semaphore, #tpu.memory_space<semaphore_mem>>) src(%dma_wait3A_1098 : memref<8192xf32, #tpu.memory_space<hbm>>) dst(%dma_wait3A_1097 : memref<8192xf32, #tpu.memory_space<vmem>>)
    %dma_wait3A_1099 = arith.constant 1 : i32
    %dma_wait3A_1100 = arith.constant 0 : i32
    %dma_wait3A_1101 = tpu.memref_slice %arg9[%dma_wait3A_1099, %dma_wait3A_1100] : memref<3x8192xf32, #tpu.memory_space<vmem>> -> memref<1x8192xf32, #tpu.memory_space<vmem>>
    %dma_wait3A_1102 = tpu.memref_squeeze %dma_wait3A_1101 : memref<1x8192xf32, #tpu.memory_space<vmem>> -> memref<8192xf32, #tpu.memory_space<vmem>>
    %dma_wait3A_1103 = tpu.memref_slice %arg4[%add3A_964] : memref<4194304xf32, #tpu.memory_space<hbm>> -> memref<8192xf32, #tpu.memory_space<hbm>>
    %dma_wait3A_1104 = arith.constant 0 : i32
    %dma_wait3A_1105 = tpu.memref_slice %arg9[%dma_wait3A_1099, %dma_wait3A_1104] : memref<3x8192xf32, #tpu.memory_space<vmem>> -> memref<1x8192xf32, #tpu.memory_space<vmem>>
    %dma_wait3A_1106 = tpu.memref_squeeze %dma_wait3A_1105 : memref<1x8192xf32, #tpu.memory_space<vmem>> -> memref<8192xf32, #tpu.memory_space<vmem>>
    %dma_wait3A_1107 = tpu.memref_slice %arg4[%add3A_964] : memref<4194304xf32, #tpu.memory_space<hbm>> -> memref<8192xf32, #tpu.memory_space<hbm>>
    tpu.wait_dma2 semaphore(%arg15 : memref<!tpu.dma_semaphore, #tpu.memory_space<semaphore_mem>>) src(%dma_wait3A_1107 : memref<8192xf32, #tpu.memory_space<hbm>>) dst(%dma_wait3A_1106 : memref<8192xf32, #tpu.memory_space<vmem>>)
    %dma_wait3A_1108 = arith.constant 1 : i32
    %dma_wait3A_1109 = arith.constant 0 : i32
    %dma_wait3A_1110 = tpu.memref_slice %arg10[%dma_wait3A_1108, %dma_wait3A_1109] : memref<3x8192xi32, #tpu.memory_space<vmem>> -> memref<1x8192xi32, #tpu.memory_space<vmem>>
    %dma_wait3A_1111 = tpu.memref_squeeze %dma_wait3A_1110 : memref<1x8192xi32, #tpu.memory_space<vmem>> -> memref<8192xi32, #tpu.memory_space<vmem>>
    %dma_wait3A_1112 = tpu.memref_slice %arg5[%add3A_964] : memref<4194304xi32, #tpu.memory_space<hbm>> -> memref<8192xi32, #tpu.memory_space<hbm>>
    %dma_wait3A_1113 = arith.constant 0 : i32
    %dma_wait3A_1114 = tpu.memref_slice %arg10[%dma_wait3A_1108, %dma_wait3A_1113] : memref<3x8192xi32, #tpu.memory_space<vmem>> -> memref<1x8192xi32, #tpu.memory_space<vmem>>
    %dma_wait3A_1115 = tpu.memref_squeeze %dma_wait3A_1114 : memref<1x8192xi32, #tpu.memory_space<vmem>> -> memref<8192xi32, #tpu.memory_space<vmem>>
    %dma_wait3A_1116 = tpu.memref_slice %arg5[%add3A_964] : memref<4194304xi32, #tpu.memory_space<hbm>> -> memref<8192xi32, #tpu.memory_space<hbm>>
    tpu.wait_dma2 semaphore(%arg15 : memref<!tpu.dma_semaphore, #tpu.memory_space<semaphore_mem>>) src(%dma_wait3A_1116 : memref<8192xi32, #tpu.memory_space<hbm>>) dst(%dma_wait3A_1115 : memref<8192xi32, #tpu.memory_space<vmem>>)
    %add3A_1117 = arith.constant 122880 : i32
    %add3A_1118 = arith.addi %mul3A_2, %add3A_1117 : i32
    %dma_start3A_1119 = arith.constant 0 : i32
    %dma_start3A_1120 = arith.constant 0 : i32
    %dma_start3A_1121 = tpu.memref_slice %arg7[%dma_start3A_1119, %dma_start3A_1120] : memref<3x8192xf32, #tpu.memory_space<vmem>> -> memref<1x8192xf32, #tpu.memory_space<vmem>>
    %dma_start3A_1122 = tpu.memref_squeeze %dma_start3A_1121 : memref<1x8192xf32, #tpu.memory_space<vmem>> -> memref<8192xf32, #tpu.memory_space<vmem>>
    %dma_start3A_1123 = tpu.memref_slice %arg2[%add3A_1118] : memref<4194304xf32, #tpu.memory_space<hbm>> -> memref<8192xf32, #tpu.memory_space<hbm>>
    %dma_start3A_1124 = arith.constant 0 : i32
    %dma_start3A_1125 = tpu.memref_slice %arg7[%dma_start3A_1119, %dma_start3A_1124] : memref<3x8192xf32, #tpu.memory_space<vmem>> -> memref<1x8192xf32, #tpu.memory_space<vmem>>
    %dma_start3A_1126 = tpu.memref_squeeze %dma_start3A_1125 : memref<1x8192xf32, #tpu.memory_space<vmem>> -> memref<8192xf32, #tpu.memory_space<vmem>>
    %dma_start3A_1127 = tpu.memref_slice %arg2[%add3A_1118] : memref<4194304xf32, #tpu.memory_space<hbm>> -> memref<8192xf32, #tpu.memory_space<hbm>>
    tpu.enqueue_dma source(%dma_start3A_1127 : memref<8192xf32, #tpu.memory_space<hbm>>) target(%dma_start3A_1126 : memref<8192xf32, #tpu.memory_space<vmem>>) target_semaphore(%arg14 : memref<!tpu.dma_semaphore, #tpu.memory_space<semaphore_mem>>)
    %dma_start3A_1128 = arith.constant 0 : i32
    %dma_start3A_1129 = arith.constant 0 : i32
    %dma_start3A_1130 = tpu.memref_slice %arg8[%dma_start3A_1128, %dma_start3A_1129] : memref<3x8192xf32, #tpu.memory_space<vmem>> -> memref<1x8192xf32, #tpu.memory_space<vmem>>
    %dma_start3A_1131 = tpu.memref_squeeze %dma_start3A_1130 : memref<1x8192xf32, #tpu.memory_space<vmem>> -> memref<8192xf32, #tpu.memory_space<vmem>>
    %dma_start3A_1132 = tpu.memref_slice %arg3[%add3A_1118] : memref<4194304xf32, #tpu.memory_space<hbm>> -> memref<8192xf32, #tpu.memory_space<hbm>>
    %dma_start3A_1133 = arith.constant 0 : i32
    %dma_start3A_1134 = tpu.memref_slice %arg8[%dma_start3A_1128, %dma_start3A_1133] : memref<3x8192xf32, #tpu.memory_space<vmem>> -> memref<1x8192xf32, #tpu.memory_space<vmem>>
    %dma_start3A_1135 = tpu.memref_squeeze %dma_start3A_1134 : memref<1x8192xf32, #tpu.memory_space<vmem>> -> memref<8192xf32, #tpu.memory_space<vmem>>
    %dma_start3A_1136 = tpu.memref_slice %arg3[%add3A_1118] : memref<4194304xf32, #tpu.memory_space<hbm>> -> memref<8192xf32, #tpu.memory_space<hbm>>
    tpu.enqueue_dma source(%dma_start3A_1136 : memref<8192xf32, #tpu.memory_space<hbm>>) target(%dma_start3A_1135 : memref<8192xf32, #tpu.memory_space<vmem>>) target_semaphore(%arg14 : memref<!tpu.dma_semaphore, #tpu.memory_space<semaphore_mem>>)
    %dma_start3A_1137 = arith.constant 0 : i32
    %dma_start3A_1138 = arith.constant 0 : i32
    %dma_start3A_1139 = tpu.memref_slice %arg9[%dma_start3A_1137, %dma_start3A_1138] : memref<3x8192xf32, #tpu.memory_space<vmem>> -> memref<1x8192xf32, #tpu.memory_space<vmem>>
    %dma_start3A_1140 = tpu.memref_squeeze %dma_start3A_1139 : memref<1x8192xf32, #tpu.memory_space<vmem>> -> memref<8192xf32, #tpu.memory_space<vmem>>
    %dma_start3A_1141 = tpu.memref_slice %arg4[%add3A_1118] : memref<4194304xf32, #tpu.memory_space<hbm>> -> memref<8192xf32, #tpu.memory_space<hbm>>
    %dma_start3A_1142 = arith.constant 0 : i32
    %dma_start3A_1143 = tpu.memref_slice %arg9[%dma_start3A_1137, %dma_start3A_1142] : memref<3x8192xf32, #tpu.memory_space<vmem>> -> memref<1x8192xf32, #tpu.memory_space<vmem>>
    %dma_start3A_1144 = tpu.memref_squeeze %dma_start3A_1143 : memref<1x8192xf32, #tpu.memory_space<vmem>> -> memref<8192xf32, #tpu.memory_space<vmem>>
    %dma_start3A_1145 = tpu.memref_slice %arg4[%add3A_1118] : memref<4194304xf32, #tpu.memory_space<hbm>> -> memref<8192xf32, #tpu.memory_space<hbm>>
    tpu.enqueue_dma source(%dma_start3A_1145 : memref<8192xf32, #tpu.memory_space<hbm>>) target(%dma_start3A_1144 : memref<8192xf32, #tpu.memory_space<vmem>>) target_semaphore(%arg14 : memref<!tpu.dma_semaphore, #tpu.memory_space<semaphore_mem>>)
    %dma_start3A_1146 = arith.constant 0 : i32
    %dma_start3A_1147 = arith.constant 0 : i32
    %dma_start3A_1148 = tpu.memref_slice %arg10[%dma_start3A_1146, %dma_start3A_1147] : memref<3x8192xi32, #tpu.memory_space<vmem>> -> memref<1x8192xi32, #tpu.memory_space<vmem>>
    %dma_start3A_1149 = tpu.memref_squeeze %dma_start3A_1148 : memref<1x8192xi32, #tpu.memory_space<vmem>> -> memref<8192xi32, #tpu.memory_space<vmem>>
    %dma_start3A_1150 = tpu.memref_slice %arg5[%add3A_1118] : memref<4194304xi32, #tpu.memory_space<hbm>> -> memref<8192xi32, #tpu.memory_space<hbm>>
    %dma_start3A_1151 = arith.constant 0 : i32
    %dma_start3A_1152 = tpu.memref_slice %arg10[%dma_start3A_1146, %dma_start3A_1151] : memref<3x8192xi32, #tpu.memory_space<vmem>> -> memref<1x8192xi32, #tpu.memory_space<vmem>>
    %dma_start3A_1153 = tpu.memref_squeeze %dma_start3A_1152 : memref<1x8192xi32, #tpu.memory_space<vmem>> -> memref<8192xi32, #tpu.memory_space<vmem>>
    %dma_start3A_1154 = tpu.memref_slice %arg5[%add3A_1118] : memref<4194304xi32, #tpu.memory_space<hbm>> -> memref<8192xi32, #tpu.memory_space<hbm>>
    tpu.enqueue_dma source(%dma_start3A_1154 : memref<8192xi32, #tpu.memory_space<hbm>>) target(%dma_start3A_1153 : memref<8192xi32, #tpu.memory_space<vmem>>) target_semaphore(%arg14 : memref<!tpu.dma_semaphore, #tpu.memory_space<semaphore_mem>>)
    %parallel_loop3A_1155 = arith.constant 0 : i32
    %parallel_loop3A_1156 = arith.constant 256 : i32
    %parallel_loop3A_1157 = arith.constant 1 : i32
    scf.for %parallel_loop3A_1239 = %parallel_loop3A_1155 to %parallel_loop3A_1156 step %parallel_loop3A_1157  : i32 {
      %parallel_loop3A_1240 = arith.constant 32 : i32
      %parallel_loop3A_1241 = arith.muli %parallel_loop3A_1239, %parallel_loop3A_1240 : i32
      %parallel_loop3A_1242 = arith.constant 0 : i32
      %parallel_loop3A_1243 = arith.addi %parallel_loop3A_1241, %parallel_loop3A_1242 : i32
      %parallel_loop3A_1244 = arith.constant 1 : i32
      %parallel_loop3A_1245 = arith.index_cast %parallel_loop3A_1244 : i32 to index
      %parallel_loop3A_1246 = arith.index_cast %parallel_loop3A_1243 : i32 to index
      %parallel_loop3A_1247 = tpu.vector_load %arg7[%parallel_loop3A_1245, %parallel_loop3A_1246] {strides = array<i32>} : memref<3x8192xf32, #tpu.memory_space<vmem>>, vector<16xf32>,
      %parallel_loop3A_1248 = arith.constant 1 : i32
      %parallel_loop3A_1249 = arith.index_cast %parallel_loop3A_1248 : i32 to index
      %parallel_loop3A_1250 = arith.index_cast %parallel_loop3A_1243 : i32 to index
      %parallel_loop3A_1251 = tpu.vector_load %arg8[%parallel_loop3A_1249, %parallel_loop3A_1250] {strides = array<i32>} : memref<3x8192xf32, #tpu.memory_space<vmem>>, vector<16xf32>,
      %parallel_loop3A_1252 = arith.constant 1 : i32
      %parallel_loop3A_1253 = arith.index_cast %parallel_loop3A_1252 : i32 to index
      %parallel_loop3A_1254 = arith.index_cast %parallel_loop3A_1243 : i32 to index
      %parallel_loop3A_1255 = tpu.vector_load %arg9[%parallel_loop3A_1253, %parallel_loop3A_1254] {strides = array<i32>} : memref<3x8192xf32, #tpu.memory_space<vmem>>, vector<16xf32>,
      %parallel_loop3A_1256 = arith.constant 1 : i32
      %parallel_loop3A_1257 = arith.index_cast %parallel_loop3A_1256 : i32 to index
      %parallel_loop3A_1258 = arith.index_cast %parallel_loop3A_1243 : i32 to index
      %parallel_loop3A_1259 = tpu.vector_load %arg10[%parallel_loop3A_1257, %parallel_loop3A_1258] {strides = array<i32>} : memref<3x8192xi32, #tpu.memory_space<vmem>>, vector<16xi32>,
      %parallel_loop3A_1260 = arith.constant 16 : i32
      %parallel_loop3A_1261 = vector.broadcast %parallel_loop3A_1260 : i32 to vector<16xi32>
      %parallel_loop3A_1262 = arith.muli %parallel_loop3A_1259, %parallel_loop3A_1261 : vector<16xi32>
      %parallel_loop3A_1263 = arith.addi %parallel_loop3A_1262, %iota3A : vector<16xi32>
      %parallel_loop3A_1264 = arith.mulf %parallel_loop3A_1247, %parallel_loop3A_1251 : vector<16xf32>
      %parallel_loop3A_1265 = arith.mulf %parallel_loop3A_1264, %parallel_loop3A_1255 : vector<16xf32>
      tpu.vector_store_idx %arg11[%parallel_loop3A_1263], %parallel_loop3A_1265 {add = true} : memref<8192xf32, #tpu.memory_space<vmem>>[vector<16xi32>], vector<16xf32>,
      %parallel_loop3A_1266 = arith.constant 16 : i32
      %parallel_loop3A_1267 = arith.addi %parallel_loop3A_1241, %parallel_loop3A_1266 : i32
      %parallel_loop3A_1268 = arith.constant 1 : i32
      %parallel_loop3A_1269 = arith.index_cast %parallel_loop3A_1268 : i32 to index
      %parallel_loop3A_1270 = arith.index_cast %parallel_loop3A_1267 : i32 to index
      %parallel_loop3A_1271 = tpu.vector_load %arg7[%parallel_loop3A_1269, %parallel_loop3A_1270] {strides = array<i32>} : memref<3x8192xf32, #tpu.memory_space<vmem>>, vector<16xf32>,
      %parallel_loop3A_1272 = arith.constant 1 : i32
      %parallel_loop3A_1273 = arith.index_cast %parallel_loop3A_1272 : i32 to index
      %parallel_loop3A_1274 = arith.index_cast %parallel_loop3A_1267 : i32 to index
      %parallel_loop3A_1275 = tpu.vector_load %arg8[%parallel_loop3A_1273, %parallel_loop3A_1274] {strides = array<i32>} : memref<3x8192xf32, #tpu.memory_space<vmem>>, vector<16xf32>,
      %parallel_loop3A_1276 = arith.constant 1 : i32
      %parallel_loop3A_1277 = arith.index_cast %parallel_loop3A_1276 : i32 to index
      %parallel_loop3A_1278 = arith.index_cast %parallel_loop3A_1267 : i32 to index
      %parallel_loop3A_1279 = tpu.vector_load %arg9[%parallel_loop3A_1277, %parallel_loop3A_1278] {strides = array<i32>} : memref<3x8192xf32, #tpu.memory_space<vmem>>, vector<16xf32>,
      %parallel_loop3A_1280 = arith.constant 1 : i32
      %parallel_loop3A_1281 = arith.index_cast %parallel_loop3A_1280 : i32 to index
      %parallel_loop3A_1282 = arith.index_cast %parallel_loop3A_1267 : i32 to index
      %parallel_loop3A_1283 = tpu.vector_load %arg10[%parallel_loop3A_1281, %parallel_loop3A_1282] {strides = array<i32>} : memref<3x8192xi32, #tpu.memory_space<vmem>>, vector<16xi32>,
      %parallel_loop3A_1284 = arith.constant 16 : i32
      %parallel_loop3A_1285 = vector.broadcast %parallel_loop3A_1284 : i32 to vector<16xi32>
      %parallel_loop3A_1286 = arith.muli %parallel_loop3A_1283, %parallel_loop3A_1285 : vector<16xi32>
      %parallel_loop3A_1287 = arith.addi %parallel_loop3A_1286, %iota3A : vector<16xi32>
      %parallel_loop3A_1288 = arith.mulf %parallel_loop3A_1271, %parallel_loop3A_1275 : vector<16xf32>
      %parallel_loop3A_1289 = arith.mulf %parallel_loop3A_1288, %parallel_loop3A_1279 : vector<16xf32>
      tpu.vector_store_idx %arg12[%parallel_loop3A_1287], %parallel_loop3A_1289 {add = true} : memref<8192xf32, #tpu.memory_space<vmem>>[vector<16xi32>], vector<16xf32>,
    } {sc.loop_unroll_factor = 4 : i64, sc.parallel_access}
    %dma_wait3A_1158 = arith.constant 2 : i32
    %dma_wait3A_1159 = arith.constant 0 : i32
    %dma_wait3A_1160 = tpu.memref_slice %arg7[%dma_wait3A_1158, %dma_wait3A_1159] : memref<3x8192xf32, #tpu.memory_space<vmem>> -> memref<1x8192xf32, #tpu.memory_space<vmem>>
    %dma_wait3A_1161 = tpu.memref_squeeze %dma_wait3A_1160 : memref<1x8192xf32, #tpu.memory_space<vmem>> -> memref<8192xf32, #tpu.memory_space<vmem>>
    %dma_wait3A_1162 = tpu.memref_slice %arg2[%add3A_1041] : memref<4194304xf32, #tpu.memory_space<hbm>> -> memref<8192xf32, #tpu.memory_space<hbm>>
    %dma_wait3A_1163 = arith.constant 0 : i32
    %dma_wait3A_1164 = tpu.memref_slice %arg7[%dma_wait3A_1158, %dma_wait3A_1163] : memref<3x8192xf32, #tpu.memory_space<vmem>> -> memref<1x8192xf32, #tpu.memory_space<vmem>>
    %dma_wait3A_1165 = tpu.memref_squeeze %dma_wait3A_1164 : memref<1x8192xf32, #tpu.memory_space<vmem>> -> memref<8192xf32, #tpu.memory_space<vmem>>
    %dma_wait3A_1166 = tpu.memref_slice %arg2[%add3A_1041] : memref<4194304xf32, #tpu.memory_space<hbm>> -> memref<8192xf32, #tpu.memory_space<hbm>>
    tpu.wait_dma2 semaphore(%arg16 : memref<!tpu.dma_semaphore, #tpu.memory_space<semaphore_mem>>) src(%dma_wait3A_1166 : memref<8192xf32, #tpu.memory_space<hbm>>) dst(%dma_wait3A_1165 : memref<8192xf32, #tpu.memory_space<vmem>>)
    %dma_wait3A_1167 = arith.constant 2 : i32
    %dma_wait3A_1168 = arith.constant 0 : i32
    %dma_wait3A_1169 = tpu.memref_slice %arg8[%dma_wait3A_1167, %dma_wait3A_1168] : memref<3x8192xf32, #tpu.memory_space<vmem>> -> memref<1x8192xf32, #tpu.memory_space<vmem>>
    %dma_wait3A_1170 = tpu.memref_squeeze %dma_wait3A_1169 : memref<1x8192xf32, #tpu.memory_space<vmem>> -> memref<8192xf32, #tpu.memory_space<vmem>>
    %dma_wait3A_1171 = tpu.memref_slice %arg3[%add3A_1041] : memref<4194304xf32, #tpu.memory_space<hbm>> -> memref<8192xf32, #tpu.memory_space<hbm>>
    %dma_wait3A_1172 = arith.constant 0 : i32
    %dma_wait3A_1173 = tpu.memref_slice %arg8[%dma_wait3A_1167, %dma_wait3A_1172] : memref<3x8192xf32, #tpu.memory_space<vmem>> -> memref<1x8192xf32, #tpu.memory_space<vmem>>
    %dma_wait3A_1174 = tpu.memref_squeeze %dma_wait3A_1173 : memref<1x8192xf32, #tpu.memory_space<vmem>> -> memref<8192xf32, #tpu.memory_space<vmem>>
    %dma_wait3A_1175 = tpu.memref_slice %arg3[%add3A_1041] : memref<4194304xf32, #tpu.memory_space<hbm>> -> memref<8192xf32, #tpu.memory_space<hbm>>
    tpu.wait_dma2 semaphore(%arg16 : memref<!tpu.dma_semaphore, #tpu.memory_space<semaphore_mem>>) src(%dma_wait3A_1175 : memref<8192xf32, #tpu.memory_space<hbm>>) dst(%dma_wait3A_1174 : memref<8192xf32, #tpu.memory_space<vmem>>)
    %dma_wait3A_1176 = arith.constant 2 : i32
    %dma_wait3A_1177 = arith.constant 0 : i32
    %dma_wait3A_1178 = tpu.memref_slice %arg9[%dma_wait3A_1176, %dma_wait3A_1177] : memref<3x8192xf32, #tpu.memory_space<vmem>> -> memref<1x8192xf32, #tpu.memory_space<vmem>>
    %dma_wait3A_1179 = tpu.memref_squeeze %dma_wait3A_1178 : memref<1x8192xf32, #tpu.memory_space<vmem>> -> memref<8192xf32, #tpu.memory_space<vmem>>
    %dma_wait3A_1180 = tpu.memref_slice %arg4[%add3A_1041] : memref<4194304xf32, #tpu.memory_space<hbm>> -> memref<8192xf32, #tpu.memory_space<hbm>>
    %dma_wait3A_1181 = arith.constant 0 : i32
    %dma_wait3A_1182 = tpu.memref_slice %arg9[%dma_wait3A_1176, %dma_wait3A_1181] : memref<3x8192xf32, #tpu.memory_space<vmem>> -> memref<1x8192xf32, #tpu.memory_space<vmem>>
    %dma_wait3A_1183 = tpu.memref_squeeze %dma_wait3A_1182 : memref<1x8192xf32, #tpu.memory_space<vmem>> -> memref<8192xf32, #tpu.memory_space<vmem>>
    %dma_wait3A_1184 = tpu.memref_slice %arg4[%add3A_1041] : memref<4194304xf32, #tpu.memory_space<hbm>> -> memref<8192xf32, #tpu.memory_space<hbm>>
    tpu.wait_dma2 semaphore(%arg16 : memref<!tpu.dma_semaphore, #tpu.memory_space<semaphore_mem>>) src(%dma_wait3A_1184 : memref<8192xf32, #tpu.memory_space<hbm>>) dst(%dma_wait3A_1183 : memref<8192xf32, #tpu.memory_space<vmem>>)
    %dma_wait3A_1185 = arith.constant 2 : i32
    %dma_wait3A_1186 = arith.constant 0 : i32
    %dma_wait3A_1187 = tpu.memref_slice %arg10[%dma_wait3A_1185, %dma_wait3A_1186] : memref<3x8192xi32, #tpu.memory_space<vmem>> -> memref<1x8192xi32, #tpu.memory_space<vmem>>
    %dma_wait3A_1188 = tpu.memref_squeeze %dma_wait3A_1187 : memref<1x8192xi32, #tpu.memory_space<vmem>> -> memref<8192xi32, #tpu.memory_space<vmem>>
    %dma_wait3A_1189 = tpu.memref_slice %arg5[%add3A_1041] : memref<4194304xi32, #tpu.memory_space<hbm>> -> memref<8192xi32, #tpu.memory_space<hbm>>
    %dma_wait3A_1190 = arith.constant 0 : i32
    %dma_wait3A_1191 = tpu.memref_slice %arg10[%dma_wait3A_1185, %dma_wait3A_1190] : memref<3x8192xi32, #tpu.memory_space<vmem>> -> memref<1x8192xi32, #tpu.memory_space<vmem>>
    %dma_wait3A_1192 = tpu.memref_squeeze %dma_wait3A_1191 : memref<1x8192xi32, #tpu.memory_space<vmem>> -> memref<8192xi32, #tpu.memory_space<vmem>>
    %dma_wait3A_1193 = tpu.memref_slice %arg5[%add3A_1041] : memref<4194304xi32, #tpu.memory_space<hbm>> -> memref<8192xi32, #tpu.memory_space<hbm>>
    tpu.wait_dma2 semaphore(%arg16 : memref<!tpu.dma_semaphore, #tpu.memory_space<semaphore_mem>>) src(%dma_wait3A_1193 : memref<8192xi32, #tpu.memory_space<hbm>>) dst(%dma_wait3A_1192 : memref<8192xi32, #tpu.memory_space<vmem>>)
    %parallel_loop3A_1194 = arith.constant 0 : i32
    %parallel_loop3A_1195 = arith.constant 256 : i32
    %parallel_loop3A_1196 = arith.constant 1 : i32
    scf.for %parallel_loop3A_1239 = %parallel_loop3A_1194 to %parallel_loop3A_1195 step %parallel_loop3A_1196  : i32 {
      %parallel_loop3A_1240 = arith.constant 32 : i32
      %parallel_loop3A_1241 = arith.muli %parallel_loop3A_1239, %parallel_loop3A_1240 : i32
      %parallel_loop3A_1242 = arith.constant 0 : i32
      %parallel_loop3A_1243 = arith.addi %parallel_loop3A_1241, %parallel_loop3A_1242 : i32
      %parallel_loop3A_1244 = arith.constant 2 : i32
      %parallel_loop3A_1245 = arith.index_cast %parallel_loop3A_1244 : i32 to index
      %parallel_loop3A_1246 = arith.index_cast %parallel_loop3A_1243 : i32 to index
      %parallel_loop3A_1247 = tpu.vector_load %arg7[%parallel_loop3A_1245, %parallel_loop3A_1246] {strides = array<i32>} : memref<3x8192xf32, #tpu.memory_space<vmem>>, vector<16xf32>,
      %parallel_loop3A_1248 = arith.constant 2 : i32
      %parallel_loop3A_1249 = arith.index_cast %parallel_loop3A_1248 : i32 to index
      %parallel_loop3A_1250 = arith.index_cast %parallel_loop3A_1243 : i32 to index
      %parallel_loop3A_1251 = tpu.vector_load %arg8[%parallel_loop3A_1249, %parallel_loop3A_1250] {strides = array<i32>} : memref<3x8192xf32, #tpu.memory_space<vmem>>, vector<16xf32>,
      %parallel_loop3A_1252 = arith.constant 2 : i32
      %parallel_loop3A_1253 = arith.index_cast %parallel_loop3A_1252 : i32 to index
      %parallel_loop3A_1254 = arith.index_cast %parallel_loop3A_1243 : i32 to index
      %parallel_loop3A_1255 = tpu.vector_load %arg9[%parallel_loop3A_1253, %parallel_loop3A_1254] {strides = array<i32>} : memref<3x8192xf32, #tpu.memory_space<vmem>>, vector<16xf32>,
      %parallel_loop3A_1256 = arith.constant 2 : i32
      %parallel_loop3A_1257 = arith.index_cast %parallel_loop3A_1256 : i32 to index
      %parallel_loop3A_1258 = arith.index_cast %parallel_loop3A_1243 : i32 to index
      %parallel_loop3A_1259 = tpu.vector_load %arg10[%parallel_loop3A_1257, %parallel_loop3A_1258] {strides = array<i32>} : memref<3x8192xi32, #tpu.memory_space<vmem>>, vector<16xi32>,
      %parallel_loop3A_1260 = arith.constant 16 : i32
      %parallel_loop3A_1261 = vector.broadcast %parallel_loop3A_1260 : i32 to vector<16xi32>
      %parallel_loop3A_1262 = arith.muli %parallel_loop3A_1259, %parallel_loop3A_1261 : vector<16xi32>
      %parallel_loop3A_1263 = arith.addi %parallel_loop3A_1262, %iota3A : vector<16xi32>
      %parallel_loop3A_1264 = arith.mulf %parallel_loop3A_1247, %parallel_loop3A_1251 : vector<16xf32>
      %parallel_loop3A_1265 = arith.mulf %parallel_loop3A_1264, %parallel_loop3A_1255 : vector<16xf32>
      tpu.vector_store_idx %arg11[%parallel_loop3A_1263], %parallel_loop3A_1265 {add = true} : memref<8192xf32, #tpu.memory_space<vmem>>[vector<16xi32>], vector<16xf32>,
      %parallel_loop3A_1266 = arith.constant 16 : i32
      %parallel_loop3A_1267 = arith.addi %parallel_loop3A_1241, %parallel_loop3A_1266 : i32
      %parallel_loop3A_1268 = arith.constant 2 : i32
      %parallel_loop3A_1269 = arith.index_cast %parallel_loop3A_1268 : i32 to index
      %parallel_loop3A_1270 = arith.index_cast %parallel_loop3A_1267 : i32 to index
      %parallel_loop3A_1271 = tpu.vector_load %arg7[%parallel_loop3A_1269, %parallel_loop3A_1270] {strides = array<i32>} : memref<3x8192xf32, #tpu.memory_space<vmem>>, vector<16xf32>,
      %parallel_loop3A_1272 = arith.constant 2 : i32
      %parallel_loop3A_1273 = arith.index_cast %parallel_loop3A_1272 : i32 to index
      %parallel_loop3A_1274 = arith.index_cast %parallel_loop3A_1267 : i32 to index
      %parallel_loop3A_1275 = tpu.vector_load %arg8[%parallel_loop3A_1273, %parallel_loop3A_1274] {strides = array<i32>} : memref<3x8192xf32, #tpu.memory_space<vmem>>, vector<16xf32>,
      %parallel_loop3A_1276 = arith.constant 2 : i32
      %parallel_loop3A_1277 = arith.index_cast %parallel_loop3A_1276 : i32 to index
      %parallel_loop3A_1278 = arith.index_cast %parallel_loop3A_1267 : i32 to index
      %parallel_loop3A_1279 = tpu.vector_load %arg9[%parallel_loop3A_1277, %parallel_loop3A_1278] {strides = array<i32>} : memref<3x8192xf32, #tpu.memory_space<vmem>>, vector<16xf32>,
      %parallel_loop3A_1280 = arith.constant 2 : i32
      %parallel_loop3A_1281 = arith.index_cast %parallel_loop3A_1280 : i32 to index
      %parallel_loop3A_1282 = arith.index_cast %parallel_loop3A_1267 : i32 to index
      %parallel_loop3A_1283 = tpu.vector_load %arg10[%parallel_loop3A_1281, %parallel_loop3A_1282] {strides = array<i32>} : memref<3x8192xi32, #tpu.memory_space<vmem>>, vector<16xi32>,
      %parallel_loop3A_1284 = arith.constant 16 : i32
      %parallel_loop3A_1285 = vector.broadcast %parallel_loop3A_1284 : i32 to vector<16xi32>
      %parallel_loop3A_1286 = arith.muli %parallel_loop3A_1283, %parallel_loop3A_1285 : vector<16xi32>
      %parallel_loop3A_1287 = arith.addi %parallel_loop3A_1286, %iota3A : vector<16xi32>
      %parallel_loop3A_1288 = arith.mulf %parallel_loop3A_1271, %parallel_loop3A_1275 : vector<16xf32>
      %parallel_loop3A_1289 = arith.mulf %parallel_loop3A_1288, %parallel_loop3A_1279 : vector<16xf32>
      tpu.vector_store_idx %arg12[%parallel_loop3A_1287], %parallel_loop3A_1289 {add = true} : memref<8192xf32, #tpu.memory_space<vmem>>[vector<16xi32>], vector<16xf32>,
    } {sc.loop_unroll_factor = 4 : i64, sc.parallel_access}
    %dma_wait3A_1197 = arith.constant 0 : i32
    %dma_wait3A_1198 = arith.constant 0 : i32
    %dma_wait3A_1199 = tpu.memref_slice %arg7[%dma_wait3A_1197, %dma_wait3A_1198] : memref<3x8192xf32, #tpu.memory_space<vmem>> -> memref<1x8192xf32, #tpu.memory_space<vmem>>
    %dma_wait3A_1200 = tpu.memref_squeeze %dma_wait3A_1199 : memref<1x8192xf32, #tpu.memory_space<vmem>> -> memref<8192xf32, #tpu.memory_space<vmem>>
    %dma_wait3A_1201 = tpu.memref_slice %arg2[%add3A_1118] : memref<4194304xf32, #tpu.memory_space<hbm>> -> memref<8192xf32, #tpu.memory_space<hbm>>
    %dma_wait3A_1202 = arith.constant 0 : i32
    %dma_wait3A_1203 = tpu.memref_slice %arg7[%dma_wait3A_1197, %dma_wait3A_1202] : memref<3x8192xf32, #tpu.memory_space<vmem>> -> memref<1x8192xf32, #tpu.memory_space<vmem>>
    %dma_wait3A_1204 = tpu.memref_squeeze %dma_wait3A_1203 : memref<1x8192xf32, #tpu.memory_space<vmem>> -> memref<8192xf32, #tpu.memory_space<vmem>>
    %dma_wait3A_1205 = tpu.memref_slice %arg2[%add3A_1118] : memref<4194304xf32, #tpu.memory_space<hbm>> -> memref<8192xf32, #tpu.memory_space<hbm>>
    tpu.wait_dma2 semaphore(%arg14 : memref<!tpu.dma_semaphore, #tpu.memory_space<semaphore_mem>>) src(%dma_wait3A_1205 : memref<8192xf32, #tpu.memory_space<hbm>>) dst(%dma_wait3A_1204 : memref<8192xf32, #tpu.memory_space<vmem>>)
    %dma_wait3A_1206 = arith.constant 0 : i32
    %dma_wait3A_1207 = arith.constant 0 : i32
    %dma_wait3A_1208 = tpu.memref_slice %arg8[%dma_wait3A_1206, %dma_wait3A_1207] : memref<3x8192xf32, #tpu.memory_space<vmem>> -> memref<1x8192xf32, #tpu.memory_space<vmem>>
    %dma_wait3A_1209 = tpu.memref_squeeze %dma_wait3A_1208 : memref<1x8192xf32, #tpu.memory_space<vmem>> -> memref<8192xf32, #tpu.memory_space<vmem>>
    %dma_wait3A_1210 = tpu.memref_slice %arg3[%add3A_1118] : memref<4194304xf32, #tpu.memory_space<hbm>> -> memref<8192xf32, #tpu.memory_space<hbm>>
    %dma_wait3A_1211 = arith.constant 0 : i32
    %dma_wait3A_1212 = tpu.memref_slice %arg8[%dma_wait3A_1206, %dma_wait3A_1211] : memref<3x8192xf32, #tpu.memory_space<vmem>> -> memref<1x8192xf32, #tpu.memory_space<vmem>>
    %dma_wait3A_1213 = tpu.memref_squeeze %dma_wait3A_1212 : memref<1x8192xf32, #tpu.memory_space<vmem>> -> memref<8192xf32, #tpu.memory_space<vmem>>
    %dma_wait3A_1214 = tpu.memref_slice %arg3[%add3A_1118] : memref<4194304xf32, #tpu.memory_space<hbm>> -> memref<8192xf32, #tpu.memory_space<hbm>>
    tpu.wait_dma2 semaphore(%arg14 : memref<!tpu.dma_semaphore, #tpu.memory_space<semaphore_mem>>) src(%dma_wait3A_1214 : memref<8192xf32, #tpu.memory_space<hbm>>) dst(%dma_wait3A_1213 : memref<8192xf32, #tpu.memory_space<vmem>>)
    %dma_wait3A_1215 = arith.constant 0 : i32
    %dma_wait3A_1216 = arith.constant 0 : i32
    %dma_wait3A_1217 = tpu.memref_slice %arg9[%dma_wait3A_1215, %dma_wait3A_1216] : memref<3x8192xf32, #tpu.memory_space<vmem>> -> memref<1x8192xf32, #tpu.memory_space<vmem>>
    %dma_wait3A_1218 = tpu.memref_squeeze %dma_wait3A_1217 : memref<1x8192xf32, #tpu.memory_space<vmem>> -> memref<8192xf32, #tpu.memory_space<vmem>>
    %dma_wait3A_1219 = tpu.memref_slice %arg4[%add3A_1118] : memref<4194304xf32, #tpu.memory_space<hbm>> -> memref<8192xf32, #tpu.memory_space<hbm>>
    %dma_wait3A_1220 = arith.constant 0 : i32
    %dma_wait3A_1221 = tpu.memref_slice %arg9[%dma_wait3A_1215, %dma_wait3A_1220] : memref<3x8192xf32, #tpu.memory_space<vmem>> -> memref<1x8192xf32, #tpu.memory_space<vmem>>
    %dma_wait3A_1222 = tpu.memref_squeeze %dma_wait3A_1221 : memref<1x8192xf32, #tpu.memory_space<vmem>> -> memref<8192xf32, #tpu.memory_space<vmem>>
    %dma_wait3A_1223 = tpu.memref_slice %arg4[%add3A_1118] : memref<4194304xf32, #tpu.memory_space<hbm>> -> memref<8192xf32, #tpu.memory_space<hbm>>
    tpu.wait_dma2 semaphore(%arg14 : memref<!tpu.dma_semaphore, #tpu.memory_space<semaphore_mem>>) src(%dma_wait3A_1223 : memref<8192xf32, #tpu.memory_space<hbm>>) dst(%dma_wait3A_1222 : memref<8192xf32, #tpu.memory_space<vmem>>)
    %dma_wait3A_1224 = arith.constant 0 : i32
    %dma_wait3A_1225 = arith.constant 0 : i32
    %dma_wait3A_1226 = tpu.memref_slice %arg10[%dma_wait3A_1224, %dma_wait3A_1225] : memref<3x8192xi32, #tpu.memory_space<vmem>> -> memref<1x8192xi32, #tpu.memory_space<vmem>>
    %dma_wait3A_1227 = tpu.memref_squeeze %dma_wait3A_1226 : memref<1x8192xi32, #tpu.memory_space<vmem>> -> memref<8192xi32, #tpu.memory_space<vmem>>
    %dma_wait3A_1228 = tpu.memref_slice %arg5[%add3A_1118] : memref<4194304xi32, #tpu.memory_space<hbm>> -> memref<8192xi32, #tpu.memory_space<hbm>>
    %dma_wait3A_1229 = arith.constant 0 : i32
    %dma_wait3A_1230 = tpu.memref_slice %arg10[%dma_wait3A_1224, %dma_wait3A_1229] : memref<3x8192xi32, #tpu.memory_space<vmem>> -> memref<1x8192xi32, #tpu.memory_space<vmem>>
    %dma_wait3A_1231 = tpu.memref_squeeze %dma_wait3A_1230 : memref<1x8192xi32, #tpu.memory_space<vmem>> -> memref<8192xi32, #tpu.memory_space<vmem>>
    %dma_wait3A_1232 = tpu.memref_slice %arg5[%add3A_1118] : memref<4194304xi32, #tpu.memory_space<hbm>> -> memref<8192xi32, #tpu.memory_space<hbm>>
    tpu.wait_dma2 semaphore(%arg14 : memref<!tpu.dma_semaphore, #tpu.memory_space<semaphore_mem>>) src(%dma_wait3A_1232 : memref<8192xi32, #tpu.memory_space<hbm>>) dst(%dma_wait3A_1231 : memref<8192xi32, #tpu.memory_space<vmem>>)
    %parallel_loop3A_1233 = arith.constant 0 : i32
    %parallel_loop3A_1234 = arith.constant 256 : i32
    %parallel_loop3A_1235 = arith.constant 1 : i32
    scf.for %parallel_loop3A_1239 = %parallel_loop3A_1233 to %parallel_loop3A_1234 step %parallel_loop3A_1235  : i32 {
      %parallel_loop3A_1240 = arith.constant 32 : i32
      %parallel_loop3A_1241 = arith.muli %parallel_loop3A_1239, %parallel_loop3A_1240 : i32
      %parallel_loop3A_1242 = arith.constant 0 : i32
      %parallel_loop3A_1243 = arith.addi %parallel_loop3A_1241, %parallel_loop3A_1242 : i32
      %parallel_loop3A_1244 = arith.constant 0 : i32
      %parallel_loop3A_1245 = arith.index_cast %parallel_loop3A_1244 : i32 to index
      %parallel_loop3A_1246 = arith.index_cast %parallel_loop3A_1243 : i32 to index
      %parallel_loop3A_1247 = tpu.vector_load %arg7[%parallel_loop3A_1245, %parallel_loop3A_1246] {strides = array<i32>} : memref<3x8192xf32, #tpu.memory_space<vmem>>, vector<16xf32>,
      %parallel_loop3A_1248 = arith.constant 0 : i32
      %parallel_loop3A_1249 = arith.index_cast %parallel_loop3A_1248 : i32 to index
      %parallel_loop3A_1250 = arith.index_cast %parallel_loop3A_1243 : i32 to index
      %parallel_loop3A_1251 = tpu.vector_load %arg8[%parallel_loop3A_1249, %parallel_loop3A_1250] {strides = array<i32>} : memref<3x8192xf32, #tpu.memory_space<vmem>>, vector<16xf32>,
      %parallel_loop3A_1252 = arith.constant 0 : i32
      %parallel_loop3A_1253 = arith.index_cast %parallel_loop3A_1252 : i32 to index
      %parallel_loop3A_1254 = arith.index_cast %parallel_loop3A_1243 : i32 to index
      %parallel_loop3A_1255 = tpu.vector_load %arg9[%parallel_loop3A_1253, %parallel_loop3A_1254] {strides = array<i32>} : memref<3x8192xf32, #tpu.memory_space<vmem>>, vector<16xf32>,
      %parallel_loop3A_1256 = arith.constant 0 : i32
      %parallel_loop3A_1257 = arith.index_cast %parallel_loop3A_1256 : i32 to index
      %parallel_loop3A_1258 = arith.index_cast %parallel_loop3A_1243 : i32 to index
      %parallel_loop3A_1259 = tpu.vector_load %arg10[%parallel_loop3A_1257, %parallel_loop3A_1258] {strides = array<i32>} : memref<3x8192xi32, #tpu.memory_space<vmem>>, vector<16xi32>,
      %parallel_loop3A_1260 = arith.constant 16 : i32
      %parallel_loop3A_1261 = vector.broadcast %parallel_loop3A_1260 : i32 to vector<16xi32>
      %parallel_loop3A_1262 = arith.muli %parallel_loop3A_1259, %parallel_loop3A_1261 : vector<16xi32>
      %parallel_loop3A_1263 = arith.addi %parallel_loop3A_1262, %iota3A : vector<16xi32>
      %parallel_loop3A_1264 = arith.mulf %parallel_loop3A_1247, %parallel_loop3A_1251 : vector<16xf32>
      %parallel_loop3A_1265 = arith.mulf %parallel_loop3A_1264, %parallel_loop3A_1255 : vector<16xf32>
      tpu.vector_store_idx %arg11[%parallel_loop3A_1263], %parallel_loop3A_1265 {add = true} : memref<8192xf32, #tpu.memory_space<vmem>>[vector<16xi32>], vector<16xf32>,
      %parallel_loop3A_1266 = arith.constant 16 : i32
      %parallel_loop3A_1267 = arith.addi %parallel_loop3A_1241, %parallel_loop3A_1266 : i32
      %parallel_loop3A_1268 = arith.constant 0 : i32
      %parallel_loop3A_1269 = arith.index_cast %parallel_loop3A_1268 : i32 to index
      %parallel_loop3A_1270 = arith.index_cast %parallel_loop3A_1267 : i32 to index
      %parallel_loop3A_1271 = tpu.vector_load %arg7[%parallel_loop3A_1269, %parallel_loop3A_1270] {strides = array<i32>} : memref<3x8192xf32, #tpu.memory_space<vmem>>, vector<16xf32>,
      %parallel_loop3A_1272 = arith.constant 0 : i32
      %parallel_loop3A_1273 = arith.index_cast %parallel_loop3A_1272 : i32 to index
      %parallel_loop3A_1274 = arith.index_cast %parallel_loop3A_1267 : i32 to index
      %parallel_loop3A_1275 = tpu.vector_load %arg8[%parallel_loop3A_1273, %parallel_loop3A_1274] {strides = array<i32>} : memref<3x8192xf32, #tpu.memory_space<vmem>>, vector<16xf32>,
      %parallel_loop3A_1276 = arith.constant 0 : i32
      %parallel_loop3A_1277 = arith.index_cast %parallel_loop3A_1276 : i32 to index
      %parallel_loop3A_1278 = arith.index_cast %parallel_loop3A_1267 : i32 to index
      %parallel_loop3A_1279 = tpu.vector_load %arg9[%parallel_loop3A_1277, %parallel_loop3A_1278] {strides = array<i32>} : memref<3x8192xf32, #tpu.memory_space<vmem>>, vector<16xf32>,
      %parallel_loop3A_1280 = arith.constant 0 : i32
      %parallel_loop3A_1281 = arith.index_cast %parallel_loop3A_1280 : i32 to index
      %parallel_loop3A_1282 = arith.index_cast %parallel_loop3A_1267 : i32 to index
      %parallel_loop3A_1283 = tpu.vector_load %arg10[%parallel_loop3A_1281, %parallel_loop3A_1282] {strides = array<i32>} : memref<3x8192xi32, #tpu.memory_space<vmem>>, vector<16xi32>,
      %parallel_loop3A_1284 = arith.constant 16 : i32
      %parallel_loop3A_1285 = vector.broadcast %parallel_loop3A_1284 : i32 to vector<16xi32>
      %parallel_loop3A_1286 = arith.muli %parallel_loop3A_1283, %parallel_loop3A_1285 : vector<16xi32>
      %parallel_loop3A_1287 = arith.addi %parallel_loop3A_1286, %iota3A : vector<16xi32>
      %parallel_loop3A_1288 = arith.mulf %parallel_loop3A_1271, %parallel_loop3A_1275 : vector<16xf32>
      %parallel_loop3A_1289 = arith.mulf %parallel_loop3A_1288, %parallel_loop3A_1279 : vector<16xf32>
      tpu.vector_store_idx %arg12[%parallel_loop3A_1287], %parallel_loop3A_1289 {add = true} : memref<8192xf32, #tpu.memory_space<vmem>>[vector<16xi32>], vector<16xf32>,
    } {sc.loop_unroll_factor = 4 : i64, sc.parallel_access}
    %parallel_loop3A_1236 = arith.constant 0 : i32
    %parallel_loop3A_1237 = arith.constant 32 : i32
    %parallel_loop3A_1238 = arith.constant 1 : i32
    scf.for %parallel_loop3A_1239 = %parallel_loop3A_1236 to %parallel_loop3A_1237 step %parallel_loop3A_1238  : i32 {
      %parallel_loop3A_1240 = arith.constant 16 : i32
      %parallel_loop3A_1241 = arith.muli %parallel_loop3A_1239, %parallel_loop3A_1240 : i32
      %parallel_loop3A_1242 = arith.constant 0 : i32
      %parallel_loop3A_1243 = arith.addi %parallel_loop3A_1241, %parallel_loop3A_1242 : i32
      %parallel_loop3A_1244 = arith.constant 16 : i32
      %parallel_loop3A_1245 = arith.muli %parallel_loop3A_1243, %parallel_loop3A_1244 : i32
      %parallel_loop3A_1246 = arith.index_cast %parallel_loop3A_1245 : i32 to index
      %parallel_loop3A_1247 = tpu.vector_load %arg11[%parallel_loop3A_1246] {strides = array<i32>} : memref<8192xf32, #tpu.memory_space<vmem>>, vector<16xf32>,
      %parallel_loop3A_1248 = arith.index_cast %parallel_loop3A_1245 : i32 to index
      %parallel_loop3A_1249 = tpu.vector_load %arg12[%parallel_loop3A_1248] {strides = array<i32>} : memref<8192xf32, #tpu.memory_space<vmem>>, vector<16xf32>,
      %parallel_loop3A_1250 = arith.addf %parallel_loop3A_1247, %parallel_loop3A_1249 : vector<16xf32>
      %parallel_loop3A_1251 = arith.constant 0 : i32
      %parallel_loop3A_1252 = vector.broadcast %parallel_loop3A_1251 : i32 to vector<16xi32>
      %parallel_loop3A_1253 = arith.cmpi eq, %iota3A, %parallel_loop3A_1252 : vector<16xi32>
      %parallel_loop3A_1254 = arith.constant true
      %parallel_loop3A_1255 = vector.broadcast %parallel_loop3A_1254 : i1 to vector<16xi1>
      %parallel_loop3A_1256 = tpu.scan <sum>, %parallel_loop3A_1250 masked %parallel_loop3A_1255 : vector<16xf32>, vector<16xi1> -> vector<16xf32>
      %parallel_loop3A_1257 = vector.extract %parallel_loop3A_1256[15] : f32 from vector<16xf32>
      %parallel_loop3A_1258 = vector.broadcast %parallel_loop3A_1257 : f32 to vector<16xf32>
      %parallel_loop3A_1259 = arith.select %parallel_loop3A_1253, %parallel_loop3A_1258, %broadcast_in_dim3A_3 : vector<16xi1>, vector<16xf32>
      %parallel_loop3A_1260 = arith.constant 16 : i32
      %parallel_loop3A_1261 = arith.muli %parallel_loop3A_1239, %parallel_loop3A_1260 : i32
      %parallel_loop3A_1262 = arith.constant 1 : i32
      %parallel_loop3A_1263 = arith.addi %parallel_loop3A_1261, %parallel_loop3A_1262 : i32
      %parallel_loop3A_1264 = arith.constant 16 : i32
      %parallel_loop3A_1265 = arith.muli %parallel_loop3A_1263, %parallel_loop3A_1264 : i32
      %parallel_loop3A_1266 = arith.index_cast %parallel_loop3A_1265 : i32 to index
      %parallel_loop3A_1267 = tpu.vector_load %arg11[%parallel_loop3A_1266] {strides = array<i32>} : memref<8192xf32, #tpu.memory_space<vmem>>, vector<16xf32>,
      %parallel_loop3A_1268 = arith.index_cast %parallel_loop3A_1265 : i32 to index
      %parallel_loop3A_1269 = tpu.vector_load %arg12[%parallel_loop3A_1268] {strides = array<i32>} : memref<8192xf32, #tpu.memory_space<vmem>>, vector<16xf32>,
      %parallel_loop3A_1270 = arith.addf %parallel_loop3A_1267, %parallel_loop3A_1269 : vector<16xf32>
      %parallel_loop3A_1271 = arith.constant 1 : i32
      %parallel_loop3A_1272 = vector.broadcast %parallel_loop3A_1271 : i32 to vector<16xi32>
      %parallel_loop3A_1273 = arith.cmpi eq, %iota3A, %parallel_loop3A_1272 : vector<16xi32>
      %parallel_loop3A_1274 = arith.constant true
      %parallel_loop3A_1275 = vector.broadcast %parallel_loop3A_1274 : i1 to vector<16xi1>
      %parallel_loop3A_1276 = tpu.scan <sum>, %parallel_loop3A_1270 masked %parallel_loop3A_1275 : vector<16xf32>, vector<16xi1> -> vector<16xf32>
      %parallel_loop3A_1277 = vector.extract %parallel_loop3A_1276[15] : f32 from vector<16xf32>
      %parallel_loop3A_1278 = vector.broadcast %parallel_loop3A_1277 : f32 to vector<16xf32>
      %parallel_loop3A_1279 = arith.select %parallel_loop3A_1273, %parallel_loop3A_1278, %parallel_loop3A_1259 : vector<16xi1>, vector<16xf32>
      %parallel_loop3A_1280 = arith.constant 16 : i32
      %parallel_loop3A_1281 = arith.muli %parallel_loop3A_1239, %parallel_loop3A_1280 : i32
      %parallel_loop3A_1282 = arith.constant 2 : i32
      %parallel_loop3A_1283 = arith.addi %parallel_loop3A_1281, %parallel_loop3A_1282 : i32
      %parallel_loop3A_1284 = arith.constant 16 : i32
      %parallel_loop3A_1285 = arith.muli %parallel_loop3A_1283, %parallel_loop3A_1284 : i32
      %parallel_loop3A_1286 = arith.index_cast %parallel_loop3A_1285 : i32 to index
      %parallel_loop3A_1287 = tpu.vector_load %arg11[%parallel_loop3A_1286] {strides = array<i32>} : memref<8192xf32, #tpu.memory_space<vmem>>, vector<16xf32>,
      %parallel_loop3A_1288 = arith.index_cast %parallel_loop3A_1285 : i32 to index
      %parallel_loop3A_1289 = tpu.vector_load %arg12[%parallel_loop3A_1288] {strides = array<i32>} : memref<8192xf32, #tpu.memory_space<vmem>>, vector<16xf32>,
      %parallel_loop3A_1290 = arith.addf %parallel_loop3A_1287, %parallel_loop3A_1289 : vector<16xf32>
      %parallel_loop3A_1291 = arith.constant 2 : i32
      %parallel_loop3A_1292 = vector.broadcast %parallel_loop3A_1291 : i32 to vector<16xi32>
      %parallel_loop3A_1293 = arith.cmpi eq, %iota3A, %parallel_loop3A_1292 : vector<16xi32>
      %parallel_loop3A_1294 = arith.constant true
      %parallel_loop3A_1295 = vector.broadcast %parallel_loop3A_1294 : i1 to vector<16xi1>
      %parallel_loop3A_1296 = tpu.scan <sum>, %parallel_loop3A_1290 masked %parallel_loop3A_1295 : vector<16xf32>, vector<16xi1> -> vector<16xf32>
      %parallel_loop3A_1297 = vector.extract %parallel_loop3A_1296[15] : f32 from vector<16xf32>
      %parallel_loop3A_1298 = vector.broadcast %parallel_loop3A_1297 : f32 to vector<16xf32>
      %parallel_loop3A_1299 = arith.select %parallel_loop3A_1293, %parallel_loop3A_1298, %parallel_loop3A_1279 : vector<16xi1>, vector<16xf32>
      %parallel_loop3A_1300 = arith.constant 16 : i32
      %parallel_loop3A_1301 = arith.muli %parallel_loop3A_1239, %parallel_loop3A_1300 : i32
      %parallel_loop3A_1302 = arith.constant 3 : i32
      %parallel_loop3A_1303 = arith.addi %parallel_loop3A_1301, %parallel_loop3A_1302 : i32
      %parallel_loop3A_1304 = arith.constant 16 : i32
      %parallel_loop3A_1305 = arith.muli %parallel_loop3A_1303, %parallel_loop3A_1304 : i32
      %parallel_loop3A_1306 = arith.index_cast %parallel_loop3A_1305 : i32 to index
      %parallel_loop3A_1307 = tpu.vector_load %arg11[%parallel_loop3A_1306] {strides = array<i32>} : memref<8192xf32, #tpu.memory_space<vmem>>, vector<16xf32>,
      %parallel_loop3A_1308 = arith.index_cast %parallel_loop3A_1305 : i32 to index
      %parallel_loop3A_1309 = tpu.vector_load %arg12[%parallel_loop3A_1308] {strides = array<i32>} : memref<8192xf32, #tpu.memory_space<vmem>>, vector<16xf32>,
      %parallel_loop3A_1310 = arith.addf %parallel_loop3A_1307, %parallel_loop3A_1309 : vector<16xf32>
      %parallel_loop3A_1311 = arith.constant 3 : i32
      %parallel_loop3A_1312 = vector.broadcast %parallel_loop3A_1311 : i32 to vector<16xi32>
      %parallel_loop3A_1313 = arith.cmpi eq, %iota3A, %parallel_loop3A_1312 : vector<16xi32>
      %parallel_loop3A_1314 = arith.constant true
      %parallel_loop3A_1315 = vector.broadcast %parallel_loop3A_1314 : i1 to vector<16xi1>
      %parallel_loop3A_1316 = tpu.scan <sum>, %parallel_loop3A_1310 masked %parallel_loop3A_1315 : vector<16xf32>, vector<16xi1> -> vector<16xf32>
      %parallel_loop3A_1317 = vector.extract %parallel_loop3A_1316[15] : f32 from vector<16xf32>
      %parallel_loop3A_1318 = vector.broadcast %parallel_loop3A_1317 : f32 to vector<16xf32>
      %parallel_loop3A_1319 = arith.select %parallel_loop3A_1313, %parallel_loop3A_1318, %parallel_loop3A_1299 : vector<16xi1>, vector<16xf32>
      %parallel_loop3A_1320 = arith.constant 16 : i32
      %parallel_loop3A_1321 = arith.muli %parallel_loop3A_1239, %parallel_loop3A_1320 : i32
      %parallel_loop3A_1322 = arith.constant 4 : i32
      %parallel_loop3A_1323 = arith.addi %parallel_loop3A_1321, %parallel_loop3A_1322 : i32
      %parallel_loop3A_1324 = arith.constant 16 : i32
      %parallel_loop3A_1325 = arith.muli %parallel_loop3A_1323, %parallel_loop3A_1324 : i32
      %parallel_loop3A_1326 = arith.index_cast %parallel_loop3A_1325 : i32 to index
      %parallel_loop3A_1327 = tpu.vector_load %arg11[%parallel_loop3A_1326] {strides = array<i32>} : memref<8192xf32, #tpu.memory_space<vmem>>, vector<16xf32>,
      %parallel_loop3A_1328 = arith.index_cast %parallel_loop3A_1325 : i32 to index
      %parallel_loop3A_1329 = tpu.vector_load %arg12[%parallel_loop3A_1328] {strides = array<i32>} : memref<8192xf32, #tpu.memory_space<vmem>>, vector<16xf32>,
      %parallel_loop3A_1330 = arith.addf %parallel_loop3A_1327, %parallel_loop3A_1329 : vector<16xf32>
      %parallel_loop3A_1331 = arith.constant 4 : i32
      %parallel_loop3A_1332 = vector.broadcast %parallel_loop3A_1331 : i32 to vector<16xi32>
      %parallel_loop3A_1333 = arith.cmpi eq, %iota3A, %parallel_loop3A_1332 : vector<16xi32>
      %parallel_loop3A_1334 = arith.constant true
      %parallel_loop3A_1335 = vector.broadcast %parallel_loop3A_1334 : i1 to vector<16xi1>
      %parallel_loop3A_1336 = tpu.scan <sum>, %parallel_loop3A_1330 masked %parallel_loop3A_1335 : vector<16xf32>, vector<16xi1> -> vector<16xf32>
      %parallel_loop3A_1337 = vector.extract %parallel_loop3A_1336[15] : f32 from vector<16xf32>
      %parallel_loop3A_1338 = vector.broadcast %parallel_loop3A_1337 : f32 to vector<16xf32>
      %parallel_loop3A_1339 = arith.select %parallel_loop3A_1333, %parallel_loop3A_1338, %parallel_loop3A_1319 : vector<16xi1>, vector<16xf32>
      %parallel_loop3A_1340 = arith.constant 16 : i32
      %parallel_loop3A_1341 = arith.muli %parallel_loop3A_1239, %parallel_loop3A_1340 : i32
      %parallel_loop3A_1342 = arith.constant 5 : i32
      %parallel_loop3A_1343 = arith.addi %parallel_loop3A_1341, %parallel_loop3A_1342 : i32
      %parallel_loop3A_1344 = arith.constant 16 : i32
      %parallel_loop3A_1345 = arith.muli %parallel_loop3A_1343, %parallel_loop3A_1344 : i32
      %parallel_loop3A_1346 = arith.index_cast %parallel_loop3A_1345 : i32 to index
      %parallel_loop3A_1347 = tpu.vector_load %arg11[%parallel_loop3A_1346] {strides = array<i32>} : memref<8192xf32, #tpu.memory_space<vmem>>, vector<16xf32>,
      %parallel_loop3A_1348 = arith.index_cast %parallel_loop3A_1345 : i32 to index
      %parallel_loop3A_1349 = tpu.vector_load %arg12[%parallel_loop3A_1348] {strides = array<i32>} : memref<8192xf32, #tpu.memory_space<vmem>>, vector<16xf32>,
      %parallel_loop3A_1350 = arith.addf %parallel_loop3A_1347, %parallel_loop3A_1349 : vector<16xf32>
      %parallel_loop3A_1351 = arith.constant 5 : i32
      %parallel_loop3A_1352 = vector.broadcast %parallel_loop3A_1351 : i32 to vector<16xi32>
      %parallel_loop3A_1353 = arith.cmpi eq, %iota3A, %parallel_loop3A_1352 : vector<16xi32>
      %parallel_loop3A_1354 = arith.constant true
      %parallel_loop3A_1355 = vector.broadcast %parallel_loop3A_1354 : i1 to vector<16xi1>
      %parallel_loop3A_1356 = tpu.scan <sum>, %parallel_loop3A_1350 masked %parallel_loop3A_1355 : vector<16xf32>, vector<16xi1> -> vector<16xf32>
      %parallel_loop3A_1357 = vector.extract %parallel_loop3A_1356[15] : f32 from vector<16xf32>
      %parallel_loop3A_1358 = vector.broadcast %parallel_loop3A_1357 : f32 to vector<16xf32>
      %parallel_loop3A_1359 = arith.select %parallel_loop3A_1353, %parallel_loop3A_1358, %parallel_loop3A_1339 : vector<16xi1>, vector<16xf32>
      %parallel_loop3A_1360 = arith.constant 16 : i32
      %parallel_loop3A_1361 = arith.muli %parallel_loop3A_1239, %parallel_loop3A_1360 : i32
      %parallel_loop3A_1362 = arith.constant 6 : i32
      %parallel_loop3A_1363 = arith.addi %parallel_loop3A_1361, %parallel_loop3A_1362 : i32
      %parallel_loop3A_1364 = arith.constant 16 : i32
      %parallel_loop3A_1365 = arith.muli %parallel_loop3A_1363, %parallel_loop3A_1364 : i32
      %parallel_loop3A_1366 = arith.index_cast %parallel_loop3A_1365 : i32 to index
      %parallel_loop3A_1367 = tpu.vector_load %arg11[%parallel_loop3A_1366] {strides = array<i32>} : memref<8192xf32, #tpu.memory_space<vmem>>, vector<16xf32>,
      %parallel_loop3A_1368 = arith.index_cast %parallel_loop3A_1365 : i32 to index
      %parallel_loop3A_1369 = tpu.vector_load %arg12[%parallel_loop3A_1368] {strides = array<i32>} : memref<8192xf32, #tpu.memory_space<vmem>>, vector<16xf32>,
      %parallel_loop3A_1370 = arith.addf %parallel_loop3A_1367, %parallel_loop3A_1369 : vector<16xf32>
      %parallel_loop3A_1371 = arith.constant 6 : i32
      %parallel_loop3A_1372 = vector.broadcast %parallel_loop3A_1371 : i32 to vector<16xi32>
      %parallel_loop3A_1373 = arith.cmpi eq, %iota3A, %parallel_loop3A_1372 : vector<16xi32>
      %parallel_loop3A_1374 = arith.constant true
      %parallel_loop3A_1375 = vector.broadcast %parallel_loop3A_1374 : i1 to vector<16xi1>
      %parallel_loop3A_1376 = tpu.scan <sum>, %parallel_loop3A_1370 masked %parallel_loop3A_1375 : vector<16xf32>, vector<16xi1> -> vector<16xf32>
      %parallel_loop3A_1377 = vector.extract %parallel_loop3A_1376[15] : f32 from vector<16xf32>
      %parallel_loop3A_1378 = vector.broadcast %parallel_loop3A_1377 : f32 to vector<16xf32>
      %parallel_loop3A_1379 = arith.select %parallel_loop3A_1373, %parallel_loop3A_1378, %parallel_loop3A_1359 : vector<16xi1>, vector<16xf32>
      %parallel_loop3A_1380 = arith.constant 16 : i32
      %parallel_loop3A_1381 = arith.muli %parallel_loop3A_1239, %parallel_loop3A_1380 : i32
      %parallel_loop3A_1382 = arith.constant 7 : i32
      %parallel_loop3A_1383 = arith.addi %parallel_loop3A_1381, %parallel_loop3A_1382 : i32
      %parallel_loop3A_1384 = arith.constant 16 : i32
      %parallel_loop3A_1385 = arith.muli %parallel_loop3A_1383, %parallel_loop3A_1384 : i32
      %parallel_loop3A_1386 = arith.index_cast %parallel_loop3A_1385 : i32 to index
      %parallel_loop3A_1387 = tpu.vector_load %arg11[%parallel_loop3A_1386] {strides = array<i32>} : memref<8192xf32, #tpu.memory_space<vmem>>, vector<16xf32>,
      %parallel_loop3A_1388 = arith.index_cast %parallel_loop3A_1385 : i32 to index
      %parallel_loop3A_1389 = tpu.vector_load %arg12[%parallel_loop3A_1388] {strides = array<i32>} : memref<8192xf32, #tpu.memory_space<vmem>>, vector<16xf32>,
      %parallel_loop3A_1390 = arith.addf %parallel_loop3A_1387, %parallel_loop3A_1389 : vector<16xf32>
      %parallel_loop3A_1391 = arith.constant 7 : i32
      %parallel_loop3A_1392 = vector.broadcast %parallel_loop3A_1391 : i32 to vector<16xi32>
      %parallel_loop3A_1393 = arith.cmpi eq, %iota3A, %parallel_loop3A_1392 : vector<16xi32>
      %parallel_loop3A_1394 = arith.constant true
      %parallel_loop3A_1395 = vector.broadcast %parallel_loop3A_1394 : i1 to vector<16xi1>
      %parallel_loop3A_1396 = tpu.scan <sum>, %parallel_loop3A_1390 masked %parallel_loop3A_1395 : vector<16xf32>, vector<16xi1> -> vector<16xf32>
      %parallel_loop3A_1397 = vector.extract %parallel_loop3A_1396[15] : f32 from vector<16xf32>
      %parallel_loop3A_1398 = vector.broadcast %parallel_loop3A_1397 : f32 to vector<16xf32>
      %parallel_loop3A_1399 = arith.select %parallel_loop3A_1393, %parallel_loop3A_1398, %parallel_loop3A_1379 : vector<16xi1>, vector<16xf32>
      %parallel_loop3A_1400 = arith.constant 16 : i32
      %parallel_loop3A_1401 = arith.muli %parallel_loop3A_1239, %parallel_loop3A_1400 : i32
      %parallel_loop3A_1402 = arith.constant 8 : i32
      %parallel_loop3A_1403 = arith.addi %parallel_loop3A_1401, %parallel_loop3A_1402 : i32
      %parallel_loop3A_1404 = arith.constant 16 : i32
      %parallel_loop3A_1405 = arith.muli %parallel_loop3A_1403, %parallel_loop3A_1404 : i32
      %parallel_loop3A_1406 = arith.index_cast %parallel_loop3A_1405 : i32 to index
      %parallel_loop3A_1407 = tpu.vector_load %arg11[%parallel_loop3A_1406] {strides = array<i32>} : memref<8192xf32, #tpu.memory_space<vmem>>, vector<16xf32>,
      %parallel_loop3A_1408 = arith.index_cast %parallel_loop3A_1405 : i32 to index
      %parallel_loop3A_1409 = tpu.vector_load %arg12[%parallel_loop3A_1408] {strides = array<i32>} : memref<8192xf32, #tpu.memory_space<vmem>>, vector<16xf32>,
      %parallel_loop3A_1410 = arith.addf %parallel_loop3A_1407, %parallel_loop3A_1409 : vector<16xf32>
      %parallel_loop3A_1411 = arith.constant 8 : i32
      %parallel_loop3A_1412 = vector.broadcast %parallel_loop3A_1411 : i32 to vector<16xi32>
      %parallel_loop3A_1413 = arith.cmpi eq, %iota3A, %parallel_loop3A_1412 : vector<16xi32>
      %parallel_loop3A_1414 = arith.constant true
      %parallel_loop3A_1415 = vector.broadcast %parallel_loop3A_1414 : i1 to vector<16xi1>
      %parallel_loop3A_1416 = tpu.scan <sum>, %parallel_loop3A_1410 masked %parallel_loop3A_1415 : vector<16xf32>, vector<16xi1> -> vector<16xf32>
      %parallel_loop3A_1417 = vector.extract %parallel_loop3A_1416[15] : f32 from vector<16xf32>
      %parallel_loop3A_1418 = vector.broadcast %parallel_loop3A_1417 : f32 to vector<16xf32>
      %parallel_loop3A_1419 = arith.select %parallel_loop3A_1413, %parallel_loop3A_1418, %parallel_loop3A_1399 : vector<16xi1>, vector<16xf32>
      %parallel_loop3A_1420 = arith.constant 16 : i32
      %parallel_loop3A_1421 = arith.muli %parallel_loop3A_1239, %parallel_loop3A_1420 : i32
      %parallel_loop3A_1422 = arith.constant 9 : i32
      %parallel_loop3A_1423 = arith.addi %parallel_loop3A_1421, %parallel_loop3A_1422 : i32
      %parallel_loop3A_1424 = arith.constant 16 : i32
      %parallel_loop3A_1425 = arith.muli %parallel_loop3A_1423, %parallel_loop3A_1424 : i32
      %parallel_loop3A_1426 = arith.index_cast %parallel_loop3A_1425 : i32 to index
      %parallel_loop3A_1427 = tpu.vector_load %arg11[%parallel_loop3A_1426] {strides = array<i32>} : memref<8192xf32, #tpu.memory_space<vmem>>, vector<16xf32>,
      %parallel_loop3A_1428 = arith.index_cast %parallel_loop3A_1425 : i32 to index
      %parallel_loop3A_1429 = tpu.vector_load %arg12[%parallel_loop3A_1428] {strides = array<i32>} : memref<8192xf32, #tpu.memory_space<vmem>>, vector<16xf32>,
      %parallel_loop3A_1430 = arith.addf %parallel_loop3A_1427, %parallel_loop3A_1429 : vector<16xf32>
      %parallel_loop3A_1431 = arith.constant 9 : i32
      %parallel_loop3A_1432 = vector.broadcast %parallel_loop3A_1431 : i32 to vector<16xi32>
      %parallel_loop3A_1433 = arith.cmpi eq, %iota3A, %parallel_loop3A_1432 : vector<16xi32>
      %parallel_loop3A_1434 = arith.constant true
      %parallel_loop3A_1435 = vector.broadcast %parallel_loop3A_1434 : i1 to vector<16xi1>
      %parallel_loop3A_1436 = tpu.scan <sum>, %parallel_loop3A_1430 masked %parallel_loop3A_1435 : vector<16xf32>, vector<16xi1> -> vector<16xf32>
      %parallel_loop3A_1437 = vector.extract %parallel_loop3A_1436[15] : f32 from vector<16xf32>
      %parallel_loop3A_1438 = vector.broadcast %parallel_loop3A_1437 : f32 to vector<16xf32>
      %parallel_loop3A_1439 = arith.select %parallel_loop3A_1433, %parallel_loop3A_1438, %parallel_loop3A_1419 : vector<16xi1>, vector<16xf32>
      %parallel_loop3A_1440 = arith.constant 16 : i32
      %parallel_loop3A_1441 = arith.muli %parallel_loop3A_1239, %parallel_loop3A_1440 : i32
      %parallel_loop3A_1442 = arith.constant 10 : i32
      %parallel_loop3A_1443 = arith.addi %parallel_loop3A_1441, %parallel_loop3A_1442 : i32
      %parallel_loop3A_1444 = arith.constant 16 : i32
      %parallel_loop3A_1445 = arith.muli %parallel_loop3A_1443, %parallel_loop3A_1444 : i32
      %parallel_loop3A_1446 = arith.index_cast %parallel_loop3A_1445 : i32 to index
      %parallel_loop3A_1447 = tpu.vector_load %arg11[%parallel_loop3A_1446] {strides = array<i32>} : memref<8192xf32, #tpu.memory_space<vmem>>, vector<16xf32>,
      %parallel_loop3A_1448 = arith.index_cast %parallel_loop3A_1445 : i32 to index
      %parallel_loop3A_1449 = tpu.vector_load %arg12[%parallel_loop3A_1448] {strides = array<i32>} : memref<8192xf32, #tpu.memory_space<vmem>>, vector<16xf32>,
      %parallel_loop3A_1450 = arith.addf %parallel_loop3A_1447, %parallel_loop3A_1449 : vector<16xf32>
      %parallel_loop3A_1451 = arith.constant 10 : i32
      %parallel_loop3A_1452 = vector.broadcast %parallel_loop3A_1451 : i32 to vector<16xi32>
      %parallel_loop3A_1453 = arith.cmpi eq, %iota3A, %parallel_loop3A_1452 : vector<16xi32>
      %parallel_loop3A_1454 = arith.constant true
      %parallel_loop3A_1455 = vector.broadcast %parallel_loop3A_1454 : i1 to vector<16xi1>
      %parallel_loop3A_1456 = tpu.scan <sum>, %parallel_loop3A_1450 masked %parallel_loop3A_1455 : vector<16xf32>, vector<16xi1> -> vector<16xf32>
      %parallel_loop3A_1457 = vector.extract %parallel_loop3A_1456[15] : f32 from vector<16xf32>
      %parallel_loop3A_1458 = vector.broadcast %parallel_loop3A_1457 : f32 to vector<16xf32>
      %parallel_loop3A_1459 = arith.select %parallel_loop3A_1453, %parallel_loop3A_1458, %parallel_loop3A_1439 : vector<16xi1>, vector<16xf32>
      %parallel_loop3A_1460 = arith.constant 16 : i32
      %parallel_loop3A_1461 = arith.muli %parallel_loop3A_1239, %parallel_loop3A_1460 : i32
      %parallel_loop3A_1462 = arith.constant 11 : i32
      %parallel_loop3A_1463 = arith.addi %parallel_loop3A_1461, %parallel_loop3A_1462 : i32
      %parallel_loop3A_1464 = arith.constant 16 : i32
      %parallel_loop3A_1465 = arith.muli %parallel_loop3A_1463, %parallel_loop3A_1464 : i32
      %parallel_loop3A_1466 = arith.index_cast %parallel_loop3A_1465 : i32 to index
      %parallel_loop3A_1467 = tpu.vector_load %arg11[%parallel_loop3A_1466] {strides = array<i32>} : memref<8192xf32, #tpu.memory_space<vmem>>, vector<16xf32>,
      %parallel_loop3A_1468 = arith.index_cast %parallel_loop3A_1465 : i32 to index
      %parallel_loop3A_1469 = tpu.vector_load %arg12[%parallel_loop3A_1468] {strides = array<i32>} : memref<8192xf32, #tpu.memory_space<vmem>>, vector<16xf32>,
      %parallel_loop3A_1470 = arith.addf %parallel_loop3A_1467, %parallel_loop3A_1469 : vector<16xf32>
      %parallel_loop3A_1471 = arith.constant 11 : i32
      %parallel_loop3A_1472 = vector.broadcast %parallel_loop3A_1471 : i32 to vector<16xi32>
      %parallel_loop3A_1473 = arith.cmpi eq, %iota3A, %parallel_loop3A_1472 : vector<16xi32>
      %parallel_loop3A_1474 = arith.constant true
      %parallel_loop3A_1475 = vector.broadcast %parallel_loop3A_1474 : i1 to vector<16xi1>
      %parallel_loop3A_1476 = tpu.scan <sum>, %parallel_loop3A_1470 masked %parallel_loop3A_1475 : vector<16xf32>, vector<16xi1> -> vector<16xf32>
      %parallel_loop3A_1477 = vector.extract %parallel_loop3A_1476[15] : f32 from vector<16xf32>
      %parallel_loop3A_1478 = vector.broadcast %parallel_loop3A_1477 : f32 to vector<16xf32>
      %parallel_loop3A_1479 = arith.select %parallel_loop3A_1473, %parallel_loop3A_1478, %parallel_loop3A_1459 : vector<16xi1>, vector<16xf32>
      %parallel_loop3A_1480 = arith.constant 16 : i32
      %parallel_loop3A_1481 = arith.muli %parallel_loop3A_1239, %parallel_loop3A_1480 : i32
      %parallel_loop3A_1482 = arith.constant 12 : i32
      %parallel_loop3A_1483 = arith.addi %parallel_loop3A_1481, %parallel_loop3A_1482 : i32
      %parallel_loop3A_1484 = arith.constant 16 : i32
      %parallel_loop3A_1485 = arith.muli %parallel_loop3A_1483, %parallel_loop3A_1484 : i32
      %parallel_loop3A_1486 = arith.index_cast %parallel_loop3A_1485 : i32 to index
      %parallel_loop3A_1487 = tpu.vector_load %arg11[%parallel_loop3A_1486] {strides = array<i32>} : memref<8192xf32, #tpu.memory_space<vmem>>, vector<16xf32>,
      %parallel_loop3A_1488 = arith.index_cast %parallel_loop3A_1485 : i32 to index
      %parallel_loop3A_1489 = tpu.vector_load %arg12[%parallel_loop3A_1488] {strides = array<i32>} : memref<8192xf32, #tpu.memory_space<vmem>>, vector<16xf32>,
      %parallel_loop3A_1490 = arith.addf %parallel_loop3A_1487, %parallel_loop3A_1489 : vector<16xf32>
      %parallel_loop3A_1491 = arith.constant 12 : i32
      %parallel_loop3A_1492 = vector.broadcast %parallel_loop3A_1491 : i32 to vector<16xi32>
      %parallel_loop3A_1493 = arith.cmpi eq, %iota3A, %parallel_loop3A_1492 : vector<16xi32>
      %parallel_loop3A_1494 = arith.constant true
      %parallel_loop3A_1495 = vector.broadcast %parallel_loop3A_1494 : i1 to vector<16xi1>
      %parallel_loop3A_1496 = tpu.scan <sum>, %parallel_loop3A_1490 masked %parallel_loop3A_1495 : vector<16xf32>, vector<16xi1> -> vector<16xf32>
      %parallel_loop3A_1497 = vector.extract %parallel_loop3A_1496[15] : f32 from vector<16xf32>
      %parallel_loop3A_1498 = vector.broadcast %parallel_loop3A_1497 : f32 to vector<16xf32>
      %parallel_loop3A_1499 = arith.select %parallel_loop3A_1493, %parallel_loop3A_1498, %parallel_loop3A_1479 : vector<16xi1>, vector<16xf32>
      %parallel_loop3A_1500 = arith.constant 16 : i32
      %parallel_loop3A_1501 = arith.muli %parallel_loop3A_1239, %parallel_loop3A_1500 : i32
      %parallel_loop3A_1502 = arith.constant 13 : i32
      %parallel_loop3A_1503 = arith.addi %parallel_loop3A_1501, %parallel_loop3A_1502 : i32
      %parallel_loop3A_1504 = arith.constant 16 : i32
      %parallel_loop3A_1505 = arith.muli %parallel_loop3A_1503, %parallel_loop3A_1504 : i32
      %parallel_loop3A_1506 = arith.index_cast %parallel_loop3A_1505 : i32 to index
      %parallel_loop3A_1507 = tpu.vector_load %arg11[%parallel_loop3A_1506] {strides = array<i32>} : memref<8192xf32, #tpu.memory_space<vmem>>, vector<16xf32>,
      %parallel_loop3A_1508 = arith.index_cast %parallel_loop3A_1505 : i32 to index
      %parallel_loop3A_1509 = tpu.vector_load %arg12[%parallel_loop3A_1508] {strides = array<i32>} : memref<8192xf32, #tpu.memory_space<vmem>>, vector<16xf32>,
      %parallel_loop3A_1510 = arith.addf %parallel_loop3A_1507, %parallel_loop3A_1509 : vector<16xf32>
      %parallel_loop3A_1511 = arith.constant 13 : i32
      %parallel_loop3A_1512 = vector.broadcast %parallel_loop3A_1511 : i32 to vector<16xi32>
      %parallel_loop3A_1513 = arith.cmpi eq, %iota3A, %parallel_loop3A_1512 : vector<16xi32>
      %parallel_loop3A_1514 = arith.constant true
      %parallel_loop3A_1515 = vector.broadcast %parallel_loop3A_1514 : i1 to vector<16xi1>
      %parallel_loop3A_1516 = tpu.scan <sum>, %parallel_loop3A_1510 masked %parallel_loop3A_1515 : vector<16xf32>, vector<16xi1> -> vector<16xf32>
      %parallel_loop3A_1517 = vector.extract %parallel_loop3A_1516[15] : f32 from vector<16xf32>
      %parallel_loop3A_1518 = vector.broadcast %parallel_loop3A_1517 : f32 to vector<16xf32>
      %parallel_loop3A_1519 = arith.select %parallel_loop3A_1513, %parallel_loop3A_1518, %parallel_loop3A_1499 : vector<16xi1>, vector<16xf32>
      %parallel_loop3A_1520 = arith.constant 16 : i32
      %parallel_loop3A_1521 = arith.muli %parallel_loop3A_1239, %parallel_loop3A_1520 : i32
      %parallel_loop3A_1522 = arith.constant 14 : i32
      %parallel_loop3A_1523 = arith.addi %parallel_loop3A_1521, %parallel_loop3A_1522 : i32
      %parallel_loop3A_1524 = arith.constant 16 : i32
      %parallel_loop3A_1525 = arith.muli %parallel_loop3A_1523, %parallel_loop3A_1524 : i32
      %parallel_loop3A_1526 = arith.index_cast %parallel_loop3A_1525 : i32 to index
      %parallel_loop3A_1527 = tpu.vector_load %arg11[%parallel_loop3A_1526] {strides = array<i32>} : memref<8192xf32, #tpu.memory_space<vmem>>, vector<16xf32>,
      %parallel_loop3A_1528 = arith.index_cast %parallel_loop3A_1525 : i32 to index
      %parallel_loop3A_1529 = tpu.vector_load %arg12[%parallel_loop3A_1528] {strides = array<i32>} : memref<8192xf32, #tpu.memory_space<vmem>>, vector<16xf32>,
      %parallel_loop3A_1530 = arith.addf %parallel_loop3A_1527, %parallel_loop3A_1529 : vector<16xf32>
      %parallel_loop3A_1531 = arith.constant 14 : i32
      %parallel_loop3A_1532 = vector.broadcast %parallel_loop3A_1531 : i32 to vector<16xi32>
      %parallel_loop3A_1533 = arith.cmpi eq, %iota3A, %parallel_loop3A_1532 : vector<16xi32>
      %parallel_loop3A_1534 = arith.constant true
      %parallel_loop3A_1535 = vector.broadcast %parallel_loop3A_1534 : i1 to vector<16xi1>
      %parallel_loop3A_1536 = tpu.scan <sum>, %parallel_loop3A_1530 masked %parallel_loop3A_1535 : vector<16xf32>, vector<16xi1> -> vector<16xf32>
      %parallel_loop3A_1537 = vector.extract %parallel_loop3A_1536[15] : f32 from vector<16xf32>
      %parallel_loop3A_1538 = vector.broadcast %parallel_loop3A_1537 : f32 to vector<16xf32>
      %parallel_loop3A_1539 = arith.select %parallel_loop3A_1533, %parallel_loop3A_1538, %parallel_loop3A_1519 : vector<16xi1>, vector<16xf32>
      %parallel_loop3A_1540 = arith.constant 16 : i32
      %parallel_loop3A_1541 = arith.muli %parallel_loop3A_1239, %parallel_loop3A_1540 : i32
      %parallel_loop3A_1542 = arith.constant 15 : i32
      %parallel_loop3A_1543 = arith.addi %parallel_loop3A_1541, %parallel_loop3A_1542 : i32
      %parallel_loop3A_1544 = arith.constant 16 : i32
      %parallel_loop3A_1545 = arith.muli %parallel_loop3A_1543, %parallel_loop3A_1544 : i32
      %parallel_loop3A_1546 = arith.index_cast %parallel_loop3A_1545 : i32 to index
      %parallel_loop3A_1547 = tpu.vector_load %arg11[%parallel_loop3A_1546] {strides = array<i32>} : memref<8192xf32, #tpu.memory_space<vmem>>, vector<16xf32>,
      %parallel_loop3A_1548 = arith.index_cast %parallel_loop3A_1545 : i32 to index
      %parallel_loop3A_1549 = tpu.vector_load %arg12[%parallel_loop3A_1548] {strides = array<i32>} : memref<8192xf32, #tpu.memory_space<vmem>>, vector<16xf32>,
      %parallel_loop3A_1550 = arith.addf %parallel_loop3A_1547, %parallel_loop3A_1549 : vector<16xf32>
      %parallel_loop3A_1551 = arith.constant 15 : i32
      %parallel_loop3A_1552 = vector.broadcast %parallel_loop3A_1551 : i32 to vector<16xi32>
      %parallel_loop3A_1553 = arith.cmpi eq, %iota3A, %parallel_loop3A_1552 : vector<16xi32>
      %parallel_loop3A_1554 = arith.constant true
      %parallel_loop3A_1555 = vector.broadcast %parallel_loop3A_1554 : i1 to vector<16xi1>
      %parallel_loop3A_1556 = tpu.scan <sum>, %parallel_loop3A_1550 masked %parallel_loop3A_1555 : vector<16xf32>, vector<16xi1> -> vector<16xf32>
      %parallel_loop3A_1557 = vector.extract %parallel_loop3A_1556[15] : f32 from vector<16xf32>
      %parallel_loop3A_1558 = vector.broadcast %parallel_loop3A_1557 : f32 to vector<16xf32>
      %parallel_loop3A_1559 = arith.select %parallel_loop3A_1553, %parallel_loop3A_1558, %parallel_loop3A_1539 : vector<16xi1>, vector<16xf32>
      %parallel_loop3A_1560 = arith.constant 16 : i32
      %parallel_loop3A_1561 = arith.muli %parallel_loop3A_1239, %parallel_loop3A_1560 : i32
      %parallel_loop3A_1562 = arith.index_cast %parallel_loop3A_1561 : i32 to index
      %parallel_loop3A_1563 = tpu.vector_load %arg13[%parallel_loop3A_1562] {strides = array<i32>} : memref<512xf32, #tpu.memory_space<vmem>>, vector<16xf32>,
      tpu.vector_store %arg13[%parallel_loop3A_1562], %parallel_loop3A_1559 {strides = array<i32>} : memref<512xf32, #tpu.memory_space<vmem>>, vector<16xf32>,
    } {sc.loop_unroll_factor = 1 : i64, sc.parallel_access}
    "tpu.region"() ({
      %run_scoped3A = tpu.sem_alloc : memref<!tpu.dma_semaphore, #tpu.memory_space<semaphore_mem>>
      %dma_start3A_1239 = arith.constant 0 : i32
      %dma_start3A_1240 = tpu.memref_slice %arg6[%add3A, %dma_start3A_1239] : memref<32x512xf32, #tpu.memory_space<hbm>> -> memref<1x512xf32, #tpu.memory_space<hbm>>
      %dma_start3A_1241 = tpu.memref_squeeze %dma_start3A_1240 : memref<1x512xf32, #tpu.memory_space<hbm>> -> memref<512xf32, #tpu.memory_space<hbm>>
      %dma_start3A_1242 = arith.constant 0 : i32
      %dma_start3A_1243 = tpu.memref_slice %arg6[%add3A, %dma_start3A_1242] : memref<32x512xf32, #tpu.memory_space<hbm>> -> memref<1x512xf32, #tpu.memory_space<hbm>>
      %dma_start3A_1244 = tpu.memref_squeeze %dma_start3A_1243 : memref<1x512xf32, #tpu.memory_space<hbm>> -> memref<512xf32, #tpu.memory_space<hbm>>
      tpu.enqueue_dma source(%arg13 : memref<512xf32, #tpu.memory_space<vmem>>) target(%dma_start3A_1244 : memref<512xf32, #tpu.memory_space<hbm>>) target_semaphore(%run_scoped3A : memref<!tpu.dma_semaphore, #tpu.memory_space<semaphore_mem>>)
      %dma_wait3A_1245 = arith.constant 0 : i32
      %dma_wait3A_1246 = tpu.memref_slice %arg6[%add3A, %dma_wait3A_1245] : memref<32x512xf32, #tpu.memory_space<hbm>> -> memref<1x512xf32, #tpu.memory_space<hbm>>
      %dma_wait3A_1247 = tpu.memref_squeeze %dma_wait3A_1246 : memref<1x512xf32, #tpu.memory_space<hbm>> -> memref<512xf32, #tpu.memory_space<hbm>>
      %dma_wait3A_1248 = arith.constant 0 : i32
      %dma_wait3A_1249 = tpu.memref_slice %arg6[%add3A, %dma_wait3A_1248] : memref<32x512xf32, #tpu.memory_space<hbm>> -> memref<1x512xf32, #tpu.memory_space<hbm>>
      %dma_wait3A_1250 = tpu.memref_squeeze %dma_wait3A_1249 : memref<1x512xf32, #tpu.memory_space<hbm>> -> memref<512xf32, #tpu.memory_space<hbm>>
      tpu.wait_dma2 semaphore(%run_scoped3A : memref<!tpu.dma_semaphore, #tpu.memory_space<semaphore_mem>>) src(%arg13 : memref<512xf32, #tpu.memory_space<vmem>>) dst(%dma_wait3A_1250 : memref<512xf32, #tpu.memory_space<hbm>>)
      tpu.yield
    }) : () -> ()
    return
  }
}

module attributes {stable_mosaic.version = 14 : i64} {
  func.func @_tc_reduce_body(%arg0: memref<32x512xf32, #tpu.memory_space<vmem>>, %arg1: memref<1x1xf32, #tpu.memory_space<smem>>) attributes {dimension_semantics = [], scalar_prefetch = 0 : i64, scratch_operands = 0 : i64, tpu.core_type = #tpu.core_type<tc>} {
    %get3A = arith.constant 0 : index
    %get3A_0 = arith.constant 0 : index
    %get3A_1 = vector.load %arg0[%get3A, %get3A_0] : memref<32x512xf32, #tpu.memory_space<vmem>>, vector<32x512xf32>
    %reduce_sum3A = arith.constant dense<0.000000e+00> : vector<512xf32>
    %reduce_sum3A_2 = vector.multi_reduction <add>, %get3A_1, %reduce_sum3A [0] : vector<32x512xf32> to vector<512xf32>
    %broadcast_in_dim3A = vector.shape_cast %reduce_sum3A_2 : vector<512xf32> to vector<1x512xf32>
    %reduce_sum3A_3 = vector.shape_cast %broadcast_in_dim3A : vector<1x512xf32> to vector<1x1x512xf32>
    %reduce_sum3A_4 = arith.constant dense<0.000000e+00> : vector<1xf32>
    %reduce_sum3A_5 = vector.multi_reduction <add>, %reduce_sum3A_3, %reduce_sum3A_4 [1, 2] : vector<1x1x512xf32> to vector<1xf32>
    %reduce_sum3A_6 = vector.shape_cast %reduce_sum3A_5 : vector<1xf32> to vector<1x1x1xf32>
    %reduce_sum3A_7 = vector.extract %reduce_sum3A_6[0, 0, 0] : f32 from vector<1x1x1xf32>
    %mul3A = arith.mulf %broadcast_in_dim3A, %broadcast_in_dim3A : vector<1x512xf32>
    %reduce_sum3A_8 = vector.shape_cast %mul3A : vector<1x512xf32> to vector<1x1x512xf32>
    %reduce_sum3A_9 = arith.constant dense<0.000000e+00> : vector<1xf32>
    %reduce_sum3A_10 = vector.multi_reduction <add>, %reduce_sum3A_8, %reduce_sum3A_9 [1, 2] : vector<1x1x512xf32> to vector<1xf32>
    %reduce_sum3A_11 = vector.shape_cast %reduce_sum3A_10 : vector<1xf32> to vector<1x1x1xf32>
    %reduce_sum3A_12 = vector.extract %reduce_sum3A_11[0, 0, 0] : f32 from vector<1x1x1xf32>
    %mul3A_13 = arith.mulf %reduce_sum3A_7, %reduce_sum3A_7 : f32
    %neg3A = arith.constant 0.000000e+00 : f32
    %neg3A_14 = arith.subf %neg3A, %mul3A_13 : f32
    %div3A = arith.divf %neg3A_14, %reduce_sum3A_12 : f32
    %swap3A = arith.constant 0 : index
    %swap3A_15 = arith.constant 0 : index
    %swap3A_16 = memref.load %arg1[%swap3A, %swap3A_15] : memref<1x1xf32, #tpu.memory_space<smem>>
    memref.store %div3A, %arg1[%swap3A, %swap3A_15] : memref<1x1xf32, #tpu.memory_space<smem>>
    return
  }
}

</mosaic_0001>

<sc_bundles>
// kernel: kernel.4.cloned.1.call-start
scs
__scs_entry_jumppad:
0x0: {  	(pc) =	sbr.rel $0x88, $3  }
0x1: {  	(tag) =	ssettag $0x0;
	lr =	simm.s32 $0x1  }
0x2: {  	[smem:$0x3F9D] =	sst lr;
	_ =	strace $0xD0000000  }
0x3: {  	_ = 	snop  }
0x4: {  	_ = 	snop  }
0x5: {  	_ = 	snop  }
0x6: {  	_ = 	snop  }
0x7: {  	_ = 	snop  }
__scs_overlays_trampoline_lowered:
0x8: {  	[smem:$0x3FAC] =	sst s0  }
0x9: {  	[smem:$0x3FAD] =	sst s1  }
0xa: {  	[smem:$0x3FAE] =	sst s2  }
0xb: {  	[smem:$0x3FAF] =	sst s3  }
0xc: {  	[smem:$0x3FB0] =	sst s4  }
0xd: {  	[smem:$0x3FB1] =	sst s5  }
0xe: {  	[smem:$0x3FB2] =	sst s6  }
0xf: {  	[smem:$0x3FB3] =	sst s7  }
0x10: {  	[smem:$0x3FB4] =	sst s8  }
0x11: {  	[smem:$0x3FB5] =	sst s9;
	s0 =	simm.s32 @!p0 $0x0  }
0x12: {  	s1 =	sld [smem:$0x3F9B];
	s0 =	simm.s32 @p0 $0x1  }
0x13: {  	[smem:$0x3FB6] =	sst s0;
	s0 =	simm.s32 @!p1 $0x0  }
0x14: {  	s2 =	sld [smem:$0x3F9A];
	s0 =	simm.s32 @p1 $0x1  }
0x15: {  	[smem:$0x3FB7] =	sst s0;
	s0 =	simm.s32 @!p2 $0x0  }
0x16: {  	s3 =	sld [smem:$0x3FDB];
	s0 =	simm.s32 @p2 $0x1  }
0x17: {  	s4 =	simm.s32 $0x1BF5;
	[smem:$0x3FB9] =	sst s0  }
0x18: {  	s0 =	sld [smem:$0x3F9C];
	_ =	swait.ge [sflag:s4], $0x0  }
0x19: {  	s7 =	sld [smem:$0x3F9D]  }
0x1a: {  	s8 =	sadd.s32 $0xFFFFE003, lr  }
0x1b: {  	s9 =	sadd.s32 $0xFFFFFEF7, lr;
	s5 =	simm.s32 $0xFFFFFFFF;
	p2 =	slt.u32 s8, $0xFFFFF086  }
0x1c: {  	p1 =	slt.u32 s9, $0xF7A;
	s5 =	simm.s32 @!p2 $0x0  }
0x1d: {  	s5 =	simm.s32 @p1 $0x1;
	p0 =	seq.s32 s7, s2  }
0x1e: {  	s7 =	smul.u32 @!p0 $0xF7A, s2;
	p2 =	seq.s32 @!p0 s5, $0x0  }
0x1f: {  	s9 =	smul.u32 $0xF7A, s1;
	s8 =	simm.s32 @!p0 $0x1BF5;
	p2 =	por !p2, p0  }
0x20: {  	[sflag:s8] =	ssyncset.s32 @!p0 $0xFFFFF086;
	s6 =	sadd.s32 @!p0 s3, s7;
	s7 =	simm.s32 @!p0 $0x108  }
0x21: {  	s3 =	sadd.s32 s3, s9;
	s6 =	sadd.s32 @!p0 $0x88, s6;
	s7 =	simm.s32 @p2 $0x1082  }
0x22: {  	[simem:s7], [sflag:s8] =	dma.local @!p0 [hbm:s6], $0xF7A  }
0x23: {  	s9 =	sor.u32 $0xD0000000, s2;
	s6 =	simm.s32 $0x108;
	_ =	swait.ge @!p0 [sflag:s8], $0x0  }
0x24: {  	s3 =	sadd.s32 $0x88, s3;
	s6 =	simm.s32 @!p1 $0x1082;
	[sflag:s4] =	ssyncset.s32 $0xFFFFF086  }
0x25: {  	[simem:s6], [sflag:s4] =	dma.local [hbm:s3], $0xF7A  }
0x26: {  	[smem:$0x3F9D] =	sst s1;
	(tag) =	ssettag s2;
	_ =	strace s9  }
0x27: {  	s1 =	sld [smem:$0x3FAD]  }
0x28: {  	s2 =	sld [smem:$0x3FAE]  }
0x29: {  	s4 =	sld [smem:$0x3FB0]  }
0x2a: {  	p0 =	seq.s32 s5, $0x0;
	s5 =	sld [smem:$0x3FB1]  }
0x2b: {  	s6 =	sld [smem:$0x3FB2]  }
0x2c: {  	s7 =	sld [smem:$0x3FB3]  }
0x2d: {  	s3 =	simm.s32 $0x108;
	s8 =	sld [smem:$0x3FB4]  }
0x2e: {  	s3 =	simm.s32 @!p0 $0x1082;
	s9 =	sld [smem:$0x3FB5]  }
0x2f: {  	lr =	sadd.s32 s0, s3;
	s0 =	sld [smem:$0x3FAC]  }
0x30: {  	s3 =	sld [smem:$0x3FAF]  }
0x31: {  	[smem:$0x3FB8] =	sst s10  }
0x32: {  	s10 =	sld [smem:$0x3FB6];
	_ =	sdelay $0x3  }
0x33: {  	p0 =	seq.s32 s10, $0x1;
	s10 =	sld [smem:$0x3FB8];
	_ =	sdelay $0x3  }
0x34: {  	[smem:$0x3FB8] =	sst s10  }
0x35: {  	s10 =	sld [smem:$0x3FB7];
	_ =	sdelay $0x3  }
0x36: {  	p1 =	seq.s32 s10, $0x1;
	s10 =	sld [smem:$0x3FB8];
	_ =	sdelay $0x3  }
0x37: {  	[smem:$0x3FB8] =	sst s10  }
0x38: {  	s10 =	sld [smem:$0x3FB9]  }
0x39: {  	_ = 	snop;
	(pc) =	sbr.ind lr, $3  }
0x3a: {  	_ = 	snop  }
0x3b: {  	_ = 	snop  }
0x3c: {  	p2 =	seq.s32 s10, $0x1;
	s10 =	sld [smem:$0x3FB8]  }
0x3d: {  	_ =	shalt  }
0x3e: {  	_ =	shalt  }
0x3f: {  	_ =	shalt  }
0x40: {  	_ =	shalt  }
0x41: {  	_ =	shalt  }
0x42: {  	_ =	shalt  }
0x43: {  	_ =	shalt  }
0x44: {  	_ =	shalt  }
0x45: {  	_ =	shalt  }
0x46: {  	_ =	shalt  }
0x47: {  	_ =	shalt  }
0x48: {  	_ =	shalt  }
0x49: {  	_ =	shalt  }
0x4a: {  	_ =	shalt  }
0x4b: {  	_ =	shalt  }
0x4c: {  	_ =	shalt  }
0x4d: {  	_ =	shalt  }
0x4e: {  	_ =	shalt  }
0x4f: {  	_ =	shalt  }
0x50: {  	_ =	shalt  }
0x51: {  	_ =	shalt  }
0x52: {  	_ =	shalt  }
0x53: {  	_ =	shalt  }
0x54: {  	_ =	shalt  }
0x55: {  	_ =	shalt  }
0x56: {  	_ =	shalt  }
0x57: {  	_ =	shalt  }
0x58: {  	_ =	shalt  }
0x59: {  	_ =	shalt  }
0x5a: {  	_ =	shalt  }
0x5b: {  	_ =	shalt  }
0x5c: {  	_ =	shalt  }
0x5d: {  	_ =	shalt  }
0x5e: {  	_ =	shalt  }
0x5f: {  	_ =	shalt  }
0x60: {  	_ =	shalt  }
0x61: {  	_ =	shalt  }
0x62: {  	_ =	shalt  }
0x63: {  	_ =	shalt  }
0x64: {  	_ =	shalt  }
0x65: {  	_ =	shalt  }
0x66: {  	_ =	shalt  }
0x67: {  	_ =	shalt  }
0x68: {  	_ =	shalt  }
0x69: {  	_ =	shalt  }
0x6a: {  	_ =	shalt  }
0x6b: {  	_ =	shalt  }
0x6c: {  	_ =	shalt  }
0x6d: {  	_ =	shalt  }
0x6e: {  	_ =	shalt  }
0x6f: {  	_ =	shalt  }
0x70: {  	_ =	shalt  }
0x71: {  	_ =	shalt  }
0x72: {  	_ =	shalt  }
0x73: {  	_ =	shalt  }
0x74: {  	_ =	shalt  }
0x75: {  	_ =	shalt  }
0x76: {  	_ =	shalt  }
0x77: {  	_ =	shalt  }
0x78: {  	_ =	shalt  }
0x79: {  	_ =	shalt  }
0x7a: {  	_ =	shalt  }
0x7b: {  	_ =	shalt  }
0x7c: {  	_ =	shalt  }
0x7d: {  	_ =	shalt  }
0x7e: {  	_ =	shalt  }
0x7f: {  	_ =	shalt  }
0x80: {  	_ =	shalt  }
0x81: {  	_ =	shalt  }
0x82: {  	_ =	shalt  }
0x83: {  	_ =	shalt  }
0x84: {  	_ =	shalt  }
0x85: {  	_ =	shalt  }
0x86: {  	_ =	shalt  }
0x87: {  	_ =	shalt  }
.Lfunc_end0:
.L_simem_size_0:
called_computation_lowered:
.L_overlay_start_0:
0x88: {  	s2 =	sld [smem:$0x3FD9]  }
0x89: {  	s3 =	sld [smem:$0x3FFE];
	_ =	sdelay $0x1  }
0x8a: {  	s1 =	srdreg.scid  }
0x8b: {  	s0 =	sand.u32 $0x1, s1  }
0x8c: {  	s17 =	sshll.u32 s0, $0xA;
	s2 =	sadd.s32 s3, s2  }
0x8d: {  	s2 =	sadd.s32 s2, s17  }
0x8e: {  	[smem:$0x3FC4] =	sst s2  }
0x8f: {  	_ = 	snop  }
0x90: {  	s2 =	sld [smem:$0x3FC9]  }
0x91: {  	s18 =	sld [smem:$0x3FC8]  }
0x92: {  	s4 =	sld [smem:$0x3FC7]  }
0x93: {  	s5 =	sld [smem:$0x3FC6];
	(tm) =	ssettm $0x1  }
0x94: {  	s6 =	sld [smem:$0x3FFB];
	_ =	sdelay $0x3  }
0x95: {  	_ =	strace s6  }
0x96: {  	s6 =	sld [smem:$0x3FFC];
	_ =	sdelay $0x3  }
0x97: {  	_ =	strace s6  }
0x98: {  	s6 =	sld [smem:$0x3FFD];
	_ =	sdelay $0x3  }
0x99: {  	_ =	strace s6  }
0x9a: {  	_ =	strace $0x8FFFFFFF  }
0x9b: {  	s19 =	sld [smem:$0x3FDB];
	_ =	sdelay $0x1  }
0x9c: {  	s7 =	simm.s32 $_scs_section_size  }
0x9d: {  	s8 =	simm.s32 $_size__tile_overlayer_lowered;
	s9 =	simm.s32 $_tile_overlayer_lowered  }
0x9e: {  	s22 =	simm.s32 $0x1BFF;
	s21 =	sshll.u32 s9, $0x1;
	s6 =	sadd.s32 s7, s19  }
0x9f: {  	s10 =	simm.s32 $0x0;
	s20 =	sshll.u32 s8, $0x1;
	s8 =	sadd.s32 s21, s6  }
0xa0: {  	[timem:s10], [sflag:s22] =	dma.local [hbm:s8], s20  }
0xa1: {  	_ =	swait.ge [sflag:s22], s20  }
0xa2: {  	s7 =	ssub.s32 $0x0, s20;
	[sflag:s22] =	ssyncset.done $0x0  }
0xa3: {  	[sflag:s22] =	ssyncadd.s32 s7;
	_ =	sdelay $0x1  }
0xa4: {  	s23 =	simm.s32 $0x1B8B  }
0xa5: {  	_ =	swait.ge [sflag:s23], $0x1  }
0xa6: {  	[sflag:s23] =	ssyncset.done $0x0  }
0xa7: {  	s25 =	simm.s32 $0x1B8E;
	s24 =	sld [smem:$0x3FFE];
	[sflag:s23] =	ssyncadd.s32 $0xFFFFFFFF  }
0xa8: {  	s26 =	simm.s32 $execute0_lowered;
	[smem:$0x3FD2] =	sst s25  }
0xa9: {  	s8 =	sshll.u32 s26, $0x1;
	_ =	strace $0x80000046;
	[dreg:$0x1] =	wrdreg $0xFFFFFFFF  }
0xaa: {  	s28 =	simm.s32 $_size_execute0_lowered;
	s6 =	sadd.s32 s6, s8;
	[dreg:$0x0] =	wrdreg $0x0  }
0xab: {  	s8 =	sshll.u32 s28, $0x1;
	[dreg:$0x2] =	wrdreg s6  }
0xac: {  	[dreg:$0x3] =	wrdreg s8  }
0xad: {  	[dreg:$0x4] =	wrdreg $0xC0  }
0xae: {  	_ =	task [dreg:s10], $0x5FFFF  }
0xaf: {  	[dreg:$0x1] =	wrdreg $0xFFFFFFFF  }
0xb0: {  	[dreg:$0x0] =	wrdreg $0x60  }
0xb1: {  	[dreg:$0x2] =	wrdreg s2  }
0xb2: {  	[dreg:$0x3] =	wrdreg s18  }
0xb3: {  	[dreg:$0x4] =	wrdreg s4  }
0xb4: {  	[dreg:$0x5] =	wrdreg s5  }
0xb5: {  	[dreg:$0x6] =	wrdreg s24  }
0xb6: {  	[dreg:$0x7] =	wrdreg $0x9  }
0xb7: {  	_ =	task.clear_ibuf [dreg:s10], $0x8FFFF;
	_ =	strace $0x90000046  }
0xb8: {  	s29 =	simm.s32 $0x9;
	_ =	strace $0x80000048  }
0xb9: {  	_ =	swait.ge [sflag:s29], $0x1  }
0xba: {  	[sflag:s29] =	ssyncadd.s32 $0xFFFFFFFF  }
0xbb: {  	_ =	strace $0x90000048  }
0xbc: {  	_ =	sfence  }
0xbd: {  	s30 =	sld [smem:$0x0];
	_ =	sdelay $0x2  }
0xbe: {  	s31 =	sshll.u32 s1, $0xD;
	s1 =	sshrl.u32 s1, $0x2  }
0xbf: {  	s3 =	sand.u32 $0x4000, s31;
	s1 =	sadd.s32 s1, s30  }
0xc0: {  	s0 =	sor.u32 s3, s0;
	s1 =	sshll.u32 s1, $0x11  }
0xc1: {  	s0 =	sor.u32 s1, s0  }
0xc2: {  	s0 =	sadd.s32 $0x8F2B, s0  }
0xc3: {  	[sflag:s0] =	ssyncadd.remote.s32 $0x1  }
0xc4: {  	_ =	sfence.sel $0xFFFF  }
0xc5: {  	[dreg:$0x0] =	wrdreg $0xFFFFFFFF;
	(pc) =	sbr.abs _section_cstart, $3  }
0xc6: {  	[dreg:$0x1] =	wrdreg $0xFFFFFFFF  }
0xc7: {  	_ =	task.clear_ibuf [dreg:s10], $0x2FFFF;
	_ =	strace $0x9FFFFFFF  }
0xc8: {  	(tm) =	ssettm $0x7FFFFFFF  }
0xc9: {  	_ =	shalt  }
tec
execute0_lowered:
.L_overlay_start_1:
0x0: {  	(tag) =	ssettag $0x1  }
0x1: {  	s2 =	rddreg [dreg:$0x0]  }
0x2: {  	s4 =	srdreg.scid;
	s7 =	stileid.u32  }
0x3: {  	s3 =	rddreg [dreg:$0x1];
	s4 =	sand.u32 $0x1, s4;
	s7 =	sshll.u32 s7, $0x1  }
0x4: {  	s0 =	rddreg [dreg:$0x2];
	s7 =	sor.u32 s4, s7  }
0x5: {  	s5 =	rddreg [dreg:$0x3];
	s9 =	ssub.s32 $0x2, s4;
	s4 =	sshll.u32 s7, $0xE  }
0x6: {  	s6 =	rddreg [dreg:$0x4];
	s1 =	simm.s32 $0x0;
	s11 =	sor.u32 $0x400, s4  }
0x7: {  	[smem:$0x7FF] =	sst s1;
	s12 =	sadd.s32 s2, s11  }
0x8: {  	s8 =	sshll.u32 s7, $0x6;
	s13 =	sadd.s32 s3, s11;
	[dreg:$0x6] =	wrdreg s12  }
0x9: {  	s6 =	sadd.s32 s8, s6;
	s14 =	sadd.s32 s0, s11;
	[dreg:$0x7] =	wrdreg s13  }
0xa: {  	s15 =	sor.u32 $0x800, s4;
	s8 =	sadd.s32 s5, s11;
	[dreg:$0x8] =	wrdreg s14  }
0xb: {  	s10 =	sshrl.u32 s9, $0x1;
	s16 =	sadd.s32 s2, s15;
	[dreg:$0x9] =	wrdreg s8  }
0xc: {  	s7 =	ssub.s32 s9, s10;
	s17 =	sadd.s32 s3, s15;
	[dreg:$0xa] =	wrdreg s16  }
0xd: {  	s18 =	sor.u32 $0xC00, s4;
	s10 =	sadd.s32 s0, s15;
	[dreg:$0xb] =	wrdreg s17  }
0xe: {  	s19 =	sadd.s32 s2, s18;
	[dreg:$0xc] =	wrdreg s10  }
0xf: {  	s20 =	sadd.s32 s3, s18;
	[dreg:$0xe] =	wrdreg s19  }
0x10: {  	s21 =	sadd.s32 s0, s18;
	[dreg:$0xf] =	wrdreg s20  }
0x11: {  	s22 =	sor.u32 $0x1000, s4;
	s9 =	sadd.s32 s5, s18;
	[dreg:$0x10] =	wrdreg s21  }
0x12: {  	s23 =	sadd.s32 s2, s22;
	[dreg:$0x11] =	wrdreg s9  }
0x13: {  	s24 =	sadd.s32 s3, s22;
	[dreg:$0x12] =	wrdreg s23  }
0x14: {  	s26 =	sor.u32 $0x1400, s4;
	s25 =	sadd.s32 s0, s22;
	[dreg:$0x13] =	wrdreg s24  }
0x15: {  	s28 =	sadd.s32 s2, s26;
	[dreg:$0x14] =	wrdreg s25  }
0x16: {  	s29 =	sadd.s32 s3, s26;
	[dreg:$0x16] =	wrdreg s28  }
0x17: {  	s30 =	sor.u32 $0x1800, s4;
	s31 =	sadd.s32 s0, s26;
	[dreg:$0x17] =	wrdreg s29  }
0x18: {  	s11 =	sadd.s32 s2, s30;
	[dreg:$0x18] =	wrdreg s31  }
0x19: {  	s8 =	sadd.s32 s5, s15;
	[dreg:$0x1a] =	wrdreg s11  }
0x1a: {  	s12 =	sadd.s32 s3, s30;
	[dreg:$0xd] =	wrdreg s8  }
0x1b: {  	s13 =	sadd.s32 s0, s30;
	[dreg:$0x1b] =	wrdreg s12  }
0x1c: {  	s18 =	sor.u32 $0x2000, s4;
	s9 =	sadd.s32 s5, s30;
	[dreg:$0x1c] =	wrdreg s13  }
0x1d: {  	s19 =	sadd.s32 s2, s18;
	[dreg:$0x1d] =	wrdreg s9  }
0x1e: {  	s20 =	sadd.s32 s3, s18;
	[smem:$0x7DE] =	sst s19  }
0x1f: {  	s14 =	sor.u32 $0x1C00, s4;
	s8 =	sadd.s32 s5, s22;
	[smem:$0x7DF] =	sst s20  }
0x20: {  	s15 =	sadd.s32 s2, s14;
	[dreg:$0x15] =	wrdreg s8  }
0x21: {  	s16 =	sadd.s32 s3, s14;
	[dreg:$0x1e] =	wrdreg s15  }
0x22: {  	s17 =	sadd.s32 s0, s14;
	[dreg:$0x1f] =	wrdreg s16  }
0x23: {  	s21 =	sor.u32 $0x2400, s4;
	s22 =	sadd.s32 s0, s18;
	[smem:$0x7DC] =	sst s17  }
0x24: {  	s23 =	sadd.s32 s2, s21;
	[smem:$0x7E0] =	sst s22  }
0x25: {  	s24 =	sadd.s32 s3, s21;
	[smem:$0x7E2] =	sst s23  }
0x26: {  	s25 =	sadd.s32 s0, s21;
	[smem:$0x7E3] =	sst s24  }
0x27: {  	s31 =	sor.u32 $0x2C00, s4;
	s9 =	sadd.s32 s5, s21;
	[smem:$0x7E4] =	sst s25  }
0x28: {  	s11 =	sadd.s32 s2, s31;
	[smem:$0x7E5] =	sst s9  }
0x29: {  	s12 =	sadd.s32 s3, s31;
	[smem:$0x7EA] =	sst s11  }
0x2a: {  	s13 =	sor.u32 $0x3000, s4;
	s8 =	sadd.s32 s5, s26;
	[smem:$0x7EB] =	sst s12  }
0x2b: {  	s15 =	sadd.s32 s2, s13;
	[dreg:$0x19] =	wrdreg s8  }
0x2c: {  	s16 =	sadd.s32 s3, s13;
	[smem:$0x7EE] =	sst s15  }
0x2d: {  	s17 =	sadd.s32 s0, s13;
	[smem:$0x7EF] =	sst s16  }
0x2e: {  	s6 =	sadd.s32 $0x400, s6;
	s9 =	sadd.s32 s5, s13;
	[smem:$0x7F0] =	sst s17  }
0x2f: {  	s26 =	sor.u32 $0x2800, s4;
	s8 =	sadd.s32 s5, s14;
	[smem:$0x7F1] =	sst s9  }
0x30: {  	s7 =	smax.u32 s7, $0x1;
	s28 =	sadd.s32 s2, s26;
	[smem:$0x7DD] =	sst s8  }
0x31: {  	s10 =	simm.s32 $0x12000;
	s29 =	sadd.s32 s3, s26;
	[smem:$0x7E6] =	sst s28  }
0x32: {  	s22 =	sor.u32 $0x3800, s4;
	s30 =	sadd.s32 s0, s26;
	[smem:$0x7E7] =	sst s29  }
0x33: {  	s11 =	simm.s32 $0x2000;
	s14 =	sadd.s32 s0, s31;
	[smem:$0x7E8] =	sst s30  }
0x34: {  	s12 =	simm.s32 $0x8000;
	s23 =	sadd.s32 s2, s22;
	[smem:$0x7EC] =	sst s14  }
0x35: {  	s13 =	simm.s32 $0xE000;
	s24 =	sadd.s32 s3, s22;
	[smem:$0x7F6] =	sst s23  }
0x36: {  	s25 =	sadd.s32 s0, s22;
	s9 =	simm.s32 $0xC000;
	[smem:$0x7F7] =	sst s24  }
0x37: {  	s15 =	simm.s32 $0x1;
	s8 =	sadd.s32 s5, s18;
	[smem:$0x7F8] =	sst s25  }
0x38: {  	s16 =	simm.s32 $0x4000;
	s28 =	sadd.s32 s3, s4;
	[smem:$0x7E1] =	sst s8  }
0x39: {  	s17 =	simm.s32 $0xA000;
	s29 =	sadd.s32 s0, s4;
	[smem:$0x7FB] =	sst s28  }
0x3a: {  	s18 =	sor.u32 $0x3400, s4;
	s30 =	sadd.s32 s5, s4;
	[smem:$0x7FC] =	sst s29  }
0x3b: {  	s14 =	simm.s32 $0x14000;
	s8 =	sadd.s32 s5, s26;
	[smem:$0x7FD] =	sst s30  }
0x3c: {  	s23 =	simm.s32 $0x3;
	s19 =	sadd.s32 s2, s18;
	[smem:$0x7E9] =	sst s8  }
0x3d: {  	s24 =	simm.s32 $0x4;
	s20 =	sadd.s32 s3, s18;
	[smem:$0x7F2] =	sst s19  }
0x3e: {  	s25 =	simm.s32 $0x0;
	s21 =	sadd.s32 s0, s18;
	[smem:$0x7F3] =	sst s20  }
0x3f: {  	s26 =	sadd.s32 s2, s4;
	s8 =	sadd.s32 s5, s31;
	[smem:$0x7F4] =	sst s21  }
0x40: {  	v0 =	vimm.f32 $0.0e+00;
	v1 =	vlaneseq.u32;
	[smem:$0x7FA] =	sst s26;
	s31 =	sor.u32 $0x3C00, s4;
	s19 =	simm.s32 $0x16000  }
0x41: {  	vm0 =	vmmov $0x1;
	vm1 =	vmmov $0x3;
	vm2 =	vmmov $0x7;
	s20 =	simm.s32 $0x18000;
	s21 =	simm.s32 $0x1A000;
	[smem:$0x7ED] =	sst s8  }
0x42: {  	vm3 =	vmmov $0xf;
	vm4 =	vmmov $0x1f;
	vm5 =	vmmov $0x3f;
	s8 =	sadd.s32 s5, s18;
	s2 =	sadd.s32 s2, s31;
	s3 =	sadd.s32 s3, s31  }
0x43: {  	vm6 =	vmmov $0x7f;
	vm7 =	vmmov $0xff;
	vm8 =	vmmov $0x1ff;
	s4 =	sadd.s32 s0, s31;
	[smem:$0x7F5] =	sst s8;
	s8 =	sadd.s32 s5, s22  }
0x44: {  	vm9 =	vmmov $0x3ff;
	vm10 =	vmmov $0x7ff;
	vm11 =	vmmov $0xfff;
	s18 =	simm.s32 $0x10000;
	s5 =	sadd.s32 s5, s31;
	[smem:$0x7F9] =	sst s8  }
0x45: {  	vm12 =	vmmov $0x1fff;
	vm13 =	vmmov $0x3fff;
	vm14 =	vmmov $0x7fff;
	s22 =	simm.s32 $0x2;
	s8 =	simm.s32 $0x6000;
	_ =	strace $0x80000047  }
.LBB2_1:
0x46: {  	s0 =	simm.s32 $0x40;
	s26 =	simm.s32 $0x0  }
.LBB2_2:
0x47: {  	p0 =	sne.s32 s0, $0x7FC0;
	[tilespmem:s26+$0x18000] =	vst v0;
	s28 =	smov.u32 s0;
	s0 =	sadd.s32 $0x40, s0  }
.Ltmp0:
0x48: {  	[tilespmem:s26+$0x1A000] =	vst v0;
	(pc) =	sbr.rel @p0 .LBB2_2-.Ltmp0, $2  }
0x49: {  	_ =	sdelay $0x2  }
0x4a: {  	s26 =	sshra.s32 s28, $0x2  }
0x4b: {  	[tilespmem:s26+$0x18000] =	vst v0  }
0x4c: {  	[tilespmem:s26+$0x1A000] =	vst v0  }
0x4d: {  	s0 =	sld [smem:$0x7FA];
	_ =	sdelay $0x1  }
0x4e: {  	s26 =	sld [smem:$0x7FB]  }
0x4f: {  	[tilespmem:s1], [sflag:$0x1] =	stream.linear.gather [hbm4b:s0+s1], $0x2000, $0x38;
	[tilespmem:$0x1C200] =	vst v63  }
0x50: {  	s31 =	sld [smem:$0x7FC]  }
0x51: {  	[tilespmem:s8], [sflag:$0x1] =	stream.linear.gather [hbm4b:s26+s1], $0x2000, $0x38;
	[tilespmem:$0x1C200] =	vst v63  }
0x52: {  	s26 =	sld [smem:$0x7FD]  }
0x53: {  	[tilespmem:s9], [sflag:$0x1] =	stream.linear.gather [hbm4b:s31+s1], $0x2000, $0x38;
	[tilespmem:$0x1C200] =	vst v63  }
0x54: {  	_ = 	snop  }
0x55: {  	[tilespmem:s10], [sflag:$0x1] =	stream.linear.gather [hbm4b:s26+s1], $0x2000, $0x38;
	[tilespmem:$0x1C200] =	vst v63  }
0x56: {  	s31 =	rddreg [dreg:$0x6]  }
0x57: {  	[tilespmem:s11], [sflag:$0x2] =	stream.linear.gather [hbm4b:s31+s1], $0x2000, $0x38;
	[tilespmem:$0x1C200] =	vst v63  }
0x58: {  	s26 =	rddreg [dreg:$0x7]  }
0x59: {  	[tilespmem:s12], [sflag:$0x2] =	stream.linear.gather [hbm4b:s26+s1], $0x2000, $0x38;
	[tilespmem:$0x1C200] =	vst v63  }
0x5a: {  	s31 =	rddreg [dreg:$0x8]  }
0x5b: {  	[tilespmem:s13], [sflag:$0x2] =	stream.linear.gather [hbm4b:s31+s1], $0x2000, $0x38;
	[tilespmem:$0x1C200] =	vst v63  }
0x5c: {  	s26 =	rddreg [dreg:$0x9]  }
0x5d: {  	[tilespmem:s14], [sflag:$0x2] =	stream.linear.gather [hbm4b:s26+s1], $0x2000, $0x38;
	[tilespmem:$0x1C200] =	vst v63  }
0x5e: {  	_ =	swait.ge [sflag:s15], $0x2000  }
0x5f: {  	[sflag:s15] =	ssyncset.done $0x0  }
0x60: {  	[sflag:s15] =	ssyncadd.s32 $0xFFFFE000  }
0x61: {  	_ =	swait.ge [sflag:s15], $0x2000  }
0x62: {  	[sflag:s15] =	ssyncset.done $0x0  }
0x63: {  	[sflag:s15] =	ssyncadd.s32 $0xFFFFE000  }
0x64: {  	_ =	swait.ge [sflag:s15], $0x2000  }
0x65: {  	[sflag:s15] =	ssyncset.done $0x0  }
0x66: {  	[sflag:s15] =	ssyncadd.s32 $0xFFFFE000  }
0x67: {  	_ =	swait.ge [sflag:s15], $0x2000  }
0x68: {  	[sflag:s15] =	ssyncset.done $0x0  }
0x69: {  	s31 =	rddreg [dreg:$0xa];
	[sflag:s15] =	ssyncadd.s32 $0xFFFFE000  }
0x6a: {  	[tilespmem:s16], [sflag:$0x3] =	stream.linear.gather [hbm4b:s31+s1], $0x2000, $0x38;
	[tilespmem:$0x1C200] =	vst v63  }
0x6b: {  	s26 =	rddreg [dreg:$0xb]  }
0x6c: {  	[tilespmem:s17], [sflag:$0x3] =	stream.linear.gather [hbm4b:s26+s1], $0x2000, $0x38;
	[tilespmem:$0x1C200] =	vst v63  }
0x6d: {  	s31 =	rddreg [dreg:$0xc]  }
0x6e: {  	[tilespmem:s18], [sflag:$0x3] =	stream.linear.gather [hbm4b:s31+s1], $0x2000, $0x38;
	[tilespmem:$0x1C200] =	vst v63  }
0x6f: {  	s26 =	rddreg [dreg:$0xd];
	s31 =	simm.s32 $0x12040  }
0x70: {  	[tilespmem:s19], [sflag:$0x3] =	stream.linear.gather [hbm4b:s26+s1], $0x2000, $0x38;
	[tilespmem:$0x1C200] =	vst v63  }
0x71: {  	s26 =	simm.s32 $0x40;
	v2 =	vld [tilespmem:s31+$0x20]  }
0x72: {  	s28 =	simm.s32 $0x6040;
	v3 =	vld [tilespmem:s26+$0x20]  }
0x73: {  	v4 =	vld [tilespmem:s28+$0x20]  }
0x74: {  	s29 =	simm.s32 $0xC040;
	v5 =	vld [tilespmem:s28+$0xFFFFFFC0]  }
0x75: {  	v6 =	vld [tilespmem:s29+$0x20]  }
0x76: {  	v7 =	vld [tilespmem:s26+$0xFFFFFFE0]  }
0x77: {  	v8 =	vld [tilespmem:s28+$0xFFFFFFE0];
	v2 =	vshll.u32 v2, $0x4  }
0x78: {  	v9 =	vld [tilespmem:s26+$0x0];
	v2 =	vor.u32 v1, v2  }
0x79: {  	v10 =	vld [tilespmem:s26+$0xFFFFFFC0];
	v3 =	vmul.f32 v4, v3  }
0x7a: {  	v12 =	vld [tilespmem:s31+$0xFFFFFFE0]  }
0x7b: {  	v14 =	vld [tilespmem:s31+$0x0];
	v3 =	vmul.f32 v6, v3  }
0x7c: {  	v6 =	vld [tilespmem:s31+$0xFFFFFFC0]  }
0x7d: {  	[tilespmem:v2+s20+$0x0] =	vst.idx.add.f32.msk $0xffff, v3  }
0x7e: {  	v2 =	vld [tilespmem:s31+$0x30]  }
0x7f: {  	v3 =	vld [tilespmem:s26+$0x30]  }
0x80: {  	v11 =	vld [tilespmem:s28+$0x30]  }
0x81: {  	v15 =	vld [tilespmem:s29+$0xFFFFFFC0]  }
0x82: {  	v13 =	vld [tilespmem:s29+$0x30];
	v6 =	vshll.u32 v6, $0x4  }
0x83: {  	v16 =	vld [tilespmem:s29+$0xFFFFFFE0];
	v6 =	vor.u32 v1, v6;
	v2 =	vshll.u32 v2, $0x4  }
0x84: {  	v4 =	vld [tilespmem:s28+$0x0];
	v5 =	vmul.f32 v5, v10;
	v2 =	vor.u32 v1, v2  }
0x85: {  	v3 =	vmul.f32 v11, v3;
	v11 =	vshll.u32 v12, $0x4  }
0x86: {  	v10 =	vld [tilespmem:s29+$0x0];
	v5 =	vmul.f32 v15, v5;
	v11 =	vor.u32 v1, v11  }
0x87: {  	v7 =	vmul.f32 v8, v7;
	v8 =	vshll.u32 v14, $0x4;
	v3 =	vmul.f32 v13, v3  }
0x88: {  	v8 =	vor.u32 v1, v8;
	[tilespmem:v6+s20+$0x0] =	vst.idx.add.f32.msk $0xffff, v5  }
0x89: {  	v4 =	vmul.f32 v4, v9;
	[tilespmem:v2+s21+$0x0] =	vst.idx.add.f32.msk $0xffff, v3;
	v2 =	vmul.f32 v16, v7  }
0x8a: {  	v63 =	vld [tilespmem:s31+$0xFFFFFFD0]  }
0x8b: {  	v3 =	vmul.f32 v10, v4;
	[tilespmem:v11+s20+$0x0] =	vst.idx.add.f32.msk $0xffff, v2  }
0x8c: {  	v2 =	vld [tilespmem:s26+$0xFFFFFFD0]  }
0x8d: {  	[tilespmem:v8+s20+$0x0] =	vst.idx.add.f32.msk $0xffff, v3  }
0x8e: {  	v3 =	vld [tilespmem:s28+$0xFFFFFFD0]  }
0x8f: {  	v4 =	vld [tilespmem:s26+$0xFFFFFFF0]  }
0x90: {  	v8 =	vld [tilespmem:s28+$0xFFFFFFF0]  }
0x91: {  	v10 =	vld [tilespmem:s26+$0x10]  }
0x92: {  	v11 =	vld [tilespmem:s28+$0x10]  }
0x93: {  	v9 =	vld [tilespmem:s31+$0xFFFFFFF0]  }
0x94: {  	v7 =	vld [tilespmem:s31+$0x10]  }
0x95: {  	v6 =	vld [tilespmem:s29+$0xFFFFFFD0]  }
0x96: {  	v5 =	vld [tilespmem:s29+$0xFFFFFFF0];
	v2 =	vmul.f32 v3, v2  }
0x97: {  	s30 =	simm.s32 $0x0;
	s0 =	simm.s32 $0x120C0;
	v3 =	vmul.f32 v8, v4;
	v4 =	vmul.f32 v11, v10;
	v10 =	vshll.u32 v63, $0x4;
	v8 =	vld [tilespmem:s29+$0x10]  }
.LBB2_4:
0x98: {  	v11 =	vld [tilespmem:s0+$0x20];
	s30 =	sadd.s32 $0x4, s30;
	v10 =	vor.u32 v1, v10;
	v9 =	vshll.u32 v9, $0x4;
	s26 =	sadd.s32 $0x80, s26  }
0x99: {  	s28 =	sadd.s32 $0x80, s28;
	v12 =	vld [tilespmem:s26+$0x20];
	p0 =	slt.u32 s30, $0xFC;
	v9 =	vor.u32 v1, v9;
	v7 =	vshll.u32 v7, $0x4  }
0x9a: {  	v13 =	vld [tilespmem:s28+$0x20];
	v2 =	vmul.f32 v6, v2;
	v6 =	vor.u32 v1, v7  }
0x9b: {  	s29 =	sadd.s32 $0x80, s29;
	v7 =	vld [tilespmem:s28+$0xFFFFFFC0];
	v3 =	vmul.f32 v5, v3  }
0x9c: {  	v5 =	vld [tilespmem:s29+$0x20];
	v4 =	vmul.f32 v8, v4  }
0x9d: {  	v8 =	vld [tilespmem:s26+$0xFFFFFFE0];
	v11 =	vshll.u32 v11, $0x4  }
0x9e: {  	v14 =	vld [tilespmem:s28+$0xFFFFFFE0];
	v11 =	vor.u32 v1, v11  }
0x9f: {  	v15 =	vld [tilespmem:s26+$0x0];
	v12 =	vmul.f32 v13, v12  }
0xa0: {  	v13 =	vld [tilespmem:s28+$0x0]  }
0xa1: {  	v16 =	vld [tilespmem:s26+$0xFFFFFFC0];
	v5 =	vmul.f32 v5, v12  }
0xa2: {  	v12 =	vld [tilespmem:s0+$0xFFFFFFC0]  }
0xa3: {  	v8 =	vmul.f32 v14, v8;
	[tilespmem:v11+s20+$0x0] =	vst.idx.add.f32.msk $0xffff, v5  }
0xa4: {  	v5 =	vld [tilespmem:s0+$0x30]  }
0xa5: {  	v11 =	vmul.f32 v13, v15;
	v13 =	vld [tilespmem:s26+$0x30]  }
0xa6: {  	v7 =	vmul.f32 v7, v16;
	v14 =	vld [tilespmem:s28+$0x30]  }
0xa7: {  	v12 =	vshll.u32 v12, $0x4;
	v15 =	vld [tilespmem:s0+$0xFFFFFFE0]  }
0xa8: {  	v12 =	vor.u32 v1, v12;
	v16 =	vld [tilespmem:s29+$0x30]  }
0xa9: {  	v17 =	vld [tilespmem:s0+$0x0];
	v5 =	vshll.u32 v5, $0x4  }
0xaa: {  	v18 =	vld [tilespmem:s29+$0xFFFFFFC0];
	v5 =	vor.u32 v1, v5  }
0xab: {  	v19 =	vld [tilespmem:s29+$0xFFFFFFE0];
	v13 =	vmul.f32 v14, v13  }
0xac: {  	v14 =	vshll.u32 v15, $0x4;
	v15 =	vld [tilespmem:s29+$0x0]  }
0xad: {  	v14 =	vor.u32 v1, v14;
	v13 =	vmul.f32 v16, v13;
	[tilespmem:v10+s21+$0x0] =	vst.idx.add.f32.msk $0xffff, v2  }
0xae: {  	v2 =	vshll.u32 v17, $0x4;
	[tilespmem:v9+s21+$0x0] =	vst.idx.add.f32.msk $0xffff, v3  }
0xaf: {  	v3 =	vmul.f32 v18, v7;
	v2 =	vor.u32 v1, v2;
	[tilespmem:v5+s21+$0x0] =	vst.idx.add.f32.msk $0xffff, v13  }
0xb0: {  	v5 =	vmul.f32 v19, v8;
	[tilespmem:v6+s21+$0x0] =	vst.idx.add.f32.msk $0xffff, v4  }
0xb1: {  	[tilespmem:v12+s20+$0x0] =	vst.idx.add.f32.msk $0xffff, v3;
	v3 =	vmul.f32 v15, v11  }
0xb2: {  	[tilespmem:v14+s20+$0x0] =	vst.idx.add.f32.msk $0xffff, v5  }
0xb3: {  	v4 =	vld [tilespmem:s26+$0xFFFFFFD0]  }
0xb4: {  	[tilespmem:v2+s20+$0x0] =	vst.idx.add.f32.msk $0xffff, v3  }
0xb5: {  	v2 =	vld [tilespmem:s28+$0xFFFFFFD0]  }
0xb6: {  	v3 =	vld [tilespmem:s26+$0xFFFFFFF0]  }
0xb7: {  	v5 =	vld [tilespmem:s28+$0xFFFFFFF0]  }
0xb8: {  	v8 =	vld [tilespmem:s26+$0x10]  }
0xb9: {  	v10 =	vld [tilespmem:s28+$0x10]  }
0xba: {  	v11 =	vld [tilespmem:s0+$0xFFFFFFD0];
	v2 =	vmul.f32 v2, v4  }
.Ltmp1:
0xbb: {  	v9 =	vld [tilespmem:s0+$0xFFFFFFF0];
	(pc) =	sbr.rel @p0 .LBB2_4-.Ltmp1, $4  }
0xbc: {  	v3 =	vmul.f32 v5, v3;
	v7 =	vld [tilespmem:s0+$0x10]  }
0xbd: {  	v6 =	vld [tilespmem:s29+$0xFFFFFFD0]  }
0xbe: {  	v5 =	vld [tilespmem:s29+$0xFFFFFFF0];
	v4 =	vmul.f32 v10, v8  }
0xbf: {  	s0 =	sadd.s32 $0x80, s0;
	v10 =	vshll.u32 v11, $0x4;
	v8 =	vld [tilespmem:s29+$0x10]  }
0xc0: {  	v10 =	vor.u32 v1, v10;
	v9 =	vshll.u32 v9, $0x4  }
0xc1: {  	v9 =	vor.u32 v1, v9;
	v7 =	vshll.u32 v7, $0x4  }
0xc2: {  	v7 =	vor.u32 v1, v7  }
0xc3: {  	v2 =	vmul.f32 v6, v2  }
0xc4: {  	v3 =	vmul.f32 v5, v3  }
0xc5: {  	v4 =	vmul.f32 v8, v4;
	[tilespmem:v10+s21+$0x0] =	vst.idx.add.f32.msk $0xffff, v2  }
0xc6: {  	[tilespmem:v9+s21+$0x0] =	vst.idx.add.f32.msk $0xffff, v3  }
0xc7: {  	[tilespmem:v7+s21+$0x0] =	vst.idx.add.f32.msk $0xffff, v4  }
0xc8: {  	_ =	swait.ge [sflag:s22], $0x2000  }
0xc9: {  	[sflag:s22] =	ssyncset.done $0x0  }
0xca: {  	[sflag:s22] =	ssyncadd.s32 $0xFFFFE000  }
0xcb: {  	_ =	swait.ge [sflag:s22], $0x2000  }
0xcc: {  	[sflag:s22] =	ssyncset.done $0x0  }
0xcd: {  	[sflag:s22] =	ssyncadd.s32 $0xFFFFE000  }
0xce: {  	_ =	swait.ge [sflag:s22], $0x2000  }
0xcf: {  	[sflag:s22] =	ssyncset.done $0x0  }
0xd0: {  	[sflag:s22] =	ssyncadd.s32 $0xFFFFE000  }
0xd1: {  	_ =	swait.ge [sflag:s22], $0x2000  }
0xd2: {  	[sflag:s22] =	ssyncset.done $0x0  }
0xd3: {  	s0 =	rddreg [dreg:$0xe];
	[sflag:s22] =	ssyncadd.s32 $0xFFFFE000  }
0xd4: {  	[tilespmem:s1], [sflag:$0x1] =	stream.linear.gather [hbm4b:s0+s1], $0x2000, $0x38;
	[tilespmem:$0x1C200] =	vst v63  }
0xd5: {  	s26 =	rddreg [dreg:$0xf]  }
0xd6: {  	[tilespmem:s8], [sflag:$0x1] =	stream.linear.gather [hbm4b:s26+s1], $0x2000, $0x38;
	[tilespmem:$0x1C200] =	vst v63  }
0xd7: {  	s31 =	rddreg [dreg:$0x10]  }
0xd8: {  	[tilespmem:s9], [sflag:$0x1] =	stream.linear.gather [hbm4b:s31+s1], $0x2000, $0x38;
	[tilespmem:$0x1C200] =	vst v63  }
0xd9: {  	s26 =	rddreg [dreg:$0x11];
	s31 =	simm.s32 $0x14070  }
0xda: {  	[tilespmem:s10], [sflag:$0x1] =	stream.linear.gather [hbm4b:s26+s1], $0x2000, $0x38;
	[tilespmem:$0x1C200] =	vst v63  }
0xdb: {  	s26 =	simm.s32 $0x2070;
	v2 =	vld [tilespmem:s31+$0xFFFFFFF0]  }
0xdc: {  	s28 =	simm.s32 $0x8070;
	v3 =	vld [tilespmem:s26+$0xFFFFFFF0]  }
0xdd: {  	v4 =	vld [tilespmem:s28+$0xFFFFFFF0]  }
0xde: {  	s29 =	simm.s32 $0xE070;
	v5 =	vld [tilespmem:s28+$0xFFFFFF90]  }
0xdf: {  	v6 =	vld [tilespmem:s29+$0xFFFFFFF0]  }
0xe0: {  	v7 =	vld [tilespmem:s26+$0xFFFFFFB0]  }
0xe1: {  	v8 =	vld [tilespmem:s28+$0xFFFFFFB0];
	v2 =	vshll.u32 v2, $0x4  }
0xe2: {  	v9 =	vld [tilespmem:s26+$0xFFFFFFD0];
	v2 =	vor.u32 v1, v2  }
0xe3: {  	v10 =	vld [tilespmem:s26+$0xFFFFFF90];
	v3 =	vmul.f32 v4, v3  }
0xe4: {  	v12 =	vld [tilespmem:s31+$0xFFFFFFB0]  }
0xe5: {  	v14 =	vld [tilespmem:s31+$0xFFFFFFD0];
	v3 =	vmul.f32 v6, v3  }
0xe6: {  	v6 =	vld [tilespmem:s31+$0xFFFFFF90]  }
0xe7: {  	[tilespmem:v2+s20+$0x0] =	vst.idx.add.f32.msk $0xffff, v3  }
0xe8: {  	v2 =	vld [tilespmem:s31+$0x0]  }
0xe9: {  	v3 =	vld [tilespmem:s26+$0x0]  }
0xea: {  	v11 =	vld [tilespmem:s28+$0x0]  }
0xeb: {  	v15 =	vld [tilespmem:s29+$0xFFFFFF90]  }
0xec: {  	v13 =	vld [tilespmem:s29+$0x0];
	v6 =	vshll.u32 v6, $0x4  }
0xed: {  	v16 =	vld [tilespmem:s29+$0xFFFFFFB0];
	v6 =	vor.u32 v1, v6;
	v2 =	vshll.u32 v2, $0x4  }
0xee: {  	v4 =	vld [tilespmem:s28+$0xFFFFFFD0];
	v5 =	vmul.f32 v5, v10;
	v2 =	vor.u32 v1, v2  }
0xef: {  	v3 =	vmul.f32 v11, v3;
	v11 =	vshll.u32 v12, $0x4  }
0xf0: {  	v10 =	vld [tilespmem:s29+$0xFFFFFFD0];
	v5 =	vmul.f32 v15, v5;
	v11 =	vor.u32 v1, v11  }
0xf1: {  	v7 =	vmul.f32 v8, v7;
	v8 =	vshll.u32 v14, $0x4;
	v3 =	vmul.f32 v13, v3  }
0xf2: {  	v8 =	vor.u32 v1, v8;
	[tilespmem:v6+s20+$0x0] =	vst.idx.add.f32.msk $0xffff, v5  }
0xf3: {  	v4 =	vmul.f32 v4, v9;
	[tilespmem:v2+s21+$0x0] =	vst.idx.add.f32.msk $0xffff, v3;
	v2 =	vmul.f32 v16, v7  }
0xf4: {  	v63 =	vld [tilespmem:s31+$0xFFFFFFA0]  }
0xf5: {  	v3 =	vmul.f32 v10, v4;
	[tilespmem:v11+s20+$0x0] =	vst.idx.add.f32.msk $0xffff, v2  }
0xf6: {  	v2 =	vld [tilespmem:s26+$0xFFFFFFA0]  }
0xf7: {  	[tilespmem:v8+s20+$0x0] =	vst.idx.add.f32.msk $0xffff, v3  }
0xf8: {  	v3 =	vld [tilespmem:s28+$0xFFFFFFA0]  }
0xf9: {  	v4 =	vld [tilespmem:s26+$0xFFFFFFC0]  }
0xfa: {  	v8 =	vld [tilespmem:s28+$0xFFFFFFC0]  }
0xfb: {  	v10 =	vld [tilespmem:s26+$0xFFFFFFE0]  }
0xfc: {  	v11 =	vld [tilespmem:s28+$0xFFFFFFE0]  }
0xfd: {  	v9 =	vld [tilespmem:s31+$0xFFFFFFC0]  }
0xfe: {  	v7 =	vld [tilespmem:s31+$0xFFFFFFE0]  }
0xff: {  	v6 =	vld [tilespmem:s29+$0xFFFFFFA0]  }
0x100: {  	v5 =	vld [tilespmem:s29+$0xFFFFFFC0];
	v2 =	vmul.f32 v3, v2  }
0x101: {  	s30 =	simm.s32 $0x0;
	s0 =	simm.s32 $0x140F0;
	v3 =	vmul.f32 v8, v4;
	v4 =	vmul.f32 v11, v10;
	v10 =	vshll.u32 v63, $0x4;
	v8 =	vld [tilespmem:s29+$0xFFFFFFE0]  }
.LBB2_6:
0x102: {  	v11 =	vld [tilespmem:s0+$0xFFFFFFF0];
	s30 =	sadd.s32 $0x4, s30;
	v10 =	vor.u32 v1, v10;
	v9 =	vshll.u32 v9, $0x4;
	s26 =	sadd.s32 $0x80, s26  }
0x103: {  	s28 =	sadd.s32 $0x80, s28;
	v12 =	vld [tilespmem:s26+$0xFFFFFFF0];
	p0 =	slt.u32 s30, $0xFC;
	v9 =	vor.u32 v1, v9;
	v7 =	vshll.u32 v7, $0x4  }
0x104: {  	v13 =	vld [tilespmem:s28+$0xFFFFFFF0];
	v2 =	vmul.f32 v6, v2;
	v6 =	vor.u32 v1, v7  }
0x105: {  	s29 =	sadd.s32 $0x80, s29;
	v7 =	vld [tilespmem:s28+$0xFFFFFF90];
	v3 =	vmul.f32 v5, v3  }
0x106: {  	v5 =	vld [tilespmem:s29+$0xFFFFFFF0];
	v4 =	vmul.f32 v8, v4  }
0x107: {  	v8 =	vld [tilespmem:s26+$0xFFFFFFB0];
	v11 =	vshll.u32 v11, $0x4  }
0x108: {  	v14 =	vld [tilespmem:s28+$0xFFFFFFB0];
	v11 =	vor.u32 v1, v11  }
0x109: {  	v15 =	vld [tilespmem:s26+$0xFFFFFFD0];
	v12 =	vmul.f32 v13, v12  }
0x10a: {  	v13 =	vld [tilespmem:s28+$0xFFFFFFD0]  }
0x10b: {  	v16 =	vld [tilespmem:s26+$0xFFFFFF90];
	v5 =	vmul.f32 v5, v12  }
0x10c: {  	v12 =	vld [tilespmem:s0+$0xFFFFFF90]  }
0x10d: {  	v8 =	vmul.f32 v14, v8;
	[tilespmem:v11+s20+$0x0] =	vst.idx.add.f32.msk $0xffff, v5  }
0x10e: {  	v5 =	vld [tilespmem:s0+$0x0]  }
0x10f: {  	v11 =	vmul.f32 v13, v15;
	v13 =	vld [tilespmem:s26+$0x0]  }
0x110: {  	v7 =	vmul.f32 v7, v16;
	v14 =	vld [tilespmem:s28+$0x0]  }
0x111: {  	v12 =	vshll.u32 v12, $0x4;
	v15 =	vld [tilespmem:s0+$0xFFFFFFB0]  }
0x112: {  	v12 =	vor.u32 v1, v12;
	v16 =	vld [tilespmem:s29+$0x0]  }
0x113: {  	v17 =	vld [tilespmem:s0+$0xFFFFFFD0];
	v5 =	vshll.u32 v5, $0x4  }
0x114: {  	v18 =	vld [tilespmem:s29+$0xFFFFFF90];
	v5 =	vor.u32 v1, v5  }
0x115: {  	v19 =	vld [tilespmem:s29+$0xFFFFFFB0];
	v13 =	vmul.f32 v14, v13  }
0x116: {  	v14 =	vshll.u32 v15, $0x4;
	v15 =	vld [tilespmem:s29+$0xFFFFFFD0]  }
0x117: {  	v14 =	vor.u32 v1, v14;
	v13 =	vmul.f32 v16, v13;
	[tilespmem:v10+s21+$0x0] =	vst.idx.add.f32.msk $0xffff, v2  }
0x118: {  	v2 =	vshll.u32 v17, $0x4;
	[tilespmem:v9+s21+$0x0] =	vst.idx.add.f32.msk $0xffff, v3  }
0x119: {  	v3 =	vmul.f32 v18, v7;
	v2 =	vor.u32 v1, v2;
	[tilespmem:v5+s21+$0x0] =	vst.idx.add.f32.msk $0xffff, v13  }
0x11a: {  	v5 =	vmul.f32 v19, v8;
	[tilespmem:v6+s21+$0x0] =	vst.idx.add.f32.msk $0xffff, v4  }
0x11b: {  	[tilespmem:v12+s20+$0x0] =	vst.idx.add.f32.msk $0xffff, v3;
	v3 =	vmul.f32 v15, v11  }
0x11c: {  	[tilespmem:v14+s20+$0x0] =	vst.idx.add.f32.msk $0xffff, v5  }
0x11d: {  	v4 =	vld [tilespmem:s26+$0xFFFFFFA0]  }
0x11e: {  	[tilespmem:v2+s20+$0x0] =	vst.idx.add.f32.msk $0xffff, v3  }
0x11f: {  	v2 =	vld [tilespmem:s28+$0xFFFFFFA0]  }
0x120: {  	v3 =	vld [tilespmem:s26+$0xFFFFFFC0]  }
0x121: {  	v5 =	vld [tilespmem:s28+$0xFFFFFFC0]  }
0x122: {  	v8 =	vld [tilespmem:s26+$0xFFFFFFE0]  }
0x123: {  	v10 =	vld [tilespmem:s28+$0xFFFFFFE0]  }
0x124: {  	v11 =	vld [tilespmem:s0+$0xFFFFFFA0];
	v2 =	vmul.f32 v2, v4  }
.Ltmp2:
0x125: {  	v9 =	vld [tilespmem:s0+$0xFFFFFFC0];
	(pc) =	sbr.rel @p0 .LBB2_6-.Ltmp2, $4  }
0x126: {  	v3 =	vmul.f32 v5, v3;
	v7 =	vld [tilespmem:s0+$0xFFFFFFE0]  }
0x127: {  	v6 =	vld [tilespmem:s29+$0xFFFFFFA0]  }
0x128: {  	v5 =	vld [tilespmem:s29+$0xFFFFFFC0];
	v4 =	vmul.f32 v10, v8  }
0x129: {  	s0 =	sadd.s32 $0x80, s0;
	v10 =	vshll.u32 v11, $0x4;
	v8 =	vld [tilespmem:s29+$0xFFFFFFE0]  }
0x12a: {  	v10 =	vor.u32 v1, v10;
	v9 =	vshll.u32 v9, $0x4  }
0x12b: {  	v9 =	vor.u32 v1, v9;
	v7 =	vshll.u32 v7, $0x4  }
0x12c: {  	v7 =	vor.u32 v1, v7  }
0x12d: {  	v2 =	vmul.f32 v6, v2  }
0x12e: {  	v3 =	vmul.f32 v5, v3  }
0x12f: {  	v4 =	vmul.f32 v8, v4;
	[tilespmem:v10+s21+$0x0] =	vst.idx.add.f32.msk $0xffff, v2  }
0x130: {  	[tilespmem:v9+s21+$0x0] =	vst.idx.add.f32.msk $0xffff, v3  }
0x131: {  	[tilespmem:v7+s21+$0x0] =	vst.idx.add.f32.msk $0xffff, v4  }
0x132: {  	_ =	swait.ge [sflag:s23], $0x2000  }
0x133: {  	[sflag:s23] =	ssyncset.done $0x0  }
0x134: {  	[sflag:s23] =	ssyncadd.s32 $0xFFFFE000  }
0x135: {  	_ =	swait.ge [sflag:s23], $0x2000  }
0x136: {  	[sflag:s23] =	ssyncset.done $0x0  }
0x137: {  	[sflag:s23] =	ssyncadd.s32 $0xFFFFE000  }
0x138: {  	_ =	swait.ge [sflag:s23], $0x2000  }
0x139: {  	[sflag:s23] =	ssyncset.done $0x0  }
0x13a: {  	[sflag:s23] =	ssyncadd.s32 $0xFFFFE000  }
0x13b: {  	_ =	swait.ge [sflag:s23], $0x2000  }
0x13c: {  	[sflag:s23] =	ssyncset.done $0x0  }
0x13d: {  	s0 =	simm.s32 $0x0;
	s26 =	rddreg [dreg:$0x12];
	[sflag:s23] =	ssyncadd.s32 $0xFFFFE000  }
0x13e: {  	[tilespmem:s11], [sflag:$0x2] =	stream.linear.gather [hbm4b:s26+s0], $0x2000, $0x38;
	[tilespmem:$0x1C200] =	vst v63  }
0x13f: {  	s29 =	rddreg [dreg:$0x13]  }
0x140: {  	[tilespmem:s12], [sflag:$0x2] =	stream.linear.gather [hbm4b:s29+s0], $0x2000, $0x38;
	[tilespmem:$0x1C200] =	vst v63  }
0x141: {  	s30 =	rddreg [dreg:$0x14]  }
0x142: {  	[tilespmem:s13], [sflag:$0x2] =	stream.linear.gather [hbm4b:s30+s0], $0x2000, $0x38;
	[tilespmem:$0x1C200] =	vst v63  }
0x143: {  	s31 =	rddreg [dreg:$0x15];
	s26 =	simm.s32 $0x0  }
0x144: {  	[tilespmem:s14], [sflag:$0x2] =	stream.linear.gather [hbm4b:s31+s0], $0x2000, $0x38;
	[tilespmem:$0x1C200] =	vst v63  }
0x145: {  	v2 =	vld [tilespmem:s26+$0x16060]  }
0x146: {  	v3 =	vld [tilespmem:s26+$0x4060]  }
0x147: {  	v4 =	vld [tilespmem:s26+$0xA060]  }
0x148: {  	v5 =	vld [tilespmem:s26+$0x4000]  }
0x149: {  	v6 =	vld [tilespmem:s26+$0x10060]  }
0x14a: {  	v7 =	vld [tilespmem:s26+$0xA000]  }
0x14b: {  	v8 =	vld [tilespmem:s26+$0x4020];
	v2 =	vshll.u32 v2, $0x4  }
0x14c: {  	v9 =	vld [tilespmem:s26+$0xA020];
	v2 =	vor.u32 v1, v2  }
0x14d: {  	v10 =	vld [tilespmem:s26+$0xA040];
	v3 =	vmul.f32 v4, v3  }
0x14e: {  	v12 =	vld [tilespmem:s26+$0x16020]  }
0x14f: {  	v14 =	vld [tilespmem:s26+$0x16040];
	v3 =	vmul.f32 v6, v3  }
0x150: {  	v6 =	vld [tilespmem:s26+$0x16000]  }
0x151: {  	[tilespmem:v2+s20+$0x0] =	vst.idx.add.f32.msk $0xffff, v3  }
0x152: {  	v2 =	vld [tilespmem:s26+$0x16070]  }
0x153: {  	v3 =	vld [tilespmem:s26+$0x4070]  }
0x154: {  	v11 =	vld [tilespmem:s26+$0xA070]  }
0x155: {  	v15 =	vld [tilespmem:s26+$0x10000]  }
0x156: {  	v13 =	vld [tilespmem:s26+$0x10070]  }
0x157: {  	v16 =	vld [tilespmem:s26+$0x10020];
	v2 =	vshll.u32 v2, $0x4  }
0x158: {  	v4 =	vld [tilespmem:s26+$0x4040];
	v6 =	vshll.u32 v6, $0x4;
	v2 =	vor.u32 v1, v2  }
0x159: {  	v6 =	vor.u32 v1, v6;
	v3 =	vmul.f32 v11, v3;
	v11 =	vshll.u32 v12, $0x4  }
0x15a: {  	v5 =	vmul.f32 v7, v5;
	v7 =	vld [tilespmem:s26+$0x10040];
	v11 =	vor.u32 v1, v11  }
0x15b: {  	v8 =	vmul.f32 v9, v8;
	v9 =	vshll.u32 v14, $0x4;
	v3 =	vmul.f32 v13, v3  }
0x15c: {  	v9 =	vor.u32 v1, v9;
	v5 =	vmul.f32 v15, v5  }
0x15d: {  	v4 =	vmul.f32 v10, v4;
	[tilespmem:v2+s21+$0x0] =	vst.idx.add.f32.msk $0xffff, v3;
	v2 =	vmul.f32 v16, v8  }
0x15e: {  	[tilespmem:v6+s20+$0x0] =	vst.idx.add.f32.msk $0xffff, v5  }
0x15f: {  	v3 =	vmul.f32 v7, v4;
	[tilespmem:v11+s20+$0x0] =	vst.idx.add.f32.msk $0xffff, v2  }
0x160: {  	v2 =	vld [tilespmem:s26+$0x4010]  }
0x161: {  	[tilespmem:v9+s20+$0x0] =	vst.idx.add.f32.msk $0xffff, v3  }
0x162: {  	v3 =	vld [tilespmem:s26+$0xA010]  }
0x163: {  	v4 =	vld [tilespmem:s26+$0x4030]  }
0x164: {  	v6 =	vld [tilespmem:s26+$0xA030]  }
0x165: {  	v10 =	vld [tilespmem:s26+$0x4050]  }
0x166: {  	v11 =	vld [tilespmem:s26+$0xA050]  }
0x167: {  	v9 =	vld [tilespmem:s26+$0x16010]  }
0x168: {  	v8 =	vld [tilespmem:s26+$0x16030]  }
0x169: {  	v7 =	vld [tilespmem:s26+$0x16050]  }
0x16a: {  	v5 =	vld [tilespmem:s26+$0x10010];
	v2 =	vmul.f32 v3, v2  }
0x16b: {  	s28 =	simm.s32 $0x0;
	s0 =	simm.s32 $0x200;
	v3 =	vmul.f32 v6, v4;
	v6 =	vld [tilespmem:s26+$0x10030];
	v4 =	vmul.f32 v11, v10  }
.LBB2_8:
0x16c: {  	s28 =	sadd.s32 $0x4, s28;
	v9 =	vshll.u32 v9, $0x4;
	v10 =	vld [tilespmem:s26+$0x10050];
	s26 =	sshra.s32 s0, $0x2  }
0x16d: {  	v11 =	vld [tilespmem:s26+$0x16060];
	p0 =	slt.u32 s28, $0xFC;
	v9 =	vor.u32 v1, v9;
	v8 =	vshll.u32 v8, $0x4  }
0x16e: {  	v12 =	vld [tilespmem:s26+$0x4060];
	v8 =	vor.u32 v1, v8;
	v7 =	vshll.u32 v7, $0x4  }
0x16f: {  	v13 =	vld [tilespmem:s26+$0xA060];
	v2 =	vmul.f32 v5, v2;
	v5 =	vor.u32 v1, v7  }
0x170: {  	v7 =	vld [tilespmem:s26+$0x4000];
	v3 =	vmul.f32 v6, v3  }
0x171: {  	v6 =	vld [tilespmem:s26+$0x10060];
	v4 =	vmul.f32 v10, v4  }
0x172: {  	v10 =	vld [tilespmem:s26+$0xA000];
	v11 =	vshll.u32 v11, $0x4  }
0x173: {  	v14 =	vld [tilespmem:s26+$0x4020];
	v11 =	vor.u32 v1, v11  }
0x174: {  	v15 =	vld [tilespmem:s26+$0xA020];
	v12 =	vmul.f32 v13, v12  }
0x175: {  	v13 =	vld [tilespmem:s26+$0x4040]  }
0x176: {  	v16 =	vld [tilespmem:s26+$0xA040];
	v6 =	vmul.f32 v6, v12  }
0x177: {  	v12 =	vld [tilespmem:s26+$0x16000];
	v7 =	vmul.f32 v10, v7  }
0x178: {  	[tilespmem:v11+s20+$0x0] =	vst.idx.add.f32.msk $0xffff, v6  }
0x179: {  	v6 =	vmul.f32 v15, v14;
	v10 =	vld [tilespmem:s26+$0x16070]  }
0x17a: {  	v11 =	vld [tilespmem:s26+$0x4070]  }
0x17b: {  	v13 =	vmul.f32 v16, v13;
	v14 =	vld [tilespmem:s26+$0xA070]  }
0x17c: {  	v12 =	vshll.u32 v12, $0x4;
	v15 =	vld [tilespmem:s26+$0x16020]  }
0x17d: {  	v12 =	vor.u32 v1, v12;
	v16 =	vld [tilespmem:s26+$0x10070]  }
0x17e: {  	v17 =	vld [tilespmem:s26+$0x16040];
	v10 =	vshll.u32 v10, $0x4  }
0x17f: {  	v18 =	vld [tilespmem:s26+$0x10000];
	v10 =	vor.u32 v1, v10  }
0x180: {  	v19 =	vld [tilespmem:s26+$0x10020];
	v11 =	vmul.f32 v14, v11  }
0x181: {  	v14 =	vshll.u32 v15, $0x4;
	v15 =	vld [tilespmem:s26+$0x10040]  }
0x182: {  	v14 =	vor.u32 v1, v14;
	v11 =	vmul.f32 v16, v11;
	[tilespmem:v9+s21+$0x0] =	vst.idx.add.f32.msk $0xffff, v2  }
0x183: {  	v2 =	vshll.u32 v17, $0x4;
	[tilespmem:v8+s21+$0x0] =	vst.idx.add.f32.msk $0xffff, v3  }
0x184: {  	v3 =	vmul.f32 v18, v7;
	v2 =	vor.u32 v1, v2;
	[tilespmem:v10+s21+$0x0] =	vst.idx.add.f32.msk $0xffff, v11  }
0x185: {  	v6 =	vmul.f32 v19, v6;
	[tilespmem:v5+s21+$0x0] =	vst.idx.add.f32.msk $0xffff, v4  }
0x186: {  	[tilespmem:v12+s20+$0x0] =	vst.idx.add.f32.msk $0xffff, v3;
	v3 =	vmul.f32 v15, v13  }
0x187: {  	[tilespmem:v14+s20+$0x0] =	vst.idx.add.f32.msk $0xffff, v6  }
0x188: {  	v4 =	vld [tilespmem:s26+$0x4010]  }
0x189: {  	[tilespmem:v2+s20+$0x0] =	vst.idx.add.f32.msk $0xffff, v3  }
0x18a: {  	v2 =	vld [tilespmem:s26+$0xA010]  }
0x18b: {  	v3 =	vld [tilespmem:s26+$0x4030]  }
0x18c: {  	v5 =	vld [tilespmem:s26+$0xA030]  }
0x18d: {  	v10 =	vld [tilespmem:s26+$0x4050]  }
0x18e: {  	v11 =	vld [tilespmem:s26+$0xA050]  }
.Ltmp3:
0x18f: {  	v9 =	vld [tilespmem:s26+$0x16010];
	v2 =	vmul.f32 v2, v4;
	(pc) =	sbr.rel @p0 .LBB2_8-.Ltmp3, $4  }
0x190: {  	v8 =	vld [tilespmem:s26+$0x16030]  }
0x191: {  	v3 =	vmul.f32 v5, v3;
	v7 =	vld [tilespmem:s26+$0x16050]  }
0x192: {  	v5 =	vld [tilespmem:s26+$0x10010]  }
0x193: {  	s0 =	sadd.s32 $0x200, s0;
	v6 =	vld [tilespmem:s26+$0x10030];
	v4 =	vmul.f32 v11, v10  }
0x194: {  	v9 =	vshll.u32 v9, $0x4  }
0x195: {  	v10 =	vld [tilespmem:s26+$0x10050];
	v9 =	vor.u32 v1, v9;
	v8 =	vshll.u32 v8, $0x4  }
0x196: {  	v8 =	vor.u32 v1, v8;
	v7 =	vshll.u32 v7, $0x4  }
0x197: {  	v7 =	vor.u32 v1, v7  }
0x198: {  	v2 =	vmul.f32 v5, v2  }
0x199: {  	v3 =	vmul.f32 v6, v3  }
0x19a: {  	v4 =	vmul.f32 v10, v4;
	[tilespmem:v9+s21+$0x0] =	vst.idx.add.f32.msk $0xffff, v2  }
0x19b: {  	[tilespmem:v8+s21+$0x0] =	vst.idx.add.f32.msk $0xffff, v3  }
0x19c: {  	[tilespmem:v7+s21+$0x0] =	vst.idx.add.f32.msk $0xffff, v4  }
0x19d: {  	_ =	swait.ge [sflag:s15], $0x2000  }
0x19e: {  	[sflag:s15] =	ssyncset.done $0x0  }
0x19f: {  	[sflag:s15] =	ssyncadd.s32 $0xFFFFE000  }
0x1a0: {  	_ =	swait.ge [sflag:s15], $0x2000  }
0x1a1: {  	[sflag:s15] =	ssyncset.done $0x0  }
0x1a2: {  	[sflag:s15] =	ssyncadd.s32 $0xFFFFE000  }
0x1a3: {  	_ =	swait.ge [sflag:s15], $0x2000  }
0x1a4: {  	[sflag:s15] =	ssyncset.done $0x0  }
0x1a5: {  	[sflag:s15] =	ssyncadd.s32 $0xFFFFE000  }
0x1a6: {  	_ =	swait.ge [sflag:s15], $0x2000  }
0x1a7: {  	[sflag:s15] =	ssyncset.done $0x0  }
0x1a8: {  	s0 =	rddreg [dreg:$0x16];
	[sflag:s15] =	ssyncadd.s32 $0xFFFFE000  }
0x1a9: {  	[tilespmem:s16], [sflag:$0x3] =	stream.linear.gather [hbm4b:s0+s1], $0x2000, $0x38;
	[tilespmem:$0x1C200] =	vst v63  }
0x1aa: {  	s26 =	rddreg [dreg:$0x17]  }
0x1ab: {  	[tilespmem:s17], [sflag:$0x3] =	stream.linear.gather [hbm4b:s26+s1], $0x2000, $0x38;
	[tilespmem:$0x1C200] =	vst v63  }
0x1ac: {  	s31 =	rddreg [dreg:$0x18]  }
0x1ad: {  	[tilespmem:s18], [sflag:$0x3] =	stream.linear.gather [hbm4b:s31+s1], $0x2000, $0x38;
	[tilespmem:$0x1C200] =	vst v63  }
0x1ae: {  	s26 =	rddreg [dreg:$0x19];
	s31 =	simm.s32 $0x12040  }
0x1af: {  	[tilespmem:s19], [sflag:$0x3] =	stream.linear.gather [hbm4b:s26+s1], $0x2000, $0x38;
	[tilespmem:$0x1C200] =	vst v63  }
0x1b0: {  	s26 =	simm.s32 $0x40;
	v2 =	vld [tilespmem:s31+$0x20]  }
0x1b1: {  	s28 =	simm.s32 $0x6040;
	v3 =	vld [tilespmem:s26+$0x20]  }
0x1b2: {  	v4 =	vld [tilespmem:s28+$0x20]  }
0x1b3: {  	s29 =	simm.s32 $0xC040;
	v5 =	vld [tilespmem:s28+$0xFFFFFFC0]  }
0x1b4: {  	v6 =	vld [tilespmem:s29+$0x20]  }
0x1b5: {  	v7 =	vld [tilespmem:s26+$0xFFFFFFE0]  }
0x1b6: {  	v8 =	vld [tilespmem:s28+$0xFFFFFFE0];
	v2 =	vshll.u32 v2, $0x4  }
0x1b7: {  	v9 =	vld [tilespmem:s26+$0x0];
	v2 =	vor.u32 v1, v2  }
0x1b8: {  	v10 =	vld [tilespmem:s26+$0xFFFFFFC0];
	v3 =	vmul.f32 v4, v3  }
0x1b9: {  	v12 =	vld [tilespmem:s31+$0xFFFFFFE0]  }
0x1ba: {  	v14 =	vld [tilespmem:s31+$0x0];
	v3 =	vmul.f32 v6, v3  }
0x1bb: {  	v6 =	vld [tilespmem:s31+$0xFFFFFFC0]  }
0x1bc: {  	[tilespmem:v2+s20+$0x0] =	vst.idx.add.f32.msk $0xffff, v3  }
0x1bd: {  	v2 =	vld [tilespmem:s31+$0x30]  }
0x1be: {  	v3 =	vld [tilespmem:s26+$0x30]  }
0x1bf: {  	v11 =	vld [tilespmem:s28+$0x30]  }
0x1c0: {  	v15 =	vld [tilespmem:s29+$0xFFFFFFC0]  }
0x1c1: {  	v13 =	vld [tilespmem:s29+$0x30];
	v6 =	vshll.u32 v6, $0x4  }
0x1c2: {  	v16 =	vld [tilespmem:s29+$0xFFFFFFE0];
	v6 =	vor.u32 v1, v6;
	v2 =	vshll.u32 v2, $0x4  }
0x1c3: {  	v4 =	vld [tilespmem:s28+$0x0];
	v5 =	vmul.f32 v5, v10;
	v2 =	vor.u32 v1, v2  }
0x1c4: {  	v3 =	vmul.f32 v11, v3;
	v11 =	vshll.u32 v12, $0x4  }
0x1c5: {  	v10 =	vld [tilespmem:s29+$0x0];
	v5 =	vmul.f32 v15, v5;
	v11 =	vor.u32 v1, v11  }
0x1c6: {  	v7 =	vmul.f32 v8, v7;
	v8 =	vshll.u32 v14, $0x4;
	v3 =	vmul.f32 v13, v3  }
0x1c7: {  	v8 =	vor.u32 v1, v8;
	[tilespmem:v6+s20+$0x0] =	vst.idx.add.f32.msk $0xffff, v5  }
0x1c8: {  	v4 =	vmul.f32 v4, v9;
	[tilespmem:v2+s21+$0x0] =	vst.idx.add.f32.msk $0xffff, v3;
	v2 =	vmul.f32 v16, v7  }
0x1c9: {  	v63 =	vld [tilespmem:s31+$0xFFFFFFD0]  }
0x1ca: {  	v3 =	vmul.f32 v10, v4;
	[tilespmem:v11+s20+$0x0] =	vst.idx.add.f32.msk $0xffff, v2  }
0x1cb: {  	v2 =	vld [tilespmem:s26+$0xFFFFFFD0]  }
0x1cc: {  	[tilespmem:v8+s20+$0x0] =	vst.idx.add.f32.msk $0xffff, v3  }
0x1cd: {  	v3 =	vld [tilespmem:s28+$0xFFFFFFD0]  }
0x1ce: {  	v4 =	vld [tilespmem:s26+$0xFFFFFFF0]  }
0x1cf: {  	v8 =	vld [tilespmem:s28+$0xFFFFFFF0]  }
0x1d0: {  	v10 =	vld [tilespmem:s26+$0x10]  }
0x1d1: {  	v11 =	vld [tilespmem:s28+$0x10]  }
0x1d2: {  	v9 =	vld [tilespmem:s31+$0xFFFFFFF0]  }
0x1d3: {  	v7 =	vld [tilespmem:s31+$0x10]  }
0x1d4: {  	v6 =	vld [tilespmem:s29+$0xFFFFFFD0]  }
0x1d5: {  	v5 =	vld [tilespmem:s29+$0xFFFFFFF0];
	v2 =	vmul.f32 v3, v2  }
0x1d6: {  	s30 =	simm.s32 $0x0;
	s0 =	simm.s32 $0x120C0;
	v3 =	vmul.f32 v8, v4;
	v4 =	vmul.f32 v11, v10;
	v10 =	vshll.u32 v63, $0x4;
	v8 =	vld [tilespmem:s29+$0x10]  }
.LBB2_10:
0x1d7: {  	v11 =	vld [tilespmem:s0+$0x20];
	s30 =	sadd.s32 $0x4, s30;
	v10 =	vor.u32 v1, v10;
	v9 =	vshll.u32 v9, $0x4;
	s26 =	sadd.s32 $0x80, s26  }
0x1d8: {  	s28 =	sadd.s32 $0x80, s28;
	v12 =	vld [tilespmem:s26+$0x20];
	p0 =	slt.u32 s30, $0xFC;
	v9 =	vor.u32 v1, v9;
	v7 =	vshll.u32 v7, $0x4  }
0x1d9: {  	v13 =	vld [tilespmem:s28+$0x20];
	v2 =	vmul.f32 v6, v2;
	v6 =	vor.u32 v1, v7  }
0x1da: {  	s29 =	sadd.s32 $0x80, s29;
	v7 =	vld [tilespmem:s28+$0xFFFFFFC0];
	v3 =	vmul.f32 v5, v3  }
0x1db: {  	v5 =	vld [tilespmem:s29+$0x20];
	v4 =	vmul.f32 v8, v4  }
0x1dc: {  	v8 =	vld [tilespmem:s26+$0xFFFFFFE0];
	v11 =	vshll.u32 v11, $0x4  }
0x1dd: {  	v14 =	vld [tilespmem:s28+$0xFFFFFFE0];
	v11 =	vor.u32 v1, v11  }
0x1de: {  	v15 =	vld [tilespmem:s26+$0x0];
	v12 =	vmul.f32 v13, v12  }
0x1df: {  	v13 =	vld [tilespmem:s28+$0x0]  }
0x1e0: {  	v16 =	vld [tilespmem:s26+$0xFFFFFFC0];
	v5 =	vmul.f32 v5, v12  }
0x1e1: {  	v12 =	vld [tilespmem:s0+$0xFFFFFFC0]  }
0x1e2: {  	v8 =	vmul.f32 v14, v8;
	[tilespmem:v11+s20+$0x0] =	vst.idx.add.f32.msk $0xffff, v5  }
0x1e3: {  	v5 =	vld [tilespmem:s0+$0x30]  }
0x1e4: {  	v11 =	vmul.f32 v13, v15;
	v13 =	vld [tilespmem:s26+$0x30]  }
0x1e5: {  	v7 =	vmul.f32 v7, v16;
	v14 =	vld [tilespmem:s28+$0x30]  }
0x1e6: {  	v12 =	vshll.u32 v12, $0x4;
	v15 =	vld [tilespmem:s0+$0xFFFFFFE0]  }
0x1e7: {  	v12 =	vor.u32 v1, v12;
	v16 =	vld [tilespmem:s29+$0x30]  }
0x1e8: {  	v17 =	vld [tilespmem:s0+$0x0];
	v5 =	vshll.u32 v5, $0x4  }
0x1e9: {  	v18 =	vld [tilespmem:s29+$0xFFFFFFC0];
	v5 =	vor.u32 v1, v5  }
0x1ea: {  	v19 =	vld [tilespmem:s29+$0xFFFFFFE0];
	v13 =	vmul.f32 v14, v13  }
0x1eb: {  	v14 =	vshll.u32 v15, $0x4;
	v15 =	vld [tilespmem:s29+$0x0]  }
0x1ec: {  	v14 =	vor.u32 v1, v14;
	v13 =	vmul.f32 v16, v13;
	[tilespmem:v10+s21+$0x0] =	vst.idx.add.f32.msk $0xffff, v2  }
0x1ed: {  	v2 =	vshll.u32 v17, $0x4;
	[tilespmem:v9+s21+$0x0] =	vst.idx.add.f32.msk $0xffff, v3  }
0x1ee: {  	v3 =	vmul.f32 v18, v7;
	v2 =	vor.u32 v1, v2;
	[tilespmem:v5+s21+$0x0] =	vst.idx.add.f32.msk $0xffff, v13  }
0x1ef: {  	v5 =	vmul.f32 v19, v8;
	[tilespmem:v6+s21+$0x0] =	vst.idx.add.f32.msk $0xffff, v4  }
0x1f0: {  	[tilespmem:v12+s20+$0x0] =	vst.idx.add.f32.msk $0xffff, v3;
	v3 =	vmul.f32 v15, v11  }
0x1f1: {  	[tilespmem:v14+s20+$0x0] =	vst.idx.add.f32.msk $0xffff, v5  }
0x1f2: {  	v4 =	vld [tilespmem:s26+$0xFFFFFFD0]  }
0x1f3: {  	[tilespmem:v2+s20+$0x0] =	vst.idx.add.f32.msk $0xffff, v3  }
0x1f4: {  	v2 =	vld [tilespmem:s28+$0xFFFFFFD0]  }
0x1f5: {  	v3 =	vld [tilespmem:s26+$0xFFFFFFF0]  }
0x1f6: {  	v5 =	vld [tilespmem:s28+$0xFFFFFFF0]  }
0x1f7: {  	v8 =	vld [tilespmem:s26+$0x10]  }
0x1f8: {  	v10 =	vld [tilespmem:s28+$0x10]  }
0x1f9: {  	v11 =	vld [tilespmem:s0+$0xFFFFFFD0];
	v2 =	vmul.f32 v2, v4  }
.Ltmp4:
0x1fa: {  	v9 =	vld [tilespmem:s0+$0xFFFFFFF0];
	(pc) =	sbr.rel @p0 .LBB2_10-.Ltmp4, $4  }
0x1fb: {  	v3 =	vmul.f32 v5, v3;
	v7 =	vld [tilespmem:s0+$0x10]  }
0x1fc: {  	v6 =	vld [tilespmem:s29+$0xFFFFFFD0]  }
0x1fd: {  	v5 =	vld [tilespmem:s29+$0xFFFFFFF0];
	v4 =	vmul.f32 v10, v8  }
0x1fe: {  	s0 =	sadd.s32 $0x80, s0;
	v10 =	vshll.u32 v11, $0x4;
	v8 =	vld [tilespmem:s29+$0x10]  }
0x1ff: {  	v10 =	vor.u32 v1, v10;
	v9 =	vshll.u32 v9, $0x4  }
0x200: {  	v9 =	vor.u32 v1, v9;
	v7 =	vshll.u32 v7, $0x4  }
0x201: {  	v7 =	vor.u32 v1, v7  }
0x202: {  	v2 =	vmul.f32 v6, v2  }
0x203: {  	v3 =	vmul.f32 v5, v3  }
0x204: {  	v4 =	vmul.f32 v8, v4;
	[tilespmem:v10+s21+$0x0] =	vst.idx.add.f32.msk $0xffff, v2  }
0x205: {  	[tilespmem:v9+s21+$0x0] =	vst.idx.add.f32.msk $0xffff, v3  }
0x206: {  	[tilespmem:v7+s21+$0x0] =	vst.idx.add.f32.msk $0xffff, v4  }
0x207: {  	_ =	swait.ge [sflag:s22], $0x2000  }
0x208: {  	[sflag:s22] =	ssyncset.done $0x0  }
0x209: {  	[sflag:s22] =	ssyncadd.s32 $0xFFFFE000  }
0x20a: {  	_ =	swait.ge [sflag:s22], $0x2000  }
0x20b: {  	[sflag:s22] =	ssyncset.done $0x0  }
0x20c: {  	[sflag:s22] =	ssyncadd.s32 $0xFFFFE000  }
0x20d: {  	_ =	swait.ge [sflag:s22], $0x2000  }
0x20e: {  	[sflag:s22] =	ssyncset.done $0x0  }
0x20f: {  	[sflag:s22] =	ssyncadd.s32 $0xFFFFE000  }
0x210: {  	_ =	swait.ge [sflag:s22], $0x2000  }
0x211: {  	[sflag:s22] =	ssyncset.done $0x0  }
0x212: {  	s0 =	rddreg [dreg:$0x1a];
	[sflag:s22] =	ssyncadd.s32 $0xFFFFE000  }
0x213: {  	[tilespmem:s1], [sflag:$0x1] =	stream.linear.gather [hbm4b:s0+s1], $0x2000, $0x38;
	[tilespmem:$0x1C200] =	vst v63  }
0x214: {  	s26 =	rddreg [dreg:$0x1b]  }
0x215: {  	[tilespmem:s8], [sflag:$0x1] =	stream.linear.gather [hbm4b:s26+s1], $0x2000, $0x38;
	[tilespmem:$0x1C200] =	vst v63  }
0x216: {  	s31 =	rddreg [dreg:$0x1c]  }
0x217: {  	[tilespmem:s9], [sflag:$0x1] =	stream.linear.gather [hbm4b:s31+s1], $0x2000, $0x38;
	[tilespmem:$0x1C200] =	vst v63  }
0x218: {  	s26 =	rddreg [dreg:$0x1d];
	s31 =	simm.s32 $0x14070  }
0x219: {  	[tilespmem:s10], [sflag:$0x1] =	stream.linear.gather [hbm4b:s26+s1], $0x2000, $0x38;
	[tilespmem:$0x1C200] =	vst v63  }
0x21a: {  	s26 =	simm.s32 $0x2070;
	v2 =	vld [tilespmem:s31+$0xFFFFFFF0]  }
0x21b: {  	s28 =	simm.s32 $0x8070;
	v3 =	vld [tilespmem:s26+$0xFFFFFFF0]  }
0x21c: {  	v4 =	vld [tilespmem:s28+$0xFFFFFFF0]  }
0x21d: {  	s29 =	simm.s32 $0xE070;
	v5 =	vld [tilespmem:s28+$0xFFFFFF90]  }
0x21e: {  	v6 =	vld [tilespmem:s29+$0xFFFFFFF0]  }
0x21f: {  	v7 =	vld [tilespmem:s26+$0xFFFFFFB0]  }
0x220: {  	v8 =	vld [tilespmem:s28+$0xFFFFFFB0];
	v2 =	vshll.u32 v2, $0x4  }
0x221: {  	v9 =	vld [tilespmem:s26+$0xFFFFFFD0];
	v2 =	vor.u32 v1, v2  }
0x222: {  	v10 =	vld [tilespmem:s26+$0xFFFFFF90];
	v3 =	vmul.f32 v4, v3  }
0x223: {  	v12 =	vld [tilespmem:s31+$0xFFFFFFB0]  }
0x224: {  	v14 =	vld [tilespmem:s31+$0xFFFFFFD0];
	v3 =	vmul.f32 v6, v3  }
0x225: {  	v6 =	vld [tilespmem:s31+$0xFFFFFF90]  }
0x226: {  	[tilespmem:v2+s20+$0x0] =	vst.idx.add.f32.msk $0xffff, v3  }
0x227: {  	v2 =	vld [tilespmem:s31+$0x0]  }
0x228: {  	v3 =	vld [tilespmem:s26+$0x0]  }
0x229: {  	v11 =	vld [tilespmem:s28+$0x0]  }
0x22a: {  	v15 =	vld [tilespmem:s29+$0xFFFFFF90]  }
0x22b: {  	v13 =	vld [tilespmem:s29+$0x0];
	v6 =	vshll.u32 v6, $0x4  }
0x22c: {  	v16 =	vld [tilespmem:s29+$0xFFFFFFB0];
	v6 =	vor.u32 v1, v6;
	v2 =	vshll.u32 v2, $0x4  }
0x22d: {  	v4 =	vld [tilespmem:s28+$0xFFFFFFD0];
	v5 =	vmul.f32 v5, v10;
	v2 =	vor.u32 v1, v2  }
0x22e: {  	v3 =	vmul.f32 v11, v3;
	v11 =	vshll.u32 v12, $0x4  }
0x22f: {  	v10 =	vld [tilespmem:s29+$0xFFFFFFD0];
	v5 =	vmul.f32 v15, v5;
	v11 =	vor.u32 v1, v11  }
0x230: {  	v7 =	vmul.f32 v8, v7;
	v8 =	vshll.u32 v14, $0x4;
	v3 =	vmul.f32 v13, v3  }
0x231: {  	v8 =	vor.u32 v1, v8;
	[tilespmem:v6+s20+$0x0] =	vst.idx.add.f32.msk $0xffff, v5  }
0x232: {  	v4 =	vmul.f32 v4, v9;
	[tilespmem:v2+s21+$0x0] =	vst.idx.add.f32.msk $0xffff, v3;
	v2 =	vmul.f32 v16, v7  }
0x233: {  	v63 =	vld [tilespmem:s31+$0xFFFFFFA0]  }
0x234: {  	v3 =	vmul.f32 v10, v4;
	[tilespmem:v11+s20+$0x0] =	vst.idx.add.f32.msk $0xffff, v2  }
0x235: {  	v2 =	vld [tilespmem:s26+$0xFFFFFFA0]  }
0x236: {  	[tilespmem:v8+s20+$0x0] =	vst.idx.add.f32.msk $0xffff, v3  }
0x237: {  	v3 =	vld [tilespmem:s28+$0xFFFFFFA0]  }
0x238: {  	v4 =	vld [tilespmem:s26+$0xFFFFFFC0]  }
0x239: {  	v8 =	vld [tilespmem:s28+$0xFFFFFFC0]  }
0x23a: {  	v10 =	vld [tilespmem:s26+$0xFFFFFFE0]  }
0x23b: {  	v11 =	vld [tilespmem:s28+$0xFFFFFFE0]  }
0x23c: {  	v9 =	vld [tilespmem:s31+$0xFFFFFFC0]  }
0x23d: {  	v7 =	vld [tilespmem:s31+$0xFFFFFFE0]  }
0x23e: {  	v6 =	vld [tilespmem:s29+$0xFFFFFFA0]  }
0x23f: {  	v5 =	vld [tilespmem:s29+$0xFFFFFFC0];
	v2 =	vmul.f32 v3, v2  }
0x240: {  	s30 =	simm.s32 $0x0;
	s0 =	simm.s32 $0x140F0;
	v3 =	vmul.f32 v8, v4;
	v4 =	vmul.f32 v11, v10;
	v10 =	vshll.u32 v63, $0x4;
	v8 =	vld [tilespmem:s29+$0xFFFFFFE0]  }
.LBB2_12:
0x241: {  	v11 =	vld [tilespmem:s0+$0xFFFFFFF0];
	s30 =	sadd.s32 $0x4, s30;
	v10 =	vor.u32 v1, v10;
	v9 =	vshll.u32 v9, $0x4;
	s26 =	sadd.s32 $0x80, s26  }
0x242: {  	s28 =	sadd.s32 $0x80, s28;
	v12 =	vld [tilespmem:s26+$0xFFFFFFF0];
	p0 =	slt.u32 s30, $0xFC;
	v9 =	vor.u32 v1, v9;
	v7 =	vshll.u32 v7, $0x4  }
0x243: {  	v13 =	vld [tilespmem:s28+$0xFFFFFFF0];
	v2 =	vmul.f32 v6, v2;
	v6 =	vor.u32 v1, v7  }
0x244: {  	s29 =	sadd.s32 $0x80, s29;
	v7 =	vld [tilespmem:s28+$0xFFFFFF90];
	v3 =	vmul.f32 v5, v3  }
0x245: {  	v5 =	vld [tilespmem:s29+$0xFFFFFFF0];
	v4 =	vmul.f32 v8, v4  }
0x246: {  	v8 =	vld [tilespmem:s26+$0xFFFFFFB0];
	v11 =	vshll.u32 v11, $0x4  }
0x247: {  	v14 =	vld [tilespmem:s28+$0xFFFFFFB0];
	v11 =	vor.u32 v1, v11  }
0x248: {  	v15 =	vld [tilespmem:s26+$0xFFFFFFD0];
	v12 =	vmul.f32 v13, v12  }
0x249: {  	v13 =	vld [tilespmem:s28+$0xFFFFFFD0]  }
0x24a: {  	v16 =	vld [tilespmem:s26+$0xFFFFFF90];
	v5 =	vmul.f32 v5, v12  }
0x24b: {  	v12 =	vld [tilespmem:s0+$0xFFFFFF90]  }
0x24c: {  	v8 =	vmul.f32 v14, v8;
	[tilespmem:v11+s20+$0x0] =	vst.idx.add.f32.msk $0xffff, v5  }
0x24d: {  	v5 =	vld [tilespmem:s0+$0x0]  }
0x24e: {  	v11 =	vmul.f32 v13, v15;
	v13 =	vld [tilespmem:s26+$0x0]  }
0x24f: {  	v7 =	vmul.f32 v7, v16;
	v14 =	vld [tilespmem:s28+$0x0]  }
0x250: {  	v12 =	vshll.u32 v12, $0x4;
	v15 =	vld [tilespmem:s0+$0xFFFFFFB0]  }
0x251: {  	v12 =	vor.u32 v1, v12;
	v16 =	vld [tilespmem:s29+$0x0]  }
0x252: {  	v17 =	vld [tilespmem:s0+$0xFFFFFFD0];
	v5 =	vshll.u32 v5, $0x4  }
0x253: {  	v18 =	vld [tilespmem:s29+$0xFFFFFF90];
	v5 =	vor.u32 v1, v5  }
0x254: {  	v19 =	vld [tilespmem:s29+$0xFFFFFFB0];
	v13 =	vmul.f32 v14, v13  }
0x255: {  	v14 =	vshll.u32 v15, $0x4;
	v15 =	vld [tilespmem:s29+$0xFFFFFFD0]  }
0x256: {  	v14 =	vor.u32 v1, v14;
	v13 =	vmul.f32 v16, v13;
	[tilespmem:v10+s21+$0x0] =	vst.idx.add.f32.msk $0xffff, v2  }
0x257: {  	v2 =	vshll.u32 v17, $0x4;
	[tilespmem:v9+s21+$0x0] =	vst.idx.add.f32.msk $0xffff, v3  }
0x258: {  	v3 =	vmul.f32 v18, v7;
	v2 =	vor.u32 v1, v2;
	[tilespmem:v5+s21+$0x0] =	vst.idx.add.f32.msk $0xffff, v13  }
0x259: {  	v5 =	vmul.f32 v19, v8;
	[tilespmem:v6+s21+$0x0] =	vst.idx.add.f32.msk $0xffff, v4  }
0x25a: {  	[tilespmem:v12+s20+$0x0] =	vst.idx.add.f32.msk $0xffff, v3;
	v3 =	vmul.f32 v15, v11  }
0x25b: {  	[tilespmem:v14+s20+$0x0] =	vst.idx.add.f32.msk $0xffff, v5  }
0x25c: {  	v4 =	vld [tilespmem:s26+$0xFFFFFFA0]  }
0x25d: {  	[tilespmem:v2+s20+$0x0] =	vst.idx.add.f32.msk $0xffff, v3  }
0x25e: {  	v2 =	vld [tilespmem:s28+$0xFFFFFFA0]  }
0x25f: {  	v3 =	vld [tilespmem:s26+$0xFFFFFFC0]  }
0x260: {  	v5 =	vld [tilespmem:s28+$0xFFFFFFC0]  }
0x261: {  	v8 =	vld [tilespmem:s26+$0xFFFFFFE0]  }
0x262: {  	v10 =	vld [tilespmem:s28+$0xFFFFFFE0]  }
0x263: {  	v11 =	vld [tilespmem:s0+$0xFFFFFFA0];
	v2 =	vmul.f32 v2, v4  }
.Ltmp5:
0x264: {  	v9 =	vld [tilespmem:s0+$0xFFFFFFC0];
	(pc) =	sbr.rel @p0 .LBB2_12-.Ltmp5, $4  }
0x265: {  	v3 =	vmul.f32 v5, v3;
	v7 =	vld [tilespmem:s0+$0xFFFFFFE0]  }
0x266: {  	v6 =	vld [tilespmem:s29+$0xFFFFFFA0]  }
0x267: {  	v5 =	vld [tilespmem:s29+$0xFFFFFFC0];
	v4 =	vmul.f32 v10, v8  }
0x268: {  	s0 =	sadd.s32 $0x80, s0;
	v10 =	vshll.u32 v11, $0x4;
	v8 =	vld [tilespmem:s29+$0xFFFFFFE0]  }
0x269: {  	v10 =	vor.u32 v1, v10;
	v9 =	vshll.u32 v9, $0x4  }
0x26a: {  	v9 =	vor.u32 v1, v9;
	v7 =	vshll.u32 v7, $0x4  }
0x26b: {  	v7 =	vor.u32 v1, v7  }
0x26c: {  	v2 =	vmul.f32 v6, v2  }
0x26d: {  	v3 =	vmul.f32 v5, v3  }
0x26e: {  	v4 =	vmul.f32 v8, v4;
	[tilespmem:v10+s21+$0x0] =	vst.idx.add.f32.msk $0xffff, v2  }
0x26f: {  	[tilespmem:v9+s21+$0x0] =	vst.idx.add.f32.msk $0xffff, v3  }
0x270: {  	[tilespmem:v7+s21+$0x0] =	vst.idx.add.f32.msk $0xffff, v4  }
0x271: {  	_ =	swait.ge [sflag:s23], $0x2000  }
0x272: {  	[sflag:s23] =	ssyncset.done $0x0  }
0x273: {  	[sflag:s23] =	ssyncadd.s32 $0xFFFFE000  }
0x274: {  	_ =	swait.ge [sflag:s23], $0x2000  }
0x275: {  	[sflag:s23] =	ssyncset.done $0x0  }
0x276: {  	[sflag:s23] =	ssyncadd.s32 $0xFFFFE000  }
0x277: {  	_ =	swait.ge [sflag:s23], $0x2000  }
0x278: {  	[sflag:s23] =	ssyncset.done $0x0  }
0x279: {  	[sflag:s23] =	ssyncadd.s32 $0xFFFFE000  }
0x27a: {  	_ =	swait.ge [sflag:s23], $0x2000  }
0x27b: {  	[sflag:s23] =	ssyncset.done $0x0;
	s26 =	rddreg [dreg:$0x1e]  }
0x27c: {  	s0 =	simm.s32 $0x0;
	s29 =	rddreg [dreg:$0x1f];
	[sflag:s23] =	ssyncadd.s32 $0xFFFFE000  }
0x27d: {  	[tilespmem:s11], [sflag:$0x2] =	stream.linear.gather [hbm4b:s26+s0], $0x2000, $0x38;
	[tilespmem:$0x1C200] =	vst v63  }
0x27e: {  	s30 =	sld [smem:$0x7DC]  }
0x27f: {  	[tilespmem:s12], [sflag:$0x2] =	stream.linear.gather [hbm4b:s29+s0], $0x2000, $0x38;
	[tilespmem:$0x1C200] =	vst v63  }
0x280: {  	s31 =	sld [smem:$0x7DD]  }
0x281: {  	[tilespmem:s13], [sflag:$0x2] =	stream.linear.gather [hbm4b:s30+s0], $0x2000, $0x38;
	[tilespmem:$0x1C200] =	vst v63  }
0x282: {  	s26 =	simm.s32 $0x0  }
0x283: {  	[tilespmem:s14], [sflag:$0x2] =	stream.linear.gather [hbm4b:s31+s0], $0x2000, $0x38;
	[tilespmem:$0x1C200] =	vst v63  }
0x284: {  	v2 =	vld [tilespmem:s26+$0x16060]  }
0x285: {  	v3 =	vld [tilespmem:s26+$0x4060]  }
0x286: {  	v4 =	vld [tilespmem:s26+$0xA060]  }
0x287: {  	v5 =	vld [tilespmem:s26+$0x4000]  }
0x288: {  	v6 =	vld [tilespmem:s26+$0x10060]  }
0x289: {  	v7 =	vld [tilespmem:s26+$0xA000]  }
0x28a: {  	v8 =	vld [tilespmem:s26+$0x4020];
	v2 =	vshll.u32 v2, $0x4  }
0x28b: {  	v9 =	vld [tilespmem:s26+$0xA020];
	v2 =	vor.u32 v1, v2  }
0x28c: {  	v10 =	vld [tilespmem:s26+$0xA040];
	v3 =	vmul.f32 v4, v3  }
0x28d: {  	v12 =	vld [tilespmem:s26+$0x16020]  }
0x28e: {  	v14 =	vld [tilespmem:s26+$0x16040];
	v3 =	vmul.f32 v6, v3  }
0x28f: {  	v6 =	vld [tilespmem:s26+$0x16000]  }
0x290: {  	[tilespmem:v2+s20+$0x0] =	vst.idx.add.f32.msk $0xffff, v3  }
0x291: {  	v2 =	vld [tilespmem:s26+$0x16070]  }
0x292: {  	v3 =	vld [tilespmem:s26+$0x4070]  }
0x293: {  	v11 =	vld [tilespmem:s26+$0xA070]  }
0x294: {  	v15 =	vld [tilespmem:s26+$0x10000]  }
0x295: {  	v13 =	vld [tilespmem:s26+$0x10070]  }
0x296: {  	v16 =	vld [tilespmem:s26+$0x10020];
	v2 =	vshll.u32 v2, $0x4  }
0x297: {  	v4 =	vld [tilespmem:s26+$0x4040];
	v6 =	vshll.u32 v6, $0x4;
	v2 =	vor.u32 v1, v2  }
0x298: {  	v6 =	vor.u32 v1, v6;
	v3 =	vmul.f32 v11, v3;
	v11 =	vshll.u32 v12, $0x4  }
0x299: {  	v5 =	vmul.f32 v7, v5;
	v7 =	vld [tilespmem:s26+$0x10040];
	v11 =	vor.u32 v1, v11  }
0x29a: {  	v8 =	vmul.f32 v9, v8;
	v9 =	vshll.u32 v14, $0x4;
	v3 =	vmul.f32 v13, v3  }
0x29b: {  	v9 =	vor.u32 v1, v9;
	v5 =	vmul.f32 v15, v5  }
0x29c: {  	v4 =	vmul.f32 v10, v4;
	[tilespmem:v2+s21+$0x0] =	vst.idx.add.f32.msk $0xffff, v3;
	v2 =	vmul.f32 v16, v8  }
0x29d: {  	[tilespmem:v6+s20+$0x0] =	vst.idx.add.f32.msk $0xffff, v5  }
0x29e: {  	v3 =	vmul.f32 v7, v4;
	[tilespmem:v11+s20+$0x0] =	vst.idx.add.f32.msk $0xffff, v2  }
0x29f: {  	v2 =	vld [tilespmem:s26+$0x4010]  }
0x2a0: {  	[tilespmem:v9+s20+$0x0] =	vst.idx.add.f32.msk $0xffff, v3  }
0x2a1: {  	v3 =	vld [tilespmem:s26+$0xA010]  }
0x2a2: {  	v4 =	vld [tilespmem:s26+$0x4030]  }
0x2a3: {  	v6 =	vld [tilespmem:s26+$0xA030]  }
0x2a4: {  	v10 =	vld [tilespmem:s26+$0x4050]  }
0x2a5: {  	v11 =	vld [tilespmem:s26+$0xA050]  }
0x2a6: {  	v9 =	vld [tilespmem:s26+$0x16010]  }
0x2a7: {  	v8 =	vld [tilespmem:s26+$0x16030]  }
0x2a8: {  	v7 =	vld [tilespmem:s26+$0x16050]  }
0x2a9: {  	v5 =	vld [tilespmem:s26+$0x10010];
	v2 =	vmul.f32 v3, v2  }
0x2aa: {  	s28 =	simm.s32 $0x0;
	s0 =	simm.s32 $0x200;
	v3 =	vmul.f32 v6, v4;
	v6 =	vld [tilespmem:s26+$0x10030];
	v4 =	vmul.f32 v11, v10  }
.LBB2_14:
0x2ab: {  	s28 =	sadd.s32 $0x4, s28;
	v9 =	vshll.u32 v9, $0x4;
	v10 =	vld [tilespmem:s26+$0x10050];
	s26 =	sshra.s32 s0, $0x2  }
0x2ac: {  	v11 =	vld [tilespmem:s26+$0x16060];
	p0 =	slt.u32 s28, $0xFC;
	v9 =	vor.u32 v1, v9;
	v8 =	vshll.u32 v8, $0x4  }
0x2ad: {  	v12 =	vld [tilespmem:s26+$0x4060];
	v8 =	vor.u32 v1, v8;
	v7 =	vshll.u32 v7, $0x4  }
0x2ae: {  	v13 =	vld [tilespmem:s26+$0xA060];
	v2 =	vmul.f32 v5, v2;
	v5 =	vor.u32 v1, v7  }
0x2af: {  	v7 =	vld [tilespmem:s26+$0x4000];
	v3 =	vmul.f32 v6, v3  }
0x2b0: {  	v6 =	vld [tilespmem:s26+$0x10060];
	v4 =	vmul.f32 v10, v4  }
0x2b1: {  	v10 =	vld [tilespmem:s26+$0xA000];
	v11 =	vshll.u32 v11, $0x4  }
0x2b2: {  	v14 =	vld [tilespmem:s26+$0x4020];
	v11 =	vor.u32 v1, v11  }
0x2b3: {  	v15 =	vld [tilespmem:s26+$0xA020];
	v12 =	vmul.f32 v13, v12  }
0x2b4: {  	v13 =	vld [tilespmem:s26+$0x4040]  }
0x2b5: {  	v16 =	vld [tilespmem:s26+$0xA040];
	v6 =	vmul.f32 v6, v12  }
0x2b6: {  	v12 =	vld [tilespmem:s26+$0x16000];
	v7 =	vmul.f32 v10, v7  }
0x2b7: {  	[tilespmem:v11+s20+$0x0] =	vst.idx.add.f32.msk $0xffff, v6  }
0x2b8: {  	v6 =	vmul.f32 v15, v14;
	v10 =	vld [tilespmem:s26+$0x16070]  }
0x2b9: {  	v11 =	vld [tilespmem:s26+$0x4070]  }
0x2ba: {  	v13 =	vmul.f32 v16, v13;
	v14 =	vld [tilespmem:s26+$0xA070]  }
0x2bb: {  	v12 =	vshll.u32 v12, $0x4;
	v15 =	vld [tilespmem:s26+$0x16020]  }
0x2bc: {  	v12 =	vor.u32 v1, v12;
	v16 =	vld [tilespmem:s26+$0x10070]  }
0x2bd: {  	v17 =	vld [tilespmem:s26+$0x16040];
	v10 =	vshll.u32 v10, $0x4  }
0x2be: {  	v18 =	vld [tilespmem:s26+$0x10000];
	v10 =	vor.u32 v1, v10  }
0x2bf: {  	v19 =	vld [tilespmem:s26+$0x10020];
	v11 =	vmul.f32 v14, v11  }
0x2c0: {  	v14 =	vshll.u32 v15, $0x4;
	v15 =	vld [tilespmem:s26+$0x10040]  }
0x2c1: {  	v14 =	vor.u32 v1, v14;
	v11 =	vmul.f32 v16, v11;
	[tilespmem:v9+s21+$0x0] =	vst.idx.add.f32.msk $0xffff, v2  }
0x2c2: {  	v2 =	vshll.u32 v17, $0x4;
	[tilespmem:v8+s21+$0x0] =	vst.idx.add.f32.msk $0xffff, v3  }
0x2c3: {  	v3 =	vmul.f32 v18, v7;
	v2 =	vor.u32 v1, v2;
	[tilespmem:v10+s21+$0x0] =	vst.idx.add.f32.msk $0xffff, v11  }
0x2c4: {  	v6 =	vmul.f32 v19, v6;
	[tilespmem:v5+s21+$0x0] =	vst.idx.add.f32.msk $0xffff, v4  }
0x2c5: {  	[tilespmem:v12+s20+$0x0] =	vst.idx.add.f32.msk $0xffff, v3;
	v3 =	vmul.f32 v15, v13  }
0x2c6: {  	[tilespmem:v14+s20+$0x0] =	vst.idx.add.f32.msk $0xffff, v6  }
0x2c7: {  	v4 =	vld [tilespmem:s26+$0x4010]  }
0x2c8: {  	[tilespmem:v2+s20+$0x0] =	vst.idx.add.f32.msk $0xffff, v3  }
0x2c9: {  	v2 =	vld [tilespmem:s26+$0xA010]  }
0x2ca: {  	v3 =	vld [tilespmem:s26+$0x4030]  }
0x2cb: {  	v5 =	vld [tilespmem:s26+$0xA030]  }
0x2cc: {  	v10 =	vld [tilespmem:s26+$0x4050]  }
0x2cd: {  	v11 =	vld [tilespmem:s26+$0xA050]  }
.Ltmp6:
0x2ce: {  	v9 =	vld [tilespmem:s26+$0x16010];
	v2 =	vmul.f32 v2, v4;
	(pc) =	sbr.rel @p0 .LBB2_14-.Ltmp6, $4  }
0x2cf: {  	v8 =	vld [tilespmem:s26+$0x16030]  }
0x2d0: {  	v3 =	vmul.f32 v5, v3;
	v7 =	vld [tilespmem:s26+$0x16050]  }
0x2d1: {  	v5 =	vld [tilespmem:s26+$0x10010]  }
0x2d2: {  	s0 =	sadd.s32 $0x200, s0;
	v6 =	vld [tilespmem:s26+$0x10030];
	v4 =	vmul.f32 v11, v10  }
0x2d3: {  	v9 =	vshll.u32 v9, $0x4  }
0x2d4: {  	v10 =	vld [tilespmem:s26+$0x10050];
	v9 =	vor.u32 v1, v9;
	v8 =	vshll.u32 v8, $0x4  }
0x2d5: {  	v8 =	vor.u32 v1, v8;
	v7 =	vshll.u32 v7, $0x4  }
0x2d6: {  	v7 =	vor.u32 v1, v7  }
0x2d7: {  	v2 =	vmul.f32 v5, v2  }
0x2d8: {  	v3 =	vmul.f32 v6, v3  }
0x2d9: {  	v4 =	vmul.f32 v10, v4;
	[tilespmem:v9+s21+$0x0] =	vst.idx.add.f32.msk $0xffff, v2  }
0x2da: {  	[tilespmem:v8+s21+$0x0] =	vst.idx.add.f32.msk $0xffff, v3  }
0x2db: {  	[tilespmem:v7+s21+$0x0] =	vst.idx.add.f32.msk $0xffff, v4  }
0x2dc: {  	_ =	swait.ge [sflag:s15], $0x2000  }
0x2dd: {  	[sflag:s15] =	ssyncset.done $0x0  }
0x2de: {  	[sflag:s15] =	ssyncadd.s32 $0xFFFFE000  }
0x2df: {  	_ =	swait.ge [sflag:s15], $0x2000  }
0x2e0: {  	[sflag:s15] =	ssyncset.done $0x0  }
0x2e1: {  	[sflag:s15] =	ssyncadd.s32 $0xFFFFE000  }
0x2e2: {  	_ =	swait.ge [sflag:s15], $0x2000  }
0x2e3: {  	[sflag:s15] =	ssyncset.done $0x0  }
0x2e4: {  	[sflag:s15] =	ssyncadd.s32 $0xFFFFE000  }
0x2e5: {  	_ =	swait.ge [sflag:s15], $0x2000  }
0x2e6: {  	s0 =	sld [smem:$0x7DE]  }
0x2e7: {  	[sflag:s15] =	ssyncset.done $0x0  }
0x2e8: {  	s26 =	sld [smem:$0x7DF];
	[sflag:s15] =	ssyncadd.s32 $0xFFFFE000  }
0x2e9: {  	[tilespmem:s16], [sflag:$0x3] =	stream.linear.gather [hbm4b:s0+s1], $0x2000, $0x38;
	[tilespmem:$0x1C200] =	vst v63  }
0x2ea: {  	s31 =	sld [smem:$0x7E0]  }
0x2eb: {  	[tilespmem:s17], [sflag:$0x3] =	stream.linear.gather [hbm4b:s26+s1], $0x2000, $0x38;
	[tilespmem:$0x1C200] =	vst v63  }
0x2ec: {  	s26 =	sld [smem:$0x7E1]  }
0x2ed: {  	[tilespmem:s18], [sflag:$0x3] =	stream.linear.gather [hbm4b:s31+s1], $0x2000, $0x38;
	[tilespmem:$0x1C200] =	vst v63  }
0x2ee: {  	s31 =	simm.s32 $0x12040  }
0x2ef: {  	[tilespmem:s19], [sflag:$0x3] =	stream.linear.gather [hbm4b:s26+s1], $0x2000, $0x38;
	[tilespmem:$0x1C200] =	vst v63  }
0x2f0: {  	s26 =	simm.s32 $0x40;
	v2 =	vld [tilespmem:s31+$0x20]  }
0x2f1: {  	s28 =	simm.s32 $0x6040;
	v3 =	vld [tilespmem:s26+$0x20]  }
0x2f2: {  	v4 =	vld [tilespmem:s28+$0x20]  }
0x2f3: {  	s29 =	simm.s32 $0xC040;
	v5 =	vld [tilespmem:s28+$0xFFFFFFC0]  }
0x2f4: {  	v6 =	vld [tilespmem:s29+$0x20]  }
0x2f5: {  	v7 =	vld [tilespmem:s26+$0xFFFFFFE0]  }
0x2f6: {  	v8 =	vld [tilespmem:s28+$0xFFFFFFE0];
	v2 =	vshll.u32 v2, $0x4  }
0x2f7: {  	v9 =	vld [tilespmem:s26+$0x0];
	v2 =	vor.u32 v1, v2  }
0x2f8: {  	v10 =	vld [tilespmem:s26+$0xFFFFFFC0];
	v3 =	vmul.f32 v4, v3  }
0x2f9: {  	v12 =	vld [tilespmem:s31+$0xFFFFFFE0]  }
0x2fa: {  	v14 =	vld [tilespmem:s31+$0x0];
	v3 =	vmul.f32 v6, v3  }
0x2fb: {  	v6 =	vld [tilespmem:s31+$0xFFFFFFC0]  }
0x2fc: {  	[tilespmem:v2+s20+$0x0] =	vst.idx.add.f32.msk $0xffff, v3  }
0x2fd: {  	v2 =	vld [tilespmem:s31+$0x30]  }
0x2fe: {  	v3 =	vld [tilespmem:s26+$0x30]  }
0x2ff: {  	v11 =	vld [tilespmem:s28+$0x30]  }
0x300: {  	v15 =	vld [tilespmem:s29+$0xFFFFFFC0]  }
0x301: {  	v13 =	vld [tilespmem:s29+$0x30];
	v6 =	vshll.u32 v6, $0x4  }
0x302: {  	v16 =	vld [tilespmem:s29+$0xFFFFFFE0];
	v6 =	vor.u32 v1, v6;
	v2 =	vshll.u32 v2, $0x4  }
0x303: {  	v4 =	vld [tilespmem:s28+$0x0];
	v5 =	vmul.f32 v5, v10;
	v2 =	vor.u32 v1, v2  }
0x304: {  	v3 =	vmul.f32 v11, v3;
	v11 =	vshll.u32 v12, $0x4  }
0x305: {  	v10 =	vld [tilespmem:s29+$0x0];
	v5 =	vmul.f32 v15, v5;
	v11 =	vor.u32 v1, v11  }
0x306: {  	v7 =	vmul.f32 v8, v7;
	v8 =	vshll.u32 v14, $0x4;
	v3 =	vmul.f32 v13, v3  }
0x307: {  	v8 =	vor.u32 v1, v8;
	[tilespmem:v6+s20+$0x0] =	vst.idx.add.f32.msk $0xffff, v5  }
0x308: {  	v4 =	vmul.f32 v4, v9;
	[tilespmem:v2+s21+$0x0] =	vst.idx.add.f32.msk $0xffff, v3;
	v2 =	vmul.f32 v16, v7  }
0x309: {  	v63 =	vld [tilespmem:s31+$0xFFFFFFD0]  }
0x30a: {  	v3 =	vmul.f32 v10, v4;
	[tilespmem:v11+s20+$0x0] =	vst.idx.add.f32.msk $0xffff, v2  }
0x30b: {  	v2 =	vld [tilespmem:s26+$0xFFFFFFD0]  }
0x30c: {  	[tilespmem:v8+s20+$0x0] =	vst.idx.add.f32.msk $0xffff, v3  }
0x30d: {  	v3 =	vld [tilespmem:s28+$0xFFFFFFD0]  }
0x30e: {  	v4 =	vld [tilespmem:s26+$0xFFFFFFF0]  }
0x30f: {  	v8 =	vld [tilespmem:s28+$0xFFFFFFF0]  }
0x310: {  	v10 =	vld [tilespmem:s26+$0x10]  }
0x311: {  	v11 =	vld [tilespmem:s28+$0x10]  }
0x312: {  	v9 =	vld [tilespmem:s31+$0xFFFFFFF0]  }
0x313: {  	v7 =	vld [tilespmem:s31+$0x10]  }
0x314: {  	v6 =	vld [tilespmem:s29+$0xFFFFFFD0]  }
0x315: {  	v5 =	vld [tilespmem:s29+$0xFFFFFFF0];
	v2 =	vmul.f32 v3, v2  }
0x316: {  	s30 =	simm.s32 $0x0;
	s0 =	simm.s32 $0x120C0;
	v3 =	vmul.f32 v8, v4;
	v4 =	vmul.f32 v11, v10;
	v10 =	vshll.u32 v63, $0x4;
	v8 =	vld [tilespmem:s29+$0x10]  }
.LBB2_16:
0x317: {  	v11 =	vld [tilespmem:s0+$0x20];
	s30 =	sadd.s32 $0x4, s30;
	v10 =	vor.u32 v1, v10;
	v9 =	vshll.u32 v9, $0x4;
	s26 =	sadd.s32 $0x80, s26  }
0x318: {  	s28 =	sadd.s32 $0x80, s28;
	v12 =	vld [tilespmem:s26+$0x20];
	p0 =	slt.u32 s30, $0xFC;
	v9 =	vor.u32 v1, v9;
	v7 =	vshll.u32 v7, $0x4  }
0x319: {  	v13 =	vld [tilespmem:s28+$0x20];
	v2 =	vmul.f32 v6, v2;
	v6 =	vor.u32 v1, v7  }
0x31a: {  	s29 =	sadd.s32 $0x80, s29;
	v7 =	vld [tilespmem:s28+$0xFFFFFFC0];
	v3 =	vmul.f32 v5, v3  }
0x31b: {  	v5 =	vld [tilespmem:s29+$0x20];
	v4 =	vmul.f32 v8, v4  }
0x31c: {  	v8 =	vld [tilespmem:s26+$0xFFFFFFE0];
	v11 =	vshll.u32 v11, $0x4  }
0x31d: {  	v14 =	vld [tilespmem:s28+$0xFFFFFFE0];
	v11 =	vor.u32 v1, v11  }
0x31e: {  	v15 =	vld [tilespmem:s26+$0x0];
	v12 =	vmul.f32 v13, v12  }
0x31f: {  	v13 =	vld [tilespmem:s28+$0x0]  }
0x320: {  	v16 =	vld [tilespmem:s26+$0xFFFFFFC0];
	v5 =	vmul.f32 v5, v12  }
0x321: {  	v12 =	vld [tilespmem:s0+$0xFFFFFFC0]  }
0x322: {  	v8 =	vmul.f32 v14, v8;
	[tilespmem:v11+s20+$0x0] =	vst.idx.add.f32.msk $0xffff, v5  }
0x323: {  	v5 =	vld [tilespmem:s0+$0x30]  }
0x324: {  	v11 =	vmul.f32 v13, v15;
	v13 =	vld [tilespmem:s26+$0x30]  }
0x325: {  	v7 =	vmul.f32 v7, v16;
	v14 =	vld [tilespmem:s28+$0x30]  }
0x326: {  	v12 =	vshll.u32 v12, $0x4;
	v15 =	vld [tilespmem:s0+$0xFFFFFFE0]  }
0x327: {  	v12 =	vor.u32 v1, v12;
	v16 =	vld [tilespmem:s29+$0x30]  }
0x328: {  	v17 =	vld [tilespmem:s0+$0x0];
	v5 =	vshll.u32 v5, $0x4  }
0x329: {  	v18 =	vld [tilespmem:s29+$0xFFFFFFC0];
	v5 =	vor.u32 v1, v5  }
0x32a: {  	v19 =	vld [tilespmem:s29+$0xFFFFFFE0];
	v13 =	vmul.f32 v14, v13  }
0x32b: {  	v14 =	vshll.u32 v15, $0x4;
	v15 =	vld [tilespmem:s29+$0x0]  }
0x32c: {  	v14 =	vor.u32 v1, v14;
	v13 =	vmul.f32 v16, v13;
	[tilespmem:v10+s21+$0x0] =	vst.idx.add.f32.msk $0xffff, v2  }
0x32d: {  	v2 =	vshll.u32 v17, $0x4;
	[tilespmem:v9+s21+$0x0] =	vst.idx.add.f32.msk $0xffff, v3  }
0x32e: {  	v3 =	vmul.f32 v18, v7;
	v2 =	vor.u32 v1, v2;
	[tilespmem:v5+s21+$0x0] =	vst.idx.add.f32.msk $0xffff, v13  }
0x32f: {  	v5 =	vmul.f32 v19, v8;
	[tilespmem:v6+s21+$0x0] =	vst.idx.add.f32.msk $0xffff, v4  }
0x330: {  	[tilespmem:v12+s20+$0x0] =	vst.idx.add.f32.msk $0xffff, v3;
	v3 =	vmul.f32 v15, v11  }
0x331: {  	[tilespmem:v14+s20+$0x0] =	vst.idx.add.f32.msk $0xffff, v5  }
0x332: {  	v4 =	vld [tilespmem:s26+$0xFFFFFFD0]  }
0x333: {  	[tilespmem:v2+s20+$0x0] =	vst.idx.add.f32.msk $0xffff, v3  }
0x334: {  	v2 =	vld [tilespmem:s28+$0xFFFFFFD0]  }
0x335: {  	v3 =	vld [tilespmem:s26+$0xFFFFFFF0]  }
0x336: {  	v5 =	vld [tilespmem:s28+$0xFFFFFFF0]  }
0x337: {  	v8 =	vld [tilespmem:s26+$0x10]  }
0x338: {  	v10 =	vld [tilespmem:s28+$0x10]  }
0x339: {  	v11 =	vld [tilespmem:s0+$0xFFFFFFD0];
	v2 =	vmul.f32 v2, v4  }
.Ltmp7:
0x33a: {  	v9 =	vld [tilespmem:s0+$0xFFFFFFF0];
	(pc) =	sbr.rel @p0 .LBB2_16-.Ltmp7, $4  }
0x33b: {  	v3 =	vmul.f32 v5, v3;
	v7 =	vld [tilespmem:s0+$0x10]  }
0x33c: {  	v6 =	vld [tilespmem:s29+$0xFFFFFFD0]  }
0x33d: {  	v5 =	vld [tilespmem:s29+$0xFFFFFFF0];
	v4 =	vmul.f32 v10, v8  }
0x33e: {  	s0 =	sadd.s32 $0x80, s0;
	v10 =	vshll.u32 v11, $0x4;
	v8 =	vld [tilespmem:s29+$0x10]  }
0x33f: {  	v10 =	vor.u32 v1, v10;
	v9 =	vshll.u32 v9, $0x4  }
0x340: {  	v9 =	vor.u32 v1, v9;
	v7 =	vshll.u32 v7, $0x4  }
0x341: {  	v7 =	vor.u32 v1, v7  }
0x342: {  	v2 =	vmul.f32 v6, v2  }
0x343: {  	v3 =	vmul.f32 v5, v3  }
0x344: {  	v4 =	vmul.f32 v8, v4;
	[tilespmem:v10+s21+$0x0] =	vst.idx.add.f32.msk $0xffff, v2  }
0x345: {  	[tilespmem:v9+s21+$0x0] =	vst.idx.add.f32.msk $0xffff, v3  }
0x346: {  	[tilespmem:v7+s21+$0x0] =	vst.idx.add.f32.msk $0xffff, v4  }
0x347: {  	_ =	swait.ge [sflag:s22], $0x2000  }
0x348: {  	[sflag:s22] =	ssyncset.done $0x0  }
0x349: {  	[sflag:s22] =	ssyncadd.s32 $0xFFFFE000  }
0x34a: {  	_ =	swait.ge [sflag:s22], $0x2000  }
0x34b: {  	[sflag:s22] =	ssyncset.done $0x0  }
0x34c: {  	[sflag:s22] =	ssyncadd.s32 $0xFFFFE000  }
0x34d: {  	_ =	swait.ge [sflag:s22], $0x2000  }
0x34e: {  	[sflag:s22] =	ssyncset.done $0x0  }
0x34f: {  	[sflag:s22] =	ssyncadd.s32 $0xFFFFE000  }
0x350: {  	_ =	swait.ge [sflag:s22], $0x2000  }
0x351: {  	s0 =	sld [smem:$0x7E2]  }
0x352: {  	[sflag:s22] =	ssyncset.done $0x0  }
0x353: {  	s26 =	sld [smem:$0x7E3];
	[sflag:s22] =	ssyncadd.s32 $0xFFFFE000  }
0x354: {  	[tilespmem:s1], [sflag:$0x1] =	stream.linear.gather [hbm4b:s0+s1], $0x2000, $0x38;
	[tilespmem:$0x1C200] =	vst v63  }
0x355: {  	s31 =	sld [smem:$0x7E4]  }
0x356: {  	[tilespmem:s8], [sflag:$0x1] =	stream.linear.gather [hbm4b:s26+s1], $0x2000, $0x38;
	[tilespmem:$0x1C200] =	vst v63  }
0x357: {  	s26 =	sld [smem:$0x7E5]  }
0x358: {  	[tilespmem:s9], [sflag:$0x1] =	stream.linear.gather [hbm4b:s31+s1], $0x2000, $0x38;
	[tilespmem:$0x1C200] =	vst v63  }
0x359: {  	s31 =	simm.s32 $0x14070  }
0x35a: {  	[tilespmem:s10], [sflag:$0x1] =	stream.linear.gather [hbm4b:s26+s1], $0x2000, $0x38;
	[tilespmem:$0x1C200] =	vst v63  }
0x35b: {  	s26 =	simm.s32 $0x2070;
	v2 =	vld [tilespmem:s31+$0xFFFFFFF0]  }
0x35c: {  	s28 =	simm.s32 $0x8070;
	v3 =	vld [tilespmem:s26+$0xFFFFFFF0]  }
0x35d: {  	v4 =	vld [tilespmem:s28+$0xFFFFFFF0]  }
0x35e: {  	s29 =	simm.s32 $0xE070;
	v5 =	vld [tilespmem:s28+$0xFFFFFF90]  }
0x35f: {  	v6 =	vld [tilespmem:s29+$0xFFFFFFF0]  }
0x360: {  	v7 =	vld [tilespmem:s26+$0xFFFFFFB0]  }
0x361: {  	v8 =	vld [tilespmem:s28+$0xFFFFFFB0];
	v2 =	vshll.u32 v2, $0x4  }
0x362: {  	v9 =	vld [tilespmem:s26+$0xFFFFFFD0];
	v2 =	vor.u32 v1, v2  }
0x363: {  	v10 =	vld [tilespmem:s26+$0xFFFFFF90];
	v3 =	vmul.f32 v4, v3  }
0x364: {  	v12 =	vld [tilespmem:s31+$0xFFFFFFB0]  }
0x365: {  	v14 =	vld [tilespmem:s31+$0xFFFFFFD0];
	v3 =	vmul.f32 v6, v3  }
0x366: {  	v6 =	vld [tilespmem:s31+$0xFFFFFF90]  }
0x367: {  	[tilespmem:v2+s20+$0x0] =	vst.idx.add.f32.msk $0xffff, v3  }
0x368: {  	v2 =	vld [tilespmem:s31+$0x0]  }
0x369: {  	v3 =	vld [tilespmem:s26+$0x0]  }
0x36a: {  	v11 =	vld [tilespmem:s28+$0x0]  }
0x36b: {  	v15 =	vld [tilespmem:s29+$0xFFFFFF90]  }
0x36c: {  	v13 =	vld [tilespmem:s29+$0x0];
	v6 =	vshll.u32 v6, $0x4  }
0x36d: {  	v16 =	vld [tilespmem:s29+$0xFFFFFFB0];
	v6 =	vor.u32 v1, v6;
	v2 =	vshll.u32 v2, $0x4  }
0x36e: {  	v4 =	vld [tilespmem:s28+$0xFFFFFFD0];
	v5 =	vmul.f32 v5, v10;
	v2 =	vor.u32 v1, v2  }
0x36f: {  	v3 =	vmul.f32 v11, v3;
	v11 =	vshll.u32 v12, $0x4  }
0x370: {  	v10 =	vld [tilespmem:s29+$0xFFFFFFD0];
	v5 =	vmul.f32 v15, v5;
	v11 =	vor.u32 v1, v11  }
0x371: {  	v7 =	vmul.f32 v8, v7;
	v8 =	vshll.u32 v14, $0x4;
	v3 =	vmul.f32 v13, v3  }
0x372: {  	v8 =	vor.u32 v1, v8;
	[tilespmem:v6+s20+$0x0] =	vst.idx.add.f32.msk $0xffff, v5  }
0x373: {  	v4 =	vmul.f32 v4, v9;
	[tilespmem:v2+s21+$0x0] =	vst.idx.add.f32.msk $0xffff, v3;
	v2 =	vmul.f32 v16, v7  }
0x374: {  	v63 =	vld [tilespmem:s31+$0xFFFFFFA0]  }
0x375: {  	v3 =	vmul.f32 v10, v4;
	[tilespmem:v11+s20+$0x0] =	vst.idx.add.f32.msk $0xffff, v2  }
0x376: {  	v2 =	vld [tilespmem:s26+$0xFFFFFFA0]  }
0x377: {  	[tilespmem:v8+s20+$0x0] =	vst.idx.add.f32.msk $0xffff, v3  }
0x378: {  	v3 =	vld [tilespmem:s28+$0xFFFFFFA0]  }
0x379: {  	v4 =	vld [tilespmem:s26+$0xFFFFFFC0]  }
0x37a: {  	v8 =	vld [tilespmem:s28+$0xFFFFFFC0]  }
0x37b: {  	v10 =	vld [tilespmem:s26+$0xFFFFFFE0]  }
0x37c: {  	v11 =	vld [tilespmem:s28+$0xFFFFFFE0]  }
0x37d: {  	v9 =	vld [tilespmem:s31+$0xFFFFFFC0]  }
0x37e: {  	v7 =	vld [tilespmem:s31+$0xFFFFFFE0]  }
0x37f: {  	v6 =	vld [tilespmem:s29+$0xFFFFFFA0]  }
0x380: {  	v5 =	vld [tilespmem:s29+$0xFFFFFFC0];
	v2 =	vmul.f32 v3, v2  }
0x381: {  	s30 =	simm.s32 $0x0;
	s0 =	simm.s32 $0x140F0;
	v3 =	vmul.f32 v8, v4;
	v4 =	vmul.f32 v11, v10;
	v10 =	vshll.u32 v63, $0x4;
	v8 =	vld [tilespmem:s29+$0xFFFFFFE0]  }
.LBB2_18:
0x382: {  	v11 =	vld [tilespmem:s0+$0xFFFFFFF0];
	s30 =	sadd.s32 $0x4, s30;
	v10 =	vor.u32 v1, v10;
	v9 =	vshll.u32 v9, $0x4;
	s26 =	sadd.s32 $0x80, s26  }
0x383: {  	s28 =	sadd.s32 $0x80, s28;
	v12 =	vld [tilespmem:s26+$0xFFFFFFF0];
	p0 =	slt.u32 s30, $0xFC;
	v9 =	vor.u32 v1, v9;
	v7 =	vshll.u32 v7, $0x4  }
0x384: {  	v13 =	vld [tilespmem:s28+$0xFFFFFFF0];
	v2 =	vmul.f32 v6, v2;
	v6 =	vor.u32 v1, v7  }
0x385: {  	s29 =	sadd.s32 $0x80, s29;
	v7 =	vld [tilespmem:s28+$0xFFFFFF90];
	v3 =	vmul.f32 v5, v3  }
0x386: {  	v5 =	vld [tilespmem:s29+$0xFFFFFFF0];
	v4 =	vmul.f32 v8, v4  }
0x387: {  	v8 =	vld [tilespmem:s26+$0xFFFFFFB0];
	v11 =	vshll.u32 v11, $0x4  }
0x388: {  	v14 =	vld [tilespmem:s28+$0xFFFFFFB0];
	v11 =	vor.u32 v1, v11  }
0x389: {  	v15 =	vld [tilespmem:s26+$0xFFFFFFD0];
	v12 =	vmul.f32 v13, v12  }
0x38a: {  	v13 =	vld [tilespmem:s28+$0xFFFFFFD0]  }
0x38b: {  	v16 =	vld [tilespmem:s26+$0xFFFFFF90];
	v5 =	vmul.f32 v5, v12  }
0x38c: {  	v12 =	vld [tilespmem:s0+$0xFFFFFF90]  }
0x38d: {  	v8 =	vmul.f32 v14, v8;
	[tilespmem:v11+s20+$0x0] =	vst.idx.add.f32.msk $0xffff, v5  }
0x38e: {  	v5 =	vld [tilespmem:s0+$0x0]  }
0x38f: {  	v11 =	vmul.f32 v13, v15;
	v13 =	vld [tilespmem:s26+$0x0]  }
0x390: {  	v7 =	vmul.f32 v7, v16;
	v14 =	vld [tilespmem:s28+$0x0]  }
0x391: {  	v12 =	vshll.u32 v12, $0x4;
	v15 =	vld [tilespmem:s0+$0xFFFFFFB0]  }
0x392: {  	v12 =	vor.u32 v1, v12;
	v16 =	vld [tilespmem:s29+$0x0]  }
0x393: {  	v17 =	vld [tilespmem:s0+$0xFFFFFFD0];
	v5 =	vshll.u32 v5, $0x4  }
0x394: {  	v18 =	vld [tilespmem:s29+$0xFFFFFF90];
	v5 =	vor.u32 v1, v5  }
0x395: {  	v19 =	vld [tilespmem:s29+$0xFFFFFFB0];
	v13 =	vmul.f32 v14, v13  }
0x396: {  	v14 =	vshll.u32 v15, $0x4;
	v15 =	vld [tilespmem:s29+$0xFFFFFFD0]  }
0x397: {  	v14 =	vor.u32 v1, v14;
	v13 =	vmul.f32 v16, v13;
	[tilespmem:v10+s21+$0x0] =	vst.idx.add.f32.msk $0xffff, v2  }
0x398: {  	v2 =	vshll.u32 v17, $0x4;
	[tilespmem:v9+s21+$0x0] =	vst.idx.add.f32.msk $0xffff, v3  }
0x399: {  	v3 =	vmul.f32 v18, v7;
	v2 =	vor.u32 v1, v2;
	[tilespmem:v5+s21+$0x0] =	vst.idx.add.f32.msk $0xffff, v13  }
0x39a: {  	v5 =	vmul.f32 v19, v8;
	[tilespmem:v6+s21+$0x0] =	vst.idx.add.f32.msk $0xffff, v4  }
0x39b: {  	[tilespmem:v12+s20+$0x0] =	vst.idx.add.f32.msk $0xffff, v3;
	v3 =	vmul.f32 v15, v11  }
0x39c: {  	[tilespmem:v14+s20+$0x0] =	vst.idx.add.f32.msk $0xffff, v5  }
0x39d: {  	v4 =	vld [tilespmem:s26+$0xFFFFFFA0]  }
0x39e: {  	[tilespmem:v2+s20+$0x0] =	vst.idx.add.f32.msk $0xffff, v3  }
0x39f: {  	v2 =	vld [tilespmem:s28+$0xFFFFFFA0]  }
0x3a0: {  	v3 =	vld [tilespmem:s26+$0xFFFFFFC0]  }
0x3a1: {  	v5 =	vld [tilespmem:s28+$0xFFFFFFC0]  }
0x3a2: {  	v8 =	vld [tilespmem:s26+$0xFFFFFFE0]  }
0x3a3: {  	v10 =	vld [tilespmem:s28+$0xFFFFFFE0]  }
0x3a4: {  	v11 =	vld [tilespmem:s0+$0xFFFFFFA0];
	v2 =	vmul.f32 v2, v4  }
.Ltmp8:
0x3a5: {  	v9 =	vld [tilespmem:s0+$0xFFFFFFC0];
	(pc) =	sbr.rel @p0 .LBB2_18-.Ltmp8, $4  }
0x3a6: {  	v3 =	vmul.f32 v5, v3;
	v7 =	vld [tilespmem:s0+$0xFFFFFFE0]  }
0x3a7: {  	v6 =	vld [tilespmem:s29+$0xFFFFFFA0]  }
0x3a8: {  	v5 =	vld [tilespmem:s29+$0xFFFFFFC0];
	v4 =	vmul.f32 v10, v8  }
0x3a9: {  	s0 =	sadd.s32 $0x80, s0;
	v10 =	vshll.u32 v11, $0x4;
	v8 =	vld [tilespmem:s29+$0xFFFFFFE0]  }
0x3aa: {  	v10 =	vor.u32 v1, v10;
	v9 =	vshll.u32 v9, $0x4  }
0x3ab: {  	v9 =	vor.u32 v1, v9;
	v7 =	vshll.u32 v7, $0x4  }
0x3ac: {  	v7 =	vor.u32 v1, v7  }
0x3ad: {  	v2 =	vmul.f32 v6, v2  }
0x3ae: {  	v3 =	vmul.f32 v5, v3  }
0x3af: {  	v4 =	vmul.f32 v8, v4;
	[tilespmem:v10+s21+$0x0] =	vst.idx.add.f32.msk $0xffff, v2  }
0x3b0: {  	[tilespmem:v9+s21+$0x0] =	vst.idx.add.f32.msk $0xffff, v3  }
0x3b1: {  	[tilespmem:v7+s21+$0x0] =	vst.idx.add.f32.msk $0xffff, v4  }
0x3b2: {  	_ =	swait.ge [sflag:s23], $0x2000  }
0x3b3: {  	[sflag:s23] =	ssyncset.done $0x0  }
0x3b4: {  	[sflag:s23] =	ssyncadd.s32 $0xFFFFE000  }
0x3b5: {  	_ =	swait.ge [sflag:s23], $0x2000  }
0x3b6: {  	[sflag:s23] =	ssyncset.done $0x0  }
0x3b7: {  	[sflag:s23] =	ssyncadd.s32 $0xFFFFE000  }
0x3b8: {  	_ =	swait.ge [sflag:s23], $0x2000  }
0x3b9: {  	[sflag:s23] =	ssyncset.done $0x0  }
0x3ba: {  	[sflag:s23] =	ssyncadd.s32 $0xFFFFE000  }
0x3bb: {  	_ =	swait.ge [sflag:s23], $0x2000  }
0x3bc: {  	s26 =	sld [smem:$0x7E6]  }
0x3bd: {  	[sflag:s23] =	ssyncset.done $0x0  }
0x3be: {  	s0 =	simm.s32 $0x0;
	s29 =	sld [smem:$0x7E7];
	[sflag:s23] =	ssyncadd.s32 $0xFFFFE000  }
0x3bf: {  	[tilespmem:s11], [sflag:$0x2] =	stream.linear.gather [hbm4b:s26+s0], $0x2000, $0x38;
	[tilespmem:$0x1C200] =	vst v63  }
0x3c0: {  	s30 =	sld [smem:$0x7E8]  }
0x3c1: {  	[tilespmem:s12], [sflag:$0x2] =	stream.linear.gather [hbm4b:s29+s0], $0x2000, $0x38;
	[tilespmem:$0x1C200] =	vst v63  }
0x3c2: {  	s31 =	sld [smem:$0x7E9]  }
0x3c3: {  	[tilespmem:s13], [sflag:$0x2] =	stream.linear.gather [hbm4b:s30+s0], $0x2000, $0x38;
	[tilespmem:$0x1C200] =	vst v63  }
0x3c4: {  	s26 =	simm.s32 $0x0  }
0x3c5: {  	[tilespmem:s14], [sflag:$0x2] =	stream.linear.gather [hbm4b:s31+s0], $0x2000, $0x38;
	[tilespmem:$0x1C200] =	vst v63  }
0x3c6: {  	v2 =	vld [tilespmem:s26+$0x16060]  }
0x3c7: {  	v3 =	vld [tilespmem:s26+$0x4060]  }
0x3c8: {  	v4 =	vld [tilespmem:s26+$0xA060]  }
0x3c9: {  	v5 =	vld [tilespmem:s26+$0x4000]  }
0x3ca: {  	v6 =	vld [tilespmem:s26+$0x10060]  }
0x3cb: {  	v7 =	vld [tilespmem:s26+$0xA000]  }
0x3cc: {  	v8 =	vld [tilespmem:s26+$0x4020];
	v2 =	vshll.u32 v2, $0x4  }
0x3cd: {  	v9 =	vld [tilespmem:s26+$0xA020];
	v2 =	vor.u32 v1, v2  }
0x3ce: {  	v10 =	vld [tilespmem:s26+$0xA040];
	v3 =	vmul.f32 v4, v3  }
0x3cf: {  	v12 =	vld [tilespmem:s26+$0x16020]  }
0x3d0: {  	v14 =	vld [tilespmem:s26+$0x16040];
	v3 =	vmul.f32 v6, v3  }
0x3d1: {  	v6 =	vld [tilespmem:s26+$0x16000]  }
0x3d2: {  	[tilespmem:v2+s20+$0x0] =	vst.idx.add.f32.msk $0xffff, v3  }
0x3d3: {  	v2 =	vld [tilespmem:s26+$0x16070]  }
0x3d4: {  	v3 =	vld [tilespmem:s26+$0x4070]  }
0x3d5: {  	v11 =	vld [tilespmem:s26+$0xA070]  }
0x3d6: {  	v15 =	vld [tilespmem:s26+$0x10000]  }
0x3d7: {  	v13 =	vld [tilespmem:s26+$0x10070]  }
0x3d8: {  	v16 =	vld [tilespmem:s26+$0x10020];
	v2 =	vshll.u32 v2, $0x4  }
0x3d9: {  	v4 =	vld [tilespmem:s26+$0x4040];
	v6 =	vshll.u32 v6, $0x4;
	v2 =	vor.u32 v1, v2  }
0x3da: {  	v6 =	vor.u32 v1, v6;
	v3 =	vmul.f32 v11, v3;
	v11 =	vshll.u32 v12, $0x4  }
0x3db: {  	v5 =	vmul.f32 v7, v5;
	v7 =	vld [tilespmem:s26+$0x10040];
	v11 =	vor.u32 v1, v11  }
0x3dc: {  	v8 =	vmul.f32 v9, v8;
	v9 =	vshll.u32 v14, $0x4;
	v3 =	vmul.f32 v13, v3  }
0x3dd: {  	v9 =	vor.u32 v1, v9;
	v5 =	vmul.f32 v15, v5  }
0x3de: {  	v4 =	vmul.f32 v10, v4;
	[tilespmem:v2+s21+$0x0] =	vst.idx.add.f32.msk $0xffff, v3;
	v2 =	vmul.f32 v16, v8  }
0x3df: {  	[tilespmem:v6+s20+$0x0] =	vst.idx.add.f32.msk $0xffff, v5  }
0x3e0: {  	v3 =	vmul.f32 v7, v4;
	[tilespmem:v11+s20+$0x0] =	vst.idx.add.f32.msk $0xffff, v2  }
0x3e1: {  	v2 =	vld [tilespmem:s26+$0x4010]  }
0x3e2: {  	[tilespmem:v9+s20+$0x0] =	vst.idx.add.f32.msk $0xffff, v3  }
0x3e3: {  	v3 =	vld [tilespmem:s26+$0xA010]  }
0x3e4: {  	v4 =	vld [tilespmem:s26+$0x4030]  }
0x3e5: {  	v6 =	vld [tilespmem:s26+$0xA030]  }
0x3e6: {  	v10 =	vld [tilespmem:s26+$0x4050]  }
0x3e7: {  	v11 =	vld [tilespmem:s26+$0xA050]  }
0x3e8: {  	v9 =	vld [tilespmem:s26+$0x16010]  }
0x3e9: {  	v8 =	vld [tilespmem:s26+$0x16030]  }
0x3ea: {  	v7 =	vld [tilespmem:s26+$0x16050]  }
0x3eb: {  	v5 =	vld [tilespmem:s26+$0x10010];
	v2 =	vmul.f32 v3, v2  }
0x3ec: {  	s28 =	simm.s32 $0x0;
	s0 =	simm.s32 $0x200;
	v3 =	vmul.f32 v6, v4;
	v6 =	vld [tilespmem:s26+$0x10030];
	v4 =	vmul.f32 v11, v10  }
.LBB2_20:
0x3ed: {  	s28 =	sadd.s32 $0x4, s28;
	v9 =	vshll.u32 v9, $0x4;
	v10 =	vld [tilespmem:s26+$0x10050];
	s26 =	sshra.s32 s0, $0x2  }
0x3ee: {  	v11 =	vld [tilespmem:s26+$0x16060];
	p0 =	slt.u32 s28, $0xFC;
	v9 =	vor.u32 v1, v9;
	v8 =	vshll.u32 v8, $0x4  }
0x3ef: {  	v12 =	vld [tilespmem:s26+$0x4060];
	v8 =	vor.u32 v1, v8;
	v7 =	vshll.u32 v7, $0x4  }
0x3f0: {  	v13 =	vld [tilespmem:s26+$0xA060];
	v2 =	vmul.f32 v5, v2;
	v5 =	vor.u32 v1, v7  }
0x3f1: {  	v7 =	vld [tilespmem:s26+$0x4000];
	v3 =	vmul.f32 v6, v3  }
0x3f2: {  	v6 =	vld [tilespmem:s26+$0x10060];
	v4 =	vmul.f32 v10, v4  }
0x3f3: {  	v10 =	vld [tilespmem:s26+$0xA000];
	v11 =	vshll.u32 v11, $0x4  }
0x3f4: {  	v14 =	vld [tilespmem:s26+$0x4020];
	v11 =	vor.u32 v1, v11  }
0x3f5: {  	v15 =	vld [tilespmem:s26+$0xA020];
	v12 =	vmul.f32 v13, v12  }
0x3f6: {  	v13 =	vld [tilespmem:s26+$0x4040]  }
0x3f7: {  	v16 =	vld [tilespmem:s26+$0xA040];
	v6 =	vmul.f32 v6, v12  }
0x3f8: {  	v12 =	vld [tilespmem:s26+$0x16000];
	v7 =	vmul.f32 v10, v7  }
0x3f9: {  	[tilespmem:v11+s20+$0x0] =	vst.idx.add.f32.msk $0xffff, v6  }
0x3fa: {  	v6 =	vmul.f32 v15, v14;
	v10 =	vld [tilespmem:s26+$0x16070]  }
0x3fb: {  	v11 =	vld [tilespmem:s26+$0x4070]  }
0x3fc: {  	v13 =	vmul.f32 v16, v13;
	v14 =	vld [tilespmem:s26+$0xA070]  }
0x3fd: {  	v12 =	vshll.u32 v12, $0x4;
	v15 =	vld [tilespmem:s26+$0x16020]  }
0x3fe: {  	v12 =	vor.u32 v1, v12;
	v16 =	vld [tilespmem:s26+$0x10070]  }
0x3ff: {  	v17 =	vld [tilespmem:s26+$0x16040];
	v10 =	vshll.u32 v10, $0x4  }
0x400: {  	v18 =	vld [tilespmem:s26+$0x10000];
	v10 =	vor.u32 v1, v10  }
0x401: {  	v19 =	vld [tilespmem:s26+$0x10020];
	v11 =	vmul.f32 v14, v11  }
0x402: {  	v14 =	vshll.u32 v15, $0x4;
	v15 =	vld [tilespmem:s26+$0x10040]  }
0x403: {  	v14 =	vor.u32 v1, v14;
	v11 =	vmul.f32 v16, v11;
	[tilespmem:v9+s21+$0x0] =	vst.idx.add.f32.msk $0xffff, v2  }
0x404: {  	v2 =	vshll.u32 v17, $0x4;
	[tilespmem:v8+s21+$0x0] =	vst.idx.add.f32.msk $0xffff, v3  }
0x405: {  	v3 =	vmul.f32 v18, v7;
	v2 =	vor.u32 v1, v2;
	[tilespmem:v10+s21+$0x0] =	vst.idx.add.f32.msk $0xffff, v11  }
0x406: {  	v6 =	vmul.f32 v19, v6;
	[tilespmem:v5+s21+$0x0] =	vst.idx.add.f32.msk $0xffff, v4  }
0x407: {  	[tilespmem:v12+s20+$0x0] =	vst.idx.add.f32.msk $0xffff, v3;
	v3 =	vmul.f32 v15, v13  }
0x408: {  	[tilespmem:v14+s20+$0x0] =	vst.idx.add.f32.msk $0xffff, v6  }
0x409: {  	v4 =	vld [tilespmem:s26+$0x4010]  }
0x40a: {  	[tilespmem:v2+s20+$0x0] =	vst.idx.add.f32.msk $0xffff, v3  }
0x40b: {  	v2 =	vld [tilespmem:s26+$0xA010]  }
0x40c: {  	v3 =	vld [tilespmem:s26+$0x4030]  }
0x40d: {  	v5 =	vld [tilespmem:s26+$0xA030]  }
0x40e: {  	v10 =	vld [tilespmem:s26+$0x4050]  }
0x40f: {  	v11 =	vld [tilespmem:s26+$0xA050]  }
.Ltmp9:
0x410: {  	v9 =	vld [tilespmem:s26+$0x16010];
	v2 =	vmul.f32 v2, v4;
	(pc) =	sbr.rel @p0 .LBB2_20-.Ltmp9, $4  }
0x411: {  	v8 =	vld [tilespmem:s26+$0x16030]  }
0x412: {  	v3 =	vmul.f32 v5, v3;
	v7 =	vld [tilespmem:s26+$0x16050]  }
0x413: {  	v5 =	vld [tilespmem:s26+$0x10010]  }
0x414: {  	s0 =	sadd.s32 $0x200, s0;
	v6 =	vld [tilespmem:s26+$0x10030];
	v4 =	vmul.f32 v11, v10  }
0x415: {  	v9 =	vshll.u32 v9, $0x4  }
0x416: {  	v10 =	vld [tilespmem:s26+$0x10050];
	v9 =	vor.u32 v1, v9;
	v8 =	vshll.u32 v8, $0x4  }
0x417: {  	v8 =	vor.u32 v1, v8;
	v7 =	vshll.u32 v7, $0x4  }
0x418: {  	v7 =	vor.u32 v1, v7  }
0x419: {  	v2 =	vmul.f32 v5, v2  }
0x41a: {  	v3 =	vmul.f32 v6, v3  }
0x41b: {  	v4 =	vmul.f32 v10, v4;
	[tilespmem:v9+s21+$0x0] =	vst.idx.add.f32.msk $0xffff, v2  }
0x41c: {  	[tilespmem:v8+s21+$0x0] =	vst.idx.add.f32.msk $0xffff, v3  }
0x41d: {  	[tilespmem:v7+s21+$0x0] =	vst.idx.add.f32.msk $0xffff, v4  }
0x41e: {  	_ =	swait.ge [sflag:s15], $0x2000  }
0x41f: {  	[sflag:s15] =	ssyncset.done $0x0  }
0x420: {  	[sflag:s15] =	ssyncadd.s32 $0xFFFFE000  }
0x421: {  	_ =	swait.ge [sflag:s15], $0x2000  }
0x422: {  	[sflag:s15] =	ssyncset.done $0x0  }
0x423: {  	[sflag:s15] =	ssyncadd.s32 $0xFFFFE000  }
0x424: {  	_ =	swait.ge [sflag:s15], $0x2000  }
0x425: {  	[sflag:s15] =	ssyncset.done $0x0  }
0x426: {  	[sflag:s15] =	ssyncadd.s32 $0xFFFFE000  }
0x427: {  	_ =	swait.ge [sflag:s15], $0x2000  }
0x428: {  	s0 =	sld [smem:$0x7EA]  }
0x429: {  	[sflag:s15] =	ssyncset.done $0x0  }
0x42a: {  	s26 =	sld [smem:$0x7EB];
	[sflag:s15] =	ssyncadd.s32 $0xFFFFE000  }
0x42b: {  	[tilespmem:s16], [sflag:$0x3] =	stream.linear.gather [hbm4b:s0+s1], $0x2000, $0x38;
	[tilespmem:$0x1C200] =	vst v63  }
0x42c: {  	s31 =	sld [smem:$0x7EC]  }
0x42d: {  	[tilespmem:s17], [sflag:$0x3] =	stream.linear.gather [hbm4b:s26+s1], $0x2000, $0x38;
	[tilespmem:$0x1C200] =	vst v63  }
0x42e: {  	s26 =	sld [smem:$0x7ED]  }
0x42f: {  	[tilespmem:s18], [sflag:$0x3] =	stream.linear.gather [hbm4b:s31+s1], $0x2000, $0x38;
	[tilespmem:$0x1C200] =	vst v63  }
0x430: {  	s31 =	simm.s32 $0x12040  }
0x431: {  	[tilespmem:s19], [sflag:$0x3] =	stream.linear.gather [hbm4b:s26+s1], $0x2000, $0x38;
	[tilespmem:$0x1C200] =	vst v63  }
0x432: {  	s26 =	simm.s32 $0x40;
	v2 =	vld [tilespmem:s31+$0x20]  }
0x433: {  	s28 =	simm.s32 $0x6040;
	v3 =	vld [tilespmem:s26+$0x20]  }
0x434: {  	v4 =	vld [tilespmem:s28+$0x20]  }
0x435: {  	s29 =	simm.s32 $0xC040;
	v5 =	vld [tilespmem:s28+$0xFFFFFFC0]  }
0x436: {  	v6 =	vld [tilespmem:s29+$0x20]  }
0x437: {  	v7 =	vld [tilespmem:s26+$0xFFFFFFE0]  }
0x438: {  	v8 =	vld [tilespmem:s28+$0xFFFFFFE0];
	v2 =	vshll.u32 v2, $0x4  }
0x439: {  	v9 =	vld [tilespmem:s26+$0x0];
	v2 =	vor.u32 v1, v2  }
0x43a: {  	v10 =	vld [tilespmem:s26+$0xFFFFFFC0];
	v3 =	vmul.f32 v4, v3  }
0x43b: {  	v12 =	vld [tilespmem:s31+$0xFFFFFFE0]  }
0x43c: {  	v14 =	vld [tilespmem:s31+$0x0];
	v3 =	vmul.f32 v6, v3  }
0x43d: {  	v6 =	vld [tilespmem:s31+$0xFFFFFFC0]  }
0x43e: {  	[tilespmem:v2+s20+$0x0] =	vst.idx.add.f32.msk $0xffff, v3  }
0x43f: {  	v2 =	vld [tilespmem:s31+$0x30]  }
0x440: {  	v3 =	vld [tilespmem:s26+$0x30]  }
0x441: {  	v11 =	vld [tilespmem:s28+$0x30]  }
0x442: {  	v15 =	vld [tilespmem:s29+$0xFFFFFFC0]  }
0x443: {  	v13 =	vld [tilespmem:s29+$0x30];
	v6 =	vshll.u32 v6, $0x4  }
0x444: {  	v16 =	vld [tilespmem:s29+$0xFFFFFFE0];
	v6 =	vor.u32 v1, v6;
	v2 =	vshll.u32 v2, $0x4  }
0x445: {  	v4 =	vld [tilespmem:s28+$0x0];
	v5 =	vmul.f32 v5, v10;
	v2 =	vor.u32 v1, v2  }
0x446: {  	v3 =	vmul.f32 v11, v3;
	v11 =	vshll.u32 v12, $0x4  }
0x447: {  	v10 =	vld [tilespmem:s29+$0x0];
	v5 =	vmul.f32 v15, v5;
	v11 =	vor.u32 v1, v11  }
0x448: {  	v7 =	vmul.f32 v8, v7;
	v8 =	vshll.u32 v14, $0x4;
	v3 =	vmul.f32 v13, v3  }
0x449: {  	v8 =	vor.u32 v1, v8;
	[tilespmem:v6+s20+$0x0] =	vst.idx.add.f32.msk $0xffff, v5  }
0x44a: {  	v4 =	vmul.f32 v4, v9;
	[tilespmem:v2+s21+$0x0] =	vst.idx.add.f32.msk $0xffff, v3;
	v2 =	vmul.f32 v16, v7  }
0x44b: {  	v63 =	vld [tilespmem:s31+$0xFFFFFFD0]  }
0x44c: {  	v3 =	vmul.f32 v10, v4;
	[tilespmem:v11+s20+$0x0] =	vst.idx.add.f32.msk $0xffff, v2  }
0x44d: {  	v2 =	vld [tilespmem:s26+$0xFFFFFFD0]  }
0x44e: {  	[tilespmem:v8+s20+$0x0] =	vst.idx.add.f32.msk $0xffff, v3  }
0x44f: {  	v3 =	vld [tilespmem:s28+$0xFFFFFFD0]  }
0x450: {  	v4 =	vld [tilespmem:s26+$0xFFFFFFF0]  }
0x451: {  	v8 =	vld [tilespmem:s28+$0xFFFFFFF0]  }
0x452: {  	v10 =	vld [tilespmem:s26+$0x10]  }
0x453: {  	v11 =	vld [tilespmem:s28+$0x10]  }
0x454: {  	v9 =	vld [tilespmem:s31+$0xFFFFFFF0]  }
0x455: {  	v7 =	vld [tilespmem:s31+$0x10]  }
0x456: {  	v6 =	vld [tilespmem:s29+$0xFFFFFFD0]  }
0x457: {  	v5 =	vld [tilespmem:s29+$0xFFFFFFF0];
	v2 =	vmul.f32 v3, v2  }
0x458: {  	s30 =	simm.s32 $0x0;
	s0 =	simm.s32 $0x120C0;
	v3 =	vmul.f32 v8, v4;
	v4 =	vmul.f32 v11, v10;
	v10 =	vshll.u32 v63, $0x4;
	v8 =	vld [tilespmem:s29+$0x10]  }
.LBB2_22:
0x459: {  	v11 =	vld [tilespmem:s0+$0x20];
	s30 =	sadd.s32 $0x4, s30;
	v10 =	vor.u32 v1, v10;
	v9 =	vshll.u32 v9, $0x4;
	s26 =	sadd.s32 $0x80, s26  }
0x45a: {  	s28 =	sadd.s32 $0x80, s28;
	v12 =	vld [tilespmem:s26+$0x20];
	p0 =	slt.u32 s30, $0xFC;
	v9 =	vor.u32 v1, v9;
	v7 =	vshll.u32 v7, $0x4  }
0x45b: {  	v13 =	vld [tilespmem:s28+$0x20];
	v2 =	vmul.f32 v6, v2;
	v6 =	vor.u32 v1, v7  }
0x45c: {  	s29 =	sadd.s32 $0x80, s29;
	v7 =	vld [tilespmem:s28+$0xFFFFFFC0];
	v3 =	vmul.f32 v5, v3  }
0x45d: {  	v5 =	vld [tilespmem:s29+$0x20];
	v4 =	vmul.f32 v8, v4  }
0x45e: {  	v8 =	vld [tilespmem:s26+$0xFFFFFFE0];
	v11 =	vshll.u32 v11, $0x4  }
0x45f: {  	v14 =	vld [tilespmem:s28+$0xFFFFFFE0];
	v11 =	vor.u32 v1, v11  }
0x460: {  	v15 =	vld [tilespmem:s26+$0x0];
	v12 =	vmul.f32 v13, v12  }
0x461: {  	v13 =	vld [tilespmem:s28+$0x0]  }
0x462: {  	v16 =	vld [tilespmem:s26+$0xFFFFFFC0];
	v5 =	vmul.f32 v5, v12  }
0x463: {  	v12 =	vld [tilespmem:s0+$0xFFFFFFC0]  }
0x464: {  	v8 =	vmul.f32 v14, v8;
	[tilespmem:v11+s20+$0x0] =	vst.idx.add.f32.msk $0xffff, v5  }
0x465: {  	v5 =	vld [tilespmem:s0+$0x30]  }
0x466: {  	v11 =	vmul.f32 v13, v15;
	v13 =	vld [tilespmem:s26+$0x30]  }
0x467: {  	v7 =	vmul.f32 v7, v16;
	v14 =	vld [tilespmem:s28+$0x30]  }
0x468: {  	v12 =	vshll.u32 v12, $0x4;
	v15 =	vld [tilespmem:s0+$0xFFFFFFE0]  }
0x469: {  	v12 =	vor.u32 v1, v12;
	v16 =	vld [tilespmem:s29+$0x30]  }
0x46a: {  	v17 =	vld [tilespmem:s0+$0x0];
	v5 =	vshll.u32 v5, $0x4  }
0x46b: {  	v18 =	vld [tilespmem:s29+$0xFFFFFFC0];
	v5 =	vor.u32 v1, v5  }
0x46c: {  	v19 =	vld [tilespmem:s29+$0xFFFFFFE0];
	v13 =	vmul.f32 v14, v13  }
0x46d: {  	v14 =	vshll.u32 v15, $0x4;
	v15 =	vld [tilespmem:s29+$0x0]  }
0x46e: {  	v14 =	vor.u32 v1, v14;
	v13 =	vmul.f32 v16, v13;
	[tilespmem:v10+s21+$0x0] =	vst.idx.add.f32.msk $0xffff, v2  }
0x46f: {  	v2 =	vshll.u32 v17, $0x4;
	[tilespmem:v9+s21+$0x0] =	vst.idx.add.f32.msk $0xffff, v3  }
0x470: {  	v3 =	vmul.f32 v18, v7;
	v2 =	vor.u32 v1, v2;
	[tilespmem:v5+s21+$0x0] =	vst.idx.add.f32.msk $0xffff, v13  }
0x471: {  	v5 =	vmul.f32 v19, v8;
	[tilespmem:v6+s21+$0x0] =	vst.idx.add.f32.msk $0xffff, v4  }
0x472: {  	[tilespmem:v12+s20+$0x0] =	vst.idx.add.f32.msk $0xffff, v3;
	v3 =	vmul.f32 v15, v11  }
0x473: {  	[tilespmem:v14+s20+$0x0] =	vst.idx.add.f32.msk $0xffff, v5  }
0x474: {  	v4 =	vld [tilespmem:s26+$0xFFFFFFD0]  }
0x475: {  	[tilespmem:v2+s20+$0x0] =	vst.idx.add.f32.msk $0xffff, v3  }
0x476: {  	v2 =	vld [tilespmem:s28+$0xFFFFFFD0]  }
0x477: {  	v3 =	vld [tilespmem:s26+$0xFFFFFFF0]  }
0x478: {  	v5 =	vld [tilespmem:s28+$0xFFFFFFF0]  }
0x479: {  	v8 =	vld [tilespmem:s26+$0x10]  }
0x47a: {  	v10 =	vld [tilespmem:s28+$0x10]  }
0x47b: {  	v11 =	vld [tilespmem:s0+$0xFFFFFFD0];
	v2 =	vmul.f32 v2, v4  }
.Ltmp10:
0x47c: {  	v9 =	vld [tilespmem:s0+$0xFFFFFFF0];
	(pc) =	sbr.rel @p0 .LBB2_22-.Ltmp10, $4  }
0x47d: {  	v3 =	vmul.f32 v5, v3;
	v7 =	vld [tilespmem:s0+$0x10]  }
0x47e: {  	v6 =	vld [tilespmem:s29+$0xFFFFFFD0]  }
0x47f: {  	v5 =	vld [tilespmem:s29+$0xFFFFFFF0];
	v4 =	vmul.f32 v10, v8  }
0x480: {  	s0 =	sadd.s32 $0x80, s0;
	v10 =	vshll.u32 v11, $0x4;
	v8 =	vld [tilespmem:s29+$0x10]  }
0x481: {  	v10 =	vor.u32 v1, v10;
	v9 =	vshll.u32 v9, $0x4  }
0x482: {  	v9 =	vor.u32 v1, v9;
	v7 =	vshll.u32 v7, $0x4  }
0x483: {  	v7 =	vor.u32 v1, v7  }
0x484: {  	v2 =	vmul.f32 v6, v2  }
0x485: {  	v3 =	vmul.f32 v5, v3  }
0x486: {  	v4 =	vmul.f32 v8, v4;
	[tilespmem:v10+s21+$0x0] =	vst.idx.add.f32.msk $0xffff, v2  }
0x487: {  	[tilespmem:v9+s21+$0x0] =	vst.idx.add.f32.msk $0xffff, v3  }
0x488: {  	[tilespmem:v7+s21+$0x0] =	vst.idx.add.f32.msk $0xffff, v4  }
0x489: {  	_ =	swait.ge [sflag:s22], $0x2000  }
0x48a: {  	[sflag:s22] =	ssyncset.done $0x0  }
0x48b: {  	[sflag:s22] =	ssyncadd.s32 $0xFFFFE000  }
0x48c: {  	_ =	swait.ge [sflag:s22], $0x2000  }
0x48d: {  	[sflag:s22] =	ssyncset.done $0x0  }
0x48e: {  	[sflag:s22] =	ssyncadd.s32 $0xFFFFE000  }
0x48f: {  	_ =	swait.ge [sflag:s22], $0x2000  }
0x490: {  	[sflag:s22] =	ssyncset.done $0x0  }
0x491: {  	[sflag:s22] =	ssyncadd.s32 $0xFFFFE000  }
0x492: {  	_ =	swait.ge [sflag:s22], $0x2000  }
0x493: {  	s0 =	sld [smem:$0x7EE]  }
0x494: {  	[sflag:s22] =	ssyncset.done $0x0  }
0x495: {  	s26 =	sld [smem:$0x7EF];
	[sflag:s22] =	ssyncadd.s32 $0xFFFFE000  }
0x496: {  	[tilespmem:s1], [sflag:$0x1] =	stream.linear.gather [hbm4b:s0+s1], $0x2000, $0x38;
	[tilespmem:$0x1C200] =	vst v63  }
0x497: {  	s31 =	sld [smem:$0x7F0]  }
0x498: {  	[tilespmem:s8], [sflag:$0x1] =	stream.linear.gather [hbm4b:s26+s1], $0x2000, $0x38;
	[tilespmem:$0x1C200] =	vst v63  }
0x499: {  	s26 =	sld [smem:$0x7F1]  }
0x49a: {  	[tilespmem:s9], [sflag:$0x1] =	stream.linear.gather [hbm4b:s31+s1], $0x2000, $0x38;
	[tilespmem:$0x1C200] =	vst v63  }
0x49b: {  	s31 =	simm.s32 $0x14070  }
0x49c: {  	[tilespmem:s10], [sflag:$0x1] =	stream.linear.gather [hbm4b:s26+s1], $0x2000, $0x38;
	[tilespmem:$0x1C200] =	vst v63  }
0x49d: {  	s26 =	simm.s32 $0x2070;
	v2 =	vld [tilespmem:s31+$0xFFFFFFF0]  }
0x49e: {  	s28 =	simm.s32 $0x8070;
	v3 =	vld [tilespmem:s26+$0xFFFFFFF0]  }
0x49f: {  	v4 =	vld [tilespmem:s28+$0xFFFFFFF0]  }
0x4a0: {  	s29 =	simm.s32 $0xE070;
	v5 =	vld [tilespmem:s28+$0xFFFFFF90]  }
0x4a1: {  	v6 =	vld [tilespmem:s29+$0xFFFFFFF0]  }
0x4a2: {  	v7 =	vld [tilespmem:s26+$0xFFFFFFB0]  }
0x4a3: {  	v8 =	vld [tilespmem:s28+$0xFFFFFFB0];
	v2 =	vshll.u32 v2, $0x4  }
0x4a4: {  	v9 =	vld [tilespmem:s26+$0xFFFFFFD0];
	v2 =	vor.u32 v1, v2  }
0x4a5: {  	v10 =	vld [tilespmem:s26+$0xFFFFFF90];
	v3 =	vmul.f32 v4, v3  }
0x4a6: {  	v12 =	vld [tilespmem:s31+$0xFFFFFFB0]  }
0x4a7: {  	v14 =	vld [tilespmem:s31+$0xFFFFFFD0];
	v3 =	vmul.f32 v6, v3  }
0x4a8: {  	v6 =	vld [tilespmem:s31+$0xFFFFFF90]  }
0x4a9: {  	[tilespmem:v2+s20+$0x0] =	vst.idx.add.f32.msk $0xffff, v3  }
0x4aa: {  	v2 =	vld [tilespmem:s31+$0x0]  }
0x4ab: {  	v3 =	vld [tilespmem:s26+$0x0]  }
0x4ac: {  	v11 =	vld [tilespmem:s28+$0x0]  }
0x4ad: {  	v15 =	vld [tilespmem:s29+$0xFFFFFF90]  }
0x4ae: {  	v13 =	vld [tilespmem:s29+$0x0];
	v6 =	vshll.u32 v6, $0x4  }
0x4af: {  	v16 =	vld [tilespmem:s29+$0xFFFFFFB0];
	v6 =	vor.u32 v1, v6;
	v2 =	vshll.u32 v2, $0x4  }
0x4b0: {  	v4 =	vld [tilespmem:s28+$0xFFFFFFD0];
	v5 =	vmul.f32 v5, v10;
	v2 =	vor.u32 v1, v2  }
0x4b1: {  	v3 =	vmul.f32 v11, v3;
	v11 =	vshll.u32 v12, $0x4  }
0x4b2: {  	v10 =	vld [tilespmem:s29+$0xFFFFFFD0];
	v5 =	vmul.f32 v15, v5;
	v11 =	vor.u32 v1, v11  }
0x4b3: {  	v7 =	vmul.f32 v8, v7;
	v8 =	vshll.u32 v14, $0x4;
	v3 =	vmul.f32 v13, v3  }
0x4b4: {  	v8 =	vor.u32 v1, v8;
	[tilespmem:v6+s20+$0x0] =	vst.idx.add.f32.msk $0xffff, v5  }
0x4b5: {  	v4 =	vmul.f32 v4, v9;
	[tilespmem:v2+s21+$0x0] =	vst.idx.add.f32.msk $0xffff, v3;
	v2 =	vmul.f32 v16, v7  }
0x4b6: {  	v63 =	vld [tilespmem:s31+$0xFFFFFFA0]  }
0x4b7: {  	v3 =	vmul.f32 v10, v4;
	[tilespmem:v11+s20+$0x0] =	vst.idx.add.f32.msk $0xffff, v2  }
0x4b8: {  	v2 =	vld [tilespmem:s26+$0xFFFFFFA0]  }
0x4b9: {  	[tilespmem:v8+s20+$0x0] =	vst.idx.add.f32.msk $0xffff, v3  }
0x4ba: {  	v3 =	vld [tilespmem:s28+$0xFFFFFFA0]  }
0x4bb: {  	v4 =	vld [tilespmem:s26+$0xFFFFFFC0]  }
0x4bc: {  	v8 =	vld [tilespmem:s28+$0xFFFFFFC0]  }
0x4bd: {  	v10 =	vld [tilespmem:s26+$0xFFFFFFE0]  }
0x4be: {  	v11 =	vld [tilespmem:s28+$0xFFFFFFE0]  }
0x4bf: {  	v9 =	vld [tilespmem:s31+$0xFFFFFFC0]  }
0x4c0: {  	v7 =	vld [tilespmem:s31+$0xFFFFFFE0]  }
0x4c1: {  	v6 =	vld [tilespmem:s29+$0xFFFFFFA0]  }
0x4c2: {  	v5 =	vld [tilespmem:s29+$0xFFFFFFC0];
	v2 =	vmul.f32 v3, v2  }
0x4c3: {  	s30 =	simm.s32 $0x0;
	s0 =	simm.s32 $0x140F0;
	v3 =	vmul.f32 v8, v4;
	v4 =	vmul.f32 v11, v10;
	v10 =	vshll.u32 v63, $0x4;
	v8 =	vld [tilespmem:s29+$0xFFFFFFE0]  }
.LBB2_24:
0x4c4: {  	v11 =	vld [tilespmem:s0+$0xFFFFFFF0];
	s30 =	sadd.s32 $0x4, s30;
	v10 =	vor.u32 v1, v10;
	v9 =	vshll.u32 v9, $0x4;
	s26 =	sadd.s32 $0x80, s26  }
0x4c5: {  	s28 =	sadd.s32 $0x80, s28;
	v12 =	vld [tilespmem:s26+$0xFFFFFFF0];
	p0 =	slt.u32 s30, $0xFC;
	v9 =	vor.u32 v1, v9;
	v7 =	vshll.u32 v7, $0x4  }
0x4c6: {  	v13 =	vld [tilespmem:s28+$0xFFFFFFF0];
	v2 =	vmul.f32 v6, v2;
	v6 =	vor.u32 v1, v7  }
0x4c7: {  	s29 =	sadd.s32 $0x80, s29;
	v7 =	vld [tilespmem:s28+$0xFFFFFF90];
	v3 =	vmul.f32 v5, v3  }
0x4c8: {  	v5 =	vld [tilespmem:s29+$0xFFFFFFF0];
	v4 =	vmul.f32 v8, v4  }
0x4c9: {  	v8 =	vld [tilespmem:s26+$0xFFFFFFB0];
	v11 =	vshll.u32 v11, $0x4  }
0x4ca: {  	v14 =	vld [tilespmem:s28+$0xFFFFFFB0];
	v11 =	vor.u32 v1, v11  }
0x4cb: {  	v15 =	vld [tilespmem:s26+$0xFFFFFFD0];
	v12 =	vmul.f32 v13, v12  }
0x4cc: {  	v13 =	vld [tilespmem:s28+$0xFFFFFFD0]  }
0x4cd: {  	v16 =	vld [tilespmem:s26+$0xFFFFFF90];
	v5 =	vmul.f32 v5, v12  }
0x4ce: {  	v12 =	vld [tilespmem:s0+$0xFFFFFF90]  }
0x4cf: {  	v8 =	vmul.f32 v14, v8;
	[tilespmem:v11+s20+$0x0] =	vst.idx.add.f32.msk $0xffff, v5  }
0x4d0: {  	v5 =	vld [tilespmem:s0+$0x0]  }
0x4d1: {  	v11 =	vmul.f32 v13, v15;
	v13 =	vld [tilespmem:s26+$0x0]  }
0x4d2: {  	v7 =	vmul.f32 v7, v16;
	v14 =	vld [tilespmem:s28+$0x0]  }
0x4d3: {  	v12 =	vshll.u32 v12, $0x4;
	v15 =	vld [tilespmem:s0+$0xFFFFFFB0]  }
0x4d4: {  	v12 =	vor.u32 v1, v12;
	v16 =	vld [tilespmem:s29+$0x0]  }
0x4d5: {  	v17 =	vld [tilespmem:s0+$0xFFFFFFD0];
	v5 =	vshll.u32 v5, $0x4  }
0x4d6: {  	v18 =	vld [tilespmem:s29+$0xFFFFFF90];
	v5 =	vor.u32 v1, v5  }
0x4d7: {  	v19 =	vld [tilespmem:s29+$0xFFFFFFB0];
	v13 =	vmul.f32 v14, v13  }
0x4d8: {  	v14 =	vshll.u32 v15, $0x4;
	v15 =	vld [tilespmem:s29+$0xFFFFFFD0]  }
0x4d9: {  	v14 =	vor.u32 v1, v14;
	v13 =	vmul.f32 v16, v13;
	[tilespmem:v10+s21+$0x0] =	vst.idx.add.f32.msk $0xffff, v2  }
0x4da: {  	v2 =	vshll.u32 v17, $0x4;
	[tilespmem:v9+s21+$0x0] =	vst.idx.add.f32.msk $0xffff, v3  }
0x4db: {  	v3 =	vmul.f32 v18, v7;
	v2 =	vor.u32 v1, v2;
	[tilespmem:v5+s21+$0x0] =	vst.idx.add.f32.msk $0xffff, v13  }
0x4dc: {  	v5 =	vmul.f32 v19, v8;
	[tilespmem:v6+s21+$0x0] =	vst.idx.add.f32.msk $0xffff, v4  }
0x4dd: {  	[tilespmem:v12+s20+$0x0] =	vst.idx.add.f32.msk $0xffff, v3;
	v3 =	vmul.f32 v15, v11  }
0x4de: {  	[tilespmem:v14+s20+$0x0] =	vst.idx.add.f32.msk $0xffff, v5  }
0x4df: {  	v4 =	vld [tilespmem:s26+$0xFFFFFFA0]  }
0x4e0: {  	[tilespmem:v2+s20+$0x0] =	vst.idx.add.f32.msk $0xffff, v3  }
0x4e1: {  	v2 =	vld [tilespmem:s28+$0xFFFFFFA0]  }
0x4e2: {  	v3 =	vld [tilespmem:s26+$0xFFFFFFC0]  }
0x4e3: {  	v5 =	vld [tilespmem:s28+$0xFFFFFFC0]  }
0x4e4: {  	v8 =	vld [tilespmem:s26+$0xFFFFFFE0]  }
0x4e5: {  	v10 =	vld [tilespmem:s28+$0xFFFFFFE0]  }
0x4e6: {  	v11 =	vld [tilespmem:s0+$0xFFFFFFA0];
	v2 =	vmul.f32 v2, v4  }
.Ltmp11:
0x4e7: {  	v9 =	vld [tilespmem:s0+$0xFFFFFFC0];
	(pc) =	sbr.rel @p0 .LBB2_24-.Ltmp11, $4  }
0x4e8: {  	v3 =	vmul.f32 v5, v3;
	v7 =	vld [tilespmem:s0+$0xFFFFFFE0]  }
0x4e9: {  	v6 =	vld [tilespmem:s29+$0xFFFFFFA0]  }
0x4ea: {  	v5 =	vld [tilespmem:s29+$0xFFFFFFC0];
	v4 =	vmul.f32 v10, v8  }
0x4eb: {  	s0 =	sadd.s32 $0x80, s0;
	v10 =	vshll.u32 v11, $0x4;
	v8 =	vld [tilespmem:s29+$0xFFFFFFE0]  }
0x4ec: {  	v10 =	vor.u32 v1, v10;
	v9 =	vshll.u32 v9, $0x4  }
0x4ed: {  	v9 =	vor.u32 v1, v9;
	v7 =	vshll.u32 v7, $0x4  }
0x4ee: {  	v7 =	vor.u32 v1, v7  }
0x4ef: {  	v2 =	vmul.f32 v6, v2  }
0x4f0: {  	v3 =	vmul.f32 v5, v3  }
0x4f1: {  	v4 =	vmul.f32 v8, v4;
	[tilespmem:v10+s21+$0x0] =	vst.idx.add.f32.msk $0xffff, v2  }
0x4f2: {  	[tilespmem:v9+s21+$0x0] =	vst.idx.add.f32.msk $0xffff, v3  }
0x4f3: {  	[tilespmem:v7+s21+$0x0] =	vst.idx.add.f32.msk $0xffff, v4  }
0x4f4: {  	_ =	swait.ge [sflag:s23], $0x2000  }
0x4f5: {  	[sflag:s23] =	ssyncset.done $0x0  }
0x4f6: {  	[sflag:s23] =	ssyncadd.s32 $0xFFFFE000  }
0x4f7: {  	_ =	swait.ge [sflag:s23], $0x2000  }
0x4f8: {  	[sflag:s23] =	ssyncset.done $0x0  }
0x4f9: {  	[sflag:s23] =	ssyncadd.s32 $0xFFFFE000  }
0x4fa: {  	_ =	swait.ge [sflag:s23], $0x2000  }
0x4fb: {  	[sflag:s23] =	ssyncset.done $0x0  }
0x4fc: {  	[sflag:s23] =	ssyncadd.s32 $0xFFFFE000  }
0x4fd: {  	_ =	swait.ge [sflag:s23], $0x2000  }
0x4fe: {  	s26 =	sld [smem:$0x7F2]  }
0x4ff: {  	[sflag:s23] =	ssyncset.done $0x0  }
0x500: {  	s0 =	simm.s32 $0x0;
	s29 =	sld [smem:$0x7F3];
	[sflag:s23] =	ssyncadd.s32 $0xFFFFE000  }
0x501: {  	[tilespmem:s11], [sflag:$0x2] =	stream.linear.gather [hbm4b:s26+s0], $0x2000, $0x38;
	[tilespmem:$0x1C200] =	vst v63  }
0x502: {  	s30 =	sld [smem:$0x7F4]  }
0x503: {  	[tilespmem:s12], [sflag:$0x2] =	stream.linear.gather [hbm4b:s29+s0], $0x2000, $0x38;
	[tilespmem:$0x1C200] =	vst v63  }
0x504: {  	s31 =	sld [smem:$0x7F5]  }
0x505: {  	[tilespmem:s13], [sflag:$0x2] =	stream.linear.gather [hbm4b:s30+s0], $0x2000, $0x38;
	[tilespmem:$0x1C200] =	vst v63  }
0x506: {  	s26 =	simm.s32 $0x0  }
0x507: {  	[tilespmem:s14], [sflag:$0x2] =	stream.linear.gather [hbm4b:s31+s0], $0x2000, $0x38;
	[tilespmem:$0x1C200] =	vst v63  }
0x508: {  	v2 =	vld [tilespmem:s26+$0x16060]  }
0x509: {  	v3 =	vld [tilespmem:s26+$0x4060]  }
0x50a: {  	v4 =	vld [tilespmem:s26+$0xA060]  }
0x50b: {  	v5 =	vld [tilespmem:s26+$0x4000]  }
0x50c: {  	v6 =	vld [tilespmem:s26+$0x10060]  }
0x50d: {  	v7 =	vld [tilespmem:s26+$0xA000]  }
0x50e: {  	v8 =	vld [tilespmem:s26+$0x4020];
	v2 =	vshll.u32 v2, $0x4  }
0x50f: {  	v9 =	vld [tilespmem:s26+$0xA020];
	v2 =	vor.u32 v1, v2  }
0x510: {  	v10 =	vld [tilespmem:s26+$0xA040];
	v3 =	vmul.f32 v4, v3  }
0x511: {  	v12 =	vld [tilespmem:s26+$0x16020]  }
0x512: {  	v14 =	vld [tilespmem:s26+$0x16040];
	v3 =	vmul.f32 v6, v3  }
0x513: {  	v6 =	vld [tilespmem:s26+$0x16000]  }
0x514: {  	[tilespmem:v2+s20+$0x0] =	vst.idx.add.f32.msk $0xffff, v3  }
0x515: {  	v2 =	vld [tilespmem:s26+$0x16070]  }
0x516: {  	v3 =	vld [tilespmem:s26+$0x4070]  }
0x517: {  	v11 =	vld [tilespmem:s26+$0xA070]  }
0x518: {  	v15 =	vld [tilespmem:s26+$0x10000]  }
0x519: {  	v13 =	vld [tilespmem:s26+$0x10070]  }
0x51a: {  	v16 =	vld [tilespmem:s26+$0x10020];
	v2 =	vshll.u32 v2, $0x4  }
0x51b: {  	v4 =	vld [tilespmem:s26+$0x4040];
	v6 =	vshll.u32 v6, $0x4;
	v2 =	vor.u32 v1, v2  }
0x51c: {  	v6 =	vor.u32 v1, v6;
	v3 =	vmul.f32 v11, v3;
	v11 =	vshll.u32 v12, $0x4  }
0x51d: {  	v5 =	vmul.f32 v7, v5;
	v7 =	vld [tilespmem:s26+$0x10040];
	v11 =	vor.u32 v1, v11  }
0x51e: {  	v8 =	vmul.f32 v9, v8;
	v9 =	vshll.u32 v14, $0x4;
	v3 =	vmul.f32 v13, v3  }
0x51f: {  	v9 =	vor.u32 v1, v9;
	v5 =	vmul.f32 v15, v5  }
0x520: {  	v4 =	vmul.f32 v10, v4;
	[tilespmem:v2+s21+$0x0] =	vst.idx.add.f32.msk $0xffff, v3;
	v2 =	vmul.f32 v16, v8  }
0x521: {  	[tilespmem:v6+s20+$0x0] =	vst.idx.add.f32.msk $0xffff, v5  }
0x522: {  	v3 =	vmul.f32 v7, v4;
	[tilespmem:v11+s20+$0x0] =	vst.idx.add.f32.msk $0xffff, v2  }
0x523: {  	v2 =	vld [tilespmem:s26+$0x4010]  }
0x524: {  	[tilespmem:v9+s20+$0x0] =	vst.idx.add.f32.msk $0xffff, v3  }
0x525: {  	v3 =	vld [tilespmem:s26+$0xA010]  }
0x526: {  	v4 =	vld [tilespmem:s26+$0x4030]  }
0x527: {  	v6 =	vld [tilespmem:s26+$0xA030]  }
0x528: {  	v10 =	vld [tilespmem:s26+$0x4050]  }
0x529: {  	v11 =	vld [tilespmem:s26+$0xA050]  }
0x52a: {  	v9 =	vld [tilespmem:s26+$0x16010]  }
0x52b: {  	v8 =	vld [tilespmem:s26+$0x16030]  }
0x52c: {  	v7 =	vld [tilespmem:s26+$0x16050]  }
0x52d: {  	v5 =	vld [tilespmem:s26+$0x10010];
	v2 =	vmul.f32 v3, v2  }
0x52e: {  	s28 =	simm.s32 $0x0;
	s0 =	simm.s32 $0x200;
	v3 =	vmul.f32 v6, v4;
	v6 =	vld [tilespmem:s26+$0x10030];
	v4 =	vmul.f32 v11, v10  }
.LBB2_26:
0x52f: {  	s28 =	sadd.s32 $0x4, s28;
	v9 =	vshll.u32 v9, $0x4;
	v10 =	vld [tilespmem:s26+$0x10050];
	s26 =	sshra.s32 s0, $0x2  }
0x530: {  	v11 =	vld [tilespmem:s26+$0x16060];
	p0 =	slt.u32 s28, $0xFC;
	v9 =	vor.u32 v1, v9;
	v8 =	vshll.u32 v8, $0x4  }
0x531: {  	v12 =	vld [tilespmem:s26+$0x4060];
	v8 =	vor.u32 v1, v8;
	v7 =	vshll.u32 v7, $0x4  }
0x532: {  	v13 =	vld [tilespmem:s26+$0xA060];
	v2 =	vmul.f32 v5, v2;
	v5 =	vor.u32 v1, v7  }
0x533: {  	v7 =	vld [tilespmem:s26+$0x4000];
	v3 =	vmul.f32 v6, v3  }
0x534: {  	v6 =	vld [tilespmem:s26+$0x10060];
	v4 =	vmul.f32 v10, v4  }
0x535: {  	v10 =	vld [tilespmem:s26+$0xA000];
	v11 =	vshll.u32 v11, $0x4  }
0x536: {  	v14 =	vld [tilespmem:s26+$0x4020];
	v11 =	vor.u32 v1, v11  }
0x537: {  	v15 =	vld [tilespmem:s26+$0xA020];
	v12 =	vmul.f32 v13, v12  }
0x538: {  	v13 =	vld [tilespmem:s26+$0x4040]  }
0x539: {  	v16 =	vld [tilespmem:s26+$0xA040];
	v6 =	vmul.f32 v6, v12  }
0x53a: {  	v12 =	vld [tilespmem:s26+$0x16000];
	v7 =	vmul.f32 v10, v7  }
0x53b: {  	[tilespmem:v11+s20+$0x0] =	vst.idx.add.f32.msk $0xffff, v6  }
0x53c: {  	v6 =	vmul.f32 v15, v14;
	v10 =	vld [tilespmem:s26+$0x16070]  }
0x53d: {  	v11 =	vld [tilespmem:s26+$0x4070]  }
0x53e: {  	v13 =	vmul.f32 v16, v13;
	v14 =	vld [tilespmem:s26+$0xA070]  }
0x53f: {  	v12 =	vshll.u32 v12, $0x4;
	v15 =	vld [tilespmem:s26+$0x16020]  }
0x540: {  	v12 =	vor.u32 v1, v12;
	v16 =	vld [tilespmem:s26+$0x10070]  }
0x541: {  	v17 =	vld [tilespmem:s26+$0x16040];
	v10 =	vshll.u32 v10, $0x4  }
0x542: {  	v18 =	vld [tilespmem:s26+$0x10000];
	v10 =	vor.u32 v1, v10  }
0x543: {  	v19 =	vld [tilespmem:s26+$0x10020];
	v11 =	vmul.f32 v14, v11  }
0x544: {  	v14 =	vshll.u32 v15, $0x4;
	v15 =	vld [tilespmem:s26+$0x10040]  }
0x545: {  	v14 =	vor.u32 v1, v14;
	v11 =	vmul.f32 v16, v11;
	[tilespmem:v9+s21+$0x0] =	vst.idx.add.f32.msk $0xffff, v2  }
0x546: {  	v2 =	vshll.u32 v17, $0x4;
	[tilespmem:v8+s21+$0x0] =	vst.idx.add.f32.msk $0xffff, v3  }
0x547: {  	v3 =	vmul.f32 v18, v7;
	v2 =	vor.u32 v1, v2;
	[tilespmem:v10+s21+$0x0] =	vst.idx.add.f32.msk $0xffff, v11  }
0x548: {  	v6 =	vmul.f32 v19, v6;
	[tilespmem:v5+s21+$0x0] =	vst.idx.add.f32.msk $0xffff, v4  }
0x549: {  	[tilespmem:v12+s20+$0x0] =	vst.idx.add.f32.msk $0xffff, v3;
	v3 =	vmul.f32 v15, v13  }
0x54a: {  	[tilespmem:v14+s20+$0x0] =	vst.idx.add.f32.msk $0xffff, v6  }
0x54b: {  	v4 =	vld [tilespmem:s26+$0x4010]  }
0x54c: {  	[tilespmem:v2+s20+$0x0] =	vst.idx.add.f32.msk $0xffff, v3  }
0x54d: {  	v2 =	vld [tilespmem:s26+$0xA010]  }
0x54e: {  	v3 =	vld [tilespmem:s26+$0x4030]  }
0x54f: {  	v5 =	vld [tilespmem:s26+$0xA030]  }
0x550: {  	v10 =	vld [tilespmem:s26+$0x4050]  }
0x551: {  	v11 =	vld [tilespmem:s26+$0xA050]  }
.Ltmp12:
0x552: {  	v9 =	vld [tilespmem:s26+$0x16010];
	v2 =	vmul.f32 v2, v4;
	(pc) =	sbr.rel @p0 .LBB2_26-.Ltmp12, $4  }
0x553: {  	v8 =	vld [tilespmem:s26+$0x16030]  }
0x554: {  	v3 =	vmul.f32 v5, v3;
	v7 =	vld [tilespmem:s26+$0x16050]  }
0x555: {  	v5 =	vld [tilespmem:s26+$0x10010]  }
0x556: {  	s0 =	sadd.s32 $0x200, s0;
	v6 =	vld [tilespmem:s26+$0x10030];
	v4 =	vmul.f32 v11, v10  }
0x557: {  	v9 =	vshll.u32 v9, $0x4  }
0x558: {  	v10 =	vld [tilespmem:s26+$0x10050];
	v9 =	vor.u32 v1, v9;
	v8 =	vshll.u32 v8, $0x4  }
0x559: {  	v8 =	vor.u32 v1, v8;
	v7 =	vshll.u32 v7, $0x4  }
0x55a: {  	v7 =	vor.u32 v1, v7  }
0x55b: {  	v2 =	vmul.f32 v5, v2  }
0x55c: {  	v3 =	vmul.f32 v6, v3  }
0x55d: {  	v4 =	vmul.f32 v10, v4;
	[tilespmem:v9+s21+$0x0] =	vst.idx.add.f32.msk $0xffff, v2  }
0x55e: {  	[tilespmem:v8+s21+$0x0] =	vst.idx.add.f32.msk $0xffff, v3  }
0x55f: {  	[tilespmem:v7+s21+$0x0] =	vst.idx.add.f32.msk $0xffff, v4  }
0x560: {  	_ =	swait.ge [sflag:s15], $0x2000  }
0x561: {  	[sflag:s15] =	ssyncset.done $0x0  }
0x562: {  	[sflag:s15] =	ssyncadd.s32 $0xFFFFE000  }
0x563: {  	_ =	swait.ge [sflag:s15], $0x2000  }
0x564: {  	[sflag:s15] =	ssyncset.done $0x0  }
0x565: {  	[sflag:s15] =	ssyncadd.s32 $0xFFFFE000  }
0x566: {  	_ =	swait.ge [sflag:s15], $0x2000  }
0x567: {  	[sflag:s15] =	ssyncset.done $0x0  }
0x568: {  	[sflag:s15] =	ssyncadd.s32 $0xFFFFE000  }
0x569: {  	_ =	swait.ge [sflag:s15], $0x2000  }
0x56a: {  	s0 =	sld [smem:$0x7F6]  }
0x56b: {  	[sflag:s15] =	ssyncset.done $0x0  }
0x56c: {  	s26 =	sld [smem:$0x7F7];
	[sflag:s15] =	ssyncadd.s32 $0xFFFFE000  }
0x56d: {  	[tilespmem:s16], [sflag:$0x3] =	stream.linear.gather [hbm4b:s0+s1], $0x2000, $0x38;
	[tilespmem:$0x1C200] =	vst v63  }
0x56e: {  	s31 =	sld [smem:$0x7F8]  }
0x56f: {  	[tilespmem:s17], [sflag:$0x3] =	stream.linear.gather [hbm4b:s26+s1], $0x2000, $0x38;
	[tilespmem:$0x1C200] =	vst v63  }
0x570: {  	s26 =	sld [smem:$0x7F9]  }
0x571: {  	[tilespmem:s18], [sflag:$0x3] =	stream.linear.gather [hbm4b:s31+s1], $0x2000, $0x38;
	[tilespmem:$0x1C200] =	vst v63  }
0x572: {  	s31 =	simm.s32 $0x12040  }
0x573: {  	[tilespmem:s19], [sflag:$0x3] =	stream.linear.gather [hbm4b:s26+s1], $0x2000, $0x38;
	[tilespmem:$0x1C200] =	vst v63  }
0x574: {  	s26 =	simm.s32 $0x40;
	v2 =	vld [tilespmem:s31+$0x20]  }
0x575: {  	s28 =	simm.s32 $0x6040;
	v3 =	vld [tilespmem:s26+$0x20]  }
0x576: {  	v4 =	vld [tilespmem:s28+$0x20]  }
0x577: {  	s29 =	simm.s32 $0xC040;
	v5 =	vld [tilespmem:s28+$0xFFFFFFC0]  }
0x578: {  	v6 =	vld [tilespmem:s29+$0x20]  }
0x579: {  	v7 =	vld [tilespmem:s26+$0xFFFFFFE0]  }
0x57a: {  	v8 =	vld [tilespmem:s28+$0xFFFFFFE0];
	v2 =	vshll.u32 v2, $0x4  }
0x57b: {  	v9 =	vld [tilespmem:s26+$0x0];
	v2 =	vor.u32 v1, v2  }
0x57c: {  	v10 =	vld [tilespmem:s26+$0xFFFFFFC0];
	v3 =	vmul.f32 v4, v3  }
0x57d: {  	v12 =	vld [tilespmem:s31+$0xFFFFFFE0]  }
0x57e: {  	v14 =	vld [tilespmem:s31+$0x0];
	v3 =	vmul.f32 v6, v3  }
0x57f: {  	v6 =	vld [tilespmem:s31+$0xFFFFFFC0]  }
0x580: {  	[tilespmem:v2+s20+$0x0] =	vst.idx.add.f32.msk $0xffff, v3  }
0x581: {  	v2 =	vld [tilespmem:s31+$0x30]  }
0x582: {  	v3 =	vld [tilespmem:s26+$0x30]  }
0x583: {  	v11 =	vld [tilespmem:s28+$0x30]  }
0x584: {  	v15 =	vld [tilespmem:s29+$0xFFFFFFC0]  }
0x585: {  	v13 =	vld [tilespmem:s29+$0x30];
	v6 =	vshll.u32 v6, $0x4  }
0x586: {  	v16 =	vld [tilespmem:s29+$0xFFFFFFE0];
	v6 =	vor.u32 v1, v6;
	v2 =	vshll.u32 v2, $0x4  }
0x587: {  	v4 =	vld [tilespmem:s28+$0x0];
	v5 =	vmul.f32 v5, v10;
	v2 =	vor.u32 v1, v2  }
0x588: {  	v3 =	vmul.f32 v11, v3;
	v11 =	vshll.u32 v12, $0x4  }
0x589: {  	v10 =	vld [tilespmem:s29+$0x0];
	v5 =	vmul.f32 v15, v5;
	v11 =	vor.u32 v1, v11  }
0x58a: {  	v7 =	vmul.f32 v8, v7;
	v8 =	vshll.u32 v14, $0x4;
	v3 =	vmul.f32 v13, v3  }
0x58b: {  	v8 =	vor.u32 v1, v8;
	[tilespmem:v6+s20+$0x0] =	vst.idx.add.f32.msk $0xffff, v5  }
0x58c: {  	v4 =	vmul.f32 v4, v9;
	[tilespmem:v2+s21+$0x0] =	vst.idx.add.f32.msk $0xffff, v3;
	v2 =	vmul.f32 v16, v7  }
0x58d: {  	v63 =	vld [tilespmem:s31+$0xFFFFFFD0]  }
0x58e: {  	v3 =	vmul.f32 v10, v4;
	[tilespmem:v11+s20+$0x0] =	vst.idx.add.f32.msk $0xffff, v2  }
0x58f: {  	v2 =	vld [tilespmem:s26+$0xFFFFFFD0]  }
0x590: {  	[tilespmem:v8+s20+$0x0] =	vst.idx.add.f32.msk $0xffff, v3  }
0x591: {  	v3 =	vld [tilespmem:s28+$0xFFFFFFD0]  }
0x592: {  	v4 =	vld [tilespmem:s26+$0xFFFFFFF0]  }
0x593: {  	v8 =	vld [tilespmem:s28+$0xFFFFFFF0]  }
0x594: {  	v10 =	vld [tilespmem:s26+$0x10]  }
0x595: {  	v11 =	vld [tilespmem:s28+$0x10]  }
0x596: {  	v9 =	vld [tilespmem:s31+$0xFFFFFFF0]  }
0x597: {  	v7 =	vld [tilespmem:s31+$0x10]  }
0x598: {  	v6 =	vld [tilespmem:s29+$0xFFFFFFD0]  }
0x599: {  	v5 =	vld [tilespmem:s29+$0xFFFFFFF0];
	v2 =	vmul.f32 v3, v2  }
0x59a: {  	s30 =	simm.s32 $0x0;
	s0 =	simm.s32 $0x120C0;
	v3 =	vmul.f32 v8, v4;
	v4 =	vmul.f32 v11, v10;
	v10 =	vshll.u32 v63, $0x4;
	v8 =	vld [tilespmem:s29+$0x10]  }
.LBB2_28:
0x59b: {  	v11 =	vld [tilespmem:s0+$0x20];
	s30 =	sadd.s32 $0x4, s30;
	v10 =	vor.u32 v1, v10;
	v9 =	vshll.u32 v9, $0x4;
	s26 =	sadd.s32 $0x80, s26  }
0x59c: {  	s28 =	sadd.s32 $0x80, s28;
	v12 =	vld [tilespmem:s26+$0x20];
	p0 =	slt.u32 s30, $0xFC;
	v9 =	vor.u32 v1, v9;
	v7 =	vshll.u32 v7, $0x4  }
0x59d: {  	v13 =	vld [tilespmem:s28+$0x20];
	v2 =	vmul.f32 v6, v2;
	v6 =	vor.u32 v1, v7  }
0x59e: {  	s29 =	sadd.s32 $0x80, s29;
	v7 =	vld [tilespmem:s28+$0xFFFFFFC0];
	v3 =	vmul.f32 v5, v3  }
0x59f: {  	v5 =	vld [tilespmem:s29+$0x20];
	v4 =	vmul.f32 v8, v4  }
0x5a0: {  	v8 =	vld [tilespmem:s26+$0xFFFFFFE0];
	v11 =	vshll.u32 v11, $0x4  }
0x5a1: {  	v14 =	vld [tilespmem:s28+$0xFFFFFFE0];
	v11 =	vor.u32 v1, v11  }
0x5a2: {  	v15 =	vld [tilespmem:s26+$0x0];
	v12 =	vmul.f32 v13, v12  }
0x5a3: {  	v13 =	vld [tilespmem:s28+$0x0]  }
0x5a4: {  	v16 =	vld [tilespmem:s26+$0xFFFFFFC0];
	v5 =	vmul.f32 v5, v12  }
0x5a5: {  	v12 =	vld [tilespmem:s0+$0xFFFFFFC0]  }
0x5a6: {  	v8 =	vmul.f32 v14, v8;
	[tilespmem:v11+s20+$0x0] =	vst.idx.add.f32.msk $0xffff, v5  }
0x5a7: {  	v5 =	vld [tilespmem:s0+$0x30]  }
0x5a8: {  	v11 =	vmul.f32 v13, v15;
	v13 =	vld [tilespmem:s26+$0x30]  }
0x5a9: {  	v7 =	vmul.f32 v7, v16;
	v14 =	vld [tilespmem:s28+$0x30]  }
0x5aa: {  	v12 =	vshll.u32 v12, $0x4;
	v15 =	vld [tilespmem:s0+$0xFFFFFFE0]  }
0x5ab: {  	v12 =	vor.u32 v1, v12;
	v16 =	vld [tilespmem:s29+$0x30]  }
0x5ac: {  	v17 =	vld [tilespmem:s0+$0x0];
	v5 =	vshll.u32 v5, $0x4  }
0x5ad: {  	v18 =	vld [tilespmem:s29+$0xFFFFFFC0];
	v5 =	vor.u32 v1, v5  }
0x5ae: {  	v19 =	vld [tilespmem:s29+$0xFFFFFFE0];
	v13 =	vmul.f32 v14, v13  }
0x5af: {  	v14 =	vshll.u32 v15, $0x4;
	v15 =	vld [tilespmem:s29+$0x0]  }
0x5b0: {  	v14 =	vor.u32 v1, v14;
	v13 =	vmul.f32 v16, v13;
	[tilespmem:v10+s21+$0x0] =	vst.idx.add.f32.msk $0xffff, v2  }
0x5b1: {  	v2 =	vshll.u32 v17, $0x4;
	[tilespmem:v9+s21+$0x0] =	vst.idx.add.f32.msk $0xffff, v3  }
0x5b2: {  	v3 =	vmul.f32 v18, v7;
	v2 =	vor.u32 v1, v2;
	[tilespmem:v5+s21+$0x0] =	vst.idx.add.f32.msk $0xffff, v13  }
0x5b3: {  	v5 =	vmul.f32 v19, v8;
	[tilespmem:v6+s21+$0x0] =	vst.idx.add.f32.msk $0xffff, v4  }
0x5b4: {  	[tilespmem:v12+s20+$0x0] =	vst.idx.add.f32.msk $0xffff, v3;
	v3 =	vmul.f32 v15, v11  }
0x5b5: {  	[tilespmem:v14+s20+$0x0] =	vst.idx.add.f32.msk $0xffff, v5  }
0x5b6: {  	v4 =	vld [tilespmem:s26+$0xFFFFFFD0]  }
0x5b7: {  	[tilespmem:v2+s20+$0x0] =	vst.idx.add.f32.msk $0xffff, v3  }
0x5b8: {  	v2 =	vld [tilespmem:s28+$0xFFFFFFD0]  }
0x5b9: {  	v3 =	vld [tilespmem:s26+$0xFFFFFFF0]  }
0x5ba: {  	v5 =	vld [tilespmem:s28+$0xFFFFFFF0]  }
0x5bb: {  	v8 =	vld [tilespmem:s26+$0x10]  }
0x5bc: {  	v10 =	vld [tilespmem:s28+$0x10]  }
0x5bd: {  	v11 =	vld [tilespmem:s0+$0xFFFFFFD0];
	v2 =	vmul.f32 v2, v4  }
.Ltmp13:
0x5be: {  	v9 =	vld [tilespmem:s0+$0xFFFFFFF0];
	(pc) =	sbr.rel @p0 .LBB2_28-.Ltmp13, $4  }
0x5bf: {  	v3 =	vmul.f32 v5, v3;
	v7 =	vld [tilespmem:s0+$0x10]  }
0x5c0: {  	v6 =	vld [tilespmem:s29+$0xFFFFFFD0]  }
0x5c1: {  	v5 =	vld [tilespmem:s29+$0xFFFFFFF0];
	v4 =	vmul.f32 v10, v8  }
0x5c2: {  	s0 =	sadd.s32 $0x80, s0;
	v10 =	vshll.u32 v11, $0x4;
	v8 =	vld [tilespmem:s29+$0x10]  }
0x5c3: {  	v10 =	vor.u32 v1, v10;
	v9 =	vshll.u32 v9, $0x4  }
0x5c4: {  	v9 =	vor.u32 v1, v9;
	v7 =	vshll.u32 v7, $0x4  }
0x5c5: {  	v7 =	vor.u32 v1, v7  }
0x5c6: {  	v2 =	vmul.f32 v6, v2  }
0x5c7: {  	v3 =	vmul.f32 v5, v3  }
0x5c8: {  	v4 =	vmul.f32 v8, v4;
	[tilespmem:v10+s21+$0x0] =	vst.idx.add.f32.msk $0xffff, v2  }
0x5c9: {  	[tilespmem:v9+s21+$0x0] =	vst.idx.add.f32.msk $0xffff, v3  }
0x5ca: {  	[tilespmem:v7+s21+$0x0] =	vst.idx.add.f32.msk $0xffff, v4  }
0x5cb: {  	_ =	swait.ge [sflag:s22], $0x2000  }
0x5cc: {  	[sflag:s22] =	ssyncset.done $0x0  }
0x5cd: {  	[sflag:s22] =	ssyncadd.s32 $0xFFFFE000  }
0x5ce: {  	_ =	swait.ge [sflag:s22], $0x2000  }
0x5cf: {  	[sflag:s22] =	ssyncset.done $0x0  }
0x5d0: {  	[sflag:s22] =	ssyncadd.s32 $0xFFFFE000  }
0x5d1: {  	_ =	swait.ge [sflag:s22], $0x2000  }
0x5d2: {  	[sflag:s22] =	ssyncset.done $0x0  }
0x5d3: {  	[sflag:s22] =	ssyncadd.s32 $0xFFFFE000  }
0x5d4: {  	_ =	swait.ge [sflag:s22], $0x2000  }
0x5d5: {  	[sflag:s22] =	ssyncset.done $0x0  }
0x5d6: {  	[sflag:s22] =	ssyncadd.s32 $0xFFFFE000  }
0x5d7: {  	[tilespmem:s1], [sflag:$0x1] =	stream.linear.gather [hbm4b:s2+s1], $0x2000, $0x38;
	[tilespmem:$0x1C200] =	vst v63  }
0x5d8: {  	_ = 	snop  }
0x5d9: {  	[tilespmem:s8], [sflag:$0x1] =	stream.linear.gather [hbm4b:s3+s1], $0x2000, $0x38;
	[tilespmem:$0x1C200] =	vst v63  }
0x5da: {  	_ = 	snop  }
0x5db: {  	[tilespmem:s9], [sflag:$0x1] =	stream.linear.gather [hbm4b:s4+s1], $0x2000, $0x38;
	[tilespmem:$0x1C200] =	vst v63  }
0x5dc: {  	s0 =	simm.s32 $0x14070  }
0x5dd: {  	[tilespmem:s10], [sflag:$0x1] =	stream.linear.gather [hbm4b:s5+s1], $0x2000, $0x38;
	[tilespmem:$0x1C200] =	vst v63  }
0x5de: {  	s26 =	simm.s32 $0x2070;
	v2 =	vld [tilespmem:s0+$0xFFFFFFF0]  }
0x5df: {  	s28 =	simm.s32 $0x8070;
	v3 =	vld [tilespmem:s26+$0xFFFFFFF0]  }
0x5e0: {  	v4 =	vld [tilespmem:s28+$0xFFFFFFF0]  }
0x5e1: {  	s29 =	simm.s32 $0xE070;
	v5 =	vld [tilespmem:s28+$0xFFFFFF90]  }
0x5e2: {  	v6 =	vld [tilespmem:s29+$0xFFFFFFF0]  }
0x5e3: {  	v7 =	vld [tilespmem:s26+$0xFFFFFFB0]  }
0x5e4: {  	v8 =	vld [tilespmem:s28+$0xFFFFFFB0];
	v2 =	vshll.u32 v2, $0x4  }
0x5e5: {  	v9 =	vld [tilespmem:s26+$0xFFFFFFD0];
	v2 =	vor.u32 v1, v2  }
0x5e6: {  	v10 =	vld [tilespmem:s26+$0xFFFFFF90];
	v3 =	vmul.f32 v4, v3  }
0x5e7: {  	v12 =	vld [tilespmem:s0+$0xFFFFFFB0]  }
0x5e8: {  	v14 =	vld [tilespmem:s0+$0xFFFFFFD0];
	v3 =	vmul.f32 v6, v3  }
0x5e9: {  	v6 =	vld [tilespmem:s0+$0xFFFFFF90]  }
0x5ea: {  	[tilespmem:v2+s20+$0x0] =	vst.idx.add.f32.msk $0xffff, v3  }
0x5eb: {  	v2 =	vld [tilespmem:s0+$0x0]  }
0x5ec: {  	v3 =	vld [tilespmem:s26+$0x0]  }
0x5ed: {  	v11 =	vld [tilespmem:s28+$0x0]  }
0x5ee: {  	v15 =	vld [tilespmem:s29+$0xFFFFFF90]  }
0x5ef: {  	v13 =	vld [tilespmem:s29+$0x0];
	v6 =	vshll.u32 v6, $0x4  }
0x5f0: {  	v16 =	vld [tilespmem:s29+$0xFFFFFFB0];
	v6 =	vor.u32 v1, v6;
	v2 =	vshll.u32 v2, $0x4  }
0x5f1: {  	v4 =	vld [tilespmem:s28+$0xFFFFFFD0];
	v5 =	vmul.f32 v5, v10;
	v2 =	vor.u32 v1, v2  }
0x5f2: {  	v3 =	vmul.f32 v11, v3;
	v11 =	vshll.u32 v12, $0x4  }
0x5f3: {  	v10 =	vld [tilespmem:s29+$0xFFFFFFD0];
	v5 =	vmul.f32 v15, v5;
	v11 =	vor.u32 v1, v11  }
0x5f4: {  	v7 =	vmul.f32 v8, v7;
	v8 =	vshll.u32 v14, $0x4;
	v3 =	vmul.f32 v13, v3  }
0x5f5: {  	v8 =	vor.u32 v1, v8;
	[tilespmem:v6+s20+$0x0] =	vst.idx.add.f32.msk $0xffff, v5  }
0x5f6: {  	v4 =	vmul.f32 v4, v9;
	[tilespmem:v2+s21+$0x0] =	vst.idx.add.f32.msk $0xffff, v3;
	v2 =	vmul.f32 v16, v7  }
0x5f7: {  	v63 =	vld [tilespmem:s0+$0xFFFFFFA0]  }
0x5f8: {  	v3 =	vmul.f32 v10, v4;
	[tilespmem:v11+s20+$0x0] =	vst.idx.add.f32.msk $0xffff, v2  }
0x5f9: {  	v2 =	vld [tilespmem:s26+$0xFFFFFFA0]  }
0x5fa: {  	[tilespmem:v8+s20+$0x0] =	vst.idx.add.f32.msk $0xffff, v3  }
0x5fb: {  	v3 =	vld [tilespmem:s28+$0xFFFFFFA0]  }
0x5fc: {  	v4 =	vld [tilespmem:s26+$0xFFFFFFC0]  }
0x5fd: {  	v8 =	vld [tilespmem:s28+$0xFFFFFFC0]  }
0x5fe: {  	v10 =	vld [tilespmem:s26+$0xFFFFFFE0]  }
0x5ff: {  	v11 =	vld [tilespmem:s28+$0xFFFFFFE0]  }
0x600: {  	v9 =	vld [tilespmem:s0+$0xFFFFFFC0]  }
0x601: {  	v7 =	vld [tilespmem:s0+$0xFFFFFFE0]  }
0x602: {  	v6 =	vld [tilespmem:s29+$0xFFFFFFA0]  }
0x603: {  	v5 =	vld [tilespmem:s29+$0xFFFFFFC0];
	v2 =	vmul.f32 v3, v2  }
0x604: {  	s30 =	simm.s32 $0x0;
	s0 =	simm.s32 $0x140F0;
	v3 =	vmul.f32 v8, v4;
	v4 =	vmul.f32 v11, v10;
	v10 =	vshll.u32 v63, $0x4;
	v8 =	vld [tilespmem:s29+$0xFFFFFFE0]  }
.LBB2_30:
0x605: {  	v11 =	vld [tilespmem:s0+$0xFFFFFFF0];
	s30 =	sadd.s32 $0x4, s30;
	v10 =	vor.u32 v1, v10;
	v9 =	vshll.u32 v9, $0x4;
	s26 =	sadd.s32 $0x80, s26  }
0x606: {  	s28 =	sadd.s32 $0x80, s28;
	v12 =	vld [tilespmem:s26+$0xFFFFFFF0];
	p0 =	slt.u32 s30, $0xFC;
	v9 =	vor.u32 v1, v9;
	v7 =	vshll.u32 v7, $0x4  }
0x607: {  	v13 =	vld [tilespmem:s28+$0xFFFFFFF0];
	v2 =	vmul.f32 v6, v2;
	v6 =	vor.u32 v1, v7  }
0x608: {  	s29 =	sadd.s32 $0x80, s29;
	v7 =	vld [tilespmem:s28+$0xFFFFFF90];
	v3 =	vmul.f32 v5, v3  }
0x609: {  	v5 =	vld [tilespmem:s29+$0xFFFFFFF0];
	v4 =	vmul.f32 v8, v4  }
0x60a: {  	v8 =	vld [tilespmem:s26+$0xFFFFFFB0];
	v11 =	vshll.u32 v11, $0x4  }
0x60b: {  	v14 =	vld [tilespmem:s28+$0xFFFFFFB0];
	v11 =	vor.u32 v1, v11  }
0x60c: {  	v15 =	vld [tilespmem:s26+$0xFFFFFFD0];
	v12 =	vmul.f32 v13, v12  }
0x60d: {  	v13 =	vld [tilespmem:s28+$0xFFFFFFD0]  }
0x60e: {  	v16 =	vld [tilespmem:s26+$0xFFFFFF90];
	v5 =	vmul.f32 v5, v12  }
0x60f: {  	v12 =	vld [tilespmem:s0+$0xFFFFFF90]  }
0x610: {  	v8 =	vmul.f32 v14, v8;
	[tilespmem:v11+s20+$0x0] =	vst.idx.add.f32.msk $0xffff, v5  }
0x611: {  	v5 =	vld [tilespmem:s0+$0x0]  }
0x612: {  	v11 =	vmul.f32 v13, v15;
	v13 =	vld [tilespmem:s26+$0x0]  }
0x613: {  	v7 =	vmul.f32 v7, v16;
	v14 =	vld [tilespmem:s28+$0x0]  }
0x614: {  	v12 =	vshll.u32 v12, $0x4;
	v15 =	vld [tilespmem:s0+$0xFFFFFFB0]  }
0x615: {  	v12 =	vor.u32 v1, v12;
	v16 =	vld [tilespmem:s29+$0x0]  }
0x616: {  	v17 =	vld [tilespmem:s0+$0xFFFFFFD0];
	v5 =	vshll.u32 v5, $0x4  }
0x617: {  	v18 =	vld [tilespmem:s29+$0xFFFFFF90];
	v5 =	vor.u32 v1, v5  }
0x618: {  	v19 =	vld [tilespmem:s29+$0xFFFFFFB0];
	v13 =	vmul.f32 v14, v13  }
0x619: {  	v14 =	vshll.u32 v15, $0x4;
	v15 =	vld [tilespmem:s29+$0xFFFFFFD0]  }
0x61a: {  	v14 =	vor.u32 v1, v14;
	v13 =	vmul.f32 v16, v13;
	[tilespmem:v10+s21+$0x0] =	vst.idx.add.f32.msk $0xffff, v2  }
0x61b: {  	v2 =	vshll.u32 v17, $0x4;
	[tilespmem:v9+s21+$0x0] =	vst.idx.add.f32.msk $0xffff, v3  }
0x61c: {  	v3 =	vmul.f32 v18, v7;
	v2 =	vor.u32 v1, v2;
	[tilespmem:v5+s21+$0x0] =	vst.idx.add.f32.msk $0xffff, v13  }
0x61d: {  	v5 =	vmul.f32 v19, v8;
	[tilespmem:v6+s21+$0x0] =	vst.idx.add.f32.msk $0xffff, v4  }
0x61e: {  	[tilespmem:v12+s20+$0x0] =	vst.idx.add.f32.msk $0xffff, v3;
	v3 =	vmul.f32 v15, v11  }
0x61f: {  	[tilespmem:v14+s20+$0x0] =	vst.idx.add.f32.msk $0xffff, v5  }
0x620: {  	v4 =	vld [tilespmem:s26+$0xFFFFFFA0]  }
0x621: {  	[tilespmem:v2+s20+$0x0] =	vst.idx.add.f32.msk $0xffff, v3  }
0x622: {  	v2 =	vld [tilespmem:s28+$0xFFFFFFA0]  }
0x623: {  	v3 =	vld [tilespmem:s26+$0xFFFFFFC0]  }
0x624: {  	v5 =	vld [tilespmem:s28+$0xFFFFFFC0]  }
0x625: {  	v8 =	vld [tilespmem:s26+$0xFFFFFFE0]  }
0x626: {  	v10 =	vld [tilespmem:s28+$0xFFFFFFE0]  }
0x627: {  	v11 =	vld [tilespmem:s0+$0xFFFFFFA0];
	v2 =	vmul.f32 v2, v4  }
.Ltmp14:
0x628: {  	v9 =	vld [tilespmem:s0+$0xFFFFFFC0];
	(pc) =	sbr.rel @p0 .LBB2_30-.Ltmp14, $4  }
0x629: {  	v3 =	vmul.f32 v5, v3;
	v7 =	vld [tilespmem:s0+$0xFFFFFFE0]  }
0x62a: {  	v6 =	vld [tilespmem:s29+$0xFFFFFFA0]  }
0x62b: {  	v5 =	vld [tilespmem:s29+$0xFFFFFFC0];
	v4 =	vmul.f32 v10, v8  }
0x62c: {  	s0 =	sadd.s32 $0x80, s0;
	v10 =	vshll.u32 v11, $0x4;
	v8 =	vld [tilespmem:s29+$0xFFFFFFE0]  }
0x62d: {  	v10 =	vor.u32 v1, v10;
	v9 =	vshll.u32 v9, $0x4  }
0x62e: {  	v9 =	vor.u32 v1, v9;
	v7 =	vshll.u32 v7, $0x4  }
0x62f: {  	v7 =	vor.u32 v1, v7  }
0x630: {  	v2 =	vmul.f32 v6, v2  }
0x631: {  	v3 =	vmul.f32 v5, v3  }
0x632: {  	v4 =	vmul.f32 v8, v4;
	[tilespmem:v10+s21+$0x0] =	vst.idx.add.f32.msk $0xffff, v2  }
0x633: {  	[tilespmem:v9+s21+$0x0] =	vst.idx.add.f32.msk $0xffff, v3  }
0x634: {  	[tilespmem:v7+s21+$0x0] =	vst.idx.add.f32.msk $0xffff, v4  }
0x635: {  	_ =	swait.ge [sflag:s23], $0x2000  }
0x636: {  	[sflag:s23] =	ssyncset.done $0x0  }
0x637: {  	[sflag:s23] =	ssyncadd.s32 $0xFFFFE000  }
0x638: {  	_ =	swait.ge [sflag:s23], $0x2000  }
0x639: {  	[sflag:s23] =	ssyncset.done $0x0  }
0x63a: {  	[sflag:s23] =	ssyncadd.s32 $0xFFFFE000  }
0x63b: {  	_ =	swait.ge [sflag:s23], $0x2000  }
0x63c: {  	[sflag:s23] =	ssyncset.done $0x0  }
0x63d: {  	[sflag:s23] =	ssyncadd.s32 $0xFFFFE000  }
0x63e: {  	_ =	swait.ge [sflag:s23], $0x2000  }
0x63f: {  	[sflag:s23] =	ssyncset.done $0x0  }
0x640: {  	s26 =	simm.s32 $0x0;
	[sflag:s23] =	ssyncadd.s32 $0xFFFFE000  }
0x641: {  	v2 =	vld [tilespmem:s26+$0x16060]  }
0x642: {  	v3 =	vld [tilespmem:s26+$0x4060]  }
0x643: {  	v4 =	vld [tilespmem:s26+$0xA060]  }
0x644: {  	v5 =	vld [tilespmem:s26+$0x4000]  }
0x645: {  	v6 =	vld [tilespmem:s26+$0x10060]  }
0x646: {  	v7 =	vld [tilespmem:s26+$0xA000]  }
0x647: {  	v8 =	vld [tilespmem:s26+$0x4020];
	v2 =	vshll.u32 v2, $0x4  }
0x648: {  	v9 =	vld [tilespmem:s26+$0xA020];
	v2 =	vor.u32 v1, v2  }
0x649: {  	v10 =	vld [tilespmem:s26+$0xA040];
	v3 =	vmul.f32 v4, v3  }
0x64a: {  	v12 =	vld [tilespmem:s26+$0x16020]  }
0x64b: {  	v14 =	vld [tilespmem:s26+$0x16040];
	v3 =	vmul.f32 v6, v3  }
0x64c: {  	v6 =	vld [tilespmem:s26+$0x16000]  }
0x64d: {  	[tilespmem:v2+s20+$0x0] =	vst.idx.add.f32.msk $0xffff, v3  }
0x64e: {  	v2 =	vld [tilespmem:s26+$0x16070]  }
0x64f: {  	v3 =	vld [tilespmem:s26+$0x4070]  }
0x650: {  	v11 =	vld [tilespmem:s26+$0xA070]  }
0x651: {  	v15 =	vld [tilespmem:s26+$0x10000]  }
0x652: {  	v13 =	vld [tilespmem:s26+$0x10070]  }
0x653: {  	v16 =	vld [tilespmem:s26+$0x10020];
	v2 =	vshll.u32 v2, $0x4  }
0x654: {  	v4 =	vld [tilespmem:s26+$0x4040];
	v6 =	vshll.u32 v6, $0x4;
	v2 =	vor.u32 v1, v2  }
0x655: {  	v6 =	vor.u32 v1, v6;
	v3 =	vmul.f32 v11, v3;
	v11 =	vshll.u32 v12, $0x4  }
0x656: {  	v5 =	vmul.f32 v7, v5;
	v7 =	vld [tilespmem:s26+$0x10040];
	v11 =	vor.u32 v1, v11  }
0x657: {  	v8 =	vmul.f32 v9, v8;
	v9 =	vshll.u32 v14, $0x4;
	v3 =	vmul.f32 v13, v3  }
0x658: {  	v9 =	vor.u32 v1, v9;
	v5 =	vmul.f32 v15, v5  }
0x659: {  	v4 =	vmul.f32 v10, v4;
	[tilespmem:v2+s21+$0x0] =	vst.idx.add.f32.msk $0xffff, v3;
	v2 =	vmul.f32 v16, v8  }
0x65a: {  	[tilespmem:v6+s20+$0x0] =	vst.idx.add.f32.msk $0xffff, v5  }
0x65b: {  	v3 =	vmul.f32 v7, v4;
	[tilespmem:v11+s20+$0x0] =	vst.idx.add.f32.msk $0xffff, v2  }
0x65c: {  	v2 =	vld [tilespmem:s26+$0x4010]  }
0x65d: {  	[tilespmem:v9+s20+$0x0] =	vst.idx.add.f32.msk $0xffff, v3  }
0x65e: {  	v3 =	vld [tilespmem:s26+$0xA010]  }
0x65f: {  	v4 =	vld [tilespmem:s26+$0x4030]  }
0x660: {  	v6 =	vld [tilespmem:s26+$0xA030]  }
0x661: {  	v10 =	vld [tilespmem:s26+$0x4050]  }
0x662: {  	v11 =	vld [tilespmem:s26+$0xA050]  }
0x663: {  	v9 =	vld [tilespmem:s26+$0x16010]  }
0x664: {  	v8 =	vld [tilespmem:s26+$0x16030]  }
0x665: {  	v7 =	vld [tilespmem:s26+$0x16050]  }
0x666: {  	v5 =	vld [tilespmem:s26+$0x10010];
	v2 =	vmul.f32 v3, v2  }
0x667: {  	s28 =	simm.s32 $0x0;
	s0 =	simm.s32 $0x200;
	v3 =	vmul.f32 v6, v4;
	v6 =	vld [tilespmem:s26+$0x10030];
	v4 =	vmul.f32 v11, v10  }
.LBB2_32:
0x668: {  	s28 =	sadd.s32 $0x4, s28;
	v9 =	vshll.u32 v9, $0x4;
	v10 =	vld [tilespmem:s26+$0x10050];
	s26 =	sshra.s32 s0, $0x2  }
0x669: {  	v11 =	vld [tilespmem:s26+$0x16060];
	p0 =	slt.u32 s28, $0xFC;
	v9 =	vor.u32 v1, v9;
	v8 =	vshll.u32 v8, $0x4  }
0x66a: {  	v12 =	vld [tilespmem:s26+$0x4060];
	v8 =	vor.u32 v1, v8;
	v7 =	vshll.u32 v7, $0x4  }
0x66b: {  	v13 =	vld [tilespmem:s26+$0xA060];
	v2 =	vmul.f32 v5, v2;
	v5 =	vor.u32 v1, v7  }
0x66c: {  	v7 =	vld [tilespmem:s26+$0x4000];
	v3 =	vmul.f32 v6, v3  }
0x66d: {  	v6 =	vld [tilespmem:s26+$0x10060];
	v4 =	vmul.f32 v10, v4  }
0x66e: {  	v10 =	vld [tilespmem:s26+$0xA000];
	v11 =	vshll.u32 v11, $0x4  }
0x66f: {  	v14 =	vld [tilespmem:s26+$0x4020];
	v11 =	vor.u32 v1, v11  }
0x670: {  	v15 =	vld [tilespmem:s26+$0xA020];
	v12 =	vmul.f32 v13, v12  }
0x671: {  	v13 =	vld [tilespmem:s26+$0x4040]  }
0x672: {  	v16 =	vld [tilespmem:s26+$0xA040];
	v6 =	vmul.f32 v6, v12  }
0x673: {  	v12 =	vld [tilespmem:s26+$0x16000];
	v7 =	vmul.f32 v10, v7  }
0x674: {  	[tilespmem:v11+s20+$0x0] =	vst.idx.add.f32.msk $0xffff, v6  }
0x675: {  	v6 =	vmul.f32 v15, v14;
	v10 =	vld [tilespmem:s26+$0x16070]  }
0x676: {  	v11 =	vld [tilespmem:s26+$0x4070]  }
0x677: {  	v13 =	vmul.f32 v16, v13;
	v14 =	vld [tilespmem:s26+$0xA070]  }
0x678: {  	v12 =	vshll.u32 v12, $0x4;
	v15 =	vld [tilespmem:s26+$0x16020]  }
0x679: {  	v12 =	vor.u32 v1, v12;
	v16 =	vld [tilespmem:s26+$0x10070]  }
0x67a: {  	v17 =	vld [tilespmem:s26+$0x16040];
	v10 =	vshll.u32 v10, $0x4  }
0x67b: {  	v18 =	vld [tilespmem:s26+$0x10000];
	v10 =	vor.u32 v1, v10  }
0x67c: {  	v19 =	vld [tilespmem:s26+$0x10020];
	v11 =	vmul.f32 v14, v11  }
0x67d: {  	v14 =	vshll.u32 v15, $0x4;
	v15 =	vld [tilespmem:s26+$0x10040]  }
0x67e: {  	v14 =	vor.u32 v1, v14;
	v11 =	vmul.f32 v16, v11;
	[tilespmem:v9+s21+$0x0] =	vst.idx.add.f32.msk $0xffff, v2  }
0x67f: {  	v2 =	vshll.u32 v17, $0x4;
	[tilespmem:v8+s21+$0x0] =	vst.idx.add.f32.msk $0xffff, v3  }
0x680: {  	v3 =	vmul.f32 v18, v7;
	v2 =	vor.u32 v1, v2;
	[tilespmem:v10+s21+$0x0] =	vst.idx.add.f32.msk $0xffff, v11  }
0x681: {  	v6 =	vmul.f32 v19, v6;
	[tilespmem:v5+s21+$0x0] =	vst.idx.add.f32.msk $0xffff, v4  }
0x682: {  	[tilespmem:v12+s20+$0x0] =	vst.idx.add.f32.msk $0xffff, v3;
	v3 =	vmul.f32 v15, v13  }
0x683: {  	[tilespmem:v14+s20+$0x0] =	vst.idx.add.f32.msk $0xffff, v6  }
0x684: {  	v4 =	vld [tilespmem:s26+$0x4010]  }
0x685: {  	[tilespmem:v2+s20+$0x0] =	vst.idx.add.f32.msk $0xffff, v3  }
0x686: {  	v2 =	vld [tilespmem:s26+$0xA010]  }
0x687: {  	v3 =	vld [tilespmem:s26+$0x4030]  }
0x688: {  	v5 =	vld [tilespmem:s26+$0xA030]  }
0x689: {  	v10 =	vld [tilespmem:s26+$0x4050]  }
0x68a: {  	v11 =	vld [tilespmem:s26+$0xA050]  }
.Ltmp15:
0x68b: {  	v9 =	vld [tilespmem:s26+$0x16010];
	v2 =	vmul.f32 v2, v4;
	(pc) =	sbr.rel @p0 .LBB2_32-.Ltmp15, $4  }
0x68c: {  	v8 =	vld [tilespmem:s26+$0x16030]  }
0x68d: {  	v3 =	vmul.f32 v5, v3;
	v7 =	vld [tilespmem:s26+$0x16050]  }
0x68e: {  	v5 =	vld [tilespmem:s26+$0x10010]  }
0x68f: {  	s0 =	sadd.s32 $0x200, s0;
	v6 =	vld [tilespmem:s26+$0x10030];
	v4 =	vmul.f32 v11, v10  }
0x690: {  	v9 =	vshll.u32 v9, $0x4  }
0x691: {  	v10 =	vld [tilespmem:s26+$0x10050];
	v9 =	vor.u32 v1, v9;
	v8 =	vshll.u32 v8, $0x4  }
0x692: {  	v8 =	vor.u32 v1, v8;
	v7 =	vshll.u32 v7, $0x4  }
0x693: {  	v7 =	vor.u32 v1, v7  }
0x694: {  	v2 =	vmul.f32 v5, v2  }
0x695: {  	v3 =	vmul.f32 v6, v3  }
0x696: {  	v4 =	vmul.f32 v10, v4;
	[tilespmem:v9+s21+$0x0] =	vst.idx.add.f32.msk $0xffff, v2  }
0x697: {  	[tilespmem:v8+s21+$0x0] =	vst.idx.add.f32.msk $0xffff, v3  }
0x698: {  	[tilespmem:v7+s21+$0x0] =	vst.idx.add.f32.msk $0xffff, v4  }
0x699: {  	_ =	swait.ge [sflag:s15], $0x2000  }
0x69a: {  	[sflag:s15] =	ssyncset.done $0x0  }
0x69b: {  	[sflag:s15] =	ssyncadd.s32 $0xFFFFE000  }
0x69c: {  	_ =	swait.ge [sflag:s15], $0x2000  }
0x69d: {  	[sflag:s15] =	ssyncset.done $0x0  }
0x69e: {  	[sflag:s15] =	ssyncadd.s32 $0xFFFFE000  }
0x69f: {  	_ =	swait.ge [sflag:s15], $0x2000  }
0x6a0: {  	[sflag:s15] =	ssyncset.done $0x0  }
0x6a1: {  	[sflag:s15] =	ssyncadd.s32 $0xFFFFE000  }
0x6a2: {  	_ =	swait.ge [sflag:s15], $0x2000  }
0x6a3: {  	[sflag:s15] =	ssyncset.done $0x0  }
0x6a4: {  	s0 =	simm.s32 $0x12040;
	[sflag:s15] =	ssyncadd.s32 $0xFFFFE000  }
0x6a5: {  	s28 =	simm.s32 $0x40;
	v2 =	vld [tilespmem:s0+$0x20]  }
0x6a6: {  	s29 =	simm.s32 $0x6040;
	v3 =	vld [tilespmem:s28+$0x20]  }
0x6a7: {  	v4 =	vld [tilespmem:s29+$0x20]  }
0x6a8: {  	s30 =	simm.s32 $0xC040;
	v5 =	vld [tilespmem:s29+$0xFFFFFFC0]  }
0x6a9: {  	v6 =	vld [tilespmem:s30+$0x20]  }
0x6aa: {  	v7 =	vld [tilespmem:s28+$0xFFFFFFE0]  }
0x6ab: {  	v8 =	vld [tilespmem:s29+$0xFFFFFFE0];
	v2 =	vshll.u32 v2, $0x4  }
0x6ac: {  	v9 =	vld [tilespmem:s28+$0x0];
	v2 =	vor.u32 v1, v2  }
0x6ad: {  	v10 =	vld [tilespmem:s28+$0xFFFFFFC0];
	v3 =	vmul.f32 v4, v3  }
0x6ae: {  	v12 =	vld [tilespmem:s0+$0xFFFFFFE0]  }
0x6af: {  	v14 =	vld [tilespmem:s0+$0x0];
	v3 =	vmul.f32 v6, v3  }
0x6b0: {  	v6 =	vld [tilespmem:s0+$0xFFFFFFC0]  }
0x6b1: {  	[tilespmem:v2+s20+$0x0] =	vst.idx.add.f32.msk $0xffff, v3  }
0x6b2: {  	v2 =	vld [tilespmem:s0+$0x30]  }
0x6b3: {  	v3 =	vld [tilespmem:s28+$0x30]  }
0x6b4: {  	v11 =	vld [tilespmem:s29+$0x30]  }
0x6b5: {  	v15 =	vld [tilespmem:s30+$0xFFFFFFC0]  }
0x6b6: {  	v13 =	vld [tilespmem:s30+$0x30];
	v6 =	vshll.u32 v6, $0x4  }
0x6b7: {  	v16 =	vld [tilespmem:s30+$0xFFFFFFE0];
	v6 =	vor.u32 v1, v6;
	v2 =	vshll.u32 v2, $0x4  }
0x6b8: {  	v4 =	vld [tilespmem:s29+$0x0];
	v5 =	vmul.f32 v5, v10;
	v2 =	vor.u32 v1, v2  }
0x6b9: {  	v3 =	vmul.f32 v11, v3;
	v11 =	vshll.u32 v12, $0x4  }
0x6ba: {  	v10 =	vld [tilespmem:s30+$0x0];
	v5 =	vmul.f32 v15, v5;
	v11 =	vor.u32 v1, v11  }
0x6bb: {  	v7 =	vmul.f32 v8, v7;
	v8 =	vshll.u32 v14, $0x4;
	v3 =	vmul.f32 v13, v3  }
0x6bc: {  	v8 =	vor.u32 v1, v8;
	[tilespmem:v6+s20+$0x0] =	vst.idx.add.f32.msk $0xffff, v5  }
0x6bd: {  	v4 =	vmul.f32 v4, v9;
	[tilespmem:v2+s21+$0x0] =	vst.idx.add.f32.msk $0xffff, v3;
	v2 =	vmul.f32 v16, v7  }
0x6be: {  	v63 =	vld [tilespmem:s0+$0xFFFFFFD0]  }
0x6bf: {  	v3 =	vmul.f32 v10, v4;
	[tilespmem:v11+s20+$0x0] =	vst.idx.add.f32.msk $0xffff, v2  }
0x6c0: {  	v2 =	vld [tilespmem:s28+$0xFFFFFFD0]  }
0x6c1: {  	[tilespmem:v8+s20+$0x0] =	vst.idx.add.f32.msk $0xffff, v3  }
0x6c2: {  	v3 =	vld [tilespmem:s29+$0xFFFFFFD0]  }
0x6c3: {  	v4 =	vld [tilespmem:s28+$0xFFFFFFF0]  }
0x6c4: {  	v8 =	vld [tilespmem:s29+$0xFFFFFFF0]  }
0x6c5: {  	v10 =	vld [tilespmem:s28+$0x10]  }
0x6c6: {  	v11 =	vld [tilespmem:s29+$0x10]  }
0x6c7: {  	v9 =	vld [tilespmem:s0+$0xFFFFFFF0]  }
0x6c8: {  	v7 =	vld [tilespmem:s0+$0x10]  }
0x6c9: {  	v6 =	vld [tilespmem:s30+$0xFFFFFFD0]  }
0x6ca: {  	v5 =	vld [tilespmem:s30+$0xFFFFFFF0];
	v2 =	vmul.f32 v3, v2  }
0x6cb: {  	s31 =	simm.s32 $0x0;
	s0 =	simm.s32 $0x120C0;
	v3 =	vmul.f32 v8, v4;
	v4 =	vmul.f32 v11, v10;
	v10 =	vshll.u32 v63, $0x4;
	v8 =	vld [tilespmem:s30+$0x10]  }
.LBB2_34:
0x6cc: {  	v11 =	vld [tilespmem:s0+$0x20];
	s31 =	sadd.s32 $0x4, s31;
	v10 =	vor.u32 v1, v10;
	v9 =	vshll.u32 v9, $0x4;
	s28 =	sadd.s32 $0x80, s28  }
0x6cd: {  	s29 =	sadd.s32 $0x80, s29;
	v12 =	vld [tilespmem:s28+$0x20];
	p0 =	slt.u32 s31, $0xFC;
	v9 =	vor.u32 v1, v9;
	v7 =	vshll.u32 v7, $0x4  }
0x6ce: {  	v13 =	vld [tilespmem:s29+$0x20];
	v2 =	vmul.f32 v6, v2;
	v6 =	vor.u32 v1, v7  }
0x6cf: {  	s30 =	sadd.s32 $0x80, s30;
	v7 =	vld [tilespmem:s29+$0xFFFFFFC0];
	v3 =	vmul.f32 v5, v3  }
0x6d0: {  	v5 =	vld [tilespmem:s30+$0x20];
	v4 =	vmul.f32 v8, v4  }
0x6d1: {  	v8 =	vld [tilespmem:s28+$0xFFFFFFE0];
	v11 =	vshll.u32 v11, $0x4  }
0x6d2: {  	v14 =	vld [tilespmem:s29+$0xFFFFFFE0];
	v11 =	vor.u32 v1, v11  }
0x6d3: {  	v15 =	vld [tilespmem:s28+$0x0];
	v12 =	vmul.f32 v13, v12  }
0x6d4: {  	v13 =	vld [tilespmem:s29+$0x0]  }
0x6d5: {  	v16 =	vld [tilespmem:s28+$0xFFFFFFC0];
	v5 =	vmul.f32 v5, v12  }
0x6d6: {  	v12 =	vld [tilespmem:s0+$0xFFFFFFC0]  }
0x6d7: {  	v8 =	vmul.f32 v14, v8;
	[tilespmem:v11+s20+$0x0] =	vst.idx.add.f32.msk $0xffff, v5  }
0x6d8: {  	v5 =	vld [tilespmem:s0+$0x30]  }
0x6d9: {  	v11 =	vmul.f32 v13, v15;
	v13 =	vld [tilespmem:s28+$0x30]  }
0x6da: {  	v7 =	vmul.f32 v7, v16;
	v14 =	vld [tilespmem:s29+$0x30]  }
0x6db: {  	v12 =	vshll.u32 v12, $0x4;
	v15 =	vld [tilespmem:s0+$0xFFFFFFE0]  }
0x6dc: {  	v12 =	vor.u32 v1, v12;
	v16 =	vld [tilespmem:s30+$0x30]  }
0x6dd: {  	v17 =	vld [tilespmem:s0+$0x0];
	v5 =	vshll.u32 v5, $0x4  }
0x6de: {  	v18 =	vld [tilespmem:s30+$0xFFFFFFC0];
	v5 =	vor.u32 v1, v5  }
0x6df: {  	v19 =	vld [tilespmem:s30+$0xFFFFFFE0];
	v13 =	vmul.f32 v14, v13  }
0x6e0: {  	v14 =	vshll.u32 v15, $0x4;
	v15 =	vld [tilespmem:s30+$0x0]  }
0x6e1: {  	v14 =	vor.u32 v1, v14;
	v13 =	vmul.f32 v16, v13;
	[tilespmem:v10+s21+$0x0] =	vst.idx.add.f32.msk $0xffff, v2  }
0x6e2: {  	v2 =	vshll.u32 v17, $0x4;
	[tilespmem:v9+s21+$0x0] =	vst.idx.add.f32.msk $0xffff, v3  }
0x6e3: {  	s26 =	simm.s32 $0x1C000;
	v3 =	vmul.f32 v18, v7;
	v2 =	vor.u32 v1, v2;
	[tilespmem:v5+s21+$0x0] =	vst.idx.add.f32.msk $0xffff, v13  }
0x6e4: {  	v5 =	vmul.f32 v19, v8;
	[tilespmem:v6+s21+$0x0] =	vst.idx.add.f32.msk $0xffff, v4  }
0x6e5: {  	[tilespmem:v12+s20+$0x0] =	vst.idx.add.f32.msk $0xffff, v3;
	v3 =	vmul.f32 v15, v11  }
0x6e6: {  	[tilespmem:v14+s20+$0x0] =	vst.idx.add.f32.msk $0xffff, v5  }
0x6e7: {  	v4 =	vld [tilespmem:s28+$0xFFFFFFD0]  }
0x6e8: {  	[tilespmem:v2+s20+$0x0] =	vst.idx.add.f32.msk $0xffff, v3  }
0x6e9: {  	v2 =	vld [tilespmem:s29+$0xFFFFFFD0]  }
0x6ea: {  	v3 =	vld [tilespmem:s28+$0xFFFFFFF0]  }
0x6eb: {  	v5 =	vld [tilespmem:s29+$0xFFFFFFF0]  }
0x6ec: {  	v8 =	vld [tilespmem:s28+$0x10]  }
0x6ed: {  	v10 =	vld [tilespmem:s29+$0x10]  }
0x6ee: {  	v11 =	vld [tilespmem:s0+$0xFFFFFFD0];
	v2 =	vmul.f32 v2, v4  }
.Ltmp16:
0x6ef: {  	v9 =	vld [tilespmem:s0+$0xFFFFFFF0];
	(pc) =	sbr.rel @p0 .LBB2_34-.Ltmp16, $4  }
0x6f0: {  	v3 =	vmul.f32 v5, v3;
	v7 =	vld [tilespmem:s0+$0x10]  }
0x6f1: {  	v6 =	vld [tilespmem:s30+$0xFFFFFFD0]  }
0x6f2: {  	v5 =	vld [tilespmem:s30+$0xFFFFFFF0];
	v4 =	vmul.f32 v10, v8  }
0x6f3: {  	s0 =	sadd.s32 $0x80, s0;
	v10 =	vshll.u32 v11, $0x4;
	v8 =	vld [tilespmem:s30+$0x10]  }
0x6f4: {  	v10 =	vor.u32 v1, v10;
	v9 =	vshll.u32 v9, $0x4  }
0x6f5: {  	v9 =	vor.u32 v1, v9;
	v7 =	vshll.u32 v7, $0x4  }
0x6f6: {  	v7 =	vor.u32 v1, v7  }
0x6f7: {  	v2 =	vmul.f32 v6, v2  }
0x6f8: {  	v3 =	vmul.f32 v5, v3  }
0x6f9: {  	v4 =	vmul.f32 v8, v4;
	[tilespmem:v10+s21+$0x0] =	vst.idx.add.f32.msk $0xffff, v2  }
0x6fa: {  	[tilespmem:v9+s21+$0x0] =	vst.idx.add.f32.msk $0xffff, v3  }
0x6fb: {  	s0 =	simm.s32 $0x0;
	[tilespmem:v7+s21+$0x0] =	vst.idx.add.f32.msk $0xffff, v4  }
0x6fc: {  	v2 =	vld [tilespmem:s0+$0x180E0]  }
0x6fd: {  	v3 =	vld [tilespmem:s0+$0x1A0E0]  }
0x6fe: {  	v4 =	vld [tilespmem:s0+$0x180C0]  }
0x6ff: {  	v5 =	vld [tilespmem:s0+$0x1A0C0]  }
0x700: {  	v6 =	vld [tilespmem:s0+$0x180B0]  }
0x701: {  	v7 =	vld [tilespmem:s0+$0x1A0B0]  }
0x702: {  	v8 =	vld [tilespmem:s0+$0x18090]  }
0x703: {  	v9 =	vld [tilespmem:s0+$0x1A090]  }
0x704: {  	v10 =	vld [tilespmem:s0+$0x18080]  }
0x705: {  	v11 =	vld [tilespmem:s0+$0x1A080]  }
0x706: {  	v12 =	vld [tilespmem:s0+$0x18060]  }
0x707: {  	v13 =	vld [tilespmem:s0+$0x1A060]  }
0x708: {  	v14 =	vld [tilespmem:s0+$0x18050]  }
0x709: {  	v15 =	vld [tilespmem:s0+$0x1A050]  }
0x70a: {  	v16 =	vld [tilespmem:s0+$0x18030]  }
0x70b: {  	v17 =	vld [tilespmem:s0+$0x1A030]  }
0x70c: {  	v18 =	vld [tilespmem:s0+$0x18020]  }
0x70d: {  	v19 =	vld [tilespmem:s0+$0x1A020]  }
0x70e: {  	s28 =	simm.s32 $0x100;
	v49 =	vld [tilespmem:s0+$0x180A0];
	v2 =	vadd.f32 v3, v2  }
0x70f: {  	v51 =	vld [tilespmem:s28+$0x180E0];
	v4 =	vadd.f32 v5, v4  }
0x710: {  	v3 =	vld [tilespmem:s0+$0x18000];
	(xrf2) =	vadd.scan.msk.f32 $0xffff, v2;
	v2 =	vadd.f32 v7, v6  }
0x711: {  	v5 =	vld [tilespmem:s0+$0x1A000];
	(xrf2) =	vadd.scan.msk.f32 $0xffff, v4;
	v4 =	vadd.f32 v9, v8  }
0x712: {  	v6 =	vld [tilespmem:s0+$0x18010];
	(xrf2) =	vadd.scan.msk.f32 $0xffff, v2;
	v2 =	vadd.f32 v11, v10  }
0x713: {  	v7 =	vld [tilespmem:s0+$0x1A010];
	(xrf2) =	vadd.scan.msk.f32 $0xffff, v4;
	v4 =	vadd.f32 v13, v12  }
0x714: {  	v55 =	vld [tilespmem:s28+$0x1A0C0];
	(xrf2) =	vadd.scan.msk.f32 $0xffff, v2;
	v2 =	vadd.f32 v15, v14  }
0x715: {  	v8 =	vld [tilespmem:s0+$0x18040];
	(xrf2) =	vadd.scan.msk.f32 $0xffff, v4;
	v4 =	vadd.f32 v17, v16  }
0x716: {  	v9 =	vld [tilespmem:s0+$0x1A040];
	(xrf2) =	vadd.scan.msk.f32 $0xffff, v2;
	v2 =	vadd.f32 v19, v18  }
0x717: {  	v57 =	vld [tilespmem:s28+$0x1A0B0];
	v3 =	vadd.f32 v5, v3;
	(xrf2) =	vadd.scan.msk.f32 $0xffff, v4  }
0x718: {  	v10 =	vld [tilespmem:s0+$0x18070];
	(xrf2) =	vadd.scan.msk.f32 $0xffff, v2;
	v2 =	vadd.f32 v7, v6  }
0x719: {  	v11 =	vld [tilespmem:s0+$0x1A070];
	(xrf2) =	vadd.scan.msk.f32 $0xffff, v3  }
0x71a: {  	v22 =	vld [tilespmem:s28+$0x18090];
	v6, _, _ =	vpop (xrf2);
	(xrf2) =	vadd.scan.msk.f32 $0xffff, v2  }
0x71b: {  	v5 =	vld [tilespmem:s0+$0x180D0];
	v8 =	vadd.f32 v9, v8;
	v7, _, _ =	vpop (xrf2)  }
0x71c: {  	v4 =	vld [tilespmem:s0+$0x1A0A0];
	v50, _, _ =	vpop (xrf2)  }
0x71d: {  	v9 =	vld [tilespmem:s0+$0x1A0F0];
	(xrf2) =	vadd.scan.msk.f32 $0xffff, v8;
	v52, _, _ =	vpop (xrf2)  }
0x71e: {  	v10 =	vadd.f32 v11, v10;
	v2 =	vld [tilespmem:s0+$0x180F0];
	v53, _, _ =	vpop (xrf2)  }
0x71f: {  	v3 =	vld [tilespmem:s0+$0x1A0D0];
	v54, _, _ =	vpop (xrf2)  }
0x720: {  	v24 =	vld [tilespmem:s28+$0x18080];
	v56, _, _ =	vpop (xrf2);
	(xrf2) =	vadd.scan.msk.f32 $0xffff, v10  }
0x721: {  	v8 =	vld [tilespmem:s28+$0x1A0E0];
	v4 =	vadd.f32 v4, v49;
	v20, _, _ =	vpop (xrf2)  }
0x722: {  	v11 =	vld [tilespmem:s28+$0x180C0];
	v21, _, _ =	vpop (xrf2)  }
0x723: {  	v2 =	vadd.f32 v9, v2;
	v9 =	vld [tilespmem:s28+$0x1A080];
	(xrf2) =	vadd.scan.msk.f32 $0xffff, v4;
	v23, _, _ =	vpop (xrf2)  }
0x724: {  	v3 =	vadd.f32 v3, v5;
	v10 =	vld [tilespmem:s28+$0x180B0];
	v5, _, _ =	vpop (xrf2)  }
0x725: {  	v4 =	vld [tilespmem:s28+$0x1A090];
	v23 =	vbroadcast v23, $0xF;
	v5 =	vbroadcast v5, $0xF  }
0x726: {  	(xrf2) =	vadd.scan.msk.f32 $0xffff, v3;
	v3 =	vadd.f32 v8, v51;
	v8 =	vbroadcast v21, $0xF  }
0x727: {  	v11 =	vadd.f32 v55, v11;
	(xrf2) =	vadd.scan.msk.f32 $0xffff, v2;
	v2 =	vbroadcast v20, $0xF;
	v58, _, _ =	vpop (xrf2);
	v5 =	vsel vm0, v23, v5  }
0x728: {  	v9 =	vadd.f32 v9, v24;
	v5 =	vsel vm1, v5, v8;
	v8 =	vbroadcast v58, $0xF  }
0x729: {  	(xrf2) =	vadd.scan.msk.f32 $0xffff, v3;
	v3 =	vadd.f32 v57, v10;
	v2 =	vsel vm2, v5, v2;
	v5 =	vbroadcast v56, $0xF  }
0x72a: {  	v4 =	vadd.f32 v4, v22;
	(xrf2) =	vadd.scan.msk.f32 $0xffff, v11;
	v2 =	vsel vm3, v2, v8;
	v8 =	vbroadcast v54, $0xF;
	v10, _, _ =	vpop (xrf2)  }
0x72b: {  	(xrf2) =	vadd.scan.msk.f32 $0xffff, v3;
	v2 =	vsel vm4, v2, v5;
	v5 =	vbroadcast v10, $0xF  }
0x72c: {  	v3 =	vld [tilespmem:s28+$0x18060];
	(xrf2) =	vadd.scan.msk.f32 $0xffff, v4;
	v4 =	vbroadcast v53, $0xF;
	v2 =	vsel vm5, v2, v8  }
0x72d: {  	v10 =	vld [tilespmem:s28+$0x1A060];
	(xrf2) =	vadd.scan.msk.f32 $0xffff, v9;
	v9, _, _ =	vpop (xrf2);
	v2 =	vsel vm6, v2, v5;
	v5 =	vbroadcast v52, $0xF  }
0x72e: {  	v2 =	vsel vm7, v2, v4;
	v4 =	vbroadcast v9, $0xF  }
0x72f: {  	v11 =	vld [tilespmem:s28+$0x1A050];
	v2 =	vsel vm8, v2, v5;
	v5 =	vbroadcast v50, $0xF  }
0x730: {  	v8 =	vld [tilespmem:s28+$0x18050];
	v2 =	vsel vm9, v2, v4;
	v4 =	vbroadcast v7, $0xF  }
0x731: {  	v59 =	vld [tilespmem:s28+$0x1A030];
	v5 =	vsel vm10, v2, v5  }
0x732: {  	v9 =	vld [tilespmem:s28+$0x18030];
	v4 =	vsel vm11, v5, v4;
	v5 =	vbroadcast v6, $0xF;
	v6 =	vadd.f32 v10, v3  }
0x733: {  	v60, _, _ =	vpop (xrf2)  }
0x734: {  	v7 =	vbroadcast v60, $0xF;
	(xrf2) =	vadd.scan.msk.f32 $0xffff, v6  }
0x735: {  	v61 =	vld [tilespmem:s28+$0x18020];
	v8 =	vadd.f32 v11, v8  }
0x736: {  	v63 =	vld [tilespmem:s28+$0x1A020];
	v62, _, _ =	vpop (xrf2);
	v4 =	vsel vm12, v4, v7  }
0x737: {  	v2, _, _ =	vpop (xrf2);
	v5 =	vsel vm13, v4, v5;
	v6 =	vadd.f32 v59, v9;
	(xrf2) =	vadd.scan.msk.f32 $0xffff, v8  }
0x738: {  	v7 =	vld [tilespmem:s28+$0x18000];
	v3, _, _ =	vpop (xrf2)  }
0x739: {  	v9 =	vld [tilespmem:s28+$0x1A000];
	v4, _, _ =	vpop (xrf2)  }
0x73a: {  	v10 =	vsel vm14, v5, v62;
	(xrf2) =	vadd.scan.msk.f32 $0xffff, v6;
	v5, _, _ =	vpop (xrf2)  }
0x73b: {  	s29 =	simm.s32 $0x800;
	v8 =	vld [tilespmem:s28+$0x18010];
	[tilespmem:s26+$0x0] =	vst v10;
	v10 =	vadd.f32 v63, v61;
	v6, _, _ =	vpop (xrf2)  }
.LBB2_36:
0x73c: {  	p0 =	sne.s32 s29, $0x7C00;
	v11 =	vld [tilespmem:s28+$0x1A010]  }
0x73d: {  	(xrf2) =	vadd.scan.msk.f32 $0xffff, v10  }
0x73e: {  	v7 =	vadd.f32 v9, v7;
	v9 =	vld [tilespmem:s28+$0x18040];
	v10, _, _ =	vpop (xrf2)  }
0x73f: {  	v12 =	vld [tilespmem:s28+$0x1A040]  }
0x740: {  	(xrf2) =	vadd.scan.msk.f32 $0xffff, v7  }
0x741: {  	v7 =	vadd.f32 v11, v8;
	v8 =	vld [tilespmem:s28+$0x18070];
	v11, _, _ =	vpop (xrf2)  }
0x742: {  	v13 =	vld [tilespmem:s28+$0x1A070]  }
0x743: {  	(xrf2) =	vadd.scan.msk.f32 $0xffff, v7  }
0x744: {  	v7 =	vadd.f32 v12, v9;
	v9 =	vld [tilespmem:s28+$0x180A0];
	v12, _, _ =	vpop (xrf2)  }
0x745: {  	v14 =	vld [tilespmem:s28+$0x1A0A0]  }
0x746: {  	(xrf2) =	vadd.scan.msk.f32 $0xffff, v7  }
0x747: {  	v7 =	vadd.f32 v13, v8;
	v8 =	vld [tilespmem:s28+$0x180D0];
	v13, _, _ =	vpop (xrf2)  }
0x748: {  	v15 =	vld [tilespmem:s28+$0x1A0D0]  }
0x749: {  	(xrf2) =	vadd.scan.msk.f32 $0xffff, v7  }
0x74a: {  	v7 =	vadd.f32 v14, v9;
	v9 =	vld [tilespmem:s28+$0x180F0];
	v14, _, _ =	vpop (xrf2)  }
0x74b: {  	v16 =	vld [tilespmem:s28+$0x1A0F0]  }
0x74c: {  	s28 =	sshra.s32 s29, $0x2;
	(xrf2) =	vadd.scan.msk.f32 $0xffff, v7  }
0x74d: {  	v7 =	vld [tilespmem:s28+$0x180E0];
	v8 =	vadd.f32 v15, v8;
	v15, _, _ =	vpop (xrf2)  }
0x74e: {  	v14 =	vbroadcast v14, $0xF;
	v17 =	vld [tilespmem:s28+$0x1A0E0];
	v18 =	vbroadcast v15, $0xF  }
0x74f: {  	v13 =	vbroadcast v13, $0xF;
	(xrf2) =	vadd.scan.msk.f32 $0xffff, v8  }
0x750: {  	v12 =	vbroadcast v12, $0xF;
	v8 =	vld [tilespmem:s28+$0x180C0];
	v14 =	vsel vm0, v14, v18;
	v9 =	vadd.f32 v16, v9;
	v15, _, _ =	vpop (xrf2)  }
0x751: {  	v16 =	vld [tilespmem:s28+$0x1A0C0];
	v18 =	vsel vm1, v14, v13;
	v14 =	vbroadcast v15, $0xF  }
0x752: {  	v11 =	vbroadcast v11, $0xF;
	v12 =	vsel vm2, v18, v12;
	(xrf2) =	vadd.scan.msk.f32 $0xffff, v9  }
0x753: {  	v10 =	vbroadcast v10, $0xF;
	v9 =	vld [tilespmem:s28+$0x180B0];
	v7 =	vadd.f32 v17, v7;
	v12 =	vsel vm3, v12, v14;
	v13, _, _ =	vpop (xrf2)  }
0x754: {  	v14 =	vld [tilespmem:s28+$0x1A0B0];
	v15 =	vsel vm4, v12, v11;
	v12 =	vbroadcast v13, $0xF  }
0x755: {  	v6 =	vbroadcast v6, $0xF;
	(xrf2) =	vadd.scan.msk.f32 $0xffff, v7;
	v7 =	vsel vm5, v15, v10  }
0x756: {  	v5 =	vbroadcast v5, $0xF;
	v10 =	vld [tilespmem:s28+$0x18090];
	v8 =	vadd.f32 v16, v8;
	v7 =	vsel vm6, v7, v12;
	v11, _, _ =	vpop (xrf2)  }
0x757: {  	v12 =	vld [tilespmem:s28+$0x1A090];
	v6 =	vsel vm7, v7, v6;
	v11 =	vbroadcast v11, $0xF  }
0x758: {  	v4 =	vbroadcast v4, $0xF;
	(xrf2) =	vadd.scan.msk.f32 $0xffff, v8;
	v5 =	vsel vm8, v6, v5  }
0x759: {  	v3 =	vbroadcast v3, $0xF;
	v6 =	vld [tilespmem:s28+$0x18080];
	v8 =	vadd.f32 v14, v9;
	v5 =	vsel vm9, v5, v11;
	v7, _, _ =	vpop (xrf2)  }
0x75a: {  	v9 =	vld [tilespmem:s28+$0x1A080];
	v4 =	vsel vm10, v5, v4;
	v11 =	vbroadcast v7, $0xF  }
0x75b: {  	v2 =	vbroadcast v2, $0xF;
	(xrf2) =	vadd.scan.msk.f32 $0xffff, v8;
	v3 =	vsel vm11, v4, v3  }
0x75c: {  	v4 =	vld [tilespmem:s28+$0x18060];
	v7 =	vadd.f32 v12, v10;
	v3 =	vsel vm12, v3, v11;
	v5, _, _ =	vpop (xrf2)  }
0x75d: {  	v8 =	vld [tilespmem:s28+$0x1A060];
	v10 =	vsel vm13, v3, v2  }
0x75e: {  	s26 =	sadd.s32 $0x10, s26;
	(xrf2) =	vadd.scan.msk.f32 $0xffff, v7;
	v3 =	vsel vm14, v10, v5  }
0x75f: {  	v5 =	vld [tilespmem:s28+$0x18050];
	v6 =	vadd.f32 v9, v6;
	v2, _, _ =	vpop (xrf2);
	[tilespmem:s26+$0x0] =	vst v3  }
0x760: {  	v7 =	vld [tilespmem:s28+$0x1A050]  }
0x761: {  	(xrf2) =	vadd.scan.msk.f32 $0xffff, v6  }
0x762: {  	v6 =	vld [tilespmem:s28+$0x18030];
	v9 =	vadd.f32 v8, v4;
	v3, _, _ =	vpop (xrf2)  }
0x763: {  	v8 =	vld [tilespmem:s28+$0x1A030]  }
0x764: {  	(xrf2) =	vadd.scan.msk.f32 $0xffff, v9  }
0x765: {  	v10 =	vld [tilespmem:s28+$0x18020];
	v9 =	vadd.f32 v7, v5;
	v4, _, _ =	vpop (xrf2)  }
0x766: {  	v11 =	vld [tilespmem:s28+$0x1A020]  }
.Ltmp17:
0x767: {  	(xrf2) =	vadd.scan.msk.f32 $0xffff, v9;
	(pc) =	sbr.rel @p0 .LBB2_36-.Ltmp17, $4  }
0x768: {  	v7 =	vld [tilespmem:s28+$0x18000];
	v12 =	vadd.f32 v8, v6;
	v5, _, _ =	vpop (xrf2)  }
0x769: {  	v9 =	vld [tilespmem:s28+$0x1A000]  }
0x76a: {  	(xrf2) =	vadd.scan.msk.f32 $0xffff, v12  }
0x76b: {  	s29 =	sadd.s32 $0x400, s29;
	v8 =	vld [tilespmem:s28+$0x18010];
	v10 =	vadd.f32 v11, v10;
	v6, _, _ =	vpop (xrf2)  }
0x76c: {  	v11 =	vld [tilespmem:s28+$0x1A010];
	_ =	sdelay $0x1  }
0x76d: {  	v12 =	vld [tilespmem:s28+$0x18040]  }
0x76e: {  	v13 =	vld [tilespmem:s28+$0x1A040]  }
0x76f: {  	v7 =	vadd.f32 v9, v7  }
0x770: {  	v40 =	vld [tilespmem:s28+$0x18070];
	(xrf2) =	vadd.scan.msk.f32 $0xffff, v10;
	v8 =	vadd.f32 v11, v8  }
0x771: {  	v41 =	vld [tilespmem:s28+$0x1A070];
	(xrf2) =	vadd.scan.msk.f32 $0xffff, v7  }
0x772: {  	(xrf2) =	vadd.scan.msk.f32 $0xffff, v8  }
0x773: {  	v43 =	vld [tilespmem:s28+$0x180A0];
	v42 =	vadd.f32 v13, v12  }
0x774: {  	v44 =	vld [tilespmem:s28+$0x1A0A0]  }
0x775: {  	(xrf2) =	vadd.scan.msk.f32 $0xffff, v42  }
0x776: {  	v45 =	vld [tilespmem:s28+$0x180D0];
	v7 =	vadd.f32 v41, v40  }
0x777: {  	v47 =	vld [tilespmem:s28+$0x1A0D0];
	v46, _, _ =	vpop (xrf2)  }
0x778: {  	v48, _, _ =	vpop (xrf2);
	(xrf2) =	vadd.scan.msk.f32 $0xffff, v7  }
0x779: {  	v10 =	vadd.f32 v44, v43;
	v49, _, _ =	vpop (xrf2)  }
0x77a: {  	v14 =	vld [tilespmem:s28+$0x180F0];
	v50, _, _ =	vpop (xrf2)  }
0x77b: {  	v16 =	vld [tilespmem:s28+$0x1A0F0];
	(xrf2) =	vadd.scan.msk.f32 $0xffff, v10;
	v15, _, _ =	vpop (xrf2)  }
0x77c: {  	v8 =	vadd.f32 v47, v45;
	v51, _, _ =	vpop (xrf2)  }
0x77d: {  	v52 =	vbroadcast v15, $0xF;
	v10 =	vbroadcast v51, $0xF  }
0x77e: {  	(xrf2) =	vadd.scan.msk.f32 $0xffff, v8;
	v11 =	vbroadcast v50, $0xF  }
0x77f: {  	v7 =	vbroadcast v49, $0xF;
	v54, _, _ =	vpop (xrf2);
	v53 =	vsel vm0, v52, v10  }
0x780: {  	v55 =	vadd.f32 v16, v14;
	v10 =	vbroadcast v54, $0xF;
	v8 =	vsel vm1, v53, v11  }
0x781: {  	v56 =	vbroadcast v48, $0xF;
	v7 =	vsel vm2, v8, v7  }
0x782: {  	v9 =	vbroadcast v46, $0xF;
	(xrf2) =	vadd.scan.msk.f32 $0xffff, v55;
	v57, _, _ =	vpop (xrf2);
	v7 =	vsel vm3, v7, v10  }
0x783: {  	v58 =	vbroadcast v57, $0xF;
	v7 =	vsel vm4, v7, v56  }
0x784: {  	v6 =	vbroadcast v6, $0xF;
	v7 =	vsel vm5, v7, v9  }
0x785: {  	v5 =	vbroadcast v5, $0xF;
	v59, _, _ =	vpop (xrf2);
	v7 =	vsel vm6, v7, v58  }
0x786: {  	v60 =	vbroadcast v59, $0xF;
	v6 =	vsel vm7, v7, v6  }
0x787: {  	v4 =	vbroadcast v4, $0xF;
	v5 =	vsel vm8, v6, v5  }
0x788: {  	v3 =	vbroadcast v3, $0xF;
	v61, _, _ =	vpop (xrf2);
	v5 =	vsel vm9, v5, v60  }
0x789: {  	v62 =	vbroadcast v61, $0xF;
	v4 =	vsel vm10, v5, v4  }
0x78a: {  	v2 =	vbroadcast v2, $0xF;
	v3 =	vsel vm11, v4, v3  }
0x78b: {  	v3 =	vsel vm12, v3, v62  }
0x78c: {  	s25 =	sadd.s32 $0x1, s25;
	v63, _, _ =	vpop (xrf2);
	v2 =	vsel vm13, v3, v2  }
0x78d: {  	s0 =	sadd.s32 $0x10, s26;
	p0 =	sne.s32 s25, s7;
	v2 =	vsel vm14, v2, v63  }
.Ltmp18:
0x78e: {  	s31 =	simm.s32 $0x1C000;
	[tilespmem:s0+$0x0] =	vst v2;
	(pc) =	sbr.rel @p0 .LBB2_1-.Ltmp18, $4  }
0x78f: {  	[hbm4b:s6+s1] =	stream.linear.scatter [tilespmem:s31], [sflag:$0x4], $0x200, $0x38;
	[tilespmem:$0x1C200] =	vst v63  }
0x790: {  	_ =	swait.ge [sflag:s24], $0x200  }
0x791: {  	[sflag:s24] =	ssyncset.done $0x0  }
0x792: {  	[sflag:s24] =	ssyncadd.s32 $0xFFFFFE00  }
0x793: {  	_ =	sfence.sel $0x180000  }
0x794: {  	[bflag:$0x0] =	sbarrier.arrive $0xFFFF  }
0x795: {  	_ =	strace $0x90000047  }
0x796: {  	s0 =	stileid.u32;
	[bflag:$0x2] =	sbarrier.arrive $0xFFFF  }
0x797: {  	p0 =	sne.s32 s0, $0x0;
	s0 =	rddreg [dreg:$0x5]  }
0x798: {  	s0 =	sadd.s32 @!p0 $0x100000, s0  }
0x799: {  	[sflag:s0] =	ssyncadd.tile.s32 @!p0 $0x1;
	_ =	shalt  }
.Lfunc_end2:
_tile_overlayer_lowered:
.L_overlay_start_2:
0x79a: {  	(tag) =	ssettag $0x2  }
0x79b: {  	s0 =	rddreg [dreg:$0x0];
	s2 =	stileid.u32  }
0x79c: {  	s1 =	rddreg [dreg:$0x1];
	p0 =	sne.s32 s2, $0x0  }
0x79d: {  	s3 =	rddreg [dreg:$0x2];
	[bflag:$0x3] =	sbarrier.arrive $0xFFFF;
	s2 =	simm.s32 @!p0 $0x1C04  }
0x79e: {  	[timem:s3], [sflag:s2] =	dma.local @!p0 [hbm:s0], s1  }
0x79f: {  	s0 =	simm.s32 @!p0 $0x4  }
0x7a0: {  	_ =	swait.ge @!p0 [sflag:s0], s1  }
0x7a1: {  	s1 =	ssub.s32 @!p0 $0x0, s1;
	[sflag:s0] =	ssyncset.done @!p0 $0x0  }
0x7a2: {  	[sflag:s0] =	ssyncadd.s32 @!p0 s1  }
0x7a3: {  	[bflag:$0x3] =	sbarrier.arrive $0xFFFF  }
0x7a4: {  	_ =	shalt  }

</sc_bundles>
